<compile_context>
chip_gen: v7x
topology: tpu7x:2x2x1
jax: 0.10.2.dev20260603
libtpu: 0.0.44.dev20260713+nightly
codegen_flags: <defaults>
</compile_context>

<pallas_src>
import functools

import jax
import jax.numpy as jnp
from jax import lax
from jax.experimental import pallas as pl
from jax.experimental.pallas import tpu as pltpu
from jax.experimental.pallas import tpu_sc as plsc

N = 10000
NP = 10240
D = 128
NC, NS = 2, 16
NW = NC * NS
RPT = NP // NS
K = 128
E = 320000
NCHUNK = -(-E // (NW * K))
EPW = NCHUNK * K
EPAD = EPW * NW

_MESH = dict(core_axis_name="c", subcore_axis_name="s",
             num_cores=NC, num_subcores=NS)



@functools.partial(
    pl.kernel,
    out_type=jax.ShapeDtypeStruct((NC, NP, D), jnp.float32),
    mesh=plsc.VectorSubcoreMesh(**_MESH),
    scratch_types=[
        pltpu.VMEM((2 * K * 8,), jnp.int32),
        pltpu.VMEM((2 * K * 8,), jnp.int32),
        pltpu.VMEM((K, D), jnp.float32),
        pltpu.VMEM((K, D), jnp.float32),
        pltpu.VMEM_SHARED((NP, D), jnp.float32),
        pltpu.SemaphoreType.DMA,
        pltpu.SemaphoreType.DMA,
        pltpu.SemaphoreType.DMA,
    ],
)
def _spmm(h_hbm, idx_hbm, zeros_hbm, out_hbm,
          idxA, idxB, rows0, rows1, accum, semg, sems0, sems1):
    c = lax.axis_index("c")
    s = lax.axis_index("s")
    wid = s * NC + c
    r0 = s * RPT
    pltpu.sync_copy(zeros_hbm, accum.at[pl.ds(r0, RPT)])
    plsc.subcore_barrier()
    base = wid * NCHUNK * 2 * K
    rows = (rows0, rows1)
    sems = (sems0, sems1)

    def load(iv, j0):
        pltpu.sync_copy(idx_hbm.at[pl.ds(base + j0 * 2 * K, 16 * K)], iv)

    def step(iv, q, first=False):
        p = q % 2
        rv, sem = rows[p], sems[p]
        pltpu.async_copy(h_hbm.at[iv.at[pl.ds(q * 2 * K, K)]], rv, semg).wait()
        pltpu.async_copy(rv, accum.at[iv.at[pl.ds(q * 2 * K + K, K)]],
                         sem, add=True)
        if not first:
            pltpu.make_async_copy(rows[1 - p], accum.at[iv.at[pl.ds(K, K)]],
                                  sems[1 - p]).wait()

    load(idxA, 0)
    step(idxA, 0, first=True)
    for q in range(1, 8):
        step(idxA, q)

    def body(t, carry):
        j0 = 8 + 16 * t
        load(idxB, j0)
        for q in range(8):
            step(idxB, q)
        load(idxA, j0 + 8)
        for q in range(8):
            step(idxA, q)
        return carry

    lax.fori_loop(0, 4, body, 0)
    load(idxB, 72)
    for q in range(7):
        step(idxB, q)
    pltpu.make_async_copy(rows0, accum.at[idxB.at[pl.ds(K, K)]],
                          sems0).wait()
    plsc.subcore_barrier()
    pltpu.sync_copy(accum.at[pl.ds(r0, RPT)],
                    out_hbm.at[c, pl.ds(r0, RPT)])


@functools.partial(
    pl.kernel,
    out_type=jax.ShapeDtypeStruct((NC * NP,), jnp.float32),
    mesh=plsc.VectorSubcoreMesh(**_MESH),
    scratch_types=[
        pltpu.VMEM((K,), jnp.int32),
        pltpu.VMEM((K,), jnp.float32),
        pltpu.VMEM_SHARED((NP,), jnp.float32),
    ],
)
def _deg(dst_hbm, ones_hbm, zeros_hbm, out_hbm, dst_v, ones_v, accum):
    c = lax.axis_index("c")
    s = lax.axis_index("s")
    wid = s * NC + c
    r0 = s * RPT
    pltpu.sync_copy(zeros_hbm, accum.at[pl.ds(r0, RPT)])
    pltpu.sync_copy(ones_hbm, ones_v)
    plsc.subcore_barrier()
    base = wid * EPW

    def body(j, carry):
        off = base + j * K
        pltpu.sync_copy(dst_hbm.at[pl.ds(off, K)], dst_v)
        pltpu.sync_copy(ones_v, accum.at[dst_v], add=True)
        return carry

    lax.fori_loop(0, NCHUNK, body, 0)
    plsc.subcore_barrier()
    pltpu.sync_copy(accum.at[pl.ds(r0, RPT)],
                    out_hbm.at[pl.ds(c * NP + r0, RPT)])



BM = 1024


def _dinv_of(degp_ref):
    d = degp_ref[0, :] + degp_ref[1, :] + 1.0
    return lax.rsqrt(d)


def _mm(a, w):
    return lax.dot_general(a, w, (((1,), (0,)), ((), ())),
                           preferred_element_type=jnp.float32,
                           precision=lax.Precision.HIGHEST)


def _tc1_body(x_ref, w_ref, degp_ref, o_ref):
    dinv = _dinv_of(degp_ref)
    o_ref[...] = _mm(x_ref[...], w_ref[...]) * dinv[:, None]


def _tc_mid_body(p_ref, h_ref, degp_ref, b_ref, w_ref, o_ref):
    dinv = _dinv_of(degp_ref)
    tot = p_ref[0] + p_ref[1] + h_ref[...]
    xl = jnp.maximum(tot * dinv[:, None] + b_ref[...], 0.0)
    o_ref[...] = _mm(xl, w_ref[...]) * dinv[:, None]


def _tc_out_body(p_ref, h_ref, degp_ref, b_ref, o_ref):
    dinv = _dinv_of(degp_ref)
    tot = p_ref[0] + p_ref[1] + h_ref[...]
    o_ref[...] = tot * dinv[:, None] + b_ref[...]


def _degp_spec():
    return pl.BlockSpec((NC, BM), lambda i: (0, i))


def _tc1(x, w, degp):
    return pl.pallas_call(
        _tc1_body,
        grid=(NP // BM,),
        in_specs=[
            pl.BlockSpec((BM, D), lambda i: (i, 0)),
            pl.BlockSpec((D, D), lambda i: (0, 0)),
            _degp_spec(),
        ],
        out_specs=pl.BlockSpec((BM, D), lambda i: (i, 0)),
        out_shape=jax.ShapeDtypeStruct((NP, D), jnp.float32),
    )(x, w, degp)


def _tc_mid(p, h, degp, b, w):
    return pl.pallas_call(
        _tc_mid_body,
        grid=(NP // BM,),
        in_specs=[
            pl.BlockSpec((NC, BM, D), lambda i: (0, i, 0)),
            pl.BlockSpec((BM, D), lambda i: (i, 0)),
            _degp_spec(),
            pl.BlockSpec((1, D), lambda i: (0, 0)),
            pl.BlockSpec((D, D), lambda i: (0, 0)),
        ],
        out_specs=pl.BlockSpec((BM, D), lambda i: (i, 0)),
        out_shape=jax.ShapeDtypeStruct((NP, D), jnp.float32),
    )(p, h, degp, b, w)


def _tc_out(p, h, degp, b):
    return pl.pallas_call(
        _tc_out_body,
        grid=(NP // BM,),
        in_specs=[
            pl.BlockSpec((NC, BM, D), lambda i: (0, i, 0)),
            pl.BlockSpec((BM, D), lambda i: (i, 0)),
            _degp_spec(),
            pl.BlockSpec((1, D), lambda i: (0, 0)),
        ],
        out_specs=pl.BlockSpec((BM, D), lambda i: (i, 0)),
        out_shape=jax.ShapeDtypeStruct((NP, D), jnp.float32),
    )(p, h, degp, b)


def _padw(w):
    return jnp.pad(w, ((0, D - w.shape[0]), (0, D - w.shape[1])))



def kernel(x, edge_index, W1, b1, W2, b2, W_mu, b_mu, W_ls, b_ls):
    ei = edge_index.astype(jnp.int32)
    src = jnp.concatenate([ei[0], jnp.zeros((EPAD - E,), jnp.int32)])
    dst = jnp.concatenate([ei[1], jnp.full((EPAD - E,), N, jnp.int32)])
    idx = jnp.concatenate(
        [jnp.stack([src.reshape(NW * NCHUNK, K),
                    dst.reshape(NW * NCHUNK, K)], axis=1).reshape(-1),
         jnp.zeros((2 * K,), jnp.int32)])

    x_pad = jnp.pad(x, ((0, NP - N), (0, 0)))
    zrows = jnp.zeros((RPT, D), jnp.float32)
    z1 = jnp.zeros((RPT,), jnp.float32)
    ones1 = jnp.ones((K,), jnp.float32)

    degp = _deg(dst, ones1, z1).reshape(NC, NP)

    h1 = _tc1(x_pad, W1, degp)
    p1 = _spmm(h1, idx, zrows)

    h2 = _tc_mid(p1, h1, degp, b1[None, :], _padw(W2))
    p2 = _spmm(h2, idx, zrows)

    Wcat = jnp.concatenate([W_mu, W_ls], axis=1)
    bcat = jnp.concatenate([b_mu, b_ls])
    h3 = _tc_mid(p2, h2, degp, jnp.pad(b2, (0, D - b2.shape[0]))[None, :],
                 _padw(Wcat))
    p3 = _spmm(h3, idx, zrows)

    out = _tc_out(p3, h3, degp,
                  jnp.pad(bcat, (0, D - bcat.shape[0]))[None, :])
    mu = out[:N, :32]
    logstd = out[:N, 32:64]
    return (mu, logstd)

# --- scband reference (transcript-rebuilt; emitter-appended) ---
"""Pipeline reference for scband-gcnencoder-29635274342568 (READ-ONLY COPY).

The authoritative reference and input builder live on the scoring server;
editing this copy changes nothing except your own understanding.
"""

import jax, jax.numpy as jnp
import numpy as np

N_NODES = 10000
N_EDGES = 320000
IN_CH = 128
OUT_CH = 32


def _gcn_conv(x, edge_index, W, b):
    # Faithful to torch_geometric GCNConv (add_self_loops=True, normalize=True, bias=True)
    N = x.shape[0]
    loop = jnp.arange(N, dtype=edge_index.dtype)
    src = jnp.concatenate([edge_index[0], loop])
    dst = jnp.concatenate([edge_index[1], loop])
    deg = jax.ops.segment_sum(jnp.ones(src.shape[0], dtype=x.dtype), dst, num_segments=N)
    dinv = jnp.where(deg > 0, jax.lax.rsqrt(deg), 0.0)
    norm = dinv[src] * dinv[dst]
    h = x @ W
    msg = jnp.take(h, src, axis=0) * norm[:, None]
    out = jax.ops.segment_sum(msg, dst, num_segments=N)
    return out + b


def setup_inputs(seed: int = 0) -> dict:
    key = jax.random.key(seed)
    ks = jax.random.split(key, 10)
    x = jax.random.normal(ks[0], (N_NODES, IN_CH), dtype=jnp.float32)
    edge_index = jax.random.randint(ks[1], (2, N_EDGES), 0, N_NODES, dtype=jnp.int64)
    h1 = 4 * OUT_CH  # 128
    h2 = 2 * OUT_CH  # 64
    def glorot(k, fan_in, fan_out):
        lim = np.sqrt(6.0 / (fan_in + fan_out))
        return jax.random.uniform(k, (fan_in, fan_out), dtype=jnp.float32, minval=-lim, maxval=lim)
    return {
        "x": x,
        "edge_index": edge_index,
        "W1": glorot(ks[2], IN_CH, h1), "b1": jnp.zeros((h1,), jnp.float32),
        "W2": glorot(ks[3], h1, h2), "b2": jnp.zeros((h2,), jnp.float32),
        "W_mu": glorot(ks[4], h2, OUT_CH), "b_mu": jnp.zeros((OUT_CH,), jnp.float32),
        "W_ls": glorot(ks[5], h2, OUT_CH), "b_ls": jnp.zeros((OUT_CH,), jnp.float32),
    }


def reference(x, edge_index, W1, b1, W2, b2, W_mu, b_mu, W_ls, b_ls):
    x1 = jax.nn.relu(_gcn_conv(x, edge_index, W1, b1))
    x2 = jax.nn.relu(_gcn_conv(x1, edge_index, W2, b2))
    mu = _gcn_conv(x2, edge_index, W_mu, b_mu)
    logstd = _gcn_conv(x2, edge_index, W_ls, b_ls)
    return (mu, logstd)

if __name__ == "__main__":
    import jax
    _d = setup_inputs()
    print(jax.jit(kernel)(*tuple(_d.values())))

</pallas_src>

<mosaic_0001>
#map = affine_map<(d0, d1) -> (0, 0)>
#map1 = affine_map<(d0, d1) -> (0)>
#map2 = affine_map<(d0, d1) -> (0, 0, 0)>
module attributes {stable_mosaic.version = 14 : i64} {
  func.func @_spmm(%arg0: i32, %arg1: i32, %arg2: memref<10240x128xf32, #tpu.memory_space<hbm>>, %arg3: memref<647424xi32, #tpu.memory_space<hbm>>, %arg4: memref<640x128xf32, #tpu.memory_space<hbm>>, %arg5: memref<2x10240x128xf32, #tpu.memory_space<hbm>>, %arg6: memref<2048xi32, #tpu.memory_space<vmem>>, %arg7: memref<2048xi32, #tpu.memory_space<vmem>>, %arg8: memref<128x128xf32, #tpu.memory_space<vmem>>, %arg9: memref<128x128xf32, #tpu.memory_space<vmem>>, %arg10: memref<10240x128xf32, #tpu.memory_space<vmem_shared>>, %arg11: memref<!tpu.dma_semaphore, #tpu.memory_space<semaphore_mem>>, %arg12: memref<!tpu.dma_semaphore, #tpu.memory_space<semaphore_mem>>, %arg13: memref<!tpu.dma_semaphore, #tpu.memory_space<semaphore_mem>>) attributes {dimension_semantics = [#tpu.dimension_semantics<core_parallel>, #tpu.dimension_semantics<subcore_parallel>], iteration_bounds = array<i64: 2, 16>, scalar_prefetch = 0 : i64, scratch_operands = 8 : i64, tpu.core_type = #tpu.core_type<sc_vector_subcore>, window_params = [{transform_indices = #map}, {transform_indices = #map1}, {transform_indices = #map}, {transform_indices = #map2}]} {
    %mul3A = arith.constant 2 : i32
    %mul3A_0 = arith.muli %arg1, %mul3A : i32
    %add3A = arith.addi %mul3A_0, %arg0 : i32
    %mul3A_1 = arith.constant 640 : i32
    %mul3A_2 = arith.muli %arg1, %mul3A_1 : i32
    "tpu.region"() ({
      %run_scoped3A = tpu.sem_alloc : memref<!tpu.dma_semaphore, #tpu.memory_space<semaphore_mem>>
      %dma_start3A_317 = arith.constant 0 : i32
      %dma_start3A_318 = tpu.memref_slice %arg10[%mul3A_2, %dma_start3A_317] : memref<10240x128xf32, #tpu.memory_space<vmem_shared>> -> memref<640x128xf32, #tpu.memory_space<vmem_shared>>
      tpu.enqueue_dma source(%arg4 : memref<640x128xf32, #tpu.memory_space<hbm>>) target(%dma_start3A_318 : memref<640x128xf32, #tpu.memory_space<vmem_shared>>) target_semaphore(%run_scoped3A : memref<!tpu.dma_semaphore, #tpu.memory_space<semaphore_mem>>)
      %dma_wait3A_319 = arith.constant 0 : i32
      %dma_wait3A_320 = tpu.memref_slice %arg10[%mul3A_2, %dma_wait3A_319] : memref<10240x128xf32, #tpu.memory_space<vmem_shared>> -> memref<640x128xf32, #tpu.memory_space<vmem_shared>>
      tpu.wait_dma2 semaphore(%run_scoped3A : memref<!tpu.dma_semaphore, #tpu.memory_space<semaphore_mem>>) src(%arg4 : memref<640x128xf32, #tpu.memory_space<hbm>>) dst(%dma_wait3A_320 : memref<640x128xf32, #tpu.memory_space<vmem_shared>>)
      tpu.yield
    }) : () -> ()
    %barrier3A = arith.constant 0 : index
    tpu.barrier barrier_id(%barrier3A)
    %mul3A_3 = arith.constant 79 : i32
    %mul3A_4 = arith.muli %add3A, %mul3A_3 : i32
    %mul3A_5 = arith.constant 2 : i32
    %mul3A_6 = arith.muli %mul3A_4, %mul3A_5 : i32
    %mul3A_7 = arith.constant 128 : i32
    %mul3A_8 = arith.muli %mul3A_6, %mul3A_7 : i32
    %add3A_9 = arith.constant 0 : i32
    %add3A_10 = arith.addi %mul3A_8, %add3A_9 : i32
    "tpu.region"() ({
      %run_scoped3A = tpu.sem_alloc : memref<!tpu.dma_semaphore, #tpu.memory_space<semaphore_mem>>
      %dma_start3A_317 = tpu.memref_slice %arg3[%add3A_10] : memref<647424xi32, #tpu.memory_space<hbm>> -> memref<2048xi32, #tpu.memory_space<hbm>>
      %dma_start3A_318 = tpu.memref_slice %arg3[%add3A_10] : memref<647424xi32, #tpu.memory_space<hbm>> -> memref<2048xi32, #tpu.memory_space<hbm>>
      tpu.enqueue_dma source(%dma_start3A_318 : memref<2048xi32, #tpu.memory_space<hbm>>) target(%arg6 : memref<2048xi32, #tpu.memory_space<vmem>>) target_semaphore(%run_scoped3A : memref<!tpu.dma_semaphore, #tpu.memory_space<semaphore_mem>>)
      %dma_wait3A_319 = tpu.memref_slice %arg3[%add3A_10] : memref<647424xi32, #tpu.memory_space<hbm>> -> memref<2048xi32, #tpu.memory_space<hbm>>
      %dma_wait3A_320 = tpu.memref_slice %arg3[%add3A_10] : memref<647424xi32, #tpu.memory_space<hbm>> -> memref<2048xi32, #tpu.memory_space<hbm>>
      tpu.wait_dma2 semaphore(%run_scoped3A : memref<!tpu.dma_semaphore, #tpu.memory_space<semaphore_mem>>) src(%dma_wait3A_320 : memref<2048xi32, #tpu.memory_space<hbm>>) dst(%arg6 : memref<2048xi32, #tpu.memory_space<vmem>>)
      tpu.yield
    }) : () -> ()
    %dma_start3A = arith.constant 0 : i32
    %dma_start3A_11 = tpu.memref_slice %arg6[%dma_start3A] : memref<2048xi32, #tpu.memory_space<vmem>> -> memref<128xi32, #tpu.memory_space<vmem>>
    %dma_start3A_12 = arith.constant 0 : i32
    %dma_start3A_13 = arith.constant 0 : i32
    %dma_start3A_14 = tpu.memref_slice %arg2[%dma_start3A_12, %dma_start3A_13] : memref<10240x128xf32, #tpu.memory_space<hbm>> -> memref<10240x128xf32, #tpu.memory_space<hbm>>
    tpu.enqueue_indirect_dma source(%dma_start3A_14 : memref<10240x128xf32, #tpu.memory_space<hbm>>) target(%arg8 : memref<128x128xf32, #tpu.memory_space<vmem>>) offsets(%dma_start3A_11 : memref<128xi32, #tpu.memory_space<vmem>>) semaphore(%arg11 : memref<!tpu.dma_semaphore, #tpu.memory_space<semaphore_mem>>)
    %dma_wait3A = arith.constant 0 : i32
    %dma_wait3A_15 = tpu.memref_slice %arg6[%dma_wait3A] : memref<2048xi32, #tpu.memory_space<vmem>> -> memref<128xi32, #tpu.memory_space<vmem>>
    %dma_wait3A_16 = arith.constant 0 : i32
    %dma_wait3A_17 = arith.constant 0 : i32
    %dma_wait3A_18 = tpu.memref_slice %arg2[%dma_wait3A_16, %dma_wait3A_17] : memref<10240x128xf32, #tpu.memory_space<hbm>> -> memref<10240x128xf32, #tpu.memory_space<hbm>>
    tpu.wait_indirect_dma semaphore(%arg11 : memref<!tpu.dma_semaphore, #tpu.memory_space<semaphore_mem>>) src(%dma_wait3A_18 : memref<10240x128xf32, #tpu.memory_space<hbm>>) dst(%arg8 : memref<128x128xf32, #tpu.memory_space<vmem>>)
    %dma_start3A_19 = arith.constant 128 : i32
    %dma_start3A_20 = tpu.memref_slice %arg6[%dma_start3A_19] : memref<2048xi32, #tpu.memory_space<vmem>> -> memref<128xi32, #tpu.memory_space<vmem>>
    %dma_start3A_21 = arith.constant 0 : i32
    %dma_start3A_22 = arith.constant 0 : i32
    %dma_start3A_23 = tpu.memref_slice %arg10[%dma_start3A_21, %dma_start3A_22] : memref<10240x128xf32, #tpu.memory_space<vmem_shared>> -> memref<10240x128xf32, #tpu.memory_space<vmem_shared>>
    tpu.enqueue_indirect_dma source(%arg8 : memref<128x128xf32, #tpu.memory_space<vmem>>) target(%dma_start3A_23 : memref<10240x128xf32, #tpu.memory_space<vmem_shared>>) offsets(%dma_start3A_20 : memref<128xi32, #tpu.memory_space<vmem>>) semaphore(%arg12 : memref<!tpu.dma_semaphore, #tpu.memory_space<semaphore_mem>>) {add = true}
    %dma_start3A_24 = arith.constant 256 : i32
    %dma_start3A_25 = tpu.memref_slice %arg6[%dma_start3A_24] : memref<2048xi32, #tpu.memory_space<vmem>> -> memref<128xi32, #tpu.memory_space<vmem>>
    %dma_start3A_26 = arith.constant 0 : i32
    %dma_start3A_27 = arith.constant 0 : i32
    %dma_start3A_28 = tpu.memref_slice %arg2[%dma_start3A_26, %dma_start3A_27] : memref<10240x128xf32, #tpu.memory_space<hbm>> -> memref<10240x128xf32, #tpu.memory_space<hbm>>
    tpu.enqueue_indirect_dma source(%dma_start3A_28 : memref<10240x128xf32, #tpu.memory_space<hbm>>) target(%arg9 : memref<128x128xf32, #tpu.memory_space<vmem>>) offsets(%dma_start3A_25 : memref<128xi32, #tpu.memory_space<vmem>>) semaphore(%arg11 : memref<!tpu.dma_semaphore, #tpu.memory_space<semaphore_mem>>)
    %dma_wait3A_29 = arith.constant 256 : i32
    %dma_wait3A_30 = tpu.memref_slice %arg6[%dma_wait3A_29] : memref<2048xi32, #tpu.memory_space<vmem>> -> memref<128xi32, #tpu.memory_space<vmem>>
    %dma_wait3A_31 = arith.constant 0 : i32
    %dma_wait3A_32 = arith.constant 0 : i32
    %dma_wait3A_33 = tpu.memref_slice %arg2[%dma_wait3A_31, %dma_wait3A_32] : memref<10240x128xf32, #tpu.memory_space<hbm>> -> memref<10240x128xf32, #tpu.memory_space<hbm>>
    tpu.wait_indirect_dma semaphore(%arg11 : memref<!tpu.dma_semaphore, #tpu.memory_space<semaphore_mem>>) src(%dma_wait3A_33 : memref<10240x128xf32, #tpu.memory_space<hbm>>) dst(%arg9 : memref<128x128xf32, #tpu.memory_space<vmem>>)
    %dma_start3A_34 = arith.constant 384 : i32
    %dma_start3A_35 = tpu.memref_slice %arg6[%dma_start3A_34] : memref<2048xi32, #tpu.memory_space<vmem>> -> memref<128xi32, #tpu.memory_space<vmem>>
    %dma_start3A_36 = arith.constant 0 : i32
    %dma_start3A_37 = arith.constant 0 : i32
    %dma_start3A_38 = tpu.memref_slice %arg10[%dma_start3A_36, %dma_start3A_37] : memref<10240x128xf32, #tpu.memory_space<vmem_shared>> -> memref<10240x128xf32, #tpu.memory_space<vmem_shared>>
    tpu.enqueue_indirect_dma source(%arg9 : memref<128x128xf32, #tpu.memory_space<vmem>>) target(%dma_start3A_38 : memref<10240x128xf32, #tpu.memory_space<vmem_shared>>) offsets(%dma_start3A_35 : memref<128xi32, #tpu.memory_space<vmem>>) semaphore(%arg13 : memref<!tpu.dma_semaphore, #tpu.memory_space<semaphore_mem>>) {add = true}
    %dma_wait3A_39 = arith.constant 128 : i32
    %dma_wait3A_40 = tpu.memref_slice %arg6[%dma_wait3A_39] : memref<2048xi32, #tpu.memory_space<vmem>> -> memref<128xi32, #tpu.memory_space<vmem>>
    %dma_wait3A_41 = arith.constant 0 : i32
    %dma_wait3A_42 = arith.constant 0 : i32
    %dma_wait3A_43 = tpu.memref_slice %arg10[%dma_wait3A_41, %dma_wait3A_42] : memref<10240x128xf32, #tpu.memory_space<vmem_shared>> -> memref<10240x128xf32, #tpu.memory_space<vmem_shared>>
    tpu.wait_indirect_dma semaphore(%arg12 : memref<!tpu.dma_semaphore, #tpu.memory_space<semaphore_mem>>) src(%arg8 : memref<128x128xf32, #tpu.memory_space<vmem>>) dst(%dma_wait3A_43 : memref<10240x128xf32, #tpu.memory_space<vmem_shared>>)
    %dma_start3A_44 = arith.constant 512 : i32
    %dma_start3A_45 = tpu.memref_slice %arg6[%dma_start3A_44] : memref<2048xi32, #tpu.memory_space<vmem>> -> memref<128xi32, #tpu.memory_space<vmem>>
    %dma_start3A_46 = arith.constant 0 : i32
    %dma_start3A_47 = arith.constant 0 : i32
    %dma_start3A_48 = tpu.memref_slice %arg2[%dma_start3A_46, %dma_start3A_47] : memref<10240x128xf32, #tpu.memory_space<hbm>> -> memref<10240x128xf32, #tpu.memory_space<hbm>>
    tpu.enqueue_indirect_dma source(%dma_start3A_48 : memref<10240x128xf32, #tpu.memory_space<hbm>>) target(%arg8 : memref<128x128xf32, #tpu.memory_space<vmem>>) offsets(%dma_start3A_45 : memref<128xi32, #tpu.memory_space<vmem>>) semaphore(%arg11 : memref<!tpu.dma_semaphore, #tpu.memory_space<semaphore_mem>>)
    %dma_wait3A_49 = arith.constant 512 : i32
    %dma_wait3A_50 = tpu.memref_slice %arg6[%dma_wait3A_49] : memref<2048xi32, #tpu.memory_space<vmem>> -> memref<128xi32, #tpu.memory_space<vmem>>
    %dma_wait3A_51 = arith.constant 0 : i32
    %dma_wait3A_52 = arith.constant 0 : i32
    %dma_wait3A_53 = tpu.memref_slice %arg2[%dma_wait3A_51, %dma_wait3A_52] : memref<10240x128xf32, #tpu.memory_space<hbm>> -> memref<10240x128xf32, #tpu.memory_space<hbm>>
    tpu.wait_indirect_dma semaphore(%arg11 : memref<!tpu.dma_semaphore, #tpu.memory_space<semaphore_mem>>) src(%dma_wait3A_53 : memref<10240x128xf32, #tpu.memory_space<hbm>>) dst(%arg8 : memref<128x128xf32, #tpu.memory_space<vmem>>)
    %dma_start3A_54 = arith.constant 640 : i32
    %dma_start3A_55 = tpu.memref_slice %arg6[%dma_start3A_54] : memref<2048xi32, #tpu.memory_space<vmem>> -> memref<128xi32, #tpu.memory_space<vmem>>
    %dma_start3A_56 = arith.constant 0 : i32
    %dma_start3A_57 = arith.constant 0 : i32
    %dma_start3A_58 = tpu.memref_slice %arg10[%dma_start3A_56, %dma_start3A_57] : memref<10240x128xf32, #tpu.memory_space<vmem_shared>> -> memref<10240x128xf32, #tpu.memory_space<vmem_shared>>
    tpu.enqueue_indirect_dma source(%arg8 : memref<128x128xf32, #tpu.memory_space<vmem>>) target(%dma_start3A_58 : memref<10240x128xf32, #tpu.memory_space<vmem_shared>>) offsets(%dma_start3A_55 : memref<128xi32, #tpu.memory_space<vmem>>) semaphore(%arg12 : memref<!tpu.dma_semaphore, #tpu.memory_space<semaphore_mem>>) {add = true}
    %dma_wait3A_59 = arith.constant 128 : i32
    %dma_wait3A_60 = tpu.memref_slice %arg6[%dma_wait3A_59] : memref<2048xi32, #tpu.memory_space<vmem>> -> memref<128xi32, #tpu.memory_space<vmem>>
    %dma_wait3A_61 = arith.constant 0 : i32
    %dma_wait3A_62 = arith.constant 0 : i32
    %dma_wait3A_63 = tpu.memref_slice %arg10[%dma_wait3A_61, %dma_wait3A_62] : memref<10240x128xf32, #tpu.memory_space<vmem_shared>> -> memref<10240x128xf32, #tpu.memory_space<vmem_shared>>
    tpu.wait_indirect_dma semaphore(%arg13 : memref<!tpu.dma_semaphore, #tpu.memory_space<semaphore_mem>>) src(%arg9 : memref<128x128xf32, #tpu.memory_space<vmem>>) dst(%dma_wait3A_63 : memref<10240x128xf32, #tpu.memory_space<vmem_shared>>)
    %dma_start3A_64 = arith.constant 768 : i32
    %dma_start3A_65 = tpu.memref_slice %arg6[%dma_start3A_64] : memref<2048xi32, #tpu.memory_space<vmem>> -> memref<128xi32, #tpu.memory_space<vmem>>
    %dma_start3A_66 = arith.constant 0 : i32
    %dma_start3A_67 = arith.constant 0 : i32
    %dma_start3A_68 = tpu.memref_slice %arg2[%dma_start3A_66, %dma_start3A_67] : memref<10240x128xf32, #tpu.memory_space<hbm>> -> memref<10240x128xf32, #tpu.memory_space<hbm>>
    tpu.enqueue_indirect_dma source(%dma_start3A_68 : memref<10240x128xf32, #tpu.memory_space<hbm>>) target(%arg9 : memref<128x128xf32, #tpu.memory_space<vmem>>) offsets(%dma_start3A_65 : memref<128xi32, #tpu.memory_space<vmem>>) semaphore(%arg11 : memref<!tpu.dma_semaphore, #tpu.memory_space<semaphore_mem>>)
    %dma_wait3A_69 = arith.constant 768 : i32
    %dma_wait3A_70 = tpu.memref_slice %arg6[%dma_wait3A_69] : memref<2048xi32, #tpu.memory_space<vmem>> -> memref<128xi32, #tpu.memory_space<vmem>>
    %dma_wait3A_71 = arith.constant 0 : i32
    %dma_wait3A_72 = arith.constant 0 : i32
    %dma_wait3A_73 = tpu.memref_slice %arg2[%dma_wait3A_71, %dma_wait3A_72] : memref<10240x128xf32, #tpu.memory_space<hbm>> -> memref<10240x128xf32, #tpu.memory_space<hbm>>
    tpu.wait_indirect_dma semaphore(%arg11 : memref<!tpu.dma_semaphore, #tpu.memory_space<semaphore_mem>>) src(%dma_wait3A_73 : memref<10240x128xf32, #tpu.memory_space<hbm>>) dst(%arg9 : memref<128x128xf32, #tpu.memory_space<vmem>>)
    %dma_start3A_74 = arith.constant 896 : i32
    %dma_start3A_75 = tpu.memref_slice %arg6[%dma_start3A_74] : memref<2048xi32, #tpu.memory_space<vmem>> -> memref<128xi32, #tpu.memory_space<vmem>>
    %dma_start3A_76 = arith.constant 0 : i32
    %dma_start3A_77 = arith.constant 0 : i32
    %dma_start3A_78 = tpu.memref_slice %arg10[%dma_start3A_76, %dma_start3A_77] : memref<10240x128xf32, #tpu.memory_space<vmem_shared>> -> memref<10240x128xf32, #tpu.memory_space<vmem_shared>>
    tpu.enqueue_indirect_dma source(%arg9 : memref<128x128xf32, #tpu.memory_space<vmem>>) target(%dma_start3A_78 : memref<10240x128xf32, #tpu.memory_space<vmem_shared>>) offsets(%dma_start3A_75 : memref<128xi32, #tpu.memory_space<vmem>>) semaphore(%arg13 : memref<!tpu.dma_semaphore, #tpu.memory_space<semaphore_mem>>) {add = true}
    %dma_wait3A_79 = arith.constant 128 : i32
    %dma_wait3A_80 = tpu.memref_slice %arg6[%dma_wait3A_79] : memref<2048xi32, #tpu.memory_space<vmem>> -> memref<128xi32, #tpu.memory_space<vmem>>
    %dma_wait3A_81 = arith.constant 0 : i32
    %dma_wait3A_82 = arith.constant 0 : i32
    %dma_wait3A_83 = tpu.memref_slice %arg10[%dma_wait3A_81, %dma_wait3A_82] : memref<10240x128xf32, #tpu.memory_space<vmem_shared>> -> memref<10240x128xf32, #tpu.memory_space<vmem_shared>>
    tpu.wait_indirect_dma semaphore(%arg12 : memref<!tpu.dma_semaphore, #tpu.memory_space<semaphore_mem>>) src(%arg8 : memref<128x128xf32, #tpu.memory_space<vmem>>) dst(%dma_wait3A_83 : memref<10240x128xf32, #tpu.memory_space<vmem_shared>>)
    %dma_start3A_84 = arith.constant 1024 : i32
    %dma_start3A_85 = tpu.memref_slice %arg6[%dma_start3A_84] : memref<2048xi32, #tpu.memory_space<vmem>> -> memref<128xi32, #tpu.memory_space<vmem>>
    %dma_start3A_86 = arith.constant 0 : i32
    %dma_start3A_87 = arith.constant 0 : i32
    %dma_start3A_88 = tpu.memref_slice %arg2[%dma_start3A_86, %dma_start3A_87] : memref<10240x128xf32, #tpu.memory_space<hbm>> -> memref<10240x128xf32, #tpu.memory_space<hbm>>
    tpu.enqueue_indirect_dma source(%dma_start3A_88 : memref<10240x128xf32, #tpu.memory_space<hbm>>) target(%arg8 : memref<128x128xf32, #tpu.memory_space<vmem>>) offsets(%dma_start3A_85 : memref<128xi32, #tpu.memory_space<vmem>>) semaphore(%arg11 : memref<!tpu.dma_semaphore, #tpu.memory_space<semaphore_mem>>)
    %dma_wait3A_89 = arith.constant 1024 : i32
    %dma_wait3A_90 = tpu.memref_slice %arg6[%dma_wait3A_89] : memref<2048xi32, #tpu.memory_space<vmem>> -> memref<128xi32, #tpu.memory_space<vmem>>
    %dma_wait3A_91 = arith.constant 0 : i32
    %dma_wait3A_92 = arith.constant 0 : i32
    %dma_wait3A_93 = tpu.memref_slice %arg2[%dma_wait3A_91, %dma_wait3A_92] : memref<10240x128xf32, #tpu.memory_space<hbm>> -> memref<10240x128xf32, #tpu.memory_space<hbm>>
    tpu.wait_indirect_dma semaphore(%arg11 : memref<!tpu.dma_semaphore, #tpu.memory_space<semaphore_mem>>) src(%dma_wait3A_93 : memref<10240x128xf32, #tpu.memory_space<hbm>>) dst(%arg8 : memref<128x128xf32, #tpu.memory_space<vmem>>)
    %dma_start3A_94 = arith.constant 1152 : i32
    %dma_start3A_95 = tpu.memref_slice %arg6[%dma_start3A_94] : memref<2048xi32, #tpu.memory_space<vmem>> -> memref<128xi32, #tpu.memory_space<vmem>>
    %dma_start3A_96 = arith.constant 0 : i32
    %dma_start3A_97 = arith.constant 0 : i32
    %dma_start3A_98 = tpu.memref_slice %arg10[%dma_start3A_96, %dma_start3A_97] : memref<10240x128xf32, #tpu.memory_space<vmem_shared>> -> memref<10240x128xf32, #tpu.memory_space<vmem_shared>>
    tpu.enqueue_indirect_dma source(%arg8 : memref<128x128xf32, #tpu.memory_space<vmem>>) target(%dma_start3A_98 : memref<10240x128xf32, #tpu.memory_space<vmem_shared>>) offsets(%dma_start3A_95 : memref<128xi32, #tpu.memory_space<vmem>>) semaphore(%arg12 : memref<!tpu.dma_semaphore, #tpu.memory_space<semaphore_mem>>) {add = true}
    %dma_wait3A_99 = arith.constant 128 : i32
    %dma_wait3A_100 = tpu.memref_slice %arg6[%dma_wait3A_99] : memref<2048xi32, #tpu.memory_space<vmem>> -> memref<128xi32, #tpu.memory_space<vmem>>
    %dma_wait3A_101 = arith.constant 0 : i32
    %dma_wait3A_102 = arith.constant 0 : i32
    %dma_wait3A_103 = tpu.memref_slice %arg10[%dma_wait3A_101, %dma_wait3A_102] : memref<10240x128xf32, #tpu.memory_space<vmem_shared>> -> memref<10240x128xf32, #tpu.memory_space<vmem_shared>>
    tpu.wait_indirect_dma semaphore(%arg13 : memref<!tpu.dma_semaphore, #tpu.memory_space<semaphore_mem>>) src(%arg9 : memref<128x128xf32, #tpu.memory_space<vmem>>) dst(%dma_wait3A_103 : memref<10240x128xf32, #tpu.memory_space<vmem_shared>>)
    %dma_start3A_104 = arith.constant 1280 : i32
    %dma_start3A_105 = tpu.memref_slice %arg6[%dma_start3A_104] : memref<2048xi32, #tpu.memory_space<vmem>> -> memref<128xi32, #tpu.memory_space<vmem>>
    %dma_start3A_106 = arith.constant 0 : i32
    %dma_start3A_107 = arith.constant 0 : i32
    %dma_start3A_108 = tpu.memref_slice %arg2[%dma_start3A_106, %dma_start3A_107] : memref<10240x128xf32, #tpu.memory_space<hbm>> -> memref<10240x128xf32, #tpu.memory_space<hbm>>
    tpu.enqueue_indirect_dma source(%dma_start3A_108 : memref<10240x128xf32, #tpu.memory_space<hbm>>) target(%arg9 : memref<128x128xf32, #tpu.memory_space<vmem>>) offsets(%dma_start3A_105 : memref<128xi32, #tpu.memory_space<vmem>>) semaphore(%arg11 : memref<!tpu.dma_semaphore, #tpu.memory_space<semaphore_mem>>)
    %dma_wait3A_109 = arith.constant 1280 : i32
    %dma_wait3A_110 = tpu.memref_slice %arg6[%dma_wait3A_109] : memref<2048xi32, #tpu.memory_space<vmem>> -> memref<128xi32, #tpu.memory_space<vmem>>
    %dma_wait3A_111 = arith.constant 0 : i32
    %dma_wait3A_112 = arith.constant 0 : i32
    %dma_wait3A_113 = tpu.memref_slice %arg2[%dma_wait3A_111, %dma_wait3A_112] : memref<10240x128xf32, #tpu.memory_space<hbm>> -> memref<10240x128xf32, #tpu.memory_space<hbm>>
    tpu.wait_indirect_dma semaphore(%arg11 : memref<!tpu.dma_semaphore, #tpu.memory_space<semaphore_mem>>) src(%dma_wait3A_113 : memref<10240x128xf32, #tpu.memory_space<hbm>>) dst(%arg9 : memref<128x128xf32, #tpu.memory_space<vmem>>)
    %dma_start3A_114 = arith.constant 1408 : i32
    %dma_start3A_115 = tpu.memref_slice %arg6[%dma_start3A_114] : memref<2048xi32, #tpu.memory_space<vmem>> -> memref<128xi32, #tpu.memory_space<vmem>>
    %dma_start3A_116 = arith.constant 0 : i32
    %dma_start3A_117 = arith.constant 0 : i32
    %dma_start3A_118 = tpu.memref_slice %arg10[%dma_start3A_116, %dma_start3A_117] : memref<10240x128xf32, #tpu.memory_space<vmem_shared>> -> memref<10240x128xf32, #tpu.memory_space<vmem_shared>>
    tpu.enqueue_indirect_dma source(%arg9 : memref<128x128xf32, #tpu.memory_space<vmem>>) target(%dma_start3A_118 : memref<10240x128xf32, #tpu.memory_space<vmem_shared>>) offsets(%dma_start3A_115 : memref<128xi32, #tpu.memory_space<vmem>>) semaphore(%arg13 : memref<!tpu.dma_semaphore, #tpu.memory_space<semaphore_mem>>) {add = true}
    %dma_wait3A_119 = arith.constant 128 : i32
    %dma_wait3A_120 = tpu.memref_slice %arg6[%dma_wait3A_119] : memref<2048xi32, #tpu.memory_space<vmem>> -> memref<128xi32, #tpu.memory_space<vmem>>
    %dma_wait3A_121 = arith.constant 0 : i32
    %dma_wait3A_122 = arith.constant 0 : i32
    %dma_wait3A_123 = tpu.memref_slice %arg10[%dma_wait3A_121, %dma_wait3A_122] : memref<10240x128xf32, #tpu.memory_space<vmem_shared>> -> memref<10240x128xf32, #tpu.memory_space<vmem_shared>>
    tpu.wait_indirect_dma semaphore(%arg12 : memref<!tpu.dma_semaphore, #tpu.memory_space<semaphore_mem>>) src(%arg8 : memref<128x128xf32, #tpu.memory_space<vmem>>) dst(%dma_wait3A_123 : memref<10240x128xf32, #tpu.memory_space<vmem_shared>>)
    %dma_start3A_124 = arith.constant 1536 : i32
    %dma_start3A_125 = tpu.memref_slice %arg6[%dma_start3A_124] : memref<2048xi32, #tpu.memory_space<vmem>> -> memref<128xi32, #tpu.memory_space<vmem>>
    %dma_start3A_126 = arith.constant 0 : i32
    %dma_start3A_127 = arith.constant 0 : i32
    %dma_start3A_128 = tpu.memref_slice %arg2[%dma_start3A_126, %dma_start3A_127] : memref<10240x128xf32, #tpu.memory_space<hbm>> -> memref<10240x128xf32, #tpu.memory_space<hbm>>
    tpu.enqueue_indirect_dma source(%dma_start3A_128 : memref<10240x128xf32, #tpu.memory_space<hbm>>) target(%arg8 : memref<128x128xf32, #tpu.memory_space<vmem>>) offsets(%dma_start3A_125 : memref<128xi32, #tpu.memory_space<vmem>>) semaphore(%arg11 : memref<!tpu.dma_semaphore, #tpu.memory_space<semaphore_mem>>)
    %dma_wait3A_129 = arith.constant 1536 : i32
    %dma_wait3A_130 = tpu.memref_slice %arg6[%dma_wait3A_129] : memref<2048xi32, #tpu.memory_space<vmem>> -> memref<128xi32, #tpu.memory_space<vmem>>
    %dma_wait3A_131 = arith.constant 0 : i32
    %dma_wait3A_132 = arith.constant 0 : i32
    %dma_wait3A_133 = tpu.memref_slice %arg2[%dma_wait3A_131, %dma_wait3A_132] : memref<10240x128xf32, #tpu.memory_space<hbm>> -> memref<10240x128xf32, #tpu.memory_space<hbm>>
    tpu.wait_indirect_dma semaphore(%arg11 : memref<!tpu.dma_semaphore, #tpu.memory_space<semaphore_mem>>) src(%dma_wait3A_133 : memref<10240x128xf32, #tpu.memory_space<hbm>>) dst(%arg8 : memref<128x128xf32, #tpu.memory_space<vmem>>)
    %dma_start3A_134 = arith.constant 1664 : i32
    %dma_start3A_135 = tpu.memref_slice %arg6[%dma_start3A_134] : memref<2048xi32, #tpu.memory_space<vmem>> -> memref<128xi32, #tpu.memory_space<vmem>>
    %dma_start3A_136 = arith.constant 0 : i32
    %dma_start3A_137 = arith.constant 0 : i32
    %dma_start3A_138 = tpu.memref_slice %arg10[%dma_start3A_136, %dma_start3A_137] : memref<10240x128xf32, #tpu.memory_space<vmem_shared>> -> memref<10240x128xf32, #tpu.memory_space<vmem_shared>>
    tpu.enqueue_indirect_dma source(%arg8 : memref<128x128xf32, #tpu.memory_space<vmem>>) target(%dma_start3A_138 : memref<10240x128xf32, #tpu.memory_space<vmem_shared>>) offsets(%dma_start3A_135 : memref<128xi32, #tpu.memory_space<vmem>>) semaphore(%arg12 : memref<!tpu.dma_semaphore, #tpu.memory_space<semaphore_mem>>) {add = true}
    %dma_wait3A_139 = arith.constant 128 : i32
    %dma_wait3A_140 = tpu.memref_slice %arg6[%dma_wait3A_139] : memref<2048xi32, #tpu.memory_space<vmem>> -> memref<128xi32, #tpu.memory_space<vmem>>
    %dma_wait3A_141 = arith.constant 0 : i32
    %dma_wait3A_142 = arith.constant 0 : i32
    %dma_wait3A_143 = tpu.memref_slice %arg10[%dma_wait3A_141, %dma_wait3A_142] : memref<10240x128xf32, #tpu.memory_space<vmem_shared>> -> memref<10240x128xf32, #tpu.memory_space<vmem_shared>>
    tpu.wait_indirect_dma semaphore(%arg13 : memref<!tpu.dma_semaphore, #tpu.memory_space<semaphore_mem>>) src(%arg9 : memref<128x128xf32, #tpu.memory_space<vmem>>) dst(%dma_wait3A_143 : memref<10240x128xf32, #tpu.memory_space<vmem_shared>>)
    %dma_start3A_144 = arith.constant 1792 : i32
    %dma_start3A_145 = tpu.memref_slice %arg6[%dma_start3A_144] : memref<2048xi32, #tpu.memory_space<vmem>> -> memref<128xi32, #tpu.memory_space<vmem>>
    %dma_start3A_146 = arith.constant 0 : i32
    %dma_start3A_147 = arith.constant 0 : i32
    %dma_start3A_148 = tpu.memref_slice %arg2[%dma_start3A_146, %dma_start3A_147] : memref<10240x128xf32, #tpu.memory_space<hbm>> -> memref<10240x128xf32, #tpu.memory_space<hbm>>
    tpu.enqueue_indirect_dma source(%dma_start3A_148 : memref<10240x128xf32, #tpu.memory_space<hbm>>) target(%arg9 : memref<128x128xf32, #tpu.memory_space<vmem>>) offsets(%dma_start3A_145 : memref<128xi32, #tpu.memory_space<vmem>>) semaphore(%arg11 : memref<!tpu.dma_semaphore, #tpu.memory_space<semaphore_mem>>)
    %dma_wait3A_149 = arith.constant 1792 : i32
    %dma_wait3A_150 = tpu.memref_slice %arg6[%dma_wait3A_149] : memref<2048xi32, #tpu.memory_space<vmem>> -> memref<128xi32, #tpu.memory_space<vmem>>
    %dma_wait3A_151 = arith.constant 0 : i32
    %dma_wait3A_152 = arith.constant 0 : i32
    %dma_wait3A_153 = tpu.memref_slice %arg2[%dma_wait3A_151, %dma_wait3A_152] : memref<10240x128xf32, #tpu.memory_space<hbm>> -> memref<10240x128xf32, #tpu.memory_space<hbm>>
    tpu.wait_indirect_dma semaphore(%arg11 : memref<!tpu.dma_semaphore, #tpu.memory_space<semaphore_mem>>) src(%dma_wait3A_153 : memref<10240x128xf32, #tpu.memory_space<hbm>>) dst(%arg9 : memref<128x128xf32, #tpu.memory_space<vmem>>)
    %dma_start3A_154 = arith.constant 1920 : i32
    %dma_start3A_155 = tpu.memref_slice %arg6[%dma_start3A_154] : memref<2048xi32, #tpu.memory_space<vmem>> -> memref<128xi32, #tpu.memory_space<vmem>>
    %dma_start3A_156 = arith.constant 0 : i32
    %dma_start3A_157 = arith.constant 0 : i32
    %dma_start3A_158 = tpu.memref_slice %arg10[%dma_start3A_156, %dma_start3A_157] : memref<10240x128xf32, #tpu.memory_space<vmem_shared>> -> memref<10240x128xf32, #tpu.memory_space<vmem_shared>>
    tpu.enqueue_indirect_dma source(%arg9 : memref<128x128xf32, #tpu.memory_space<vmem>>) target(%dma_start3A_158 : memref<10240x128xf32, #tpu.memory_space<vmem_shared>>) offsets(%dma_start3A_155 : memref<128xi32, #tpu.memory_space<vmem>>) semaphore(%arg13 : memref<!tpu.dma_semaphore, #tpu.memory_space<semaphore_mem>>) {add = true}
    %dma_wait3A_159 = arith.constant 128 : i32
    %dma_wait3A_160 = tpu.memref_slice %arg6[%dma_wait3A_159] : memref<2048xi32, #tpu.memory_space<vmem>> -> memref<128xi32, #tpu.memory_space<vmem>>
    %dma_wait3A_161 = arith.constant 0 : i32
    %dma_wait3A_162 = arith.constant 0 : i32
    %dma_wait3A_163 = tpu.memref_slice %arg10[%dma_wait3A_161, %dma_wait3A_162] : memref<10240x128xf32, #tpu.memory_space<vmem_shared>> -> memref<10240x128xf32, #tpu.memory_space<vmem_shared>>
    tpu.wait_indirect_dma semaphore(%arg12 : memref<!tpu.dma_semaphore, #tpu.memory_space<semaphore_mem>>) src(%arg8 : memref<128x128xf32, #tpu.memory_space<vmem>>) dst(%dma_wait3A_163 : memref<10240x128xf32, #tpu.memory_space<vmem_shared>>)
    %scan3A = arith.constant 0 : i32
    %scan3A_164 = arith.constant 0 : i32
    %scan3A_165 = arith.constant 4 : i32
    %scan3A_166 = arith.addi %scan3A_164, %scan3A_165 : i32
    %scan3A_167 = arith.constant 1 : i32
    scf.for %scan3A_317 = %scan3A_164 to %scan3A_166 step %scan3A_167  : i32 {
      %mul3A_318 = arith.constant 16 : i32
      %mul3A_319 = arith.muli %mul3A_318, %scan3A_317 : i32
      %add3A_320 = arith.constant 8 : i32
      %add3A_321 = arith.addi %add3A_320, %mul3A_319 : i32
      %mul3A_322 = arith.constant 2 : i32
      %mul3A_323 = arith.muli %add3A_321, %mul3A_322 : i32
      %mul3A_324 = arith.constant 128 : i32
      %mul3A_325 = arith.muli %mul3A_323, %mul3A_324 : i32
      %add3A_326 = arith.addi %mul3A_8, %mul3A_325 : i32
      "tpu.region"() ({
        %run_scoped3A = tpu.sem_alloc : memref<!tpu.dma_semaphore, #tpu.memory_space<semaphore_mem>>
        %dma_start3A_654 = tpu.memref_slice %arg3[%add3A_326] : memref<647424xi32, #tpu.memory_space<hbm>> -> memref<2048xi32, #tpu.memory_space<hbm>>
        %dma_start3A_655 = tpu.memref_slice %arg3[%add3A_326] : memref<647424xi32, #tpu.memory_space<hbm>> -> memref<2048xi32, #tpu.memory_space<hbm>>
        tpu.enqueue_dma source(%dma_start3A_655 : memref<2048xi32, #tpu.memory_space<hbm>>) target(%arg7 : memref<2048xi32, #tpu.memory_space<vmem>>) target_semaphore(%run_scoped3A : memref<!tpu.dma_semaphore, #tpu.memory_space<semaphore_mem>>)
        %dma_wait3A_656 = tpu.memref_slice %arg3[%add3A_326] : memref<647424xi32, #tpu.memory_space<hbm>> -> memref<2048xi32, #tpu.memory_space<hbm>>
        %dma_wait3A_657 = tpu.memref_slice %arg3[%add3A_326] : memref<647424xi32, #tpu.memory_space<hbm>> -> memref<2048xi32, #tpu.memory_space<hbm>>
        tpu.wait_dma2 semaphore(%run_scoped3A : memref<!tpu.dma_semaphore, #tpu.memory_space<semaphore_mem>>) src(%dma_wait3A_657 : memref<2048xi32, #tpu.memory_space<hbm>>) dst(%arg7 : memref<2048xi32, #tpu.memory_space<vmem>>)
        tpu.yield
      }) : () -> ()
      %dma_start3A_327 = arith.constant 0 : i32
      %dma_start3A_328 = tpu.memref_slice %arg7[%dma_start3A_327] : memref<2048xi32, #tpu.memory_space<vmem>> -> memref<128xi32, #tpu.memory_space<vmem>>
      %dma_start3A_329 = arith.constant 0 : i32
      %dma_start3A_330 = arith.constant 0 : i32
      %dma_start3A_331 = tpu.memref_slice %arg2[%dma_start3A_329, %dma_start3A_330] : memref<10240x128xf32, #tpu.memory_space<hbm>> -> memref<10240x128xf32, #tpu.memory_space<hbm>>
      tpu.enqueue_indirect_dma source(%dma_start3A_331 : memref<10240x128xf32, #tpu.memory_space<hbm>>) target(%arg8 : memref<128x128xf32, #tpu.memory_space<vmem>>) offsets(%dma_start3A_328 : memref<128xi32, #tpu.memory_space<vmem>>) semaphore(%arg11 : memref<!tpu.dma_semaphore, #tpu.memory_space<semaphore_mem>>)
      %dma_wait3A_332 = arith.constant 0 : i32
      %dma_wait3A_333 = tpu.memref_slice %arg7[%dma_wait3A_332] : memref<2048xi32, #tpu.memory_space<vmem>> -> memref<128xi32, #tpu.memory_space<vmem>>
      %dma_wait3A_334 = arith.constant 0 : i32
      %dma_wait3A_335 = arith.constant 0 : i32
      %dma_wait3A_336 = tpu.memref_slice %arg2[%dma_wait3A_334, %dma_wait3A_335] : memref<10240x128xf32, #tpu.memory_space<hbm>> -> memref<10240x128xf32, #tpu.memory_space<hbm>>
      tpu.wait_indirect_dma semaphore(%arg11 : memref<!tpu.dma_semaphore, #tpu.memory_space<semaphore_mem>>) src(%dma_wait3A_336 : memref<10240x128xf32, #tpu.memory_space<hbm>>) dst(%arg8 : memref<128x128xf32, #tpu.memory_space<vmem>>)
      %dma_start3A_337 = arith.constant 128 : i32
      %dma_start3A_338 = tpu.memref_slice %arg7[%dma_start3A_337] : memref<2048xi32, #tpu.memory_space<vmem>> -> memref<128xi32, #tpu.memory_space<vmem>>
      %dma_start3A_339 = arith.constant 0 : i32
      %dma_start3A_340 = arith.constant 0 : i32
      %dma_start3A_341 = tpu.memref_slice %arg10[%dma_start3A_339, %dma_start3A_340] : memref<10240x128xf32, #tpu.memory_space<vmem_shared>> -> memref<10240x128xf32, #tpu.memory_space<vmem_shared>>
      tpu.enqueue_indirect_dma source(%arg8 : memref<128x128xf32, #tpu.memory_space<vmem>>) target(%dma_start3A_341 : memref<10240x128xf32, #tpu.memory_space<vmem_shared>>) offsets(%dma_start3A_338 : memref<128xi32, #tpu.memory_space<vmem>>) semaphore(%arg12 : memref<!tpu.dma_semaphore, #tpu.memory_space<semaphore_mem>>) {add = true}
      %dma_wait3A_342 = arith.constant 128 : i32
      %dma_wait3A_343 = tpu.memref_slice %arg7[%dma_wait3A_342] : memref<2048xi32, #tpu.memory_space<vmem>> -> memref<128xi32, #tpu.memory_space<vmem>>
      %dma_wait3A_344 = arith.constant 0 : i32
      %dma_wait3A_345 = arith.constant 0 : i32
      %dma_wait3A_346 = tpu.memref_slice %arg10[%dma_wait3A_344, %dma_wait3A_345] : memref<10240x128xf32, #tpu.memory_space<vmem_shared>> -> memref<10240x128xf32, #tpu.memory_space<vmem_shared>>
      tpu.wait_indirect_dma semaphore(%arg13 : memref<!tpu.dma_semaphore, #tpu.memory_space<semaphore_mem>>) src(%arg9 : memref<128x128xf32, #tpu.memory_space<vmem>>) dst(%dma_wait3A_346 : memref<10240x128xf32, #tpu.memory_space<vmem_shared>>)
      %dma_start3A_347 = arith.constant 256 : i32
      %dma_start3A_348 = tpu.memref_slice %arg7[%dma_start3A_347] : memref<2048xi32, #tpu.memory_space<vmem>> -> memref<128xi32, #tpu.memory_space<vmem>>
      %dma_start3A_349 = arith.constant 0 : i32
      %dma_start3A_350 = arith.constant 0 : i32
      %dma_start3A_351 = tpu.memref_slice %arg2[%dma_start3A_349, %dma_start3A_350] : memref<10240x128xf32, #tpu.memory_space<hbm>> -> memref<10240x128xf32, #tpu.memory_space<hbm>>
      tpu.enqueue_indirect_dma source(%dma_start3A_351 : memref<10240x128xf32, #tpu.memory_space<hbm>>) target(%arg9 : memref<128x128xf32, #tpu.memory_space<vmem>>) offsets(%dma_start3A_348 : memref<128xi32, #tpu.memory_space<vmem>>) semaphore(%arg11 : memref<!tpu.dma_semaphore, #tpu.memory_space<semaphore_mem>>)
      %dma_wait3A_352 = arith.constant 256 : i32
      %dma_wait3A_353 = tpu.memref_slice %arg7[%dma_wait3A_352] : memref<2048xi32, #tpu.memory_space<vmem>> -> memref<128xi32, #tpu.memory_space<vmem>>
      %dma_wait3A_354 = arith.constant 0 : i32
      %dma_wait3A_355 = arith.constant 0 : i32
      %dma_wait3A_356 = tpu.memref_slice %arg2[%dma_wait3A_354, %dma_wait3A_355] : memref<10240x128xf32, #tpu.memory_space<hbm>> -> memref<10240x128xf32, #tpu.memory_space<hbm>>
      tpu.wait_indirect_dma semaphore(%arg11 : memref<!tpu.dma_semaphore, #tpu.memory_space<semaphore_mem>>) src(%dma_wait3A_356 : memref<10240x128xf32, #tpu.memory_space<hbm>>) dst(%arg9 : memref<128x128xf32, #tpu.memory_space<vmem>>)
      %dma_start3A_357 = arith.constant 384 : i32
      %dma_start3A_358 = tpu.memref_slice %arg7[%dma_start3A_357] : memref<2048xi32, #tpu.memory_space<vmem>> -> memref<128xi32, #tpu.memory_space<vmem>>
      %dma_start3A_359 = arith.constant 0 : i32
      %dma_start3A_360 = arith.constant 0 : i32
      %dma_start3A_361 = tpu.memref_slice %arg10[%dma_start3A_359, %dma_start3A_360] : memref<10240x128xf32, #tpu.memory_space<vmem_shared>> -> memref<10240x128xf32, #tpu.memory_space<vmem_shared>>
      tpu.enqueue_indirect_dma source(%arg9 : memref<128x128xf32, #tpu.memory_space<vmem>>) target(%dma_start3A_361 : memref<10240x128xf32, #tpu.memory_space<vmem_shared>>) offsets(%dma_start3A_358 : memref<128xi32, #tpu.memory_space<vmem>>) semaphore(%arg13 : memref<!tpu.dma_semaphore, #tpu.memory_space<semaphore_mem>>) {add = true}
      %dma_wait3A_362 = arith.constant 128 : i32
      %dma_wait3A_363 = tpu.memref_slice %arg7[%dma_wait3A_362] : memref<2048xi32, #tpu.memory_space<vmem>> -> memref<128xi32, #tpu.memory_space<vmem>>
      %dma_wait3A_364 = arith.constant 0 : i32
      %dma_wait3A_365 = arith.constant 0 : i32
      %dma_wait3A_366 = tpu.memref_slice %arg10[%dma_wait3A_364, %dma_wait3A_365] : memref<10240x128xf32, #tpu.memory_space<vmem_shared>> -> memref<10240x128xf32, #tpu.memory_space<vmem_shared>>
      tpu.wait_indirect_dma semaphore(%arg12 : memref<!tpu.dma_semaphore, #tpu.memory_space<semaphore_mem>>) src(%arg8 : memref<128x128xf32, #tpu.memory_space<vmem>>) dst(%dma_wait3A_366 : memref<10240x128xf32, #tpu.memory_space<vmem_shared>>)
      %dma_start3A_367 = arith.constant 512 : i32
      %dma_start3A_368 = tpu.memref_slice %arg7[%dma_start3A_367] : memref<2048xi32, #tpu.memory_space<vmem>> -> memref<128xi32, #tpu.memory_space<vmem>>
      %dma_start3A_369 = arith.constant 0 : i32
      %dma_start3A_370 = arith.constant 0 : i32
      %dma_start3A_371 = tpu.memref_slice %arg2[%dma_start3A_369, %dma_start3A_370] : memref<10240x128xf32, #tpu.memory_space<hbm>> -> memref<10240x128xf32, #tpu.memory_space<hbm>>
      tpu.enqueue_indirect_dma source(%dma_start3A_371 : memref<10240x128xf32, #tpu.memory_space<hbm>>) target(%arg8 : memref<128x128xf32, #tpu.memory_space<vmem>>) offsets(%dma_start3A_368 : memref<128xi32, #tpu.memory_space<vmem>>) semaphore(%arg11 : memref<!tpu.dma_semaphore, #tpu.memory_space<semaphore_mem>>)
      %dma_wait3A_372 = arith.constant 512 : i32
      %dma_wait3A_373 = tpu.memref_slice %arg7[%dma_wait3A_372] : memref<2048xi32, #tpu.memory_space<vmem>> -> memref<128xi32, #tpu.memory_space<vmem>>
      %dma_wait3A_374 = arith.constant 0 : i32
      %dma_wait3A_375 = arith.constant 0 : i32
      %dma_wait3A_376 = tpu.memref_slice %arg2[%dma_wait3A_374, %dma_wait3A_375] : memref<10240x128xf32, #tpu.memory_space<hbm>> -> memref<10240x128xf32, #tpu.memory_space<hbm>>
      tpu.wait_indirect_dma semaphore(%arg11 : memref<!tpu.dma_semaphore, #tpu.memory_space<semaphore_mem>>) src(%dma_wait3A_376 : memref<10240x128xf32, #tpu.memory_space<hbm>>) dst(%arg8 : memref<128x128xf32, #tpu.memory_space<vmem>>)
      %dma_start3A_377 = arith.constant 640 : i32
      %dma_start3A_378 = tpu.memref_slice %arg7[%dma_start3A_377] : memref<2048xi32, #tpu.memory_space<vmem>> -> memref<128xi32, #tpu.memory_space<vmem>>
      %dma_start3A_379 = arith.constant 0 : i32
      %dma_start3A_380 = arith.constant 0 : i32
      %dma_start3A_381 = tpu.memref_slice %arg10[%dma_start3A_379, %dma_start3A_380] : memref<10240x128xf32, #tpu.memory_space<vmem_shared>> -> memref<10240x128xf32, #tpu.memory_space<vmem_shared>>
      tpu.enqueue_indirect_dma source(%arg8 : memref<128x128xf32, #tpu.memory_space<vmem>>) target(%dma_start3A_381 : memref<10240x128xf32, #tpu.memory_space<vmem_shared>>) offsets(%dma_start3A_378 : memref<128xi32, #tpu.memory_space<vmem>>) semaphore(%arg12 : memref<!tpu.dma_semaphore, #tpu.memory_space<semaphore_mem>>) {add = true}
      %dma_wait3A_382 = arith.constant 128 : i32
      %dma_wait3A_383 = tpu.memref_slice %arg7[%dma_wait3A_382] : memref<2048xi32, #tpu.memory_space<vmem>> -> memref<128xi32, #tpu.memory_space<vmem>>
      %dma_wait3A_384 = arith.constant 0 : i32
      %dma_wait3A_385 = arith.constant 0 : i32
      %dma_wait3A_386 = tpu.memref_slice %arg10[%dma_wait3A_384, %dma_wait3A_385] : memref<10240x128xf32, #tpu.memory_space<vmem_shared>> -> memref<10240x128xf32, #tpu.memory_space<vmem_shared>>
      tpu.wait_indirect_dma semaphore(%arg13 : memref<!tpu.dma_semaphore, #tpu.memory_space<semaphore_mem>>) src(%arg9 : memref<128x128xf32, #tpu.memory_space<vmem>>) dst(%dma_wait3A_386 : memref<10240x128xf32, #tpu.memory_space<vmem_shared>>)
      %dma_start3A_387 = arith.constant 768 : i32
      %dma_start3A_388 = tpu.memref_slice %arg7[%dma_start3A_387] : memref<2048xi32, #tpu.memory_space<vmem>> -> memref<128xi32, #tpu.memory_space<vmem>>
      %dma_start3A_389 = arith.constant 0 : i32
      %dma_start3A_390 = arith.constant 0 : i32
      %dma_start3A_391 = tpu.memref_slice %arg2[%dma_start3A_389, %dma_start3A_390] : memref<10240x128xf32, #tpu.memory_space<hbm>> -> memref<10240x128xf32, #tpu.memory_space<hbm>>
      tpu.enqueue_indirect_dma source(%dma_start3A_391 : memref<10240x128xf32, #tpu.memory_space<hbm>>) target(%arg9 : memref<128x128xf32, #tpu.memory_space<vmem>>) offsets(%dma_start3A_388 : memref<128xi32, #tpu.memory_space<vmem>>) semaphore(%arg11 : memref<!tpu.dma_semaphore, #tpu.memory_space<semaphore_mem>>)
      %dma_wait3A_392 = arith.constant 768 : i32
      %dma_wait3A_393 = tpu.memref_slice %arg7[%dma_wait3A_392] : memref<2048xi32, #tpu.memory_space<vmem>> -> memref<128xi32, #tpu.memory_space<vmem>>
      %dma_wait3A_394 = arith.constant 0 : i32
      %dma_wait3A_395 = arith.constant 0 : i32
      %dma_wait3A_396 = tpu.memref_slice %arg2[%dma_wait3A_394, %dma_wait3A_395] : memref<10240x128xf32, #tpu.memory_space<hbm>> -> memref<10240x128xf32, #tpu.memory_space<hbm>>
      tpu.wait_indirect_dma semaphore(%arg11 : memref<!tpu.dma_semaphore, #tpu.memory_space<semaphore_mem>>) src(%dma_wait3A_396 : memref<10240x128xf32, #tpu.memory_space<hbm>>) dst(%arg9 : memref<128x128xf32, #tpu.memory_space<vmem>>)
      %dma_start3A_397 = arith.constant 896 : i32
      %dma_start3A_398 = tpu.memref_slice %arg7[%dma_start3A_397] : memref<2048xi32, #tpu.memory_space<vmem>> -> memref<128xi32, #tpu.memory_space<vmem>>
      %dma_start3A_399 = arith.constant 0 : i32
      %dma_start3A_400 = arith.constant 0 : i32
      %dma_start3A_401 = tpu.memref_slice %arg10[%dma_start3A_399, %dma_start3A_400] : memref<10240x128xf32, #tpu.memory_space<vmem_shared>> -> memref<10240x128xf32, #tpu.memory_space<vmem_shared>>
      tpu.enqueue_indirect_dma source(%arg9 : memref<128x128xf32, #tpu.memory_space<vmem>>) target(%dma_start3A_401 : memref<10240x128xf32, #tpu.memory_space<vmem_shared>>) offsets(%dma_start3A_398 : memref<128xi32, #tpu.memory_space<vmem>>) semaphore(%arg13 : memref<!tpu.dma_semaphore, #tpu.memory_space<semaphore_mem>>) {add = true}
      %dma_wait3A_402 = arith.constant 128 : i32
      %dma_wait3A_403 = tpu.memref_slice %arg7[%dma_wait3A_402] : memref<2048xi32, #tpu.memory_space<vmem>> -> memref<128xi32, #tpu.memory_space<vmem>>
      %dma_wait3A_404 = arith.constant 0 : i32
      %dma_wait3A_405 = arith.constant 0 : i32
      %dma_wait3A_406 = tpu.memref_slice %arg10[%dma_wait3A_404, %dma_wait3A_405] : memref<10240x128xf32, #tpu.memory_space<vmem_shared>> -> memref<10240x128xf32, #tpu.memory_space<vmem_shared>>
      tpu.wait_indirect_dma semaphore(%arg12 : memref<!tpu.dma_semaphore, #tpu.memory_space<semaphore_mem>>) src(%arg8 : memref<128x128xf32, #tpu.memory_space<vmem>>) dst(%dma_wait3A_406 : memref<10240x128xf32, #tpu.memory_space<vmem_shared>>)
      %dma_start3A_407 = arith.constant 1024 : i32
      %dma_start3A_408 = tpu.memref_slice %arg7[%dma_start3A_407] : memref<2048xi32, #tpu.memory_space<vmem>> -> memref<128xi32, #tpu.memory_space<vmem>>
      %dma_start3A_409 = arith.constant 0 : i32
      %dma_start3A_410 = arith.constant 0 : i32
      %dma_start3A_411 = tpu.memref_slice %arg2[%dma_start3A_409, %dma_start3A_410] : memref<10240x128xf32, #tpu.memory_space<hbm>> -> memref<10240x128xf32, #tpu.memory_space<hbm>>
      tpu.enqueue_indirect_dma source(%dma_start3A_411 : memref<10240x128xf32, #tpu.memory_space<hbm>>) target(%arg8 : memref<128x128xf32, #tpu.memory_space<vmem>>) offsets(%dma_start3A_408 : memref<128xi32, #tpu.memory_space<vmem>>) semaphore(%arg11 : memref<!tpu.dma_semaphore, #tpu.memory_space<semaphore_mem>>)
      %dma_wait3A_412 = arith.constant 1024 : i32
      %dma_wait3A_413 = tpu.memref_slice %arg7[%dma_wait3A_412] : memref<2048xi32, #tpu.memory_space<vmem>> -> memref<128xi32, #tpu.memory_space<vmem>>
      %dma_wait3A_414 = arith.constant 0 : i32
      %dma_wait3A_415 = arith.constant 0 : i32
      %dma_wait3A_416 = tpu.memref_slice %arg2[%dma_wait3A_414, %dma_wait3A_415] : memref<10240x128xf32, #tpu.memory_space<hbm>> -> memref<10240x128xf32, #tpu.memory_space<hbm>>
      tpu.wait_indirect_dma semaphore(%arg11 : memref<!tpu.dma_semaphore, #tpu.memory_space<semaphore_mem>>) src(%dma_wait3A_416 : memref<10240x128xf32, #tpu.memory_space<hbm>>) dst(%arg8 : memref<128x128xf32, #tpu.memory_space<vmem>>)
      %dma_start3A_417 = arith.constant 1152 : i32
      %dma_start3A_418 = tpu.memref_slice %arg7[%dma_start3A_417] : memref<2048xi32, #tpu.memory_space<vmem>> -> memref<128xi32, #tpu.memory_space<vmem>>
      %dma_start3A_419 = arith.constant 0 : i32
      %dma_start3A_420 = arith.constant 0 : i32
      %dma_start3A_421 = tpu.memref_slice %arg10[%dma_start3A_419, %dma_start3A_420] : memref<10240x128xf32, #tpu.memory_space<vmem_shared>> -> memref<10240x128xf32, #tpu.memory_space<vmem_shared>>
      tpu.enqueue_indirect_dma source(%arg8 : memref<128x128xf32, #tpu.memory_space<vmem>>) target(%dma_start3A_421 : memref<10240x128xf32, #tpu.memory_space<vmem_shared>>) offsets(%dma_start3A_418 : memref<128xi32, #tpu.memory_space<vmem>>) semaphore(%arg12 : memref<!tpu.dma_semaphore, #tpu.memory_space<semaphore_mem>>) {add = true}
      %dma_wait3A_422 = arith.constant 128 : i32
      %dma_wait3A_423 = tpu.memref_slice %arg7[%dma_wait3A_422] : memref<2048xi32, #tpu.memory_space<vmem>> -> memref<128xi32, #tpu.memory_space<vmem>>
      %dma_wait3A_424 = arith.constant 0 : i32
      %dma_wait3A_425 = arith.constant 0 : i32
      %dma_wait3A_426 = tpu.memref_slice %arg10[%dma_wait3A_424, %dma_wait3A_425] : memref<10240x128xf32, #tpu.memory_space<vmem_shared>> -> memref<10240x128xf32, #tpu.memory_space<vmem_shared>>
      tpu.wait_indirect_dma semaphore(%arg13 : memref<!tpu.dma_semaphore, #tpu.memory_space<semaphore_mem>>) src(%arg9 : memref<128x128xf32, #tpu.memory_space<vmem>>) dst(%dma_wait3A_426 : memref<10240x128xf32, #tpu.memory_space<vmem_shared>>)
      %dma_start3A_427 = arith.constant 1280 : i32
      %dma_start3A_428 = tpu.memref_slice %arg7[%dma_start3A_427] : memref<2048xi32, #tpu.memory_space<vmem>> -> memref<128xi32, #tpu.memory_space<vmem>>
      %dma_start3A_429 = arith.constant 0 : i32
      %dma_start3A_430 = arith.constant 0 : i32
      %dma_start3A_431 = tpu.memref_slice %arg2[%dma_start3A_429, %dma_start3A_430] : memref<10240x128xf32, #tpu.memory_space<hbm>> -> memref<10240x128xf32, #tpu.memory_space<hbm>>
      tpu.enqueue_indirect_dma source(%dma_start3A_431 : memref<10240x128xf32, #tpu.memory_space<hbm>>) target(%arg9 : memref<128x128xf32, #tpu.memory_space<vmem>>) offsets(%dma_start3A_428 : memref<128xi32, #tpu.memory_space<vmem>>) semaphore(%arg11 : memref<!tpu.dma_semaphore, #tpu.memory_space<semaphore_mem>>)
      %dma_wait3A_432 = arith.constant 1280 : i32
      %dma_wait3A_433 = tpu.memref_slice %arg7[%dma_wait3A_432] : memref<2048xi32, #tpu.memory_space<vmem>> -> memref<128xi32, #tpu.memory_space<vmem>>
      %dma_wait3A_434 = arith.constant 0 : i32
      %dma_wait3A_435 = arith.constant 0 : i32
      %dma_wait3A_436 = tpu.memref_slice %arg2[%dma_wait3A_434, %dma_wait3A_435] : memref<10240x128xf32, #tpu.memory_space<hbm>> -> memref<10240x128xf32, #tpu.memory_space<hbm>>
      tpu.wait_indirect_dma semaphore(%arg11 : memref<!tpu.dma_semaphore, #tpu.memory_space<semaphore_mem>>) src(%dma_wait3A_436 : memref<10240x128xf32, #tpu.memory_space<hbm>>) dst(%arg9 : memref<128x128xf32, #tpu.memory_space<vmem>>)
      %dma_start3A_437 = arith.constant 1408 : i32
      %dma_start3A_438 = tpu.memref_slice %arg7[%dma_start3A_437] : memref<2048xi32, #tpu.memory_space<vmem>> -> memref<128xi32, #tpu.memory_space<vmem>>
      %dma_start3A_439 = arith.constant 0 : i32
      %dma_start3A_440 = arith.constant 0 : i32
      %dma_start3A_441 = tpu.memref_slice %arg10[%dma_start3A_439, %dma_start3A_440] : memref<10240x128xf32, #tpu.memory_space<vmem_shared>> -> memref<10240x128xf32, #tpu.memory_space<vmem_shared>>
      tpu.enqueue_indirect_dma source(%arg9 : memref<128x128xf32, #tpu.memory_space<vmem>>) target(%dma_start3A_441 : memref<10240x128xf32, #tpu.memory_space<vmem_shared>>) offsets(%dma_start3A_438 : memref<128xi32, #tpu.memory_space<vmem>>) semaphore(%arg13 : memref<!tpu.dma_semaphore, #tpu.memory_space<semaphore_mem>>) {add = true}
      %dma_wait3A_442 = arith.constant 128 : i32
      %dma_wait3A_443 = tpu.memref_slice %arg7[%dma_wait3A_442] : memref<2048xi32, #tpu.memory_space<vmem>> -> memref<128xi32, #tpu.memory_space<vmem>>
      %dma_wait3A_444 = arith.constant 0 : i32
      %dma_wait3A_445 = arith.constant 0 : i32
      %dma_wait3A_446 = tpu.memref_slice %arg10[%dma_wait3A_444, %dma_wait3A_445] : memref<10240x128xf32, #tpu.memory_space<vmem_shared>> -> memref<10240x128xf32, #tpu.memory_space<vmem_shared>>
      tpu.wait_indirect_dma semaphore(%arg12 : memref<!tpu.dma_semaphore, #tpu.memory_space<semaphore_mem>>) src(%arg8 : memref<128x128xf32, #tpu.memory_space<vmem>>) dst(%dma_wait3A_446 : memref<10240x128xf32, #tpu.memory_space<vmem_shared>>)
      %dma_start3A_447 = arith.constant 1536 : i32
      %dma_start3A_448 = tpu.memref_slice %arg7[%dma_start3A_447] : memref<2048xi32, #tpu.memory_space<vmem>> -> memref<128xi32, #tpu.memory_space<vmem>>
      %dma_start3A_449 = arith.constant 0 : i32
      %dma_start3A_450 = arith.constant 0 : i32
      %dma_start3A_451 = tpu.memref_slice %arg2[%dma_start3A_449, %dma_start3A_450] : memref<10240x128xf32, #tpu.memory_space<hbm>> -> memref<10240x128xf32, #tpu.memory_space<hbm>>
      tpu.enqueue_indirect_dma source(%dma_start3A_451 : memref<10240x128xf32, #tpu.memory_space<hbm>>) target(%arg8 : memref<128x128xf32, #tpu.memory_space<vmem>>) offsets(%dma_start3A_448 : memref<128xi32, #tpu.memory_space<vmem>>) semaphore(%arg11 : memref<!tpu.dma_semaphore, #tpu.memory_space<semaphore_mem>>)
      %dma_wait3A_452 = arith.constant 1536 : i32
      %dma_wait3A_453 = tpu.memref_slice %arg7[%dma_wait3A_452] : memref<2048xi32, #tpu.memory_space<vmem>> -> memref<128xi32, #tpu.memory_space<vmem>>
      %dma_wait3A_454 = arith.constant 0 : i32
      %dma_wait3A_455 = arith.constant 0 : i32
      %dma_wait3A_456 = tpu.memref_slice %arg2[%dma_wait3A_454, %dma_wait3A_455] : memref<10240x128xf32, #tpu.memory_space<hbm>> -> memref<10240x128xf32, #tpu.memory_space<hbm>>
      tpu.wait_indirect_dma semaphore(%arg11 : memref<!tpu.dma_semaphore, #tpu.memory_space<semaphore_mem>>) src(%dma_wait3A_456 : memref<10240x128xf32, #tpu.memory_space<hbm>>) dst(%arg8 : memref<128x128xf32, #tpu.memory_space<vmem>>)
      %dma_start3A_457 = arith.constant 1664 : i32
      %dma_start3A_458 = tpu.memref_slice %arg7[%dma_start3A_457] : memref<2048xi32, #tpu.memory_space<vmem>> -> memref<128xi32, #tpu.memory_space<vmem>>
      %dma_start3A_459 = arith.constant 0 : i32
      %dma_start3A_460 = arith.constant 0 : i32
      %dma_start3A_461 = tpu.memref_slice %arg10[%dma_start3A_459, %dma_start3A_460] : memref<10240x128xf32, #tpu.memory_space<vmem_shared>> -> memref<10240x128xf32, #tpu.memory_space<vmem_shared>>
      tpu.enqueue_indirect_dma source(%arg8 : memref<128x128xf32, #tpu.memory_space<vmem>>) target(%dma_start3A_461 : memref<10240x128xf32, #tpu.memory_space<vmem_shared>>) offsets(%dma_start3A_458 : memref<128xi32, #tpu.memory_space<vmem>>) semaphore(%arg12 : memref<!tpu.dma_semaphore, #tpu.memory_space<semaphore_mem>>) {add = true}
      %dma_wait3A_462 = arith.constant 128 : i32
      %dma_wait3A_463 = tpu.memref_slice %arg7[%dma_wait3A_462] : memref<2048xi32, #tpu.memory_space<vmem>> -> memref<128xi32, #tpu.memory_space<vmem>>
      %dma_wait3A_464 = arith.constant 0 : i32
      %dma_wait3A_465 = arith.constant 0 : i32
      %dma_wait3A_466 = tpu.memref_slice %arg10[%dma_wait3A_464, %dma_wait3A_465] : memref<10240x128xf32, #tpu.memory_space<vmem_shared>> -> memref<10240x128xf32, #tpu.memory_space<vmem_shared>>
      tpu.wait_indirect_dma semaphore(%arg13 : memref<!tpu.dma_semaphore, #tpu.memory_space<semaphore_mem>>) src(%arg9 : memref<128x128xf32, #tpu.memory_space<vmem>>) dst(%dma_wait3A_466 : memref<10240x128xf32, #tpu.memory_space<vmem_shared>>)
      %dma_start3A_467 = arith.constant 1792 : i32
      %dma_start3A_468 = tpu.memref_slice %arg7[%dma_start3A_467] : memref<2048xi32, #tpu.memory_space<vmem>> -> memref<128xi32, #tpu.memory_space<vmem>>
      %dma_start3A_469 = arith.constant 0 : i32
      %dma_start3A_470 = arith.constant 0 : i32
      %dma_start3A_471 = tpu.memref_slice %arg2[%dma_start3A_469, %dma_start3A_470] : memref<10240x128xf32, #tpu.memory_space<hbm>> -> memref<10240x128xf32, #tpu.memory_space<hbm>>
      tpu.enqueue_indirect_dma source(%dma_start3A_471 : memref<10240x128xf32, #tpu.memory_space<hbm>>) target(%arg9 : memref<128x128xf32, #tpu.memory_space<vmem>>) offsets(%dma_start3A_468 : memref<128xi32, #tpu.memory_space<vmem>>) semaphore(%arg11 : memref<!tpu.dma_semaphore, #tpu.memory_space<semaphore_mem>>)
      %dma_wait3A_472 = arith.constant 1792 : i32
      %dma_wait3A_473 = tpu.memref_slice %arg7[%dma_wait3A_472] : memref<2048xi32, #tpu.memory_space<vmem>> -> memref<128xi32, #tpu.memory_space<vmem>>
      %dma_wait3A_474 = arith.constant 0 : i32
      %dma_wait3A_475 = arith.constant 0 : i32
      %dma_wait3A_476 = tpu.memref_slice %arg2[%dma_wait3A_474, %dma_wait3A_475] : memref<10240x128xf32, #tpu.memory_space<hbm>> -> memref<10240x128xf32, #tpu.memory_space<hbm>>
      tpu.wait_indirect_dma semaphore(%arg11 : memref<!tpu.dma_semaphore, #tpu.memory_space<semaphore_mem>>) src(%dma_wait3A_476 : memref<10240x128xf32, #tpu.memory_space<hbm>>) dst(%arg9 : memref<128x128xf32, #tpu.memory_space<vmem>>)
      %dma_start3A_477 = arith.constant 1920 : i32
      %dma_start3A_478 = tpu.memref_slice %arg7[%dma_start3A_477] : memref<2048xi32, #tpu.memory_space<vmem>> -> memref<128xi32, #tpu.memory_space<vmem>>
      %dma_start3A_479 = arith.constant 0 : i32
      %dma_start3A_480 = arith.constant 0 : i32
      %dma_start3A_481 = tpu.memref_slice %arg10[%dma_start3A_479, %dma_start3A_480] : memref<10240x128xf32, #tpu.memory_space<vmem_shared>> -> memref<10240x128xf32, #tpu.memory_space<vmem_shared>>
      tpu.enqueue_indirect_dma source(%arg9 : memref<128x128xf32, #tpu.memory_space<vmem>>) target(%dma_start3A_481 : memref<10240x128xf32, #tpu.memory_space<vmem_shared>>) offsets(%dma_start3A_478 : memref<128xi32, #tpu.memory_space<vmem>>) semaphore(%arg13 : memref<!tpu.dma_semaphore, #tpu.memory_space<semaphore_mem>>) {add = true}
      %dma_wait3A_482 = arith.constant 128 : i32
      %dma_wait3A_483 = tpu.memref_slice %arg7[%dma_wait3A_482] : memref<2048xi32, #tpu.memory_space<vmem>> -> memref<128xi32, #tpu.memory_space<vmem>>
      %dma_wait3A_484 = arith.constant 0 : i32
      %dma_wait3A_485 = arith.constant 0 : i32
      %dma_wait3A_486 = tpu.memref_slice %arg10[%dma_wait3A_484, %dma_wait3A_485] : memref<10240x128xf32, #tpu.memory_space<vmem_shared>> -> memref<10240x128xf32, #tpu.memory_space<vmem_shared>>
      tpu.wait_indirect_dma semaphore(%arg12 : memref<!tpu.dma_semaphore, #tpu.memory_space<semaphore_mem>>) src(%arg8 : memref<128x128xf32, #tpu.memory_space<vmem>>) dst(%dma_wait3A_486 : memref<10240x128xf32, #tpu.memory_space<vmem_shared>>)
      %add3A_487 = arith.constant 8 : i32
      %add3A_488 = arith.addi %add3A_321, %add3A_487 : i32
      %mul3A_489 = arith.constant 2 : i32
      %mul3A_490 = arith.muli %add3A_488, %mul3A_489 : i32
      %mul3A_491 = arith.constant 128 : i32
      %mul3A_492 = arith.muli %mul3A_490, %mul3A_491 : i32
      %add3A_493 = arith.addi %mul3A_8, %mul3A_492 : i32
      "tpu.region"() ({
        %run_scoped3A = tpu.sem_alloc : memref<!tpu.dma_semaphore, #tpu.memory_space<semaphore_mem>>
        %dma_start3A_654 = tpu.memref_slice %arg3[%add3A_493] : memref<647424xi32, #tpu.memory_space<hbm>> -> memref<2048xi32, #tpu.memory_space<hbm>>
        %dma_start3A_655 = tpu.memref_slice %arg3[%add3A_493] : memref<647424xi32, #tpu.memory_space<hbm>> -> memref<2048xi32, #tpu.memory_space<hbm>>
        tpu.enqueue_dma source(%dma_start3A_655 : memref<2048xi32, #tpu.memory_space<hbm>>) target(%arg6 : memref<2048xi32, #tpu.memory_space<vmem>>) target_semaphore(%run_scoped3A : memref<!tpu.dma_semaphore, #tpu.memory_space<semaphore_mem>>)
        %dma_wait3A_656 = tpu.memref_slice %arg3[%add3A_493] : memref<647424xi32, #tpu.memory_space<hbm>> -> memref<2048xi32, #tpu.memory_space<hbm>>
        %dma_wait3A_657 = tpu.memref_slice %arg3[%add3A_493] : memref<647424xi32, #tpu.memory_space<hbm>> -> memref<2048xi32, #tpu.memory_space<hbm>>
        tpu.wait_dma2 semaphore(%run_scoped3A : memref<!tpu.dma_semaphore, #tpu.memory_space<semaphore_mem>>) src(%dma_wait3A_657 : memref<2048xi32, #tpu.memory_space<hbm>>) dst(%arg6 : memref<2048xi32, #tpu.memory_space<vmem>>)
        tpu.yield
      }) : () -> ()
      %dma_start3A_494 = arith.constant 0 : i32
      %dma_start3A_495 = tpu.memref_slice %arg6[%dma_start3A_494] : memref<2048xi32, #tpu.memory_space<vmem>> -> memref<128xi32, #tpu.memory_space<vmem>>
      %dma_start3A_496 = arith.constant 0 : i32
      %dma_start3A_497 = arith.constant 0 : i32
      %dma_start3A_498 = tpu.memref_slice %arg2[%dma_start3A_496, %dma_start3A_497] : memref<10240x128xf32, #tpu.memory_space<hbm>> -> memref<10240x128xf32, #tpu.memory_space<hbm>>
      tpu.enqueue_indirect_dma source(%dma_start3A_498 : memref<10240x128xf32, #tpu.memory_space<hbm>>) target(%arg8 : memref<128x128xf32, #tpu.memory_space<vmem>>) offsets(%dma_start3A_495 : memref<128xi32, #tpu.memory_space<vmem>>) semaphore(%arg11 : memref<!tpu.dma_semaphore, #tpu.memory_space<semaphore_mem>>)
      %dma_wait3A_499 = arith.constant 0 : i32
      %dma_wait3A_500 = tpu.memref_slice %arg6[%dma_wait3A_499] : memref<2048xi32, #tpu.memory_space<vmem>> -> memref<128xi32, #tpu.memory_space<vmem>>
      %dma_wait3A_501 = arith.constant 0 : i32
      %dma_wait3A_502 = arith.constant 0 : i32
      %dma_wait3A_503 = tpu.memref_slice %arg2[%dma_wait3A_501, %dma_wait3A_502] : memref<10240x128xf32, #tpu.memory_space<hbm>> -> memref<10240x128xf32, #tpu.memory_space<hbm>>
      tpu.wait_indirect_dma semaphore(%arg11 : memref<!tpu.dma_semaphore, #tpu.memory_space<semaphore_mem>>) src(%dma_wait3A_503 : memref<10240x128xf32, #tpu.memory_space<hbm>>) dst(%arg8 : memref<128x128xf32, #tpu.memory_space<vmem>>)
      %dma_start3A_504 = arith.constant 128 : i32
      %dma_start3A_505 = tpu.memref_slice %arg6[%dma_start3A_504] : memref<2048xi32, #tpu.memory_space<vmem>> -> memref<128xi32, #tpu.memory_space<vmem>>
      %dma_start3A_506 = arith.constant 0 : i32
      %dma_start3A_507 = arith.constant 0 : i32
      %dma_start3A_508 = tpu.memref_slice %arg10[%dma_start3A_506, %dma_start3A_507] : memref<10240x128xf32, #tpu.memory_space<vmem_shared>> -> memref<10240x128xf32, #tpu.memory_space<vmem_shared>>
      tpu.enqueue_indirect_dma source(%arg8 : memref<128x128xf32, #tpu.memory_space<vmem>>) target(%dma_start3A_508 : memref<10240x128xf32, #tpu.memory_space<vmem_shared>>) offsets(%dma_start3A_505 : memref<128xi32, #tpu.memory_space<vmem>>) semaphore(%arg12 : memref<!tpu.dma_semaphore, #tpu.memory_space<semaphore_mem>>) {add = true}
      %dma_wait3A_509 = arith.constant 128 : i32
      %dma_wait3A_510 = tpu.memref_slice %arg6[%dma_wait3A_509] : memref<2048xi32, #tpu.memory_space<vmem>> -> memref<128xi32, #tpu.memory_space<vmem>>
      %dma_wait3A_511 = arith.constant 0 : i32
      %dma_wait3A_512 = arith.constant 0 : i32
      %dma_wait3A_513 = tpu.memref_slice %arg10[%dma_wait3A_511, %dma_wait3A_512] : memref<10240x128xf32, #tpu.memory_space<vmem_shared>> -> memref<10240x128xf32, #tpu.memory_space<vmem_shared>>
      tpu.wait_indirect_dma semaphore(%arg13 : memref<!tpu.dma_semaphore, #tpu.memory_space<semaphore_mem>>) src(%arg9 : memref<128x128xf32, #tpu.memory_space<vmem>>) dst(%dma_wait3A_513 : memref<10240x128xf32, #tpu.memory_space<vmem_shared>>)
      %dma_start3A_514 = arith.constant 256 : i32
      %dma_start3A_515 = tpu.memref_slice %arg6[%dma_start3A_514] : memref<2048xi32, #tpu.memory_space<vmem>> -> memref<128xi32, #tpu.memory_space<vmem>>
      %dma_start3A_516 = arith.constant 0 : i32
      %dma_start3A_517 = arith.constant 0 : i32
      %dma_start3A_518 = tpu.memref_slice %arg2[%dma_start3A_516, %dma_start3A_517] : memref<10240x128xf32, #tpu.memory_space<hbm>> -> memref<10240x128xf32, #tpu.memory_space<hbm>>
      tpu.enqueue_indirect_dma source(%dma_start3A_518 : memref<10240x128xf32, #tpu.memory_space<hbm>>) target(%arg9 : memref<128x128xf32, #tpu.memory_space<vmem>>) offsets(%dma_start3A_515 : memref<128xi32, #tpu.memory_space<vmem>>) semaphore(%arg11 : memref<!tpu.dma_semaphore, #tpu.memory_space<semaphore_mem>>)
      %dma_wait3A_519 = arith.constant 256 : i32
      %dma_wait3A_520 = tpu.memref_slice %arg6[%dma_wait3A_519] : memref<2048xi32, #tpu.memory_space<vmem>> -> memref<128xi32, #tpu.memory_space<vmem>>
      %dma_wait3A_521 = arith.constant 0 : i32
      %dma_wait3A_522 = arith.constant 0 : i32
      %dma_wait3A_523 = tpu.memref_slice %arg2[%dma_wait3A_521, %dma_wait3A_522] : memref<10240x128xf32, #tpu.memory_space<hbm>> -> memref<10240x128xf32, #tpu.memory_space<hbm>>
      tpu.wait_indirect_dma semaphore(%arg11 : memref<!tpu.dma_semaphore, #tpu.memory_space<semaphore_mem>>) src(%dma_wait3A_523 : memref<10240x128xf32, #tpu.memory_space<hbm>>) dst(%arg9 : memref<128x128xf32, #tpu.memory_space<vmem>>)
      %dma_start3A_524 = arith.constant 384 : i32
      %dma_start3A_525 = tpu.memref_slice %arg6[%dma_start3A_524] : memref<2048xi32, #tpu.memory_space<vmem>> -> memref<128xi32, #tpu.memory_space<vmem>>
      %dma_start3A_526 = arith.constant 0 : i32
      %dma_start3A_527 = arith.constant 0 : i32
      %dma_start3A_528 = tpu.memref_slice %arg10[%dma_start3A_526, %dma_start3A_527] : memref<10240x128xf32, #tpu.memory_space<vmem_shared>> -> memref<10240x128xf32, #tpu.memory_space<vmem_shared>>
      tpu.enqueue_indirect_dma source(%arg9 : memref<128x128xf32, #tpu.memory_space<vmem>>) target(%dma_start3A_528 : memref<10240x128xf32, #tpu.memory_space<vmem_shared>>) offsets(%dma_start3A_525 : memref<128xi32, #tpu.memory_space<vmem>>) semaphore(%arg13 : memref<!tpu.dma_semaphore, #tpu.memory_space<semaphore_mem>>) {add = true}
      %dma_wait3A_529 = arith.constant 128 : i32
      %dma_wait3A_530 = tpu.memref_slice %arg6[%dma_wait3A_529] : memref<2048xi32, #tpu.memory_space<vmem>> -> memref<128xi32, #tpu.memory_space<vmem>>
      %dma_wait3A_531 = arith.constant 0 : i32
      %dma_wait3A_532 = arith.constant 0 : i32
      %dma_wait3A_533 = tpu.memref_slice %arg10[%dma_wait3A_531, %dma_wait3A_532] : memref<10240x128xf32, #tpu.memory_space<vmem_shared>> -> memref<10240x128xf32, #tpu.memory_space<vmem_shared>>
      tpu.wait_indirect_dma semaphore(%arg12 : memref<!tpu.dma_semaphore, #tpu.memory_space<semaphore_mem>>) src(%arg8 : memref<128x128xf32, #tpu.memory_space<vmem>>) dst(%dma_wait3A_533 : memref<10240x128xf32, #tpu.memory_space<vmem_shared>>)
      %dma_start3A_534 = arith.constant 512 : i32
      %dma_start3A_535 = tpu.memref_slice %arg6[%dma_start3A_534] : memref<2048xi32, #tpu.memory_space<vmem>> -> memref<128xi32, #tpu.memory_space<vmem>>
      %dma_start3A_536 = arith.constant 0 : i32
      %dma_start3A_537 = arith.constant 0 : i32
      %dma_start3A_538 = tpu.memref_slice %arg2[%dma_start3A_536, %dma_start3A_537] : memref<10240x128xf32, #tpu.memory_space<hbm>> -> memref<10240x128xf32, #tpu.memory_space<hbm>>
      tpu.enqueue_indirect_dma source(%dma_start3A_538 : memref<10240x128xf32, #tpu.memory_space<hbm>>) target(%arg8 : memref<128x128xf32, #tpu.memory_space<vmem>>) offsets(%dma_start3A_535 : memref<128xi32, #tpu.memory_space<vmem>>) semaphore(%arg11 : memref<!tpu.dma_semaphore, #tpu.memory_space<semaphore_mem>>)
      %dma_wait3A_539 = arith.constant 512 : i32
      %dma_wait3A_540 = tpu.memref_slice %arg6[%dma_wait3A_539] : memref<2048xi32, #tpu.memory_space<vmem>> -> memref<128xi32, #tpu.memory_space<vmem>>
      %dma_wait3A_541 = arith.constant 0 : i32
      %dma_wait3A_542 = arith.constant 0 : i32
      %dma_wait3A_543 = tpu.memref_slice %arg2[%dma_wait3A_541, %dma_wait3A_542] : memref<10240x128xf32, #tpu.memory_space<hbm>> -> memref<10240x128xf32, #tpu.memory_space<hbm>>
      tpu.wait_indirect_dma semaphore(%arg11 : memref<!tpu.dma_semaphore, #tpu.memory_space<semaphore_mem>>) src(%dma_wait3A_543 : memref<10240x128xf32, #tpu.memory_space<hbm>>) dst(%arg8 : memref<128x128xf32, #tpu.memory_space<vmem>>)
      %dma_start3A_544 = arith.constant 640 : i32
      %dma_start3A_545 = tpu.memref_slice %arg6[%dma_start3A_544] : memref<2048xi32, #tpu.memory_space<vmem>> -> memref<128xi32, #tpu.memory_space<vmem>>
      %dma_start3A_546 = arith.constant 0 : i32
      %dma_start3A_547 = arith.constant 0 : i32
      %dma_start3A_548 = tpu.memref_slice %arg10[%dma_start3A_546, %dma_start3A_547] : memref<10240x128xf32, #tpu.memory_space<vmem_shared>> -> memref<10240x128xf32, #tpu.memory_space<vmem_shared>>
      tpu.enqueue_indirect_dma source(%arg8 : memref<128x128xf32, #tpu.memory_space<vmem>>) target(%dma_start3A_548 : memref<10240x128xf32, #tpu.memory_space<vmem_shared>>) offsets(%dma_start3A_545 : memref<128xi32, #tpu.memory_space<vmem>>) semaphore(%arg12 : memref<!tpu.dma_semaphore, #tpu.memory_space<semaphore_mem>>) {add = true}
      %dma_wait3A_549 = arith.constant 128 : i32
      %dma_wait3A_550 = tpu.memref_slice %arg6[%dma_wait3A_549] : memref<2048xi32, #tpu.memory_space<vmem>> -> memref<128xi32, #tpu.memory_space<vmem>>
      %dma_wait3A_551 = arith.constant 0 : i32
      %dma_wait3A_552 = arith.constant 0 : i32
      %dma_wait3A_553 = tpu.memref_slice %arg10[%dma_wait3A_551, %dma_wait3A_552] : memref<10240x128xf32, #tpu.memory_space<vmem_shared>> -> memref<10240x128xf32, #tpu.memory_space<vmem_shared>>
      tpu.wait_indirect_dma semaphore(%arg13 : memref<!tpu.dma_semaphore, #tpu.memory_space<semaphore_mem>>) src(%arg9 : memref<128x128xf32, #tpu.memory_space<vmem>>) dst(%dma_wait3A_553 : memref<10240x128xf32, #tpu.memory_space<vmem_shared>>)
      %dma_start3A_554 = arith.constant 768 : i32
      %dma_start3A_555 = tpu.memref_slice %arg6[%dma_start3A_554] : memref<2048xi32, #tpu.memory_space<vmem>> -> memref<128xi32, #tpu.memory_space<vmem>>
      %dma_start3A_556 = arith.constant 0 : i32
      %dma_start3A_557 = arith.constant 0 : i32
      %dma_start3A_558 = tpu.memref_slice %arg2[%dma_start3A_556, %dma_start3A_557] : memref<10240x128xf32, #tpu.memory_space<hbm>> -> memref<10240x128xf32, #tpu.memory_space<hbm>>
      tpu.enqueue_indirect_dma source(%dma_start3A_558 : memref<10240x128xf32, #tpu.memory_space<hbm>>) target(%arg9 : memref<128x128xf32, #tpu.memory_space<vmem>>) offsets(%dma_start3A_555 : memref<128xi32, #tpu.memory_space<vmem>>) semaphore(%arg11 : memref<!tpu.dma_semaphore, #tpu.memory_space<semaphore_mem>>)
      %dma_wait3A_559 = arith.constant 768 : i32
      %dma_wait3A_560 = tpu.memref_slice %arg6[%dma_wait3A_559] : memref<2048xi32, #tpu.memory_space<vmem>> -> memref<128xi32, #tpu.memory_space<vmem>>
      %dma_wait3A_561 = arith.constant 0 : i32
      %dma_wait3A_562 = arith.constant 0 : i32
      %dma_wait3A_563 = tpu.memref_slice %arg2[%dma_wait3A_561, %dma_wait3A_562] : memref<10240x128xf32, #tpu.memory_space<hbm>> -> memref<10240x128xf32, #tpu.memory_space<hbm>>
      tpu.wait_indirect_dma semaphore(%arg11 : memref<!tpu.dma_semaphore, #tpu.memory_space<semaphore_mem>>) src(%dma_wait3A_563 : memref<10240x128xf32, #tpu.memory_space<hbm>>) dst(%arg9 : memref<128x128xf32, #tpu.memory_space<vmem>>)
      %dma_start3A_564 = arith.constant 896 : i32
      %dma_start3A_565 = tpu.memref_slice %arg6[%dma_start3A_564] : memref<2048xi32, #tpu.memory_space<vmem>> -> memref<128xi32, #tpu.memory_space<vmem>>
      %dma_start3A_566 = arith.constant 0 : i32
      %dma_start3A_567 = arith.constant 0 : i32
      %dma_start3A_568 = tpu.memref_slice %arg10[%dma_start3A_566, %dma_start3A_567] : memref<10240x128xf32, #tpu.memory_space<vmem_shared>> -> memref<10240x128xf32, #tpu.memory_space<vmem_shared>>
      tpu.enqueue_indirect_dma source(%arg9 : memref<128x128xf32, #tpu.memory_space<vmem>>) target(%dma_start3A_568 : memref<10240x128xf32, #tpu.memory_space<vmem_shared>>) offsets(%dma_start3A_565 : memref<128xi32, #tpu.memory_space<vmem>>) semaphore(%arg13 : memref<!tpu.dma_semaphore, #tpu.memory_space<semaphore_mem>>) {add = true}
      %dma_wait3A_569 = arith.constant 128 : i32
      %dma_wait3A_570 = tpu.memref_slice %arg6[%dma_wait3A_569] : memref<2048xi32, #tpu.memory_space<vmem>> -> memref<128xi32, #tpu.memory_space<vmem>>
      %dma_wait3A_571 = arith.constant 0 : i32
      %dma_wait3A_572 = arith.constant 0 : i32
      %dma_wait3A_573 = tpu.memref_slice %arg10[%dma_wait3A_571, %dma_wait3A_572] : memref<10240x128xf32, #tpu.memory_space<vmem_shared>> -> memref<10240x128xf32, #tpu.memory_space<vmem_shared>>
      tpu.wait_indirect_dma semaphore(%arg12 : memref<!tpu.dma_semaphore, #tpu.memory_space<semaphore_mem>>) src(%arg8 : memref<128x128xf32, #tpu.memory_space<vmem>>) dst(%dma_wait3A_573 : memref<10240x128xf32, #tpu.memory_space<vmem_shared>>)
      %dma_start3A_574 = arith.constant 1024 : i32
      %dma_start3A_575 = tpu.memref_slice %arg6[%dma_start3A_574] : memref<2048xi32, #tpu.memory_space<vmem>> -> memref<128xi32, #tpu.memory_space<vmem>>
      %dma_start3A_576 = arith.constant 0 : i32
      %dma_start3A_577 = arith.constant 0 : i32
      %dma_start3A_578 = tpu.memref_slice %arg2[%dma_start3A_576, %dma_start3A_577] : memref<10240x128xf32, #tpu.memory_space<hbm>> -> memref<10240x128xf32, #tpu.memory_space<hbm>>
      tpu.enqueue_indirect_dma source(%dma_start3A_578 : memref<10240x128xf32, #tpu.memory_space<hbm>>) target(%arg8 : memref<128x128xf32, #tpu.memory_space<vmem>>) offsets(%dma_start3A_575 : memref<128xi32, #tpu.memory_space<vmem>>) semaphore(%arg11 : memref<!tpu.dma_semaphore, #tpu.memory_space<semaphore_mem>>)
      %dma_wait3A_579 = arith.constant 1024 : i32
      %dma_wait3A_580 = tpu.memref_slice %arg6[%dma_wait3A_579] : memref<2048xi32, #tpu.memory_space<vmem>> -> memref<128xi32, #tpu.memory_space<vmem>>
      %dma_wait3A_581 = arith.constant 0 : i32
      %dma_wait3A_582 = arith.constant 0 : i32
      %dma_wait3A_583 = tpu.memref_slice %arg2[%dma_wait3A_581, %dma_wait3A_582] : memref<10240x128xf32, #tpu.memory_space<hbm>> -> memref<10240x128xf32, #tpu.memory_space<hbm>>
      tpu.wait_indirect_dma semaphore(%arg11 : memref<!tpu.dma_semaphore, #tpu.memory_space<semaphore_mem>>) src(%dma_wait3A_583 : memref<10240x128xf32, #tpu.memory_space<hbm>>) dst(%arg8 : memref<128x128xf32, #tpu.memory_space<vmem>>)
      %dma_start3A_584 = arith.constant 1152 : i32
      %dma_start3A_585 = tpu.memref_slice %arg6[%dma_start3A_584] : memref<2048xi32, #tpu.memory_space<vmem>> -> memref<128xi32, #tpu.memory_space<vmem>>
      %dma_start3A_586 = arith.constant 0 : i32
      %dma_start3A_587 = arith.constant 0 : i32
      %dma_start3A_588 = tpu.memref_slice %arg10[%dma_start3A_586, %dma_start3A_587] : memref<10240x128xf32, #tpu.memory_space<vmem_shared>> -> memref<10240x128xf32, #tpu.memory_space<vmem_shared>>
      tpu.enqueue_indirect_dma source(%arg8 : memref<128x128xf32, #tpu.memory_space<vmem>>) target(%dma_start3A_588 : memref<10240x128xf32, #tpu.memory_space<vmem_shared>>) offsets(%dma_start3A_585 : memref<128xi32, #tpu.memory_space<vmem>>) semaphore(%arg12 : memref<!tpu.dma_semaphore, #tpu.memory_space<semaphore_mem>>) {add = true}
      %dma_wait3A_589 = arith.constant 128 : i32
      %dma_wait3A_590 = tpu.memref_slice %arg6[%dma_wait3A_589] : memref<2048xi32, #tpu.memory_space<vmem>> -> memref<128xi32, #tpu.memory_space<vmem>>
      %dma_wait3A_591 = arith.constant 0 : i32
      %dma_wait3A_592 = arith.constant 0 : i32
      %dma_wait3A_593 = tpu.memref_slice %arg10[%dma_wait3A_591, %dma_wait3A_592] : memref<10240x128xf32, #tpu.memory_space<vmem_shared>> -> memref<10240x128xf32, #tpu.memory_space<vmem_shared>>
      tpu.wait_indirect_dma semaphore(%arg13 : memref<!tpu.dma_semaphore, #tpu.memory_space<semaphore_mem>>) src(%arg9 : memref<128x128xf32, #tpu.memory_space<vmem>>) dst(%dma_wait3A_593 : memref<10240x128xf32, #tpu.memory_space<vmem_shared>>)
      %dma_start3A_594 = arith.constant 1280 : i32
      %dma_start3A_595 = tpu.memref_slice %arg6[%dma_start3A_594] : memref<2048xi32, #tpu.memory_space<vmem>> -> memref<128xi32, #tpu.memory_space<vmem>>
      %dma_start3A_596 = arith.constant 0 : i32
      %dma_start3A_597 = arith.constant 0 : i32
      %dma_start3A_598 = tpu.memref_slice %arg2[%dma_start3A_596, %dma_start3A_597] : memref<10240x128xf32, #tpu.memory_space<hbm>> -> memref<10240x128xf32, #tpu.memory_space<hbm>>
      tpu.enqueue_indirect_dma source(%dma_start3A_598 : memref<10240x128xf32, #tpu.memory_space<hbm>>) target(%arg9 : memref<128x128xf32, #tpu.memory_space<vmem>>) offsets(%dma_start3A_595 : memref<128xi32, #tpu.memory_space<vmem>>) semaphore(%arg11 : memref<!tpu.dma_semaphore, #tpu.memory_space<semaphore_mem>>)
      %dma_wait3A_599 = arith.constant 1280 : i32
      %dma_wait3A_600 = tpu.memref_slice %arg6[%dma_wait3A_599] : memref<2048xi32, #tpu.memory_space<vmem>> -> memref<128xi32, #tpu.memory_space<vmem>>
      %dma_wait3A_601 = arith.constant 0 : i32
      %dma_wait3A_602 = arith.constant 0 : i32
      %dma_wait3A_603 = tpu.memref_slice %arg2[%dma_wait3A_601, %dma_wait3A_602] : memref<10240x128xf32, #tpu.memory_space<hbm>> -> memref<10240x128xf32, #tpu.memory_space<hbm>>
      tpu.wait_indirect_dma semaphore(%arg11 : memref<!tpu.dma_semaphore, #tpu.memory_space<semaphore_mem>>) src(%dma_wait3A_603 : memref<10240x128xf32, #tpu.memory_space<hbm>>) dst(%arg9 : memref<128x128xf32, #tpu.memory_space<vmem>>)
      %dma_start3A_604 = arith.constant 1408 : i32
      %dma_start3A_605 = tpu.memref_slice %arg6[%dma_start3A_604] : memref<2048xi32, #tpu.memory_space<vmem>> -> memref<128xi32, #tpu.memory_space<vmem>>
      %dma_start3A_606 = arith.constant 0 : i32
      %dma_start3A_607 = arith.constant 0 : i32
      %dma_start3A_608 = tpu.memref_slice %arg10[%dma_start3A_606, %dma_start3A_607] : memref<10240x128xf32, #tpu.memory_space<vmem_shared>> -> memref<10240x128xf32, #tpu.memory_space<vmem_shared>>
      tpu.enqueue_indirect_dma source(%arg9 : memref<128x128xf32, #tpu.memory_space<vmem>>) target(%dma_start3A_608 : memref<10240x128xf32, #tpu.memory_space<vmem_shared>>) offsets(%dma_start3A_605 : memref<128xi32, #tpu.memory_space<vmem>>) semaphore(%arg13 : memref<!tpu.dma_semaphore, #tpu.memory_space<semaphore_mem>>) {add = true}
      %dma_wait3A_609 = arith.constant 128 : i32
      %dma_wait3A_610 = tpu.memref_slice %arg6[%dma_wait3A_609] : memref<2048xi32, #tpu.memory_space<vmem>> -> memref<128xi32, #tpu.memory_space<vmem>>
      %dma_wait3A_611 = arith.constant 0 : i32
      %dma_wait3A_612 = arith.constant 0 : i32
      %dma_wait3A_613 = tpu.memref_slice %arg10[%dma_wait3A_611, %dma_wait3A_612] : memref<10240x128xf32, #tpu.memory_space<vmem_shared>> -> memref<10240x128xf32, #tpu.memory_space<vmem_shared>>
      tpu.wait_indirect_dma semaphore(%arg12 : memref<!tpu.dma_semaphore, #tpu.memory_space<semaphore_mem>>) src(%arg8 : memref<128x128xf32, #tpu.memory_space<vmem>>) dst(%dma_wait3A_613 : memref<10240x128xf32, #tpu.memory_space<vmem_shared>>)
      %dma_start3A_614 = arith.constant 1536 : i32
      %dma_start3A_615 = tpu.memref_slice %arg6[%dma_start3A_614] : memref<2048xi32, #tpu.memory_space<vmem>> -> memref<128xi32, #tpu.memory_space<vmem>>
      %dma_start3A_616 = arith.constant 0 : i32
      %dma_start3A_617 = arith.constant 0 : i32
      %dma_start3A_618 = tpu.memref_slice %arg2[%dma_start3A_616, %dma_start3A_617] : memref<10240x128xf32, #tpu.memory_space<hbm>> -> memref<10240x128xf32, #tpu.memory_space<hbm>>
      tpu.enqueue_indirect_dma source(%dma_start3A_618 : memref<10240x128xf32, #tpu.memory_space<hbm>>) target(%arg8 : memref<128x128xf32, #tpu.memory_space<vmem>>) offsets(%dma_start3A_615 : memref<128xi32, #tpu.memory_space<vmem>>) semaphore(%arg11 : memref<!tpu.dma_semaphore, #tpu.memory_space<semaphore_mem>>)
      %dma_wait3A_619 = arith.constant 1536 : i32
      %dma_wait3A_620 = tpu.memref_slice %arg6[%dma_wait3A_619] : memref<2048xi32, #tpu.memory_space<vmem>> -> memref<128xi32, #tpu.memory_space<vmem>>
      %dma_wait3A_621 = arith.constant 0 : i32
      %dma_wait3A_622 = arith.constant 0 : i32
      %dma_wait3A_623 = tpu.memref_slice %arg2[%dma_wait3A_621, %dma_wait3A_622] : memref<10240x128xf32, #tpu.memory_space<hbm>> -> memref<10240x128xf32, #tpu.memory_space<hbm>>
      tpu.wait_indirect_dma semaphore(%arg11 : memref<!tpu.dma_semaphore, #tpu.memory_space<semaphore_mem>>) src(%dma_wait3A_623 : memref<10240x128xf32, #tpu.memory_space<hbm>>) dst(%arg8 : memref<128x128xf32, #tpu.memory_space<vmem>>)
      %dma_start3A_624 = arith.constant 1664 : i32
      %dma_start3A_625 = tpu.memref_slice %arg6[%dma_start3A_624] : memref<2048xi32, #tpu.memory_space<vmem>> -> memref<128xi32, #tpu.memory_space<vmem>>
      %dma_start3A_626 = arith.constant 0 : i32
      %dma_start3A_627 = arith.constant 0 : i32
      %dma_start3A_628 = tpu.memref_slice %arg10[%dma_start3A_626, %dma_start3A_627] : memref<10240x128xf32, #tpu.memory_space<vmem_shared>> -> memref<10240x128xf32, #tpu.memory_space<vmem_shared>>
      tpu.enqueue_indirect_dma source(%arg8 : memref<128x128xf32, #tpu.memory_space<vmem>>) target(%dma_start3A_628 : memref<10240x128xf32, #tpu.memory_space<vmem_shared>>) offsets(%dma_start3A_625 : memref<128xi32, #tpu.memory_space<vmem>>) semaphore(%arg12 : memref<!tpu.dma_semaphore, #tpu.memory_space<semaphore_mem>>) {add = true}
      %dma_wait3A_629 = arith.constant 128 : i32
      %dma_wait3A_630 = tpu.memref_slice %arg6[%dma_wait3A_629] : memref<2048xi32, #tpu.memory_space<vmem>> -> memref<128xi32, #tpu.memory_space<vmem>>
      %dma_wait3A_631 = arith.constant 0 : i32
      %dma_wait3A_632 = arith.constant 0 : i32
      %dma_wait3A_633 = tpu.memref_slice %arg10[%dma_wait3A_631, %dma_wait3A_632] : memref<10240x128xf32, #tpu.memory_space<vmem_shared>> -> memref<10240x128xf32, #tpu.memory_space<vmem_shared>>
      tpu.wait_indirect_dma semaphore(%arg13 : memref<!tpu.dma_semaphore, #tpu.memory_space<semaphore_mem>>) src(%arg9 : memref<128x128xf32, #tpu.memory_space<vmem>>) dst(%dma_wait3A_633 : memref<10240x128xf32, #tpu.memory_space<vmem_shared>>)
      %dma_start3A_634 = arith.constant 1792 : i32
      %dma_start3A_635 = tpu.memref_slice %arg6[%dma_start3A_634] : memref<2048xi32, #tpu.memory_space<vmem>> -> memref<128xi32, #tpu.memory_space<vmem>>
      %dma_start3A_636 = arith.constant 0 : i32
      %dma_start3A_637 = arith.constant 0 : i32
      %dma_start3A_638 = tpu.memref_slice %arg2[%dma_start3A_636, %dma_start3A_637] : memref<10240x128xf32, #tpu.memory_space<hbm>> -> memref<10240x128xf32, #tpu.memory_space<hbm>>
      tpu.enqueue_indirect_dma source(%dma_start3A_638 : memref<10240x128xf32, #tpu.memory_space<hbm>>) target(%arg9 : memref<128x128xf32, #tpu.memory_space<vmem>>) offsets(%dma_start3A_635 : memref<128xi32, #tpu.memory_space<vmem>>) semaphore(%arg11 : memref<!tpu.dma_semaphore, #tpu.memory_space<semaphore_mem>>)
      %dma_wait3A_639 = arith.constant 1792 : i32
      %dma_wait3A_640 = tpu.memref_slice %arg6[%dma_wait3A_639] : memref<2048xi32, #tpu.memory_space<vmem>> -> memref<128xi32, #tpu.memory_space<vmem>>
      %dma_wait3A_641 = arith.constant 0 : i32
      %dma_wait3A_642 = arith.constant 0 : i32
      %dma_wait3A_643 = tpu.memref_slice %arg2[%dma_wait3A_641, %dma_wait3A_642] : memref<10240x128xf32, #tpu.memory_space<hbm>> -> memref<10240x128xf32, #tpu.memory_space<hbm>>
      tpu.wait_indirect_dma semaphore(%arg11 : memref<!tpu.dma_semaphore, #tpu.memory_space<semaphore_mem>>) src(%dma_wait3A_643 : memref<10240x128xf32, #tpu.memory_space<hbm>>) dst(%arg9 : memref<128x128xf32, #tpu.memory_space<vmem>>)
      %dma_start3A_644 = arith.constant 1920 : i32
      %dma_start3A_645 = tpu.memref_slice %arg6[%dma_start3A_644] : memref<2048xi32, #tpu.memory_space<vmem>> -> memref<128xi32, #tpu.memory_space<vmem>>
      %dma_start3A_646 = arith.constant 0 : i32
      %dma_start3A_647 = arith.constant 0 : i32
      %dma_start3A_648 = tpu.memref_slice %arg10[%dma_start3A_646, %dma_start3A_647] : memref<10240x128xf32, #tpu.memory_space<vmem_shared>> -> memref<10240x128xf32, #tpu.memory_space<vmem_shared>>
      tpu.enqueue_indirect_dma source(%arg9 : memref<128x128xf32, #tpu.memory_space<vmem>>) target(%dma_start3A_648 : memref<10240x128xf32, #tpu.memory_space<vmem_shared>>) offsets(%dma_start3A_645 : memref<128xi32, #tpu.memory_space<vmem>>) semaphore(%arg13 : memref<!tpu.dma_semaphore, #tpu.memory_space<semaphore_mem>>) {add = true}
      %dma_wait3A_649 = arith.constant 128 : i32
      %dma_wait3A_650 = tpu.memref_slice %arg6[%dma_wait3A_649] : memref<2048xi32, #tpu.memory_space<vmem>> -> memref<128xi32, #tpu.memory_space<vmem>>
      %dma_wait3A_651 = arith.constant 0 : i32
      %dma_wait3A_652 = arith.constant 0 : i32
      %dma_wait3A_653 = tpu.memref_slice %arg10[%dma_wait3A_651, %dma_wait3A_652] : memref<10240x128xf32, #tpu.memory_space<vmem_shared>> -> memref<10240x128xf32, #tpu.memory_space<vmem_shared>>
      tpu.wait_indirect_dma semaphore(%arg12 : memref<!tpu.dma_semaphore, #tpu.memory_space<semaphore_mem>>) src(%arg8 : memref<128x128xf32, #tpu.memory_space<vmem>>) dst(%dma_wait3A_653 : memref<10240x128xf32, #tpu.memory_space<vmem_shared>>)
    }
    %scan3A_168 = arith.constant 4 : i32
    %add3A_169 = arith.constant 18432 : i32
    %add3A_170 = arith.addi %mul3A_8, %add3A_169 : i32
    "tpu.region"() ({
      %run_scoped3A = tpu.sem_alloc : memref<!tpu.dma_semaphore, #tpu.memory_space<semaphore_mem>>
      %dma_start3A_317 = tpu.memref_slice %arg3[%add3A_170] : memref<647424xi32, #tpu.memory_space<hbm>> -> memref<2048xi32, #tpu.memory_space<hbm>>
      %dma_start3A_318 = tpu.memref_slice %arg3[%add3A_170] : memref<647424xi32, #tpu.memory_space<hbm>> -> memref<2048xi32, #tpu.memory_space<hbm>>
      tpu.enqueue_dma source(%dma_start3A_318 : memref<2048xi32, #tpu.memory_space<hbm>>) target(%arg7 : memref<2048xi32, #tpu.memory_space<vmem>>) target_semaphore(%run_scoped3A : memref<!tpu.dma_semaphore, #tpu.memory_space<semaphore_mem>>)
      %dma_wait3A_319 = tpu.memref_slice %arg3[%add3A_170] : memref<647424xi32, #tpu.memory_space<hbm>> -> memref<2048xi32, #tpu.memory_space<hbm>>
      %dma_wait3A_320 = tpu.memref_slice %arg3[%add3A_170] : memref<647424xi32, #tpu.memory_space<hbm>> -> memref<2048xi32, #tpu.memory_space<hbm>>
      tpu.wait_dma2 semaphore(%run_scoped3A : memref<!tpu.dma_semaphore, #tpu.memory_space<semaphore_mem>>) src(%dma_wait3A_320 : memref<2048xi32, #tpu.memory_space<hbm>>) dst(%arg7 : memref<2048xi32, #tpu.memory_space<vmem>>)
      tpu.yield
    }) : () -> ()
    %dma_start3A_171 = arith.constant 0 : i32
    %dma_start3A_172 = tpu.memref_slice %arg7[%dma_start3A_171] : memref<2048xi32, #tpu.memory_space<vmem>> -> memref<128xi32, #tpu.memory_space<vmem>>
    %dma_start3A_173 = arith.constant 0 : i32
    %dma_start3A_174 = arith.constant 0 : i32
    %dma_start3A_175 = tpu.memref_slice %arg2[%dma_start3A_173, %dma_start3A_174] : memref<10240x128xf32, #tpu.memory_space<hbm>> -> memref<10240x128xf32, #tpu.memory_space<hbm>>
    tpu.enqueue_indirect_dma source(%dma_start3A_175 : memref<10240x128xf32, #tpu.memory_space<hbm>>) target(%arg8 : memref<128x128xf32, #tpu.memory_space<vmem>>) offsets(%dma_start3A_172 : memref<128xi32, #tpu.memory_space<vmem>>) semaphore(%arg11 : memref<!tpu.dma_semaphore, #tpu.memory_space<semaphore_mem>>)
    %dma_wait3A_176 = arith.constant 0 : i32
    %dma_wait3A_177 = tpu.memref_slice %arg7[%dma_wait3A_176] : memref<2048xi32, #tpu.memory_space<vmem>> -> memref<128xi32, #tpu.memory_space<vmem>>
    %dma_wait3A_178 = arith.constant 0 : i32
    %dma_wait3A_179 = arith.constant 0 : i32
    %dma_wait3A_180 = tpu.memref_slice %arg2[%dma_wait3A_178, %dma_wait3A_179] : memref<10240x128xf32, #tpu.memory_space<hbm>> -> memref<10240x128xf32, #tpu.memory_space<hbm>>
    tpu.wait_indirect_dma semaphore(%arg11 : memref<!tpu.dma_semaphore, #tpu.memory_space<semaphore_mem>>) src(%dma_wait3A_180 : memref<10240x128xf32, #tpu.memory_space<hbm>>) dst(%arg8 : memref<128x128xf32, #tpu.memory_space<vmem>>)
    %dma_start3A_181 = arith.constant 128 : i32
    %dma_start3A_182 = tpu.memref_slice %arg7[%dma_start3A_181] : memref<2048xi32, #tpu.memory_space<vmem>> -> memref<128xi32, #tpu.memory_space<vmem>>
    %dma_start3A_183 = arith.constant 0 : i32
    %dma_start3A_184 = arith.constant 0 : i32
    %dma_start3A_185 = tpu.memref_slice %arg10[%dma_start3A_183, %dma_start3A_184] : memref<10240x128xf32, #tpu.memory_space<vmem_shared>> -> memref<10240x128xf32, #tpu.memory_space<vmem_shared>>
    tpu.enqueue_indirect_dma source(%arg8 : memref<128x128xf32, #tpu.memory_space<vmem>>) target(%dma_start3A_185 : memref<10240x128xf32, #tpu.memory_space<vmem_shared>>) offsets(%dma_start3A_182 : memref<128xi32, #tpu.memory_space<vmem>>) semaphore(%arg12 : memref<!tpu.dma_semaphore, #tpu.memory_space<semaphore_mem>>) {add = true}
    %dma_wait3A_186 = arith.constant 128 : i32
    %dma_wait3A_187 = tpu.memref_slice %arg7[%dma_wait3A_186] : memref<2048xi32, #tpu.memory_space<vmem>> -> memref<128xi32, #tpu.memory_space<vmem>>
    %dma_wait3A_188 = arith.constant 0 : i32
    %dma_wait3A_189 = arith.constant 0 : i32
    %dma_wait3A_190 = tpu.memref_slice %arg10[%dma_wait3A_188, %dma_wait3A_189] : memref<10240x128xf32, #tpu.memory_space<vmem_shared>> -> memref<10240x128xf32, #tpu.memory_space<vmem_shared>>
    tpu.wait_indirect_dma semaphore(%arg13 : memref<!tpu.dma_semaphore, #tpu.memory_space<semaphore_mem>>) src(%arg9 : memref<128x128xf32, #tpu.memory_space<vmem>>) dst(%dma_wait3A_190 : memref<10240x128xf32, #tpu.memory_space<vmem_shared>>)
    %dma_start3A_191 = arith.constant 256 : i32
    %dma_start3A_192 = tpu.memref_slice %arg7[%dma_start3A_191] : memref<2048xi32, #tpu.memory_space<vmem>> -> memref<128xi32, #tpu.memory_space<vmem>>
    %dma_start3A_193 = arith.constant 0 : i32
    %dma_start3A_194 = arith.constant 0 : i32
    %dma_start3A_195 = tpu.memref_slice %arg2[%dma_start3A_193, %dma_start3A_194] : memref<10240x128xf32, #tpu.memory_space<hbm>> -> memref<10240x128xf32, #tpu.memory_space<hbm>>
    tpu.enqueue_indirect_dma source(%dma_start3A_195 : memref<10240x128xf32, #tpu.memory_space<hbm>>) target(%arg9 : memref<128x128xf32, #tpu.memory_space<vmem>>) offsets(%dma_start3A_192 : memref<128xi32, #tpu.memory_space<vmem>>) semaphore(%arg11 : memref<!tpu.dma_semaphore, #tpu.memory_space<semaphore_mem>>)
    %dma_wait3A_196 = arith.constant 256 : i32
    %dma_wait3A_197 = tpu.memref_slice %arg7[%dma_wait3A_196] : memref<2048xi32, #tpu.memory_space<vmem>> -> memref<128xi32, #tpu.memory_space<vmem>>
    %dma_wait3A_198 = arith.constant 0 : i32
    %dma_wait3A_199 = arith.constant 0 : i32
    %dma_wait3A_200 = tpu.memref_slice %arg2[%dma_wait3A_198, %dma_wait3A_199] : memref<10240x128xf32, #tpu.memory_space<hbm>> -> memref<10240x128xf32, #tpu.memory_space<hbm>>
    tpu.wait_indirect_dma semaphore(%arg11 : memref<!tpu.dma_semaphore, #tpu.memory_space<semaphore_mem>>) src(%dma_wait3A_200 : memref<10240x128xf32, #tpu.memory_space<hbm>>) dst(%arg9 : memref<128x128xf32, #tpu.memory_space<vmem>>)
    %dma_start3A_201 = arith.constant 384 : i32
    %dma_start3A_202 = tpu.memref_slice %arg7[%dma_start3A_201] : memref<2048xi32, #tpu.memory_space<vmem>> -> memref<128xi32, #tpu.memory_space<vmem>>
    %dma_start3A_203 = arith.constant 0 : i32
    %dma_start3A_204 = arith.constant 0 : i32
    %dma_start3A_205 = tpu.memref_slice %arg10[%dma_start3A_203, %dma_start3A_204] : memref<10240x128xf32, #tpu.memory_space<vmem_shared>> -> memref<10240x128xf32, #tpu.memory_space<vmem_shared>>
    tpu.enqueue_indirect_dma source(%arg9 : memref<128x128xf32, #tpu.memory_space<vmem>>) target(%dma_start3A_205 : memref<10240x128xf32, #tpu.memory_space<vmem_shared>>) offsets(%dma_start3A_202 : memref<128xi32, #tpu.memory_space<vmem>>) semaphore(%arg13 : memref<!tpu.dma_semaphore, #tpu.memory_space<semaphore_mem>>) {add = true}
    %dma_wait3A_206 = arith.constant 128 : i32
    %dma_wait3A_207 = tpu.memref_slice %arg7[%dma_wait3A_206] : memref<2048xi32, #tpu.memory_space<vmem>> -> memref<128xi32, #tpu.memory_space<vmem>>
    %dma_wait3A_208 = arith.constant 0 : i32
    %dma_wait3A_209 = arith.constant 0 : i32
    %dma_wait3A_210 = tpu.memref_slice %arg10[%dma_wait3A_208, %dma_wait3A_209] : memref<10240x128xf32, #tpu.memory_space<vmem_shared>> -> memref<10240x128xf32, #tpu.memory_space<vmem_shared>>
    tpu.wait_indirect_dma semaphore(%arg12 : memref<!tpu.dma_semaphore, #tpu.memory_space<semaphore_mem>>) src(%arg8 : memref<128x128xf32, #tpu.memory_space<vmem>>) dst(%dma_wait3A_210 : memref<10240x128xf32, #tpu.memory_space<vmem_shared>>)
    %dma_start3A_211 = arith.constant 512 : i32
    %dma_start3A_212 = tpu.memref_slice %arg7[%dma_start3A_211] : memref<2048xi32, #tpu.memory_space<vmem>> -> memref<128xi32, #tpu.memory_space<vmem>>
    %dma_start3A_213 = arith.constant 0 : i32
    %dma_start3A_214 = arith.constant 0 : i32
    %dma_start3A_215 = tpu.memref_slice %arg2[%dma_start3A_213, %dma_start3A_214] : memref<10240x128xf32, #tpu.memory_space<hbm>> -> memref<10240x128xf32, #tpu.memory_space<hbm>>
    tpu.enqueue_indirect_dma source(%dma_start3A_215 : memref<10240x128xf32, #tpu.memory_space<hbm>>) target(%arg8 : memref<128x128xf32, #tpu.memory_space<vmem>>) offsets(%dma_start3A_212 : memref<128xi32, #tpu.memory_space<vmem>>) semaphore(%arg11 : memref<!tpu.dma_semaphore, #tpu.memory_space<semaphore_mem>>)
    %dma_wait3A_216 = arith.constant 512 : i32
    %dma_wait3A_217 = tpu.memref_slice %arg7[%dma_wait3A_216] : memref<2048xi32, #tpu.memory_space<vmem>> -> memref<128xi32, #tpu.memory_space<vmem>>
    %dma_wait3A_218 = arith.constant 0 : i32
    %dma_wait3A_219 = arith.constant 0 : i32
    %dma_wait3A_220 = tpu.memref_slice %arg2[%dma_wait3A_218, %dma_wait3A_219] : memref<10240x128xf32, #tpu.memory_space<hbm>> -> memref<10240x128xf32, #tpu.memory_space<hbm>>
    tpu.wait_indirect_dma semaphore(%arg11 : memref<!tpu.dma_semaphore, #tpu.memory_space<semaphore_mem>>) src(%dma_wait3A_220 : memref<10240x128xf32, #tpu.memory_space<hbm>>) dst(%arg8 : memref<128x128xf32, #tpu.memory_space<vmem>>)
    %dma_start3A_221 = arith.constant 640 : i32
    %dma_start3A_222 = tpu.memref_slice %arg7[%dma_start3A_221] : memref<2048xi32, #tpu.memory_space<vmem>> -> memref<128xi32, #tpu.memory_space<vmem>>
    %dma_start3A_223 = arith.constant 0 : i32
    %dma_start3A_224 = arith.constant 0 : i32
    %dma_start3A_225 = tpu.memref_slice %arg10[%dma_start3A_223, %dma_start3A_224] : memref<10240x128xf32, #tpu.memory_space<vmem_shared>> -> memref<10240x128xf32, #tpu.memory_space<vmem_shared>>
    tpu.enqueue_indirect_dma source(%arg8 : memref<128x128xf32, #tpu.memory_space<vmem>>) target(%dma_start3A_225 : memref<10240x128xf32, #tpu.memory_space<vmem_shared>>) offsets(%dma_start3A_222 : memref<128xi32, #tpu.memory_space<vmem>>) semaphore(%arg12 : memref<!tpu.dma_semaphore, #tpu.memory_space<semaphore_mem>>) {add = true}
    %dma_wait3A_226 = arith.constant 128 : i32
    %dma_wait3A_227 = tpu.memref_slice %arg7[%dma_wait3A_226] : memref<2048xi32, #tpu.memory_space<vmem>> -> memref<128xi32, #tpu.memory_space<vmem>>
    %dma_wait3A_228 = arith.constant 0 : i32
    %dma_wait3A_229 = arith.constant 0 : i32
    %dma_wait3A_230 = tpu.memref_slice %arg10[%dma_wait3A_228, %dma_wait3A_229] : memref<10240x128xf32, #tpu.memory_space<vmem_shared>> -> memref<10240x128xf32, #tpu.memory_space<vmem_shared>>
    tpu.wait_indirect_dma semaphore(%arg13 : memref<!tpu.dma_semaphore, #tpu.memory_space<semaphore_mem>>) src(%arg9 : memref<128x128xf32, #tpu.memory_space<vmem>>) dst(%dma_wait3A_230 : memref<10240x128xf32, #tpu.memory_space<vmem_shared>>)
    %dma_start3A_231 = arith.constant 768 : i32
    %dma_start3A_232 = tpu.memref_slice %arg7[%dma_start3A_231] : memref<2048xi32, #tpu.memory_space<vmem>> -> memref<128xi32, #tpu.memory_space<vmem>>
    %dma_start3A_233 = arith.constant 0 : i32
    %dma_start3A_234 = arith.constant 0 : i32
    %dma_start3A_235 = tpu.memref_slice %arg2[%dma_start3A_233, %dma_start3A_234] : memref<10240x128xf32, #tpu.memory_space<hbm>> -> memref<10240x128xf32, #tpu.memory_space<hbm>>
    tpu.enqueue_indirect_dma source(%dma_start3A_235 : memref<10240x128xf32, #tpu.memory_space<hbm>>) target(%arg9 : memref<128x128xf32, #tpu.memory_space<vmem>>) offsets(%dma_start3A_232 : memref<128xi32, #tpu.memory_space<vmem>>) semaphore(%arg11 : memref<!tpu.dma_semaphore, #tpu.memory_space<semaphore_mem>>)
    %dma_wait3A_236 = arith.constant 768 : i32
    %dma_wait3A_237 = tpu.memref_slice %arg7[%dma_wait3A_236] : memref<2048xi32, #tpu.memory_space<vmem>> -> memref<128xi32, #tpu.memory_space<vmem>>
    %dma_wait3A_238 = arith.constant 0 : i32
    %dma_wait3A_239 = arith.constant 0 : i32
    %dma_wait3A_240 = tpu.memref_slice %arg2[%dma_wait3A_238, %dma_wait3A_239] : memref<10240x128xf32, #tpu.memory_space<hbm>> -> memref<10240x128xf32, #tpu.memory_space<hbm>>
    tpu.wait_indirect_dma semaphore(%arg11 : memref<!tpu.dma_semaphore, #tpu.memory_space<semaphore_mem>>) src(%dma_wait3A_240 : memref<10240x128xf32, #tpu.memory_space<hbm>>) dst(%arg9 : memref<128x128xf32, #tpu.memory_space<vmem>>)
    %dma_start3A_241 = arith.constant 896 : i32
    %dma_start3A_242 = tpu.memref_slice %arg7[%dma_start3A_241] : memref<2048xi32, #tpu.memory_space<vmem>> -> memref<128xi32, #tpu.memory_space<vmem>>
    %dma_start3A_243 = arith.constant 0 : i32
    %dma_start3A_244 = arith.constant 0 : i32
    %dma_start3A_245 = tpu.memref_slice %arg10[%dma_start3A_243, %dma_start3A_244] : memref<10240x128xf32, #tpu.memory_space<vmem_shared>> -> memref<10240x128xf32, #tpu.memory_space<vmem_shared>>
    tpu.enqueue_indirect_dma source(%arg9 : memref<128x128xf32, #tpu.memory_space<vmem>>) target(%dma_start3A_245 : memref<10240x128xf32, #tpu.memory_space<vmem_shared>>) offsets(%dma_start3A_242 : memref<128xi32, #tpu.memory_space<vmem>>) semaphore(%arg13 : memref<!tpu.dma_semaphore, #tpu.memory_space<semaphore_mem>>) {add = true}
    %dma_wait3A_246 = arith.constant 128 : i32
    %dma_wait3A_247 = tpu.memref_slice %arg7[%dma_wait3A_246] : memref<2048xi32, #tpu.memory_space<vmem>> -> memref<128xi32, #tpu.memory_space<vmem>>
    %dma_wait3A_248 = arith.constant 0 : i32
    %dma_wait3A_249 = arith.constant 0 : i32
    %dma_wait3A_250 = tpu.memref_slice %arg10[%dma_wait3A_248, %dma_wait3A_249] : memref<10240x128xf32, #tpu.memory_space<vmem_shared>> -> memref<10240x128xf32, #tpu.memory_space<vmem_shared>>
    tpu.wait_indirect_dma semaphore(%arg12 : memref<!tpu.dma_semaphore, #tpu.memory_space<semaphore_mem>>) src(%arg8 : memref<128x128xf32, #tpu.memory_space<vmem>>) dst(%dma_wait3A_250 : memref<10240x128xf32, #tpu.memory_space<vmem_shared>>)
    %dma_start3A_251 = arith.constant 1024 : i32
    %dma_start3A_252 = tpu.memref_slice %arg7[%dma_start3A_251] : memref<2048xi32, #tpu.memory_space<vmem>> -> memref<128xi32, #tpu.memory_space<vmem>>
    %dma_start3A_253 = arith.constant 0 : i32
    %dma_start3A_254 = arith.constant 0 : i32
    %dma_start3A_255 = tpu.memref_slice %arg2[%dma_start3A_253, %dma_start3A_254] : memref<10240x128xf32, #tpu.memory_space<hbm>> -> memref<10240x128xf32, #tpu.memory_space<hbm>>
    tpu.enqueue_indirect_dma source(%dma_start3A_255 : memref<10240x128xf32, #tpu.memory_space<hbm>>) target(%arg8 : memref<128x128xf32, #tpu.memory_space<vmem>>) offsets(%dma_start3A_252 : memref<128xi32, #tpu.memory_space<vmem>>) semaphore(%arg11 : memref<!tpu.dma_semaphore, #tpu.memory_space<semaphore_mem>>)
    %dma_wait3A_256 = arith.constant 1024 : i32
    %dma_wait3A_257 = tpu.memref_slice %arg7[%dma_wait3A_256] : memref<2048xi32, #tpu.memory_space<vmem>> -> memref<128xi32, #tpu.memory_space<vmem>>
    %dma_wait3A_258 = arith.constant 0 : i32
    %dma_wait3A_259 = arith.constant 0 : i32
    %dma_wait3A_260 = tpu.memref_slice %arg2[%dma_wait3A_258, %dma_wait3A_259] : memref<10240x128xf32, #tpu.memory_space<hbm>> -> memref<10240x128xf32, #tpu.memory_space<hbm>>
    tpu.wait_indirect_dma semaphore(%arg11 : memref<!tpu.dma_semaphore, #tpu.memory_space<semaphore_mem>>) src(%dma_wait3A_260 : memref<10240x128xf32, #tpu.memory_space<hbm>>) dst(%arg8 : memref<128x128xf32, #tpu.memory_space<vmem>>)
    %dma_start3A_261 = arith.constant 1152 : i32
    %dma_start3A_262 = tpu.memref_slice %arg7[%dma_start3A_261] : memref<2048xi32, #tpu.memory_space<vmem>> -> memref<128xi32, #tpu.memory_space<vmem>>
    %dma_start3A_263 = arith.constant 0 : i32
    %dma_start3A_264 = arith.constant 0 : i32
    %dma_start3A_265 = tpu.memref_slice %arg10[%dma_start3A_263, %dma_start3A_264] : memref<10240x128xf32, #tpu.memory_space<vmem_shared>> -> memref<10240x128xf32, #tpu.memory_space<vmem_shared>>
    tpu.enqueue_indirect_dma source(%arg8 : memref<128x128xf32, #tpu.memory_space<vmem>>) target(%dma_start3A_265 : memref<10240x128xf32, #tpu.memory_space<vmem_shared>>) offsets(%dma_start3A_262 : memref<128xi32, #tpu.memory_space<vmem>>) semaphore(%arg12 : memref<!tpu.dma_semaphore, #tpu.memory_space<semaphore_mem>>) {add = true}
    %dma_wait3A_266 = arith.constant 128 : i32
    %dma_wait3A_267 = tpu.memref_slice %arg7[%dma_wait3A_266] : memref<2048xi32, #tpu.memory_space<vmem>> -> memref<128xi32, #tpu.memory_space<vmem>>
    %dma_wait3A_268 = arith.constant 0 : i32
    %dma_wait3A_269 = arith.constant 0 : i32
    %dma_wait3A_270 = tpu.memref_slice %arg10[%dma_wait3A_268, %dma_wait3A_269] : memref<10240x128xf32, #tpu.memory_space<vmem_shared>> -> memref<10240x128xf32, #tpu.memory_space<vmem_shared>>
    tpu.wait_indirect_dma semaphore(%arg13 : memref<!tpu.dma_semaphore, #tpu.memory_space<semaphore_mem>>) src(%arg9 : memref<128x128xf32, #tpu.memory_space<vmem>>) dst(%dma_wait3A_270 : memref<10240x128xf32, #tpu.memory_space<vmem_shared>>)
    %dma_start3A_271 = arith.constant 1280 : i32
    %dma_start3A_272 = tpu.memref_slice %arg7[%dma_start3A_271] : memref<2048xi32, #tpu.memory_space<vmem>> -> memref<128xi32, #tpu.memory_space<vmem>>
    %dma_start3A_273 = arith.constant 0 : i32
    %dma_start3A_274 = arith.constant 0 : i32
    %dma_start3A_275 = tpu.memref_slice %arg2[%dma_start3A_273, %dma_start3A_274] : memref<10240x128xf32, #tpu.memory_space<hbm>> -> memref<10240x128xf32, #tpu.memory_space<hbm>>
    tpu.enqueue_indirect_dma source(%dma_start3A_275 : memref<10240x128xf32, #tpu.memory_space<hbm>>) target(%arg9 : memref<128x128xf32, #tpu.memory_space<vmem>>) offsets(%dma_start3A_272 : memref<128xi32, #tpu.memory_space<vmem>>) semaphore(%arg11 : memref<!tpu.dma_semaphore, #tpu.memory_space<semaphore_mem>>)
    %dma_wait3A_276 = arith.constant 1280 : i32
    %dma_wait3A_277 = tpu.memref_slice %arg7[%dma_wait3A_276] : memref<2048xi32, #tpu.memory_space<vmem>> -> memref<128xi32, #tpu.memory_space<vmem>>
    %dma_wait3A_278 = arith.constant 0 : i32
    %dma_wait3A_279 = arith.constant 0 : i32
    %dma_wait3A_280 = tpu.memref_slice %arg2[%dma_wait3A_278, %dma_wait3A_279] : memref<10240x128xf32, #tpu.memory_space<hbm>> -> memref<10240x128xf32, #tpu.memory_space<hbm>>
    tpu.wait_indirect_dma semaphore(%arg11 : memref<!tpu.dma_semaphore, #tpu.memory_space<semaphore_mem>>) src(%dma_wait3A_280 : memref<10240x128xf32, #tpu.memory_space<hbm>>) dst(%arg9 : memref<128x128xf32, #tpu.memory_space<vmem>>)
    %dma_start3A_281 = arith.constant 1408 : i32
    %dma_start3A_282 = tpu.memref_slice %arg7[%dma_start3A_281] : memref<2048xi32, #tpu.memory_space<vmem>> -> memref<128xi32, #tpu.memory_space<vmem>>
    %dma_start3A_283 = arith.constant 0 : i32
    %dma_start3A_284 = arith.constant 0 : i32
    %dma_start3A_285 = tpu.memref_slice %arg10[%dma_start3A_283, %dma_start3A_284] : memref<10240x128xf32, #tpu.memory_space<vmem_shared>> -> memref<10240x128xf32, #tpu.memory_space<vmem_shared>>
    tpu.enqueue_indirect_dma source(%arg9 : memref<128x128xf32, #tpu.memory_space<vmem>>) target(%dma_start3A_285 : memref<10240x128xf32, #tpu.memory_space<vmem_shared>>) offsets(%dma_start3A_282 : memref<128xi32, #tpu.memory_space<vmem>>) semaphore(%arg13 : memref<!tpu.dma_semaphore, #tpu.memory_space<semaphore_mem>>) {add = true}
    %dma_wait3A_286 = arith.constant 128 : i32
    %dma_wait3A_287 = tpu.memref_slice %arg7[%dma_wait3A_286] : memref<2048xi32, #tpu.memory_space<vmem>> -> memref<128xi32, #tpu.memory_space<vmem>>
    %dma_wait3A_288 = arith.constant 0 : i32
    %dma_wait3A_289 = arith.constant 0 : i32
    %dma_wait3A_290 = tpu.memref_slice %arg10[%dma_wait3A_288, %dma_wait3A_289] : memref<10240x128xf32, #tpu.memory_space<vmem_shared>> -> memref<10240x128xf32, #tpu.memory_space<vmem_shared>>
    tpu.wait_indirect_dma semaphore(%arg12 : memref<!tpu.dma_semaphore, #tpu.memory_space<semaphore_mem>>) src(%arg8 : memref<128x128xf32, #tpu.memory_space<vmem>>) dst(%dma_wait3A_290 : memref<10240x128xf32, #tpu.memory_space<vmem_shared>>)
    %dma_start3A_291 = arith.constant 1536 : i32
    %dma_start3A_292 = tpu.memref_slice %arg7[%dma_start3A_291] : memref<2048xi32, #tpu.memory_space<vmem>> -> memref<128xi32, #tpu.memory_space<vmem>>
    %dma_start3A_293 = arith.constant 0 : i32
    %dma_start3A_294 = arith.constant 0 : i32
    %dma_start3A_295 = tpu.memref_slice %arg2[%dma_start3A_293, %dma_start3A_294] : memref<10240x128xf32, #tpu.memory_space<hbm>> -> memref<10240x128xf32, #tpu.memory_space<hbm>>
    tpu.enqueue_indirect_dma source(%dma_start3A_295 : memref<10240x128xf32, #tpu.memory_space<hbm>>) target(%arg8 : memref<128x128xf32, #tpu.memory_space<vmem>>) offsets(%dma_start3A_292 : memref<128xi32, #tpu.memory_space<vmem>>) semaphore(%arg11 : memref<!tpu.dma_semaphore, #tpu.memory_space<semaphore_mem>>)
    %dma_wait3A_296 = arith.constant 1536 : i32
    %dma_wait3A_297 = tpu.memref_slice %arg7[%dma_wait3A_296] : memref<2048xi32, #tpu.memory_space<vmem>> -> memref<128xi32, #tpu.memory_space<vmem>>
    %dma_wait3A_298 = arith.constant 0 : i32
    %dma_wait3A_299 = arith.constant 0 : i32
    %dma_wait3A_300 = tpu.memref_slice %arg2[%dma_wait3A_298, %dma_wait3A_299] : memref<10240x128xf32, #tpu.memory_space<hbm>> -> memref<10240x128xf32, #tpu.memory_space<hbm>>
    tpu.wait_indirect_dma semaphore(%arg11 : memref<!tpu.dma_semaphore, #tpu.memory_space<semaphore_mem>>) src(%dma_wait3A_300 : memref<10240x128xf32, #tpu.memory_space<hbm>>) dst(%arg8 : memref<128x128xf32, #tpu.memory_space<vmem>>)
    %dma_start3A_301 = arith.constant 1664 : i32
    %dma_start3A_302 = tpu.memref_slice %arg7[%dma_start3A_301] : memref<2048xi32, #tpu.memory_space<vmem>> -> memref<128xi32, #tpu.memory_space<vmem>>
    %dma_start3A_303 = arith.constant 0 : i32
    %dma_start3A_304 = arith.constant 0 : i32
    %dma_start3A_305 = tpu.memref_slice %arg10[%dma_start3A_303, %dma_start3A_304] : memref<10240x128xf32, #tpu.memory_space<vmem_shared>> -> memref<10240x128xf32, #tpu.memory_space<vmem_shared>>
    tpu.enqueue_indirect_dma source(%arg8 : memref<128x128xf32, #tpu.memory_space<vmem>>) target(%dma_start3A_305 : memref<10240x128xf32, #tpu.memory_space<vmem_shared>>) offsets(%dma_start3A_302 : memref<128xi32, #tpu.memory_space<vmem>>) semaphore(%arg12 : memref<!tpu.dma_semaphore, #tpu.memory_space<semaphore_mem>>) {add = true}
    %dma_wait3A_306 = arith.constant 128 : i32
    %dma_wait3A_307 = tpu.memref_slice %arg7[%dma_wait3A_306] : memref<2048xi32, #tpu.memory_space<vmem>> -> memref<128xi32, #tpu.memory_space<vmem>>
    %dma_wait3A_308 = arith.constant 0 : i32
    %dma_wait3A_309 = arith.constant 0 : i32
    %dma_wait3A_310 = tpu.memref_slice %arg10[%dma_wait3A_308, %dma_wait3A_309] : memref<10240x128xf32, #tpu.memory_space<vmem_shared>> -> memref<10240x128xf32, #tpu.memory_space<vmem_shared>>
    tpu.wait_indirect_dma semaphore(%arg13 : memref<!tpu.dma_semaphore, #tpu.memory_space<semaphore_mem>>) src(%arg9 : memref<128x128xf32, #tpu.memory_space<vmem>>) dst(%dma_wait3A_310 : memref<10240x128xf32, #tpu.memory_space<vmem_shared>>)
    %dma_wait3A_311 = arith.constant 128 : i32
    %dma_wait3A_312 = tpu.memref_slice %arg7[%dma_wait3A_311] : memref<2048xi32, #tpu.memory_space<vmem>> -> memref<128xi32, #tpu.memory_space<vmem>>
    %dma_wait3A_313 = arith.constant 0 : i32
    %dma_wait3A_314 = arith.constant 0 : i32
    %dma_wait3A_315 = tpu.memref_slice %arg10[%dma_wait3A_313, %dma_wait3A_314] : memref<10240x128xf32, #tpu.memory_space<vmem_shared>> -> memref<10240x128xf32, #tpu.memory_space<vmem_shared>>
    tpu.wait_indirect_dma semaphore(%arg12 : memref<!tpu.dma_semaphore, #tpu.memory_space<semaphore_mem>>) src(%arg8 : memref<128x128xf32, #tpu.memory_space<vmem>>) dst(%dma_wait3A_315 : memref<10240x128xf32, #tpu.memory_space<vmem_shared>>)
    %barrier3A_316 = arith.constant 0 : index
    tpu.barrier barrier_id(%barrier3A_316)
    "tpu.region"() ({
      %run_scoped3A = tpu.sem_alloc : memref<!tpu.dma_semaphore, #tpu.memory_space<semaphore_mem>>
      %dma_start3A_317 = arith.constant 0 : i32
      %dma_start3A_318 = tpu.memref_slice %arg5[%arg0, %mul3A_2, %dma_start3A_317] : memref<2x10240x128xf32, #tpu.memory_space<hbm>> -> memref<1x640x128xf32, #tpu.memory_space<hbm>>
      %dma_start3A_319 = tpu.memref_squeeze %dma_start3A_318 : memref<1x640x128xf32, #tpu.memory_space<hbm>> -> memref<640x128xf32, #tpu.memory_space<hbm>>
      %dma_start3A_320 = arith.constant 0 : i32
      %dma_start3A_321 = tpu.memref_slice %arg10[%mul3A_2, %dma_start3A_320] : memref<10240x128xf32, #tpu.memory_space<vmem_shared>> -> memref<640x128xf32, #tpu.memory_space<vmem_shared>>
      tpu.enqueue_dma source(%dma_start3A_321 : memref<640x128xf32, #tpu.memory_space<vmem_shared>>) target(%dma_start3A_319 : memref<640x128xf32, #tpu.memory_space<hbm>>) target_semaphore(%run_scoped3A : memref<!tpu.dma_semaphore, #tpu.memory_space<semaphore_mem>>)
      %dma_wait3A_322 = arith.constant 0 : i32
      %dma_wait3A_323 = tpu.memref_slice %arg5[%arg0, %mul3A_2, %dma_wait3A_322] : memref<2x10240x128xf32, #tpu.memory_space<hbm>> -> memref<1x640x128xf32, #tpu.memory_space<hbm>>
      %dma_wait3A_324 = tpu.memref_squeeze %dma_wait3A_323 : memref<1x640x128xf32, #tpu.memory_space<hbm>> -> memref<640x128xf32, #tpu.memory_space<hbm>>
      %dma_wait3A_325 = arith.constant 0 : i32
      %dma_wait3A_326 = tpu.memref_slice %arg10[%mul3A_2, %dma_wait3A_325] : memref<10240x128xf32, #tpu.memory_space<vmem_shared>> -> memref<640x128xf32, #tpu.memory_space<vmem_shared>>
      tpu.wait_dma2 semaphore(%run_scoped3A : memref<!tpu.dma_semaphore, #tpu.memory_space<semaphore_mem>>) src(%dma_wait3A_326 : memref<640x128xf32, #tpu.memory_space<vmem_shared>>) dst(%dma_wait3A_324 : memref<640x128xf32, #tpu.memory_space<hbm>>)
      tpu.yield
    }) : () -> ()
    return
  }
}

#map = affine_map<(d0, d1) -> (0)>
module attributes {stable_mosaic.version = 14 : i64} {
  func.func @_deg(%arg0: i32, %arg1: i32, %arg2: memref<323584xi32, #tpu.memory_space<hbm>>, %arg3: memref<128xf32, #tpu.memory_space<hbm>>, %arg4: memref<640xf32, #tpu.memory_space<hbm>>, %arg5: memref<20480xf32, #tpu.memory_space<hbm>>, %arg6: memref<128xi32, #tpu.memory_space<vmem>>, %arg7: memref<128xf32, #tpu.memory_space<vmem>>, %arg8: memref<10240xf32, #tpu.memory_space<vmem_shared>>) attributes {dimension_semantics = [#tpu.dimension_semantics<core_parallel>, #tpu.dimension_semantics<subcore_parallel>], iteration_bounds = array<i64: 2, 16>, scalar_prefetch = 0 : i64, scratch_operands = 3 : i64, tpu.core_type = #tpu.core_type<sc_vector_subcore>, window_params = [{transform_indices = #map}, {transform_indices = #map}, {transform_indices = #map}, {transform_indices = #map}]} {
    %mul3A = arith.constant 2 : i32
    %mul3A_0 = arith.muli %arg1, %mul3A : i32
    %add3A = arith.addi %mul3A_0, %arg0 : i32
    %mul3A_1 = arith.constant 640 : i32
    %mul3A_2 = arith.muli %arg1, %mul3A_1 : i32
    "tpu.region"() ({
      %run_scoped3A = tpu.sem_alloc : memref<!tpu.dma_semaphore, #tpu.memory_space<semaphore_mem>>
      %dma_start3A = tpu.memref_slice %arg8[%mul3A_2] : memref<10240xf32, #tpu.memory_space<vmem_shared>> -> memref<640xf32, #tpu.memory_space<vmem_shared>>
      tpu.enqueue_dma source(%arg4 : memref<640xf32, #tpu.memory_space<hbm>>) target(%dma_start3A : memref<640xf32, #tpu.memory_space<vmem_shared>>) target_semaphore(%run_scoped3A : memref<!tpu.dma_semaphore, #tpu.memory_space<semaphore_mem>>)
      %dma_wait3A = tpu.memref_slice %arg8[%mul3A_2] : memref<10240xf32, #tpu.memory_space<vmem_shared>> -> memref<640xf32, #tpu.memory_space<vmem_shared>>
      tpu.wait_dma2 semaphore(%run_scoped3A : memref<!tpu.dma_semaphore, #tpu.memory_space<semaphore_mem>>) src(%arg4 : memref<640xf32, #tpu.memory_space<hbm>>) dst(%dma_wait3A : memref<640xf32, #tpu.memory_space<vmem_shared>>)
      tpu.yield
    }) : () -> ()
    "tpu.region"() ({
      %run_scoped3A = tpu.sem_alloc : memref<!tpu.dma_semaphore, #tpu.memory_space<semaphore_mem>>
      tpu.enqueue_dma source(%arg3 : memref<128xf32, #tpu.memory_space<hbm>>) target(%arg7 : memref<128xf32, #tpu.memory_space<vmem>>) target_semaphore(%run_scoped3A : memref<!tpu.dma_semaphore, #tpu.memory_space<semaphore_mem>>)
      tpu.wait_dma2 semaphore(%run_scoped3A : memref<!tpu.dma_semaphore, #tpu.memory_space<semaphore_mem>>) src(%arg3 : memref<128xf32, #tpu.memory_space<hbm>>) dst(%arg7 : memref<128xf32, #tpu.memory_space<vmem>>)
      tpu.yield
    }) : () -> ()
    %barrier3A = arith.constant 0 : index
    tpu.barrier barrier_id(%barrier3A)
    %mul3A_3 = arith.constant 10112 : i32
    %mul3A_4 = arith.muli %add3A, %mul3A_3 : i32
    %scan3A = arith.constant 0 : i32
    %scan3A_5 = arith.constant 0 : i32
    %scan3A_6 = arith.constant 79 : i32
    %scan3A_7 = arith.addi %scan3A_5, %scan3A_6 : i32
    %scan3A_8 = arith.constant 1 : i32
    scf.for %scan3A_14 = %scan3A_5 to %scan3A_7 step %scan3A_8  : i32 {
      %mul3A_15 = arith.constant 128 : i32
      %mul3A_16 = arith.muli %scan3A_14, %mul3A_15 : i32
      %add3A_17 = arith.addi %mul3A_4, %mul3A_16 : i32
      "tpu.region"() ({
        %run_scoped3A = tpu.sem_alloc : memref<!tpu.dma_semaphore, #tpu.memory_space<semaphore_mem>>
        %dma_start3A = tpu.memref_slice %arg2[%add3A_17] : memref<323584xi32, #tpu.memory_space<hbm>> -> memref<128xi32, #tpu.memory_space<hbm>>
        %dma_start3A_18 = tpu.memref_slice %arg2[%add3A_17] : memref<323584xi32, #tpu.memory_space<hbm>> -> memref<128xi32, #tpu.memory_space<hbm>>
        tpu.enqueue_dma source(%dma_start3A_18 : memref<128xi32, #tpu.memory_space<hbm>>) target(%arg6 : memref<128xi32, #tpu.memory_space<vmem>>) target_semaphore(%run_scoped3A : memref<!tpu.dma_semaphore, #tpu.memory_space<semaphore_mem>>)
        %dma_wait3A = tpu.memref_slice %arg2[%add3A_17] : memref<323584xi32, #tpu.memory_space<hbm>> -> memref<128xi32, #tpu.memory_space<hbm>>
        %dma_wait3A_19 = tpu.memref_slice %arg2[%add3A_17] : memref<323584xi32, #tpu.memory_space<hbm>> -> memref<128xi32, #tpu.memory_space<hbm>>
        tpu.wait_dma2 semaphore(%run_scoped3A : memref<!tpu.dma_semaphore, #tpu.memory_space<semaphore_mem>>) src(%dma_wait3A_19 : memref<128xi32, #tpu.memory_space<hbm>>) dst(%arg6 : memref<128xi32, #tpu.memory_space<vmem>>)
        tpu.yield
      }) : () -> ()
      "tpu.region"() ({
        %run_scoped3A = tpu.sem_alloc : memref<!tpu.dma_semaphore, #tpu.memory_space<semaphore_mem>>
        %dma_start3A = arith.constant 0 : i32
        %dma_start3A_18 = tpu.memref_slice %arg8[%dma_start3A] : memref<10240xf32, #tpu.memory_space<vmem_shared>> -> memref<10240xf32, #tpu.memory_space<vmem_shared>>
        tpu.enqueue_indirect_dma source(%arg7 : memref<128xf32, #tpu.memory_space<vmem>>) target(%dma_start3A_18 : memref<10240xf32, #tpu.memory_space<vmem_shared>>) offsets(%arg6 : memref<128xi32, #tpu.memory_space<vmem>>) semaphore(%run_scoped3A : memref<!tpu.dma_semaphore, #tpu.memory_space<semaphore_mem>>) {add = true}
        %dma_wait3A = arith.constant 0 : i32
        %dma_wait3A_19 = tpu.memref_slice %arg8[%dma_wait3A] : memref<10240xf32, #tpu.memory_space<vmem_shared>> -> memref<10240xf32, #tpu.memory_space<vmem_shared>>
        tpu.wait_indirect_dma semaphore(%run_scoped3A : memref<!tpu.dma_semaphore, #tpu.memory_space<semaphore_mem>>) src(%arg7 : memref<128xf32, #tpu.memory_space<vmem>>) dst(%dma_wait3A_19 : memref<10240xf32, #tpu.memory_space<vmem_shared>>)
        tpu.yield
      }) : () -> ()
    }
    %scan3A_9 = arith.constant 79 : i32
    %barrier3A_10 = arith.constant 0 : index
    tpu.barrier barrier_id(%barrier3A_10)
    %mul3A_11 = arith.constant 10240 : i32
    %mul3A_12 = arith.muli %arg0, %mul3A_11 : i32
    %add3A_13 = arith.addi %mul3A_12, %mul3A_2 : i32
    "tpu.region"() ({
      %run_scoped3A = tpu.sem_alloc : memref<!tpu.dma_semaphore, #tpu.memory_space<semaphore_mem>>
      %dma_start3A = tpu.memref_slice %arg5[%add3A_13] : memref<20480xf32, #tpu.memory_space<hbm>> -> memref<640xf32, #tpu.memory_space<hbm>>
      %dma_start3A_14 = tpu.memref_slice %arg8[%mul3A_2] : memref<10240xf32, #tpu.memory_space<vmem_shared>> -> memref<640xf32, #tpu.memory_space<vmem_shared>>
      tpu.enqueue_dma source(%dma_start3A_14 : memref<640xf32, #tpu.memory_space<vmem_shared>>) target(%dma_start3A : memref<640xf32, #tpu.memory_space<hbm>>) target_semaphore(%run_scoped3A : memref<!tpu.dma_semaphore, #tpu.memory_space<semaphore_mem>>)
      %dma_wait3A = tpu.memref_slice %arg5[%add3A_13] : memref<20480xf32, #tpu.memory_space<hbm>> -> memref<640xf32, #tpu.memory_space<hbm>>
      %dma_wait3A_15 = tpu.memref_slice %arg8[%mul3A_2] : memref<10240xf32, #tpu.memory_space<vmem_shared>> -> memref<640xf32, #tpu.memory_space<vmem_shared>>
      tpu.wait_dma2 semaphore(%run_scoped3A : memref<!tpu.dma_semaphore, #tpu.memory_space<semaphore_mem>>) src(%dma_wait3A_15 : memref<640xf32, #tpu.memory_space<vmem_shared>>) dst(%dma_wait3A : memref<640xf32, #tpu.memory_space<hbm>>)
      tpu.yield
    }) : () -> ()
    return
  }
}

#map = affine_map<(d0, d1) -> (0, 0)>
#map1 = affine_map<(d0, d1) -> (0)>
#map2 = affine_map<(d0, d1) -> (0, 0, 0)>
module attributes {stable_mosaic.version = 14 : i64} {
  func.func @_spmm(%arg0: i32, %arg1: i32, %arg2: memref<10240x128xf32, #tpu.memory_space<hbm>>, %arg3: memref<647424xi32, #tpu.memory_space<hbm>>, %arg4: memref<640x128xf32, #tpu.memory_space<hbm>>, %arg5: memref<2x10240x128xf32, #tpu.memory_space<hbm>>, %arg6: memref<2048xi32, #tpu.memory_space<vmem>>, %arg7: memref<2048xi32, #tpu.memory_space<vmem>>, %arg8: memref<128x128xf32, #tpu.memory_space<vmem>>, %arg9: memref<128x128xf32, #tpu.memory_space<vmem>>, %arg10: memref<10240x128xf32, #tpu.memory_space<vmem_shared>>, %arg11: memref<!tpu.dma_semaphore, #tpu.memory_space<semaphore_mem>>, %arg12: memref<!tpu.dma_semaphore, #tpu.memory_space<semaphore_mem>>, %arg13: memref<!tpu.dma_semaphore, #tpu.memory_space<semaphore_mem>>) attributes {dimension_semantics = [#tpu.dimension_semantics<core_parallel>, #tpu.dimension_semantics<subcore_parallel>], iteration_bounds = array<i64: 2, 16>, scalar_prefetch = 0 : i64, scratch_operands = 8 : i64, tpu.core_type = #tpu.core_type<sc_vector_subcore>, window_params = [{transform_indices = #map}, {transform_indices = #map1}, {transform_indices = #map}, {transform_indices = #map2}]} {
    %mul3A = arith.constant 2 : i32
    %mul3A_0 = arith.muli %arg1, %mul3A : i32
    %add3A = arith.addi %mul3A_0, %arg0 : i32
    %mul3A_1 = arith.constant 640 : i32
    %mul3A_2 = arith.muli %arg1, %mul3A_1 : i32
    "tpu.region"() ({
      %run_scoped3A = tpu.sem_alloc : memref<!tpu.dma_semaphore, #tpu.memory_space<semaphore_mem>>
      %dma_start3A_317 = arith.constant 0 : i32
      %dma_start3A_318 = tpu.memref_slice %arg10[%mul3A_2, %dma_start3A_317] : memref<10240x128xf32, #tpu.memory_space<vmem_shared>> -> memref<640x128xf32, #tpu.memory_space<vmem_shared>>
      tpu.enqueue_dma source(%arg4 : memref<640x128xf32, #tpu.memory_space<hbm>>) target(%dma_start3A_318 : memref<640x128xf32, #tpu.memory_space<vmem_shared>>) target_semaphore(%run_scoped3A : memref<!tpu.dma_semaphore, #tpu.memory_space<semaphore_mem>>)
      %dma_wait3A_319 = arith.constant 0 : i32
      %dma_wait3A_320 = tpu.memref_slice %arg10[%mul3A_2, %dma_wait3A_319] : memref<10240x128xf32, #tpu.memory_space<vmem_shared>> -> memref<640x128xf32, #tpu.memory_space<vmem_shared>>
      tpu.wait_dma2 semaphore(%run_scoped3A : memref<!tpu.dma_semaphore, #tpu.memory_space<semaphore_mem>>) src(%arg4 : memref<640x128xf32, #tpu.memory_space<hbm>>) dst(%dma_wait3A_320 : memref<640x128xf32, #tpu.memory_space<vmem_shared>>)
      tpu.yield
    }) : () -> ()
    %barrier3A = arith.constant 0 : index
    tpu.barrier barrier_id(%barrier3A)
    %mul3A_3 = arith.constant 79 : i32
    %mul3A_4 = arith.muli %add3A, %mul3A_3 : i32
    %mul3A_5 = arith.constant 2 : i32
    %mul3A_6 = arith.muli %mul3A_4, %mul3A_5 : i32
    %mul3A_7 = arith.constant 128 : i32
    %mul3A_8 = arith.muli %mul3A_6, %mul3A_7 : i32
    %add3A_9 = arith.constant 0 : i32
    %add3A_10 = arith.addi %mul3A_8, %add3A_9 : i32
    "tpu.region"() ({
      %run_scoped3A = tpu.sem_alloc : memref<!tpu.dma_semaphore, #tpu.memory_space<semaphore_mem>>
      %dma_start3A_317 = tpu.memref_slice %arg3[%add3A_10] : memref<647424xi32, #tpu.memory_space<hbm>> -> memref<2048xi32, #tpu.memory_space<hbm>>
      %dma_start3A_318 = tpu.memref_slice %arg3[%add3A_10] : memref<647424xi32, #tpu.memory_space<hbm>> -> memref<2048xi32, #tpu.memory_space<hbm>>
      tpu.enqueue_dma source(%dma_start3A_318 : memref<2048xi32, #tpu.memory_space<hbm>>) target(%arg6 : memref<2048xi32, #tpu.memory_space<vmem>>) target_semaphore(%run_scoped3A : memref<!tpu.dma_semaphore, #tpu.memory_space<semaphore_mem>>)
      %dma_wait3A_319 = tpu.memref_slice %arg3[%add3A_10] : memref<647424xi32, #tpu.memory_space<hbm>> -> memref<2048xi32, #tpu.memory_space<hbm>>
      %dma_wait3A_320 = tpu.memref_slice %arg3[%add3A_10] : memref<647424xi32, #tpu.memory_space<hbm>> -> memref<2048xi32, #tpu.memory_space<hbm>>
      tpu.wait_dma2 semaphore(%run_scoped3A : memref<!tpu.dma_semaphore, #tpu.memory_space<semaphore_mem>>) src(%dma_wait3A_320 : memref<2048xi32, #tpu.memory_space<hbm>>) dst(%arg6 : memref<2048xi32, #tpu.memory_space<vmem>>)
      tpu.yield
    }) : () -> ()
    %dma_start3A = arith.constant 0 : i32
    %dma_start3A_11 = tpu.memref_slice %arg6[%dma_start3A] : memref<2048xi32, #tpu.memory_space<vmem>> -> memref<128xi32, #tpu.memory_space<vmem>>
    %dma_start3A_12 = arith.constant 0 : i32
    %dma_start3A_13 = arith.constant 0 : i32
    %dma_start3A_14 = tpu.memref_slice %arg2[%dma_start3A_12, %dma_start3A_13] : memref<10240x128xf32, #tpu.memory_space<hbm>> -> memref<10240x128xf32, #tpu.memory_space<hbm>>
    tpu.enqueue_indirect_dma source(%dma_start3A_14 : memref<10240x128xf32, #tpu.memory_space<hbm>>) target(%arg8 : memref<128x128xf32, #tpu.memory_space<vmem>>) offsets(%dma_start3A_11 : memref<128xi32, #tpu.memory_space<vmem>>) semaphore(%arg11 : memref<!tpu.dma_semaphore, #tpu.memory_space<semaphore_mem>>)
    %dma_wait3A = arith.constant 0 : i32
    %dma_wait3A_15 = tpu.memref_slice %arg6[%dma_wait3A] : memref<2048xi32, #tpu.memory_space<vmem>> -> memref<128xi32, #tpu.memory_space<vmem>>
    %dma_wait3A_16 = arith.constant 0 : i32
    %dma_wait3A_17 = arith.constant 0 : i32
    %dma_wait3A_18 = tpu.memref_slice %arg2[%dma_wait3A_16, %dma_wait3A_17] : memref<10240x128xf32, #tpu.memory_space<hbm>> -> memref<10240x128xf32, #tpu.memory_space<hbm>>
    tpu.wait_indirect_dma semaphore(%arg11 : memref<!tpu.dma_semaphore, #tpu.memory_space<semaphore_mem>>) src(%dma_wait3A_18 : memref<10240x128xf32, #tpu.memory_space<hbm>>) dst(%arg8 : memref<128x128xf32, #tpu.memory_space<vmem>>)
    %dma_start3A_19 = arith.constant 128 : i32
    %dma_start3A_20 = tpu.memref_slice %arg6[%dma_start3A_19] : memref<2048xi32, #tpu.memory_space<vmem>> -> memref<128xi32, #tpu.memory_space<vmem>>
    %dma_start3A_21 = arith.constant 0 : i32
    %dma_start3A_22 = arith.constant 0 : i32
    %dma_start3A_23 = tpu.memref_slice %arg10[%dma_start3A_21, %dma_start3A_22] : memref<10240x128xf32, #tpu.memory_space<vmem_shared>> -> memref<10240x128xf32, #tpu.memory_space<vmem_shared>>
    tpu.enqueue_indirect_dma source(%arg8 : memref<128x128xf32, #tpu.memory_space<vmem>>) target(%dma_start3A_23 : memref<10240x128xf32, #tpu.memory_space<vmem_shared>>) offsets(%dma_start3A_20 : memref<128xi32, #tpu.memory_space<vmem>>) semaphore(%arg12 : memref<!tpu.dma_semaphore, #tpu.memory_space<semaphore_mem>>) {add = true}
    %dma_start3A_24 = arith.constant 256 : i32
    %dma_start3A_25 = tpu.memref_slice %arg6[%dma_start3A_24] : memref<2048xi32, #tpu.memory_space<vmem>> -> memref<128xi32, #tpu.memory_space<vmem>>
    %dma_start3A_26 = arith.constant 0 : i32
    %dma_start3A_27 = arith.constant 0 : i32
    %dma_start3A_28 = tpu.memref_slice %arg2[%dma_start3A_26, %dma_start3A_27] : memref<10240x128xf32, #tpu.memory_space<hbm>> -> memref<10240x128xf32, #tpu.memory_space<hbm>>
    tpu.enqueue_indirect_dma source(%dma_start3A_28 : memref<10240x128xf32, #tpu.memory_space<hbm>>) target(%arg9 : memref<128x128xf32, #tpu.memory_space<vmem>>) offsets(%dma_start3A_25 : memref<128xi32, #tpu.memory_space<vmem>>) semaphore(%arg11 : memref<!tpu.dma_semaphore, #tpu.memory_space<semaphore_mem>>)
    %dma_wait3A_29 = arith.constant 256 : i32
    %dma_wait3A_30 = tpu.memref_slice %arg6[%dma_wait3A_29] : memref<2048xi32, #tpu.memory_space<vmem>> -> memref<128xi32, #tpu.memory_space<vmem>>
    %dma_wait3A_31 = arith.constant 0 : i32
    %dma_wait3A_32 = arith.constant 0 : i32
    %dma_wait3A_33 = tpu.memref_slice %arg2[%dma_wait3A_31, %dma_wait3A_32] : memref<10240x128xf32, #tpu.memory_space<hbm>> -> memref<10240x128xf32, #tpu.memory_space<hbm>>
    tpu.wait_indirect_dma semaphore(%arg11 : memref<!tpu.dma_semaphore, #tpu.memory_space<semaphore_mem>>) src(%dma_wait3A_33 : memref<10240x128xf32, #tpu.memory_space<hbm>>) dst(%arg9 : memref<128x128xf32, #tpu.memory_space<vmem>>)
    %dma_start3A_34 = arith.constant 384 : i32
    %dma_start3A_35 = tpu.memref_slice %arg6[%dma_start3A_34] : memref<2048xi32, #tpu.memory_space<vmem>> -> memref<128xi32, #tpu.memory_space<vmem>>
    %dma_start3A_36 = arith.constant 0 : i32
    %dma_start3A_37 = arith.constant 0 : i32
    %dma_start3A_38 = tpu.memref_slice %arg10[%dma_start3A_36, %dma_start3A_37] : memref<10240x128xf32, #tpu.memory_space<vmem_shared>> -> memref<10240x128xf32, #tpu.memory_space<vmem_shared>>
    tpu.enqueue_indirect_dma source(%arg9 : memref<128x128xf32, #tpu.memory_space<vmem>>) target(%dma_start3A_38 : memref<10240x128xf32, #tpu.memory_space<vmem_shared>>) offsets(%dma_start3A_35 : memref<128xi32, #tpu.memory_space<vmem>>) semaphore(%arg13 : memref<!tpu.dma_semaphore, #tpu.memory_space<semaphore_mem>>) {add = true}
    %dma_wait3A_39 = arith.constant 128 : i32
    %dma_wait3A_40 = tpu.memref_slice %arg6[%dma_wait3A_39] : memref<2048xi32, #tpu.memory_space<vmem>> -> memref<128xi32, #tpu.memory_space<vmem>>
    %dma_wait3A_41 = arith.constant 0 : i32
    %dma_wait3A_42 = arith.constant 0 : i32
    %dma_wait3A_43 = tpu.memref_slice %arg10[%dma_wait3A_41, %dma_wait3A_42] : memref<10240x128xf32, #tpu.memory_space<vmem_shared>> -> memref<10240x128xf32, #tpu.memory_space<vmem_shared>>
    tpu.wait_indirect_dma semaphore(%arg12 : memref<!tpu.dma_semaphore, #tpu.memory_space<semaphore_mem>>) src(%arg8 : memref<128x128xf32, #tpu.memory_space<vmem>>) dst(%dma_wait3A_43 : memref<10240x128xf32, #tpu.memory_space<vmem_shared>>)
    %dma_start3A_44 = arith.constant 512 : i32
    %dma_start3A_45 = tpu.memref_slice %arg6[%dma_start3A_44] : memref<2048xi32, #tpu.memory_space<vmem>> -> memref<128xi32, #tpu.memory_space<vmem>>
    %dma_start3A_46 = arith.constant 0 : i32
    %dma_start3A_47 = arith.constant 0 : i32
    %dma_start3A_48 = tpu.memref_slice %arg2[%dma_start3A_46, %dma_start3A_47] : memref<10240x128xf32, #tpu.memory_space<hbm>> -> memref<10240x128xf32, #tpu.memory_space<hbm>>
    tpu.enqueue_indirect_dma source(%dma_start3A_48 : memref<10240x128xf32, #tpu.memory_space<hbm>>) target(%arg8 : memref<128x128xf32, #tpu.memory_space<vmem>>) offsets(%dma_start3A_45 : memref<128xi32, #tpu.memory_space<vmem>>) semaphore(%arg11 : memref<!tpu.dma_semaphore, #tpu.memory_space<semaphore_mem>>)
    %dma_wait3A_49 = arith.constant 512 : i32
    %dma_wait3A_50 = tpu.memref_slice %arg6[%dma_wait3A_49] : memref<2048xi32, #tpu.memory_space<vmem>> -> memref<128xi32, #tpu.memory_space<vmem>>
    %dma_wait3A_51 = arith.constant 0 : i32
    %dma_wait3A_52 = arith.constant 0 : i32
    %dma_wait3A_53 = tpu.memref_slice %arg2[%dma_wait3A_51, %dma_wait3A_52] : memref<10240x128xf32, #tpu.memory_space<hbm>> -> memref<10240x128xf32, #tpu.memory_space<hbm>>
    tpu.wait_indirect_dma semaphore(%arg11 : memref<!tpu.dma_semaphore, #tpu.memory_space<semaphore_mem>>) src(%dma_wait3A_53 : memref<10240x128xf32, #tpu.memory_space<hbm>>) dst(%arg8 : memref<128x128xf32, #tpu.memory_space<vmem>>)
    %dma_start3A_54 = arith.constant 640 : i32
    %dma_start3A_55 = tpu.memref_slice %arg6[%dma_start3A_54] : memref<2048xi32, #tpu.memory_space<vmem>> -> memref<128xi32, #tpu.memory_space<vmem>>
    %dma_start3A_56 = arith.constant 0 : i32
    %dma_start3A_57 = arith.constant 0 : i32
    %dma_start3A_58 = tpu.memref_slice %arg10[%dma_start3A_56, %dma_start3A_57] : memref<10240x128xf32, #tpu.memory_space<vmem_shared>> -> memref<10240x128xf32, #tpu.memory_space<vmem_shared>>
    tpu.enqueue_indirect_dma source(%arg8 : memref<128x128xf32, #tpu.memory_space<vmem>>) target(%dma_start3A_58 : memref<10240x128xf32, #tpu.memory_space<vmem_shared>>) offsets(%dma_start3A_55 : memref<128xi32, #tpu.memory_space<vmem>>) semaphore(%arg12 : memref<!tpu.dma_semaphore, #tpu.memory_space<semaphore_mem>>) {add = true}
    %dma_wait3A_59 = arith.constant 128 : i32
    %dma_wait3A_60 = tpu.memref_slice %arg6[%dma_wait3A_59] : memref<2048xi32, #tpu.memory_space<vmem>> -> memref<128xi32, #tpu.memory_space<vmem>>
    %dma_wait3A_61 = arith.constant 0 : i32
    %dma_wait3A_62 = arith.constant 0 : i32
    %dma_wait3A_63 = tpu.memref_slice %arg10[%dma_wait3A_61, %dma_wait3A_62] : memref<10240x128xf32, #tpu.memory_space<vmem_shared>> -> memref<10240x128xf32, #tpu.memory_space<vmem_shared>>
    tpu.wait_indirect_dma semaphore(%arg13 : memref<!tpu.dma_semaphore, #tpu.memory_space<semaphore_mem>>) src(%arg9 : memref<128x128xf32, #tpu.memory_space<vmem>>) dst(%dma_wait3A_63 : memref<10240x128xf32, #tpu.memory_space<vmem_shared>>)
    %dma_start3A_64 = arith.constant 768 : i32
    %dma_start3A_65 = tpu.memref_slice %arg6[%dma_start3A_64] : memref<2048xi32, #tpu.memory_space<vmem>> -> memref<128xi32, #tpu.memory_space<vmem>>
    %dma_start3A_66 = arith.constant 0 : i32
    %dma_start3A_67 = arith.constant 0 : i32
    %dma_start3A_68 = tpu.memref_slice %arg2[%dma_start3A_66, %dma_start3A_67] : memref<10240x128xf32, #tpu.memory_space<hbm>> -> memref<10240x128xf32, #tpu.memory_space<hbm>>
    tpu.enqueue_indirect_dma source(%dma_start3A_68 : memref<10240x128xf32, #tpu.memory_space<hbm>>) target(%arg9 : memref<128x128xf32, #tpu.memory_space<vmem>>) offsets(%dma_start3A_65 : memref<128xi32, #tpu.memory_space<vmem>>) semaphore(%arg11 : memref<!tpu.dma_semaphore, #tpu.memory_space<semaphore_mem>>)
    %dma_wait3A_69 = arith.constant 768 : i32
    %dma_wait3A_70 = tpu.memref_slice %arg6[%dma_wait3A_69] : memref<2048xi32, #tpu.memory_space<vmem>> -> memref<128xi32, #tpu.memory_space<vmem>>
    %dma_wait3A_71 = arith.constant 0 : i32
    %dma_wait3A_72 = arith.constant 0 : i32
    %dma_wait3A_73 = tpu.memref_slice %arg2[%dma_wait3A_71, %dma_wait3A_72] : memref<10240x128xf32, #tpu.memory_space<hbm>> -> memref<10240x128xf32, #tpu.memory_space<hbm>>
    tpu.wait_indirect_dma semaphore(%arg11 : memref<!tpu.dma_semaphore, #tpu.memory_space<semaphore_mem>>) src(%dma_wait3A_73 : memref<10240x128xf32, #tpu.memory_space<hbm>>) dst(%arg9 : memref<128x128xf32, #tpu.memory_space<vmem>>)
    %dma_start3A_74 = arith.constant 896 : i32
    %dma_start3A_75 = tpu.memref_slice %arg6[%dma_start3A_74] : memref<2048xi32, #tpu.memory_space<vmem>> -> memref<128xi32, #tpu.memory_space<vmem>>
    %dma_start3A_76 = arith.constant 0 : i32
    %dma_start3A_77 = arith.constant 0 : i32
    %dma_start3A_78 = tpu.memref_slice %arg10[%dma_start3A_76, %dma_start3A_77] : memref<10240x128xf32, #tpu.memory_space<vmem_shared>> -> memref<10240x128xf32, #tpu.memory_space<vmem_shared>>
    tpu.enqueue_indirect_dma source(%arg9 : memref<128x128xf32, #tpu.memory_space<vmem>>) target(%dma_start3A_78 : memref<10240x128xf32, #tpu.memory_space<vmem_shared>>) offsets(%dma_start3A_75 : memref<128xi32, #tpu.memory_space<vmem>>) semaphore(%arg13 : memref<!tpu.dma_semaphore, #tpu.memory_space<semaphore_mem>>) {add = true}
    %dma_wait3A_79 = arith.constant 128 : i32
    %dma_wait3A_80 = tpu.memref_slice %arg6[%dma_wait3A_79] : memref<2048xi32, #tpu.memory_space<vmem>> -> memref<128xi32, #tpu.memory_space<vmem>>
    %dma_wait3A_81 = arith.constant 0 : i32
    %dma_wait3A_82 = arith.constant 0 : i32
    %dma_wait3A_83 = tpu.memref_slice %arg10[%dma_wait3A_81, %dma_wait3A_82] : memref<10240x128xf32, #tpu.memory_space<vmem_shared>> -> memref<10240x128xf32, #tpu.memory_space<vmem_shared>>
    tpu.wait_indirect_dma semaphore(%arg12 : memref<!tpu.dma_semaphore, #tpu.memory_space<semaphore_mem>>) src(%arg8 : memref<128x128xf32, #tpu.memory_space<vmem>>) dst(%dma_wait3A_83 : memref<10240x128xf32, #tpu.memory_space<vmem_shared>>)
    %dma_start3A_84 = arith.constant 1024 : i32
    %dma_start3A_85 = tpu.memref_slice %arg6[%dma_start3A_84] : memref<2048xi32, #tpu.memory_space<vmem>> -> memref<128xi32, #tpu.memory_space<vmem>>
    %dma_start3A_86 = arith.constant 0 : i32
    %dma_start3A_87 = arith.constant 0 : i32
    %dma_start3A_88 = tpu.memref_slice %arg2[%dma_start3A_86, %dma_start3A_87] : memref<10240x128xf32, #tpu.memory_space<hbm>> -> memref<10240x128xf32, #tpu.memory_space<hbm>>
    tpu.enqueue_indirect_dma source(%dma_start3A_88 : memref<10240x128xf32, #tpu.memory_space<hbm>>) target(%arg8 : memref<128x128xf32, #tpu.memory_space<vmem>>) offsets(%dma_start3A_85 : memref<128xi32, #tpu.memory_space<vmem>>) semaphore(%arg11 : memref<!tpu.dma_semaphore, #tpu.memory_space<semaphore_mem>>)
    %dma_wait3A_89 = arith.constant 1024 : i32
    %dma_wait3A_90 = tpu.memref_slice %arg6[%dma_wait3A_89] : memref<2048xi32, #tpu.memory_space<vmem>> -> memref<128xi32, #tpu.memory_space<vmem>>
    %dma_wait3A_91 = arith.constant 0 : i32
    %dma_wait3A_92 = arith.constant 0 : i32
    %dma_wait3A_93 = tpu.memref_slice %arg2[%dma_wait3A_91, %dma_wait3A_92] : memref<10240x128xf32, #tpu.memory_space<hbm>> -> memref<10240x128xf32, #tpu.memory_space<hbm>>
    tpu.wait_indirect_dma semaphore(%arg11 : memref<!tpu.dma_semaphore, #tpu.memory_space<semaphore_mem>>) src(%dma_wait3A_93 : memref<10240x128xf32, #tpu.memory_space<hbm>>) dst(%arg8 : memref<128x128xf32, #tpu.memory_space<vmem>>)
    %dma_start3A_94 = arith.constant 1152 : i32
    %dma_start3A_95 = tpu.memref_slice %arg6[%dma_start3A_94] : memref<2048xi32, #tpu.memory_space<vmem>> -> memref<128xi32, #tpu.memory_space<vmem>>
    %dma_start3A_96 = arith.constant 0 : i32
    %dma_start3A_97 = arith.constant 0 : i32
    %dma_start3A_98 = tpu.memref_slice %arg10[%dma_start3A_96, %dma_start3A_97] : memref<10240x128xf32, #tpu.memory_space<vmem_shared>> -> memref<10240x128xf32, #tpu.memory_space<vmem_shared>>
    tpu.enqueue_indirect_dma source(%arg8 : memref<128x128xf32, #tpu.memory_space<vmem>>) target(%dma_start3A_98 : memref<10240x128xf32, #tpu.memory_space<vmem_shared>>) offsets(%dma_start3A_95 : memref<128xi32, #tpu.memory_space<vmem>>) semaphore(%arg12 : memref<!tpu.dma_semaphore, #tpu.memory_space<semaphore_mem>>) {add = true}
    %dma_wait3A_99 = arith.constant 128 : i32
    %dma_wait3A_100 = tpu.memref_slice %arg6[%dma_wait3A_99] : memref<2048xi32, #tpu.memory_space<vmem>> -> memref<128xi32, #tpu.memory_space<vmem>>
    %dma_wait3A_101 = arith.constant 0 : i32
    %dma_wait3A_102 = arith.constant 0 : i32
    %dma_wait3A_103 = tpu.memref_slice %arg10[%dma_wait3A_101, %dma_wait3A_102] : memref<10240x128xf32, #tpu.memory_space<vmem_shared>> -> memref<10240x128xf32, #tpu.memory_space<vmem_shared>>
    tpu.wait_indirect_dma semaphore(%arg13 : memref<!tpu.dma_semaphore, #tpu.memory_space<semaphore_mem>>) src(%arg9 : memref<128x128xf32, #tpu.memory_space<vmem>>) dst(%dma_wait3A_103 : memref<10240x128xf32, #tpu.memory_space<vmem_shared>>)
    %dma_start3A_104 = arith.constant 1280 : i32
    %dma_start3A_105 = tpu.memref_slice %arg6[%dma_start3A_104] : memref<2048xi32, #tpu.memory_space<vmem>> -> memref<128xi32, #tpu.memory_space<vmem>>
    %dma_start3A_106 = arith.constant 0 : i32
    %dma_start3A_107 = arith.constant 0 : i32
    %dma_start3A_108 = tpu.memref_slice %arg2[%dma_start3A_106, %dma_start3A_107] : memref<10240x128xf32, #tpu.memory_space<hbm>> -> memref<10240x128xf32, #tpu.memory_space<hbm>>
    tpu.enqueue_indirect_dma source(%dma_start3A_108 : memref<10240x128xf32, #tpu.memory_space<hbm>>) target(%arg9 : memref<128x128xf32, #tpu.memory_space<vmem>>) offsets(%dma_start3A_105 : memref<128xi32, #tpu.memory_space<vmem>>) semaphore(%arg11 : memref<!tpu.dma_semaphore, #tpu.memory_space<semaphore_mem>>)
    %dma_wait3A_109 = arith.constant 1280 : i32
    %dma_wait3A_110 = tpu.memref_slice %arg6[%dma_wait3A_109] : memref<2048xi32, #tpu.memory_space<vmem>> -> memref<128xi32, #tpu.memory_space<vmem>>
    %dma_wait3A_111 = arith.constant 0 : i32
    %dma_wait3A_112 = arith.constant 0 : i32
    %dma_wait3A_113 = tpu.memref_slice %arg2[%dma_wait3A_111, %dma_wait3A_112] : memref<10240x128xf32, #tpu.memory_space<hbm>> -> memref<10240x128xf32, #tpu.memory_space<hbm>>
    tpu.wait_indirect_dma semaphore(%arg11 : memref<!tpu.dma_semaphore, #tpu.memory_space<semaphore_mem>>) src(%dma_wait3A_113 : memref<10240x128xf32, #tpu.memory_space<hbm>>) dst(%arg9 : memref<128x128xf32, #tpu.memory_space<vmem>>)
    %dma_start3A_114 = arith.constant 1408 : i32
    %dma_start3A_115 = tpu.memref_slice %arg6[%dma_start3A_114] : memref<2048xi32, #tpu.memory_space<vmem>> -> memref<128xi32, #tpu.memory_space<vmem>>
    %dma_start3A_116 = arith.constant 0 : i32
    %dma_start3A_117 = arith.constant 0 : i32
    %dma_start3A_118 = tpu.memref_slice %arg10[%dma_start3A_116, %dma_start3A_117] : memref<10240x128xf32, #tpu.memory_space<vmem_shared>> -> memref<10240x128xf32, #tpu.memory_space<vmem_shared>>
    tpu.enqueue_indirect_dma source(%arg9 : memref<128x128xf32, #tpu.memory_space<vmem>>) target(%dma_start3A_118 : memref<10240x128xf32, #tpu.memory_space<vmem_shared>>) offsets(%dma_start3A_115 : memref<128xi32, #tpu.memory_space<vmem>>) semaphore(%arg13 : memref<!tpu.dma_semaphore, #tpu.memory_space<semaphore_mem>>) {add = true}
    %dma_wait3A_119 = arith.constant 128 : i32
    %dma_wait3A_120 = tpu.memref_slice %arg6[%dma_wait3A_119] : memref<2048xi32, #tpu.memory_space<vmem>> -> memref<128xi32, #tpu.memory_space<vmem>>
    %dma_wait3A_121 = arith.constant 0 : i32
    %dma_wait3A_122 = arith.constant 0 : i32
    %dma_wait3A_123 = tpu.memref_slice %arg10[%dma_wait3A_121, %dma_wait3A_122] : memref<10240x128xf32, #tpu.memory_space<vmem_shared>> -> memref<10240x128xf32, #tpu.memory_space<vmem_shared>>
    tpu.wait_indirect_dma semaphore(%arg12 : memref<!tpu.dma_semaphore, #tpu.memory_space<semaphore_mem>>) src(%arg8 : memref<128x128xf32, #tpu.memory_space<vmem>>) dst(%dma_wait3A_123 : memref<10240x128xf32, #tpu.memory_space<vmem_shared>>)
    %dma_start3A_124 = arith.constant 1536 : i32
    %dma_start3A_125 = tpu.memref_slice %arg6[%dma_start3A_124] : memref<2048xi32, #tpu.memory_space<vmem>> -> memref<128xi32, #tpu.memory_space<vmem>>
    %dma_start3A_126 = arith.constant 0 : i32
    %dma_start3A_127 = arith.constant 0 : i32
    %dma_start3A_128 = tpu.memref_slice %arg2[%dma_start3A_126, %dma_start3A_127] : memref<10240x128xf32, #tpu.memory_space<hbm>> -> memref<10240x128xf32, #tpu.memory_space<hbm>>
    tpu.enqueue_indirect_dma source(%dma_start3A_128 : memref<10240x128xf32, #tpu.memory_space<hbm>>) target(%arg8 : memref<128x128xf32, #tpu.memory_space<vmem>>) offsets(%dma_start3A_125 : memref<128xi32, #tpu.memory_space<vmem>>) semaphore(%arg11 : memref<!tpu.dma_semaphore, #tpu.memory_space<semaphore_mem>>)
    %dma_wait3A_129 = arith.constant 1536 : i32
    %dma_wait3A_130 = tpu.memref_slice %arg6[%dma_wait3A_129] : memref<2048xi32, #tpu.memory_space<vmem>> -> memref<128xi32, #tpu.memory_space<vmem>>
    %dma_wait3A_131 = arith.constant 0 : i32
    %dma_wait3A_132 = arith.constant 0 : i32
    %dma_wait3A_133 = tpu.memref_slice %arg2[%dma_wait3A_131, %dma_wait3A_132] : memref<10240x128xf32, #tpu.memory_space<hbm>> -> memref<10240x128xf32, #tpu.memory_space<hbm>>
    tpu.wait_indirect_dma semaphore(%arg11 : memref<!tpu.dma_semaphore, #tpu.memory_space<semaphore_mem>>) src(%dma_wait3A_133 : memref<10240x128xf32, #tpu.memory_space<hbm>>) dst(%arg8 : memref<128x128xf32, #tpu.memory_space<vmem>>)
    %dma_start3A_134 = arith.constant 1664 : i32
    %dma_start3A_135 = tpu.memref_slice %arg6[%dma_start3A_134] : memref<2048xi32, #tpu.memory_space<vmem>> -> memref<128xi32, #tpu.memory_space<vmem>>
    %dma_start3A_136 = arith.constant 0 : i32
    %dma_start3A_137 = arith.constant 0 : i32
    %dma_start3A_138 = tpu.memref_slice %arg10[%dma_start3A_136, %dma_start3A_137] : memref<10240x128xf32, #tpu.memory_space<vmem_shared>> -> memref<10240x128xf32, #tpu.memory_space<vmem_shared>>
    tpu.enqueue_indirect_dma source(%arg8 : memref<128x128xf32, #tpu.memory_space<vmem>>) target(%dma_start3A_138 : memref<10240x128xf32, #tpu.memory_space<vmem_shared>>) offsets(%dma_start3A_135 : memref<128xi32, #tpu.memory_space<vmem>>) semaphore(%arg12 : memref<!tpu.dma_semaphore, #tpu.memory_space<semaphore_mem>>) {add = true}
    %dma_wait3A_139 = arith.constant 128 : i32
    %dma_wait3A_140 = tpu.memref_slice %arg6[%dma_wait3A_139] : memref<2048xi32, #tpu.memory_space<vmem>> -> memref<128xi32, #tpu.memory_space<vmem>>
    %dma_wait3A_141 = arith.constant 0 : i32
    %dma_wait3A_142 = arith.constant 0 : i32
    %dma_wait3A_143 = tpu.memref_slice %arg10[%dma_wait3A_141, %dma_wait3A_142] : memref<10240x128xf32, #tpu.memory_space<vmem_shared>> -> memref<10240x128xf32, #tpu.memory_space<vmem_shared>>
    tpu.wait_indirect_dma semaphore(%arg13 : memref<!tpu.dma_semaphore, #tpu.memory_space<semaphore_mem>>) src(%arg9 : memref<128x128xf32, #tpu.memory_space<vmem>>) dst(%dma_wait3A_143 : memref<10240x128xf32, #tpu.memory_space<vmem_shared>>)
    %dma_start3A_144 = arith.constant 1792 : i32
    %dma_start3A_145 = tpu.memref_slice %arg6[%dma_start3A_144] : memref<2048xi32, #tpu.memory_space<vmem>> -> memref<128xi32, #tpu.memory_space<vmem>>
    %dma_start3A_146 = arith.constant 0 : i32
    %dma_start3A_147 = arith.constant 0 : i32
    %dma_start3A_148 = tpu.memref_slice %arg2[%dma_start3A_146, %dma_start3A_147] : memref<10240x128xf32, #tpu.memory_space<hbm>> -> memref<10240x128xf32, #tpu.memory_space<hbm>>
    tpu.enqueue_indirect_dma source(%dma_start3A_148 : memref<10240x128xf32, #tpu.memory_space<hbm>>) target(%arg9 : memref<128x128xf32, #tpu.memory_space<vmem>>) offsets(%dma_start3A_145 : memref<128xi32, #tpu.memory_space<vmem>>) semaphore(%arg11 : memref<!tpu.dma_semaphore, #tpu.memory_space<semaphore_mem>>)
    %dma_wait3A_149 = arith.constant 1792 : i32
    %dma_wait3A_150 = tpu.memref_slice %arg6[%dma_wait3A_149] : memref<2048xi32, #tpu.memory_space<vmem>> -> memref<128xi32, #tpu.memory_space<vmem>>
    %dma_wait3A_151 = arith.constant 0 : i32
    %dma_wait3A_152 = arith.constant 0 : i32
    %dma_wait3A_153 = tpu.memref_slice %arg2[%dma_wait3A_151, %dma_wait3A_152] : memref<10240x128xf32, #tpu.memory_space<hbm>> -> memref<10240x128xf32, #tpu.memory_space<hbm>>
    tpu.wait_indirect_dma semaphore(%arg11 : memref<!tpu.dma_semaphore, #tpu.memory_space<semaphore_mem>>) src(%dma_wait3A_153 : memref<10240x128xf32, #tpu.memory_space<hbm>>) dst(%arg9 : memref<128x128xf32, #tpu.memory_space<vmem>>)
    %dma_start3A_154 = arith.constant 1920 : i32
    %dma_start3A_155 = tpu.memref_slice %arg6[%dma_start3A_154] : memref<2048xi32, #tpu.memory_space<vmem>> -> memref<128xi32, #tpu.memory_space<vmem>>
    %dma_start3A_156 = arith.constant 0 : i32
    %dma_start3A_157 = arith.constant 0 : i32
    %dma_start3A_158 = tpu.memref_slice %arg10[%dma_start3A_156, %dma_start3A_157] : memref<10240x128xf32, #tpu.memory_space<vmem_shared>> -> memref<10240x128xf32, #tpu.memory_space<vmem_shared>>
    tpu.enqueue_indirect_dma source(%arg9 : memref<128x128xf32, #tpu.memory_space<vmem>>) target(%dma_start3A_158 : memref<10240x128xf32, #tpu.memory_space<vmem_shared>>) offsets(%dma_start3A_155 : memref<128xi32, #tpu.memory_space<vmem>>) semaphore(%arg13 : memref<!tpu.dma_semaphore, #tpu.memory_space<semaphore_mem>>) {add = true}
    %dma_wait3A_159 = arith.constant 128 : i32
    %dma_wait3A_160 = tpu.memref_slice %arg6[%dma_wait3A_159] : memref<2048xi32, #tpu.memory_space<vmem>> -> memref<128xi32, #tpu.memory_space<vmem>>
    %dma_wait3A_161 = arith.constant 0 : i32
    %dma_wait3A_162 = arith.constant 0 : i32
    %dma_wait3A_163 = tpu.memref_slice %arg10[%dma_wait3A_161, %dma_wait3A_162] : memref<10240x128xf32, #tpu.memory_space<vmem_shared>> -> memref<10240x128xf32, #tpu.memory_space<vmem_shared>>
    tpu.wait_indirect_dma semaphore(%arg12 : memref<!tpu.dma_semaphore, #tpu.memory_space<semaphore_mem>>) src(%arg8 : memref<128x128xf32, #tpu.memory_space<vmem>>) dst(%dma_wait3A_163 : memref<10240x128xf32, #tpu.memory_space<vmem_shared>>)
    %scan3A = arith.constant 0 : i32
    %scan3A_164 = arith.constant 0 : i32
    %scan3A_165 = arith.constant 4 : i32
    %scan3A_166 = arith.addi %scan3A_164, %scan3A_165 : i32
    %scan3A_167 = arith.constant 1 : i32
    scf.for %scan3A_317 = %scan3A_164 to %scan3A_166 step %scan3A_167  : i32 {
      %mul3A_318 = arith.constant 16 : i32
      %mul3A_319 = arith.muli %mul3A_318, %scan3A_317 : i32
      %add3A_320 = arith.constant 8 : i32
      %add3A_321 = arith.addi %add3A_320, %mul3A_319 : i32
      %mul3A_322 = arith.constant 2 : i32
      %mul3A_323 = arith.muli %add3A_321, %mul3A_322 : i32
      %mul3A_324 = arith.constant 128 : i32
      %mul3A_325 = arith.muli %mul3A_323, %mul3A_324 : i32
      %add3A_326 = arith.addi %mul3A_8, %mul3A_325 : i32
      "tpu.region"() ({
        %run_scoped3A = tpu.sem_alloc : memref<!tpu.dma_semaphore, #tpu.memory_space<semaphore_mem>>
        %dma_start3A_654 = tpu.memref_slice %arg3[%add3A_326] : memref<647424xi32, #tpu.memory_space<hbm>> -> memref<2048xi32, #tpu.memory_space<hbm>>
        %dma_start3A_655 = tpu.memref_slice %arg3[%add3A_326] : memref<647424xi32, #tpu.memory_space<hbm>> -> memref<2048xi32, #tpu.memory_space<hbm>>
        tpu.enqueue_dma source(%dma_start3A_655 : memref<2048xi32, #tpu.memory_space<hbm>>) target(%arg7 : memref<2048xi32, #tpu.memory_space<vmem>>) target_semaphore(%run_scoped3A : memref<!tpu.dma_semaphore, #tpu.memory_space<semaphore_mem>>)
        %dma_wait3A_656 = tpu.memref_slice %arg3[%add3A_326] : memref<647424xi32, #tpu.memory_space<hbm>> -> memref<2048xi32, #tpu.memory_space<hbm>>
        %dma_wait3A_657 = tpu.memref_slice %arg3[%add3A_326] : memref<647424xi32, #tpu.memory_space<hbm>> -> memref<2048xi32, #tpu.memory_space<hbm>>
        tpu.wait_dma2 semaphore(%run_scoped3A : memref<!tpu.dma_semaphore, #tpu.memory_space<semaphore_mem>>) src(%dma_wait3A_657 : memref<2048xi32, #tpu.memory_space<hbm>>) dst(%arg7 : memref<2048xi32, #tpu.memory_space<vmem>>)
        tpu.yield
      }) : () -> ()
      %dma_start3A_327 = arith.constant 0 : i32
      %dma_start3A_328 = tpu.memref_slice %arg7[%dma_start3A_327] : memref<2048xi32, #tpu.memory_space<vmem>> -> memref<128xi32, #tpu.memory_space<vmem>>
      %dma_start3A_329 = arith.constant 0 : i32
      %dma_start3A_330 = arith.constant 0 : i32
      %dma_start3A_331 = tpu.memref_slice %arg2[%dma_start3A_329, %dma_start3A_330] : memref<10240x128xf32, #tpu.memory_space<hbm>> -> memref<10240x128xf32, #tpu.memory_space<hbm>>
      tpu.enqueue_indirect_dma source(%dma_start3A_331 : memref<10240x128xf32, #tpu.memory_space<hbm>>) target(%arg8 : memref<128x128xf32, #tpu.memory_space<vmem>>) offsets(%dma_start3A_328 : memref<128xi32, #tpu.memory_space<vmem>>) semaphore(%arg11 : memref<!tpu.dma_semaphore, #tpu.memory_space<semaphore_mem>>)
      %dma_wait3A_332 = arith.constant 0 : i32
      %dma_wait3A_333 = tpu.memref_slice %arg7[%dma_wait3A_332] : memref<2048xi32, #tpu.memory_space<vmem>> -> memref<128xi32, #tpu.memory_space<vmem>>
      %dma_wait3A_334 = arith.constant 0 : i32
      %dma_wait3A_335 = arith.constant 0 : i32
      %dma_wait3A_336 = tpu.memref_slice %arg2[%dma_wait3A_334, %dma_wait3A_335] : memref<10240x128xf32, #tpu.memory_space<hbm>> -> memref<10240x128xf32, #tpu.memory_space<hbm>>
      tpu.wait_indirect_dma semaphore(%arg11 : memref<!tpu.dma_semaphore, #tpu.memory_space<semaphore_mem>>) src(%dma_wait3A_336 : memref<10240x128xf32, #tpu.memory_space<hbm>>) dst(%arg8 : memref<128x128xf32, #tpu.memory_space<vmem>>)
      %dma_start3A_337 = arith.constant 128 : i32
      %dma_start3A_338 = tpu.memref_slice %arg7[%dma_start3A_337] : memref<2048xi32, #tpu.memory_space<vmem>> -> memref<128xi32, #tpu.memory_space<vmem>>
      %dma_start3A_339 = arith.constant 0 : i32
      %dma_start3A_340 = arith.constant 0 : i32
      %dma_start3A_341 = tpu.memref_slice %arg10[%dma_start3A_339, %dma_start3A_340] : memref<10240x128xf32, #tpu.memory_space<vmem_shared>> -> memref<10240x128xf32, #tpu.memory_space<vmem_shared>>
      tpu.enqueue_indirect_dma source(%arg8 : memref<128x128xf32, #tpu.memory_space<vmem>>) target(%dma_start3A_341 : memref<10240x128xf32, #tpu.memory_space<vmem_shared>>) offsets(%dma_start3A_338 : memref<128xi32, #tpu.memory_space<vmem>>) semaphore(%arg12 : memref<!tpu.dma_semaphore, #tpu.memory_space<semaphore_mem>>) {add = true}
      %dma_wait3A_342 = arith.constant 128 : i32
      %dma_wait3A_343 = tpu.memref_slice %arg7[%dma_wait3A_342] : memref<2048xi32, #tpu.memory_space<vmem>> -> memref<128xi32, #tpu.memory_space<vmem>>
      %dma_wait3A_344 = arith.constant 0 : i32
      %dma_wait3A_345 = arith.constant 0 : i32
      %dma_wait3A_346 = tpu.memref_slice %arg10[%dma_wait3A_344, %dma_wait3A_345] : memref<10240x128xf32, #tpu.memory_space<vmem_shared>> -> memref<10240x128xf32, #tpu.memory_space<vmem_shared>>
      tpu.wait_indirect_dma semaphore(%arg13 : memref<!tpu.dma_semaphore, #tpu.memory_space<semaphore_mem>>) src(%arg9 : memref<128x128xf32, #tpu.memory_space<vmem>>) dst(%dma_wait3A_346 : memref<10240x128xf32, #tpu.memory_space<vmem_shared>>)
      %dma_start3A_347 = arith.constant 256 : i32
      %dma_start3A_348 = tpu.memref_slice %arg7[%dma_start3A_347] : memref<2048xi32, #tpu.memory_space<vmem>> -> memref<128xi32, #tpu.memory_space<vmem>>
      %dma_start3A_349 = arith.constant 0 : i32
      %dma_start3A_350 = arith.constant 0 : i32
      %dma_start3A_351 = tpu.memref_slice %arg2[%dma_start3A_349, %dma_start3A_350] : memref<10240x128xf32, #tpu.memory_space<hbm>> -> memref<10240x128xf32, #tpu.memory_space<hbm>>
      tpu.enqueue_indirect_dma source(%dma_start3A_351 : memref<10240x128xf32, #tpu.memory_space<hbm>>) target(%arg9 : memref<128x128xf32, #tpu.memory_space<vmem>>) offsets(%dma_start3A_348 : memref<128xi32, #tpu.memory_space<vmem>>) semaphore(%arg11 : memref<!tpu.dma_semaphore, #tpu.memory_space<semaphore_mem>>)
      %dma_wait3A_352 = arith.constant 256 : i32
      %dma_wait3A_353 = tpu.memref_slice %arg7[%dma_wait3A_352] : memref<2048xi32, #tpu.memory_space<vmem>> -> memref<128xi32, #tpu.memory_space<vmem>>
      %dma_wait3A_354 = arith.constant 0 : i32
      %dma_wait3A_355 = arith.constant 0 : i32
      %dma_wait3A_356 = tpu.memref_slice %arg2[%dma_wait3A_354, %dma_wait3A_355] : memref<10240x128xf32, #tpu.memory_space<hbm>> -> memref<10240x128xf32, #tpu.memory_space<hbm>>
      tpu.wait_indirect_dma semaphore(%arg11 : memref<!tpu.dma_semaphore, #tpu.memory_space<semaphore_mem>>) src(%dma_wait3A_356 : memref<10240x128xf32, #tpu.memory_space<hbm>>) dst(%arg9 : memref<128x128xf32, #tpu.memory_space<vmem>>)
      %dma_start3A_357 = arith.constant 384 : i32
      %dma_start3A_358 = tpu.memref_slice %arg7[%dma_start3A_357] : memref<2048xi32, #tpu.memory_space<vmem>> -> memref<128xi32, #tpu.memory_space<vmem>>
      %dma_start3A_359 = arith.constant 0 : i32
      %dma_start3A_360 = arith.constant 0 : i32
      %dma_start3A_361 = tpu.memref_slice %arg10[%dma_start3A_359, %dma_start3A_360] : memref<10240x128xf32, #tpu.memory_space<vmem_shared>> -> memref<10240x128xf32, #tpu.memory_space<vmem_shared>>
      tpu.enqueue_indirect_dma source(%arg9 : memref<128x128xf32, #tpu.memory_space<vmem>>) target(%dma_start3A_361 : memref<10240x128xf32, #tpu.memory_space<vmem_shared>>) offsets(%dma_start3A_358 : memref<128xi32, #tpu.memory_space<vmem>>) semaphore(%arg13 : memref<!tpu.dma_semaphore, #tpu.memory_space<semaphore_mem>>) {add = true}
      %dma_wait3A_362 = arith.constant 128 : i32
      %dma_wait3A_363 = tpu.memref_slice %arg7[%dma_wait3A_362] : memref<2048xi32, #tpu.memory_space<vmem>> -> memref<128xi32, #tpu.memory_space<vmem>>
      %dma_wait3A_364 = arith.constant 0 : i32
      %dma_wait3A_365 = arith.constant 0 : i32
      %dma_wait3A_366 = tpu.memref_slice %arg10[%dma_wait3A_364, %dma_wait3A_365] : memref<10240x128xf32, #tpu.memory_space<vmem_shared>> -> memref<10240x128xf32, #tpu.memory_space<vmem_shared>>
      tpu.wait_indirect_dma semaphore(%arg12 : memref<!tpu.dma_semaphore, #tpu.memory_space<semaphore_mem>>) src(%arg8 : memref<128x128xf32, #tpu.memory_space<vmem>>) dst(%dma_wait3A_366 : memref<10240x128xf32, #tpu.memory_space<vmem_shared>>)
      %dma_start3A_367 = arith.constant 512 : i32
      %dma_start3A_368 = tpu.memref_slice %arg7[%dma_start3A_367] : memref<2048xi32, #tpu.memory_space<vmem>> -> memref<128xi32, #tpu.memory_space<vmem>>
      %dma_start3A_369 = arith.constant 0 : i32
      %dma_start3A_370 = arith.constant 0 : i32
      %dma_start3A_371 = tpu.memref_slice %arg2[%dma_start3A_369, %dma_start3A_370] : memref<10240x128xf32, #tpu.memory_space<hbm>> -> memref<10240x128xf32, #tpu.memory_space<hbm>>
      tpu.enqueue_indirect_dma source(%dma_start3A_371 : memref<10240x128xf32, #tpu.memory_space<hbm>>) target(%arg8 : memref<128x128xf32, #tpu.memory_space<vmem>>) offsets(%dma_start3A_368 : memref<128xi32, #tpu.memory_space<vmem>>) semaphore(%arg11 : memref<!tpu.dma_semaphore, #tpu.memory_space<semaphore_mem>>)
      %dma_wait3A_372 = arith.constant 512 : i32
      %dma_wait3A_373 = tpu.memref_slice %arg7[%dma_wait3A_372] : memref<2048xi32, #tpu.memory_space<vmem>> -> memref<128xi32, #tpu.memory_space<vmem>>
      %dma_wait3A_374 = arith.constant 0 : i32
      %dma_wait3A_375 = arith.constant 0 : i32
      %dma_wait3A_376 = tpu.memref_slice %arg2[%dma_wait3A_374, %dma_wait3A_375] : memref<10240x128xf32, #tpu.memory_space<hbm>> -> memref<10240x128xf32, #tpu.memory_space<hbm>>
      tpu.wait_indirect_dma semaphore(%arg11 : memref<!tpu.dma_semaphore, #tpu.memory_space<semaphore_mem>>) src(%dma_wait3A_376 : memref<10240x128xf32, #tpu.memory_space<hbm>>) dst(%arg8 : memref<128x128xf32, #tpu.memory_space<vmem>>)
      %dma_start3A_377 = arith.constant 640 : i32
      %dma_start3A_378 = tpu.memref_slice %arg7[%dma_start3A_377] : memref<2048xi32, #tpu.memory_space<vmem>> -> memref<128xi32, #tpu.memory_space<vmem>>
      %dma_start3A_379 = arith.constant 0 : i32
      %dma_start3A_380 = arith.constant 0 : i32
      %dma_start3A_381 = tpu.memref_slice %arg10[%dma_start3A_379, %dma_start3A_380] : memref<10240x128xf32, #tpu.memory_space<vmem_shared>> -> memref<10240x128xf32, #tpu.memory_space<vmem_shared>>
      tpu.enqueue_indirect_dma source(%arg8 : memref<128x128xf32, #tpu.memory_space<vmem>>) target(%dma_start3A_381 : memref<10240x128xf32, #tpu.memory_space<vmem_shared>>) offsets(%dma_start3A_378 : memref<128xi32, #tpu.memory_space<vmem>>) semaphore(%arg12 : memref<!tpu.dma_semaphore, #tpu.memory_space<semaphore_mem>>) {add = true}
      %dma_wait3A_382 = arith.constant 128 : i32
      %dma_wait3A_383 = tpu.memref_slice %arg7[%dma_wait3A_382] : memref<2048xi32, #tpu.memory_space<vmem>> -> memref<128xi32, #tpu.memory_space<vmem>>
      %dma_wait3A_384 = arith.constant 0 : i32
      %dma_wait3A_385 = arith.constant 0 : i32
      %dma_wait3A_386 = tpu.memref_slice %arg10[%dma_wait3A_384, %dma_wait3A_385] : memref<10240x128xf32, #tpu.memory_space<vmem_shared>> -> memref<10240x128xf32, #tpu.memory_space<vmem_shared>>
      tpu.wait_indirect_dma semaphore(%arg13 : memref<!tpu.dma_semaphore, #tpu.memory_space<semaphore_mem>>) src(%arg9 : memref<128x128xf32, #tpu.memory_space<vmem>>) dst(%dma_wait3A_386 : memref<10240x128xf32, #tpu.memory_space<vmem_shared>>)
      %dma_start3A_387 = arith.constant 768 : i32
      %dma_start3A_388 = tpu.memref_slice %arg7[%dma_start3A_387] : memref<2048xi32, #tpu.memory_space<vmem>> -> memref<128xi32, #tpu.memory_space<vmem>>
      %dma_start3A_389 = arith.constant 0 : i32
      %dma_start3A_390 = arith.constant 0 : i32
      %dma_start3A_391 = tpu.memref_slice %arg2[%dma_start3A_389, %dma_start3A_390] : memref<10240x128xf32, #tpu.memory_space<hbm>> -> memref<10240x128xf32, #tpu.memory_space<hbm>>
      tpu.enqueue_indirect_dma source(%dma_start3A_391 : memref<10240x128xf32, #tpu.memory_space<hbm>>) target(%arg9 : memref<128x128xf32, #tpu.memory_space<vmem>>) offsets(%dma_start3A_388 : memref<128xi32, #tpu.memory_space<vmem>>) semaphore(%arg11 : memref<!tpu.dma_semaphore, #tpu.memory_space<semaphore_mem>>)
      %dma_wait3A_392 = arith.constant 768 : i32
      %dma_wait3A_393 = tpu.memref_slice %arg7[%dma_wait3A_392] : memref<2048xi32, #tpu.memory_space<vmem>> -> memref<128xi32, #tpu.memory_space<vmem>>
      %dma_wait3A_394 = arith.constant 0 : i32
      %dma_wait3A_395 = arith.constant 0 : i32
      %dma_wait3A_396 = tpu.memref_slice %arg2[%dma_wait3A_394, %dma_wait3A_395] : memref<10240x128xf32, #tpu.memory_space<hbm>> -> memref<10240x128xf32, #tpu.memory_space<hbm>>
      tpu.wait_indirect_dma semaphore(%arg11 : memref<!tpu.dma_semaphore, #tpu.memory_space<semaphore_mem>>) src(%dma_wait3A_396 : memref<10240x128xf32, #tpu.memory_space<hbm>>) dst(%arg9 : memref<128x128xf32, #tpu.memory_space<vmem>>)
      %dma_start3A_397 = arith.constant 896 : i32
      %dma_start3A_398 = tpu.memref_slice %arg7[%dma_start3A_397] : memref<2048xi32, #tpu.memory_space<vmem>> -> memref<128xi32, #tpu.memory_space<vmem>>
      %dma_start3A_399 = arith.constant 0 : i32
      %dma_start3A_400 = arith.constant 0 : i32
      %dma_start3A_401 = tpu.memref_slice %arg10[%dma_start3A_399, %dma_start3A_400] : memref<10240x128xf32, #tpu.memory_space<vmem_shared>> -> memref<10240x128xf32, #tpu.memory_space<vmem_shared>>
      tpu.enqueue_indirect_dma source(%arg9 : memref<128x128xf32, #tpu.memory_space<vmem>>) target(%dma_start3A_401 : memref<10240x128xf32, #tpu.memory_space<vmem_shared>>) offsets(%dma_start3A_398 : memref<128xi32, #tpu.memory_space<vmem>>) semaphore(%arg13 : memref<!tpu.dma_semaphore, #tpu.memory_space<semaphore_mem>>) {add = true}
      %dma_wait3A_402 = arith.constant 128 : i32
      %dma_wait3A_403 = tpu.memref_slice %arg7[%dma_wait3A_402] : memref<2048xi32, #tpu.memory_space<vmem>> -> memref<128xi32, #tpu.memory_space<vmem>>
      %dma_wait3A_404 = arith.constant 0 : i32
      %dma_wait3A_405 = arith.constant 0 : i32
      %dma_wait3A_406 = tpu.memref_slice %arg10[%dma_wait3A_404, %dma_wait3A_405] : memref<10240x128xf32, #tpu.memory_space<vmem_shared>> -> memref<10240x128xf32, #tpu.memory_space<vmem_shared>>
      tpu.wait_indirect_dma semaphore(%arg12 : memref<!tpu.dma_semaphore, #tpu.memory_space<semaphore_mem>>) src(%arg8 : memref<128x128xf32, #tpu.memory_space<vmem>>) dst(%dma_wait3A_406 : memref<10240x128xf32, #tpu.memory_space<vmem_shared>>)
      %dma_start3A_407 = arith.constant 1024 : i32
      %dma_start3A_408 = tpu.memref_slice %arg7[%dma_start3A_407] : memref<2048xi32, #tpu.memory_space<vmem>> -> memref<128xi32, #tpu.memory_space<vmem>>
      %dma_start3A_409 = arith.constant 0 : i32
      %dma_start3A_410 = arith.constant 0 : i32
      %dma_start3A_411 = tpu.memref_slice %arg2[%dma_start3A_409, %dma_start3A_410] : memref<10240x128xf32, #tpu.memory_space<hbm>> -> memref<10240x128xf32, #tpu.memory_space<hbm>>
      tpu.enqueue_indirect_dma source(%dma_start3A_411 : memref<10240x128xf32, #tpu.memory_space<hbm>>) target(%arg8 : memref<128x128xf32, #tpu.memory_space<vmem>>) offsets(%dma_start3A_408 : memref<128xi32, #tpu.memory_space<vmem>>) semaphore(%arg11 : memref<!tpu.dma_semaphore, #tpu.memory_space<semaphore_mem>>)
      %dma_wait3A_412 = arith.constant 1024 : i32
      %dma_wait3A_413 = tpu.memref_slice %arg7[%dma_wait3A_412] : memref<2048xi32, #tpu.memory_space<vmem>> -> memref<128xi32, #tpu.memory_space<vmem>>
      %dma_wait3A_414 = arith.constant 0 : i32
      %dma_wait3A_415 = arith.constant 0 : i32
      %dma_wait3A_416 = tpu.memref_slice %arg2[%dma_wait3A_414, %dma_wait3A_415] : memref<10240x128xf32, #tpu.memory_space<hbm>> -> memref<10240x128xf32, #tpu.memory_space<hbm>>
      tpu.wait_indirect_dma semaphore(%arg11 : memref<!tpu.dma_semaphore, #tpu.memory_space<semaphore_mem>>) src(%dma_wait3A_416 : memref<10240x128xf32, #tpu.memory_space<hbm>>) dst(%arg8 : memref<128x128xf32, #tpu.memory_space<vmem>>)
      %dma_start3A_417 = arith.constant 1152 : i32
      %dma_start3A_418 = tpu.memref_slice %arg7[%dma_start3A_417] : memref<2048xi32, #tpu.memory_space<vmem>> -> memref<128xi32, #tpu.memory_space<vmem>>
      %dma_start3A_419 = arith.constant 0 : i32
      %dma_start3A_420 = arith.constant 0 : i32
      %dma_start3A_421 = tpu.memref_slice %arg10[%dma_start3A_419, %dma_start3A_420] : memref<10240x128xf32, #tpu.memory_space<vmem_shared>> -> memref<10240x128xf32, #tpu.memory_space<vmem_shared>>
      tpu.enqueue_indirect_dma source(%arg8 : memref<128x128xf32, #tpu.memory_space<vmem>>) target(%dma_start3A_421 : memref<10240x128xf32, #tpu.memory_space<vmem_shared>>) offsets(%dma_start3A_418 : memref<128xi32, #tpu.memory_space<vmem>>) semaphore(%arg12 : memref<!tpu.dma_semaphore, #tpu.memory_space<semaphore_mem>>) {add = true}
      %dma_wait3A_422 = arith.constant 128 : i32
      %dma_wait3A_423 = tpu.memref_slice %arg7[%dma_wait3A_422] : memref<2048xi32, #tpu.memory_space<vmem>> -> memref<128xi32, #tpu.memory_space<vmem>>
      %dma_wait3A_424 = arith.constant 0 : i32
      %dma_wait3A_425 = arith.constant 0 : i32
      %dma_wait3A_426 = tpu.memref_slice %arg10[%dma_wait3A_424, %dma_wait3A_425] : memref<10240x128xf32, #tpu.memory_space<vmem_shared>> -> memref<10240x128xf32, #tpu.memory_space<vmem_shared>>
      tpu.wait_indirect_dma semaphore(%arg13 : memref<!tpu.dma_semaphore, #tpu.memory_space<semaphore_mem>>) src(%arg9 : memref<128x128xf32, #tpu.memory_space<vmem>>) dst(%dma_wait3A_426 : memref<10240x128xf32, #tpu.memory_space<vmem_shared>>)
      %dma_start3A_427 = arith.constant 1280 : i32
      %dma_start3A_428 = tpu.memref_slice %arg7[%dma_start3A_427] : memref<2048xi32, #tpu.memory_space<vmem>> -> memref<128xi32, #tpu.memory_space<vmem>>
      %dma_start3A_429 = arith.constant 0 : i32
      %dma_start3A_430 = arith.constant 0 : i32
      %dma_start3A_431 = tpu.memref_slice %arg2[%dma_start3A_429, %dma_start3A_430] : memref<10240x128xf32, #tpu.memory_space<hbm>> -> memref<10240x128xf32, #tpu.memory_space<hbm>>
      tpu.enqueue_indirect_dma source(%dma_start3A_431 : memref<10240x128xf32, #tpu.memory_space<hbm>>) target(%arg9 : memref<128x128xf32, #tpu.memory_space<vmem>>) offsets(%dma_start3A_428 : memref<128xi32, #tpu.memory_space<vmem>>) semaphore(%arg11 : memref<!tpu.dma_semaphore, #tpu.memory_space<semaphore_mem>>)
      %dma_wait3A_432 = arith.constant 1280 : i32
      %dma_wait3A_433 = tpu.memref_slice %arg7[%dma_wait3A_432] : memref<2048xi32, #tpu.memory_space<vmem>> -> memref<128xi32, #tpu.memory_space<vmem>>
      %dma_wait3A_434 = arith.constant 0 : i32
      %dma_wait3A_435 = arith.constant 0 : i32
      %dma_wait3A_436 = tpu.memref_slice %arg2[%dma_wait3A_434, %dma_wait3A_435] : memref<10240x128xf32, #tpu.memory_space<hbm>> -> memref<10240x128xf32, #tpu.memory_space<hbm>>
      tpu.wait_indirect_dma semaphore(%arg11 : memref<!tpu.dma_semaphore, #tpu.memory_space<semaphore_mem>>) src(%dma_wait3A_436 : memref<10240x128xf32, #tpu.memory_space<hbm>>) dst(%arg9 : memref<128x128xf32, #tpu.memory_space<vmem>>)
      %dma_start3A_437 = arith.constant 1408 : i32
      %dma_start3A_438 = tpu.memref_slice %arg7[%dma_start3A_437] : memref<2048xi32, #tpu.memory_space<vmem>> -> memref<128xi32, #tpu.memory_space<vmem>>
      %dma_start3A_439 = arith.constant 0 : i32
      %dma_start3A_440 = arith.constant 0 : i32
      %dma_start3A_441 = tpu.memref_slice %arg10[%dma_start3A_439, %dma_start3A_440] : memref<10240x128xf32, #tpu.memory_space<vmem_shared>> -> memref<10240x128xf32, #tpu.memory_space<vmem_shared>>
      tpu.enqueue_indirect_dma source(%arg9 : memref<128x128xf32, #tpu.memory_space<vmem>>) target(%dma_start3A_441 : memref<10240x128xf32, #tpu.memory_space<vmem_shared>>) offsets(%dma_start3A_438 : memref<128xi32, #tpu.memory_space<vmem>>) semaphore(%arg13 : memref<!tpu.dma_semaphore, #tpu.memory_space<semaphore_mem>>) {add = true}
      %dma_wait3A_442 = arith.constant 128 : i32
      %dma_wait3A_443 = tpu.memref_slice %arg7[%dma_wait3A_442] : memref<2048xi32, #tpu.memory_space<vmem>> -> memref<128xi32, #tpu.memory_space<vmem>>
      %dma_wait3A_444 = arith.constant 0 : i32
      %dma_wait3A_445 = arith.constant 0 : i32
      %dma_wait3A_446 = tpu.memref_slice %arg10[%dma_wait3A_444, %dma_wait3A_445] : memref<10240x128xf32, #tpu.memory_space<vmem_shared>> -> memref<10240x128xf32, #tpu.memory_space<vmem_shared>>
      tpu.wait_indirect_dma semaphore(%arg12 : memref<!tpu.dma_semaphore, #tpu.memory_space<semaphore_mem>>) src(%arg8 : memref<128x128xf32, #tpu.memory_space<vmem>>) dst(%dma_wait3A_446 : memref<10240x128xf32, #tpu.memory_space<vmem_shared>>)
      %dma_start3A_447 = arith.constant 1536 : i32
      %dma_start3A_448 = tpu.memref_slice %arg7[%dma_start3A_447] : memref<2048xi32, #tpu.memory_space<vmem>> -> memref<128xi32, #tpu.memory_space<vmem>>
      %dma_start3A_449 = arith.constant 0 : i32
      %dma_start3A_450 = arith.constant 0 : i32
      %dma_start3A_451 = tpu.memref_slice %arg2[%dma_start3A_449, %dma_start3A_450] : memref<10240x128xf32, #tpu.memory_space<hbm>> -> memref<10240x128xf32, #tpu.memory_space<hbm>>
      tpu.enqueue_indirect_dma source(%dma_start3A_451 : memref<10240x128xf32, #tpu.memory_space<hbm>>) target(%arg8 : memref<128x128xf32, #tpu.memory_space<vmem>>) offsets(%dma_start3A_448 : memref<128xi32, #tpu.memory_space<vmem>>) semaphore(%arg11 : memref<!tpu.dma_semaphore, #tpu.memory_space<semaphore_mem>>)
      %dma_wait3A_452 = arith.constant 1536 : i32
      %dma_wait3A_453 = tpu.memref_slice %arg7[%dma_wait3A_452] : memref<2048xi32, #tpu.memory_space<vmem>> -> memref<128xi32, #tpu.memory_space<vmem>>
      %dma_wait3A_454 = arith.constant 0 : i32
      %dma_wait3A_455 = arith.constant 0 : i32
      %dma_wait3A_456 = tpu.memref_slice %arg2[%dma_wait3A_454, %dma_wait3A_455] : memref<10240x128xf32, #tpu.memory_space<hbm>> -> memref<10240x128xf32, #tpu.memory_space<hbm>>
      tpu.wait_indirect_dma semaphore(%arg11 : memref<!tpu.dma_semaphore, #tpu.memory_space<semaphore_mem>>) src(%dma_wait3A_456 : memref<10240x128xf32, #tpu.memory_space<hbm>>) dst(%arg8 : memref<128x128xf32, #tpu.memory_space<vmem>>)
      %dma_start3A_457 = arith.constant 1664 : i32
      %dma_start3A_458 = tpu.memref_slice %arg7[%dma_start3A_457] : memref<2048xi32, #tpu.memory_space<vmem>> -> memref<128xi32, #tpu.memory_space<vmem>>
      %dma_start3A_459 = arith.constant 0 : i32
      %dma_start3A_460 = arith.constant 0 : i32
      %dma_start3A_461 = tpu.memref_slice %arg10[%dma_start3A_459, %dma_start3A_460] : memref<10240x128xf32, #tpu.memory_space<vmem_shared>> -> memref<10240x128xf32, #tpu.memory_space<vmem_shared>>
      tpu.enqueue_indirect_dma source(%arg8 : memref<128x128xf32, #tpu.memory_space<vmem>>) target(%dma_start3A_461 : memref<10240x128xf32, #tpu.memory_space<vmem_shared>>) offsets(%dma_start3A_458 : memref<128xi32, #tpu.memory_space<vmem>>) semaphore(%arg12 : memref<!tpu.dma_semaphore, #tpu.memory_space<semaphore_mem>>) {add = true}
      %dma_wait3A_462 = arith.constant 128 : i32
      %dma_wait3A_463 = tpu.memref_slice %arg7[%dma_wait3A_462] : memref<2048xi32, #tpu.memory_space<vmem>> -> memref<128xi32, #tpu.memory_space<vmem>>
      %dma_wait3A_464 = arith.constant 0 : i32
      %dma_wait3A_465 = arith.constant 0 : i32
      %dma_wait3A_466 = tpu.memref_slice %arg10[%dma_wait3A_464, %dma_wait3A_465] : memref<10240x128xf32, #tpu.memory_space<vmem_shared>> -> memref<10240x128xf32, #tpu.memory_space<vmem_shared>>
      tpu.wait_indirect_dma semaphore(%arg13 : memref<!tpu.dma_semaphore, #tpu.memory_space<semaphore_mem>>) src(%arg9 : memref<128x128xf32, #tpu.memory_space<vmem>>) dst(%dma_wait3A_466 : memref<10240x128xf32, #tpu.memory_space<vmem_shared>>)
      %dma_start3A_467 = arith.constant 1792 : i32
      %dma_start3A_468 = tpu.memref_slice %arg7[%dma_start3A_467] : memref<2048xi32, #tpu.memory_space<vmem>> -> memref<128xi32, #tpu.memory_space<vmem>>
      %dma_start3A_469 = arith.constant 0 : i32
      %dma_start3A_470 = arith.constant 0 : i32
      %dma_start3A_471 = tpu.memref_slice %arg2[%dma_start3A_469, %dma_start3A_470] : memref<10240x128xf32, #tpu.memory_space<hbm>> -> memref<10240x128xf32, #tpu.memory_space<hbm>>
      tpu.enqueue_indirect_dma source(%dma_start3A_471 : memref<10240x128xf32, #tpu.memory_space<hbm>>) target(%arg9 : memref<128x128xf32, #tpu.memory_space<vmem>>) offsets(%dma_start3A_468 : memref<128xi32, #tpu.memory_space<vmem>>) semaphore(%arg11 : memref<!tpu.dma_semaphore, #tpu.memory_space<semaphore_mem>>)
      %dma_wait3A_472 = arith.constant 1792 : i32
      %dma_wait3A_473 = tpu.memref_slice %arg7[%dma_wait3A_472] : memref<2048xi32, #tpu.memory_space<vmem>> -> memref<128xi32, #tpu.memory_space<vmem>>
      %dma_wait3A_474 = arith.constant 0 : i32
      %dma_wait3A_475 = arith.constant 0 : i32
      %dma_wait3A_476 = tpu.memref_slice %arg2[%dma_wait3A_474, %dma_wait3A_475] : memref<10240x128xf32, #tpu.memory_space<hbm>> -> memref<10240x128xf32, #tpu.memory_space<hbm>>
      tpu.wait_indirect_dma semaphore(%arg11 : memref<!tpu.dma_semaphore, #tpu.memory_space<semaphore_mem>>) src(%dma_wait3A_476 : memref<10240x128xf32, #tpu.memory_space<hbm>>) dst(%arg9 : memref<128x128xf32, #tpu.memory_space<vmem>>)
      %dma_start3A_477 = arith.constant 1920 : i32
      %dma_start3A_478 = tpu.memref_slice %arg7[%dma_start3A_477] : memref<2048xi32, #tpu.memory_space<vmem>> -> memref<128xi32, #tpu.memory_space<vmem>>
      %dma_start3A_479 = arith.constant 0 : i32
      %dma_start3A_480 = arith.constant 0 : i32
      %dma_start3A_481 = tpu.memref_slice %arg10[%dma_start3A_479, %dma_start3A_480] : memref<10240x128xf32, #tpu.memory_space<vmem_shared>> -> memref<10240x128xf32, #tpu.memory_space<vmem_shared>>
      tpu.enqueue_indirect_dma source(%arg9 : memref<128x128xf32, #tpu.memory_space<vmem>>) target(%dma_start3A_481 : memref<10240x128xf32, #tpu.memory_space<vmem_shared>>) offsets(%dma_start3A_478 : memref<128xi32, #tpu.memory_space<vmem>>) semaphore(%arg13 : memref<!tpu.dma_semaphore, #tpu.memory_space<semaphore_mem>>) {add = true}
      %dma_wait3A_482 = arith.constant 128 : i32
      %dma_wait3A_483 = tpu.memref_slice %arg7[%dma_wait3A_482] : memref<2048xi32, #tpu.memory_space<vmem>> -> memref<128xi32, #tpu.memory_space<vmem>>
      %dma_wait3A_484 = arith.constant 0 : i32
      %dma_wait3A_485 = arith.constant 0 : i32
      %dma_wait3A_486 = tpu.memref_slice %arg10[%dma_wait3A_484, %dma_wait3A_485] : memref<10240x128xf32, #tpu.memory_space<vmem_shared>> -> memref<10240x128xf32, #tpu.memory_space<vmem_shared>>
      tpu.wait_indirect_dma semaphore(%arg12 : memref<!tpu.dma_semaphore, #tpu.memory_space<semaphore_mem>>) src(%arg8 : memref<128x128xf32, #tpu.memory_space<vmem>>) dst(%dma_wait3A_486 : memref<10240x128xf32, #tpu.memory_space<vmem_shared>>)
      %add3A_487 = arith.constant 8 : i32
      %add3A_488 = arith.addi %add3A_321, %add3A_487 : i32
      %mul3A_489 = arith.constant 2 : i32
      %mul3A_490 = arith.muli %add3A_488, %mul3A_489 : i32
      %mul3A_491 = arith.constant 128 : i32
      %mul3A_492 = arith.muli %mul3A_490, %mul3A_491 : i32
      %add3A_493 = arith.addi %mul3A_8, %mul3A_492 : i32
      "tpu.region"() ({
        %run_scoped3A = tpu.sem_alloc : memref<!tpu.dma_semaphore, #tpu.memory_space<semaphore_mem>>
        %dma_start3A_654 = tpu.memref_slice %arg3[%add3A_493] : memref<647424xi32, #tpu.memory_space<hbm>> -> memref<2048xi32, #tpu.memory_space<hbm>>
        %dma_start3A_655 = tpu.memref_slice %arg3[%add3A_493] : memref<647424xi32, #tpu.memory_space<hbm>> -> memref<2048xi32, #tpu.memory_space<hbm>>
        tpu.enqueue_dma source(%dma_start3A_655 : memref<2048xi32, #tpu.memory_space<hbm>>) target(%arg6 : memref<2048xi32, #tpu.memory_space<vmem>>) target_semaphore(%run_scoped3A : memref<!tpu.dma_semaphore, #tpu.memory_space<semaphore_mem>>)
        %dma_wait3A_656 = tpu.memref_slice %arg3[%add3A_493] : memref<647424xi32, #tpu.memory_space<hbm>> -> memref<2048xi32, #tpu.memory_space<hbm>>
        %dma_wait3A_657 = tpu.memref_slice %arg3[%add3A_493] : memref<647424xi32, #tpu.memory_space<hbm>> -> memref<2048xi32, #tpu.memory_space<hbm>>
        tpu.wait_dma2 semaphore(%run_scoped3A : memref<!tpu.dma_semaphore, #tpu.memory_space<semaphore_mem>>) src(%dma_wait3A_657 : memref<2048xi32, #tpu.memory_space<hbm>>) dst(%arg6 : memref<2048xi32, #tpu.memory_space<vmem>>)
        tpu.yield
      }) : () -> ()
      %dma_start3A_494 = arith.constant 0 : i32
      %dma_start3A_495 = tpu.memref_slice %arg6[%dma_start3A_494] : memref<2048xi32, #tpu.memory_space<vmem>> -> memref<128xi32, #tpu.memory_space<vmem>>
      %dma_start3A_496 = arith.constant 0 : i32
      %dma_start3A_497 = arith.constant 0 : i32
      %dma_start3A_498 = tpu.memref_slice %arg2[%dma_start3A_496, %dma_start3A_497] : memref<10240x128xf32, #tpu.memory_space<hbm>> -> memref<10240x128xf32, #tpu.memory_space<hbm>>
      tpu.enqueue_indirect_dma source(%dma_start3A_498 : memref<10240x128xf32, #tpu.memory_space<hbm>>) target(%arg8 : memref<128x128xf32, #tpu.memory_space<vmem>>) offsets(%dma_start3A_495 : memref<128xi32, #tpu.memory_space<vmem>>) semaphore(%arg11 : memref<!tpu.dma_semaphore, #tpu.memory_space<semaphore_mem>>)
      %dma_wait3A_499 = arith.constant 0 : i32
      %dma_wait3A_500 = tpu.memref_slice %arg6[%dma_wait3A_499] : memref<2048xi32, #tpu.memory_space<vmem>> -> memref<128xi32, #tpu.memory_space<vmem>>
      %dma_wait3A_501 = arith.constant 0 : i32
      %dma_wait3A_502 = arith.constant 0 : i32
      %dma_wait3A_503 = tpu.memref_slice %arg2[%dma_wait3A_501, %dma_wait3A_502] : memref<10240x128xf32, #tpu.memory_space<hbm>> -> memref<10240x128xf32, #tpu.memory_space<hbm>>
      tpu.wait_indirect_dma semaphore(%arg11 : memref<!tpu.dma_semaphore, #tpu.memory_space<semaphore_mem>>) src(%dma_wait3A_503 : memref<10240x128xf32, #tpu.memory_space<hbm>>) dst(%arg8 : memref<128x128xf32, #tpu.memory_space<vmem>>)
      %dma_start3A_504 = arith.constant 128 : i32
      %dma_start3A_505 = tpu.memref_slice %arg6[%dma_start3A_504] : memref<2048xi32, #tpu.memory_space<vmem>> -> memref<128xi32, #tpu.memory_space<vmem>>
      %dma_start3A_506 = arith.constant 0 : i32
      %dma_start3A_507 = arith.constant 0 : i32
      %dma_start3A_508 = tpu.memref_slice %arg10[%dma_start3A_506, %dma_start3A_507] : memref<10240x128xf32, #tpu.memory_space<vmem_shared>> -> memref<10240x128xf32, #tpu.memory_space<vmem_shared>>
      tpu.enqueue_indirect_dma source(%arg8 : memref<128x128xf32, #tpu.memory_space<vmem>>) target(%dma_start3A_508 : memref<10240x128xf32, #tpu.memory_space<vmem_shared>>) offsets(%dma_start3A_505 : memref<128xi32, #tpu.memory_space<vmem>>) semaphore(%arg12 : memref<!tpu.dma_semaphore, #tpu.memory_space<semaphore_mem>>) {add = true}
      %dma_wait3A_509 = arith.constant 128 : i32
      %dma_wait3A_510 = tpu.memref_slice %arg6[%dma_wait3A_509] : memref<2048xi32, #tpu.memory_space<vmem>> -> memref<128xi32, #tpu.memory_space<vmem>>
      %dma_wait3A_511 = arith.constant 0 : i32
      %dma_wait3A_512 = arith.constant 0 : i32
      %dma_wait3A_513 = tpu.memref_slice %arg10[%dma_wait3A_511, %dma_wait3A_512] : memref<10240x128xf32, #tpu.memory_space<vmem_shared>> -> memref<10240x128xf32, #tpu.memory_space<vmem_shared>>
      tpu.wait_indirect_dma semaphore(%arg13 : memref<!tpu.dma_semaphore, #tpu.memory_space<semaphore_mem>>) src(%arg9 : memref<128x128xf32, #tpu.memory_space<vmem>>) dst(%dma_wait3A_513 : memref<10240x128xf32, #tpu.memory_space<vmem_shared>>)
      %dma_start3A_514 = arith.constant 256 : i32
      %dma_start3A_515 = tpu.memref_slice %arg6[%dma_start3A_514] : memref<2048xi32, #tpu.memory_space<vmem>> -> memref<128xi32, #tpu.memory_space<vmem>>
      %dma_start3A_516 = arith.constant 0 : i32
      %dma_start3A_517 = arith.constant 0 : i32
      %dma_start3A_518 = tpu.memref_slice %arg2[%dma_start3A_516, %dma_start3A_517] : memref<10240x128xf32, #tpu.memory_space<hbm>> -> memref<10240x128xf32, #tpu.memory_space<hbm>>
      tpu.enqueue_indirect_dma source(%dma_start3A_518 : memref<10240x128xf32, #tpu.memory_space<hbm>>) target(%arg9 : memref<128x128xf32, #tpu.memory_space<vmem>>) offsets(%dma_start3A_515 : memref<128xi32, #tpu.memory_space<vmem>>) semaphore(%arg11 : memref<!tpu.dma_semaphore, #tpu.memory_space<semaphore_mem>>)
      %dma_wait3A_519 = arith.constant 256 : i32
      %dma_wait3A_520 = tpu.memref_slice %arg6[%dma_wait3A_519] : memref<2048xi32, #tpu.memory_space<vmem>> -> memref<128xi32, #tpu.memory_space<vmem>>
      %dma_wait3A_521 = arith.constant 0 : i32
      %dma_wait3A_522 = arith.constant 0 : i32
      %dma_wait3A_523 = tpu.memref_slice %arg2[%dma_wait3A_521, %dma_wait3A_522] : memref<10240x128xf32, #tpu.memory_space<hbm>> -> memref<10240x128xf32, #tpu.memory_space<hbm>>
      tpu.wait_indirect_dma semaphore(%arg11 : memref<!tpu.dma_semaphore, #tpu.memory_space<semaphore_mem>>) src(%dma_wait3A_523 : memref<10240x128xf32, #tpu.memory_space<hbm>>) dst(%arg9 : memref<128x128xf32, #tpu.memory_space<vmem>>)
      %dma_start3A_524 = arith.constant 384 : i32
      %dma_start3A_525 = tpu.memref_slice %arg6[%dma_start3A_524] : memref<2048xi32, #tpu.memory_space<vmem>> -> memref<128xi32, #tpu.memory_space<vmem>>
      %dma_start3A_526 = arith.constant 0 : i32
      %dma_start3A_527 = arith.constant 0 : i32
      %dma_start3A_528 = tpu.memref_slice %arg10[%dma_start3A_526, %dma_start3A_527] : memref<10240x128xf32, #tpu.memory_space<vmem_shared>> -> memref<10240x128xf32, #tpu.memory_space<vmem_shared>>
      tpu.enqueue_indirect_dma source(%arg9 : memref<128x128xf32, #tpu.memory_space<vmem>>) target(%dma_start3A_528 : memref<10240x128xf32, #tpu.memory_space<vmem_shared>>) offsets(%dma_start3A_525 : memref<128xi32, #tpu.memory_space<vmem>>) semaphore(%arg13 : memref<!tpu.dma_semaphore, #tpu.memory_space<semaphore_mem>>) {add = true}
      %dma_wait3A_529 = arith.constant 128 : i32
      %dma_wait3A_530 = tpu.memref_slice %arg6[%dma_wait3A_529] : memref<2048xi32, #tpu.memory_space<vmem>> -> memref<128xi32, #tpu.memory_space<vmem>>
      %dma_wait3A_531 = arith.constant 0 : i32
      %dma_wait3A_532 = arith.constant 0 : i32
      %dma_wait3A_533 = tpu.memref_slice %arg10[%dma_wait3A_531, %dma_wait3A_532] : memref<10240x128xf32, #tpu.memory_space<vmem_shared>> -> memref<10240x128xf32, #tpu.memory_space<vmem_shared>>
      tpu.wait_indirect_dma semaphore(%arg12 : memref<!tpu.dma_semaphore, #tpu.memory_space<semaphore_mem>>) src(%arg8 : memref<128x128xf32, #tpu.memory_space<vmem>>) dst(%dma_wait3A_533 : memref<10240x128xf32, #tpu.memory_space<vmem_shared>>)
      %dma_start3A_534 = arith.constant 512 : i32
      %dma_start3A_535 = tpu.memref_slice %arg6[%dma_start3A_534] : memref<2048xi32, #tpu.memory_space<vmem>> -> memref<128xi32, #tpu.memory_space<vmem>>
      %dma_start3A_536 = arith.constant 0 : i32
      %dma_start3A_537 = arith.constant 0 : i32
      %dma_start3A_538 = tpu.memref_slice %arg2[%dma_start3A_536, %dma_start3A_537] : memref<10240x128xf32, #tpu.memory_space<hbm>> -> memref<10240x128xf32, #tpu.memory_space<hbm>>
      tpu.enqueue_indirect_dma source(%dma_start3A_538 : memref<10240x128xf32, #tpu.memory_space<hbm>>) target(%arg8 : memref<128x128xf32, #tpu.memory_space<vmem>>) offsets(%dma_start3A_535 : memref<128xi32, #tpu.memory_space<vmem>>) semaphore(%arg11 : memref<!tpu.dma_semaphore, #tpu.memory_space<semaphore_mem>>)
      %dma_wait3A_539 = arith.constant 512 : i32
      %dma_wait3A_540 = tpu.memref_slice %arg6[%dma_wait3A_539] : memref<2048xi32, #tpu.memory_space<vmem>> -> memref<128xi32, #tpu.memory_space<vmem>>
      %dma_wait3A_541 = arith.constant 0 : i32
      %dma_wait3A_542 = arith.constant 0 : i32
      %dma_wait3A_543 = tpu.memref_slice %arg2[%dma_wait3A_541, %dma_wait3A_542] : memref<10240x128xf32, #tpu.memory_space<hbm>> -> memref<10240x128xf32, #tpu.memory_space<hbm>>
      tpu.wait_indirect_dma semaphore(%arg11 : memref<!tpu.dma_semaphore, #tpu.memory_space<semaphore_mem>>) src(%dma_wait3A_543 : memref<10240x128xf32, #tpu.memory_space<hbm>>) dst(%arg8 : memref<128x128xf32, #tpu.memory_space<vmem>>)
      %dma_start3A_544 = arith.constant 640 : i32
      %dma_start3A_545 = tpu.memref_slice %arg6[%dma_start3A_544] : memref<2048xi32, #tpu.memory_space<vmem>> -> memref<128xi32, #tpu.memory_space<vmem>>
      %dma_start3A_546 = arith.constant 0 : i32
      %dma_start3A_547 = arith.constant 0 : i32
      %dma_start3A_548 = tpu.memref_slice %arg10[%dma_start3A_546, %dma_start3A_547] : memref<10240x128xf32, #tpu.memory_space<vmem_shared>> -> memref<10240x128xf32, #tpu.memory_space<vmem_shared>>
      tpu.enqueue_indirect_dma source(%arg8 : memref<128x128xf32, #tpu.memory_space<vmem>>) target(%dma_start3A_548 : memref<10240x128xf32, #tpu.memory_space<vmem_shared>>) offsets(%dma_start3A_545 : memref<128xi32, #tpu.memory_space<vmem>>) semaphore(%arg12 : memref<!tpu.dma_semaphore, #tpu.memory_space<semaphore_mem>>) {add = true}
      %dma_wait3A_549 = arith.constant 128 : i32
      %dma_wait3A_550 = tpu.memref_slice %arg6[%dma_wait3A_549] : memref<2048xi32, #tpu.memory_space<vmem>> -> memref<128xi32, #tpu.memory_space<vmem>>
      %dma_wait3A_551 = arith.constant 0 : i32
      %dma_wait3A_552 = arith.constant 0 : i32
      %dma_wait3A_553 = tpu.memref_slice %arg10[%dma_wait3A_551, %dma_wait3A_552] : memref<10240x128xf32, #tpu.memory_space<vmem_shared>> -> memref<10240x128xf32, #tpu.memory_space<vmem_shared>>
      tpu.wait_indirect_dma semaphore(%arg13 : memref<!tpu.dma_semaphore, #tpu.memory_space<semaphore_mem>>) src(%arg9 : memref<128x128xf32, #tpu.memory_space<vmem>>) dst(%dma_wait3A_553 : memref<10240x128xf32, #tpu.memory_space<vmem_shared>>)
      %dma_start3A_554 = arith.constant 768 : i32
      %dma_start3A_555 = tpu.memref_slice %arg6[%dma_start3A_554] : memref<2048xi32, #tpu.memory_space<vmem>> -> memref<128xi32, #tpu.memory_space<vmem>>
      %dma_start3A_556 = arith.constant 0 : i32
      %dma_start3A_557 = arith.constant 0 : i32
      %dma_start3A_558 = tpu.memref_slice %arg2[%dma_start3A_556, %dma_start3A_557] : memref<10240x128xf32, #tpu.memory_space<hbm>> -> memref<10240x128xf32, #tpu.memory_space<hbm>>
      tpu.enqueue_indirect_dma source(%dma_start3A_558 : memref<10240x128xf32, #tpu.memory_space<hbm>>) target(%arg9 : memref<128x128xf32, #tpu.memory_space<vmem>>) offsets(%dma_start3A_555 : memref<128xi32, #tpu.memory_space<vmem>>) semaphore(%arg11 : memref<!tpu.dma_semaphore, #tpu.memory_space<semaphore_mem>>)
      %dma_wait3A_559 = arith.constant 768 : i32
      %dma_wait3A_560 = tpu.memref_slice %arg6[%dma_wait3A_559] : memref<2048xi32, #tpu.memory_space<vmem>> -> memref<128xi32, #tpu.memory_space<vmem>>
      %dma_wait3A_561 = arith.constant 0 : i32
      %dma_wait3A_562 = arith.constant 0 : i32
      %dma_wait3A_563 = tpu.memref_slice %arg2[%dma_wait3A_561, %dma_wait3A_562] : memref<10240x128xf32, #tpu.memory_space<hbm>> -> memref<10240x128xf32, #tpu.memory_space<hbm>>
      tpu.wait_indirect_dma semaphore(%arg11 : memref<!tpu.dma_semaphore, #tpu.memory_space<semaphore_mem>>) src(%dma_wait3A_563 : memref<10240x128xf32, #tpu.memory_space<hbm>>) dst(%arg9 : memref<128x128xf32, #tpu.memory_space<vmem>>)
      %dma_start3A_564 = arith.constant 896 : i32
      %dma_start3A_565 = tpu.memref_slice %arg6[%dma_start3A_564] : memref<2048xi32, #tpu.memory_space<vmem>> -> memref<128xi32, #tpu.memory_space<vmem>>
      %dma_start3A_566 = arith.constant 0 : i32
      %dma_start3A_567 = arith.constant 0 : i32
      %dma_start3A_568 = tpu.memref_slice %arg10[%dma_start3A_566, %dma_start3A_567] : memref<10240x128xf32, #tpu.memory_space<vmem_shared>> -> memref<10240x128xf32, #tpu.memory_space<vmem_shared>>
      tpu.enqueue_indirect_dma source(%arg9 : memref<128x128xf32, #tpu.memory_space<vmem>>) target(%dma_start3A_568 : memref<10240x128xf32, #tpu.memory_space<vmem_shared>>) offsets(%dma_start3A_565 : memref<128xi32, #tpu.memory_space<vmem>>) semaphore(%arg13 : memref<!tpu.dma_semaphore, #tpu.memory_space<semaphore_mem>>) {add = true}
      %dma_wait3A_569 = arith.constant 128 : i32
      %dma_wait3A_570 = tpu.memref_slice %arg6[%dma_wait3A_569] : memref<2048xi32, #tpu.memory_space<vmem>> -> memref<128xi32, #tpu.memory_space<vmem>>
      %dma_wait3A_571 = arith.constant 0 : i32
      %dma_wait3A_572 = arith.constant 0 : i32
      %dma_wait3A_573 = tpu.memref_slice %arg10[%dma_wait3A_571, %dma_wait3A_572] : memref<10240x128xf32, #tpu.memory_space<vmem_shared>> -> memref<10240x128xf32, #tpu.memory_space<vmem_shared>>
      tpu.wait_indirect_dma semaphore(%arg12 : memref<!tpu.dma_semaphore, #tpu.memory_space<semaphore_mem>>) src(%arg8 : memref<128x128xf32, #tpu.memory_space<vmem>>) dst(%dma_wait3A_573 : memref<10240x128xf32, #tpu.memory_space<vmem_shared>>)
      %dma_start3A_574 = arith.constant 1024 : i32
      %dma_start3A_575 = tpu.memref_slice %arg6[%dma_start3A_574] : memref<2048xi32, #tpu.memory_space<vmem>> -> memref<128xi32, #tpu.memory_space<vmem>>
      %dma_start3A_576 = arith.constant 0 : i32
      %dma_start3A_577 = arith.constant 0 : i32
      %dma_start3A_578 = tpu.memref_slice %arg2[%dma_start3A_576, %dma_start3A_577] : memref<10240x128xf32, #tpu.memory_space<hbm>> -> memref<10240x128xf32, #tpu.memory_space<hbm>>
      tpu.enqueue_indirect_dma source(%dma_start3A_578 : memref<10240x128xf32, #tpu.memory_space<hbm>>) target(%arg8 : memref<128x128xf32, #tpu.memory_space<vmem>>) offsets(%dma_start3A_575 : memref<128xi32, #tpu.memory_space<vmem>>) semaphore(%arg11 : memref<!tpu.dma_semaphore, #tpu.memory_space<semaphore_mem>>)
      %dma_wait3A_579 = arith.constant 1024 : i32
      %dma_wait3A_580 = tpu.memref_slice %arg6[%dma_wait3A_579] : memref<2048xi32, #tpu.memory_space<vmem>> -> memref<128xi32, #tpu.memory_space<vmem>>
      %dma_wait3A_581 = arith.constant 0 : i32
      %dma_wait3A_582 = arith.constant 0 : i32
      %dma_wait3A_583 = tpu.memref_slice %arg2[%dma_wait3A_581, %dma_wait3A_582] : memref<10240x128xf32, #tpu.memory_space<hbm>> -> memref<10240x128xf32, #tpu.memory_space<hbm>>
      tpu.wait_indirect_dma semaphore(%arg11 : memref<!tpu.dma_semaphore, #tpu.memory_space<semaphore_mem>>) src(%dma_wait3A_583 : memref<10240x128xf32, #tpu.memory_space<hbm>>) dst(%arg8 : memref<128x128xf32, #tpu.memory_space<vmem>>)
      %dma_start3A_584 = arith.constant 1152 : i32
      %dma_start3A_585 = tpu.memref_slice %arg6[%dma_start3A_584] : memref<2048xi32, #tpu.memory_space<vmem>> -> memref<128xi32, #tpu.memory_space<vmem>>
      %dma_start3A_586 = arith.constant 0 : i32
      %dma_start3A_587 = arith.constant 0 : i32
      %dma_start3A_588 = tpu.memref_slice %arg10[%dma_start3A_586, %dma_start3A_587] : memref<10240x128xf32, #tpu.memory_space<vmem_shared>> -> memref<10240x128xf32, #tpu.memory_space<vmem_shared>>
      tpu.enqueue_indirect_dma source(%arg8 : memref<128x128xf32, #tpu.memory_space<vmem>>) target(%dma_start3A_588 : memref<10240x128xf32, #tpu.memory_space<vmem_shared>>) offsets(%dma_start3A_585 : memref<128xi32, #tpu.memory_space<vmem>>) semaphore(%arg12 : memref<!tpu.dma_semaphore, #tpu.memory_space<semaphore_mem>>) {add = true}
      %dma_wait3A_589 = arith.constant 128 : i32
      %dma_wait3A_590 = tpu.memref_slice %arg6[%dma_wait3A_589] : memref<2048xi32, #tpu.memory_space<vmem>> -> memref<128xi32, #tpu.memory_space<vmem>>
      %dma_wait3A_591 = arith.constant 0 : i32
      %dma_wait3A_592 = arith.constant 0 : i32
      %dma_wait3A_593 = tpu.memref_slice %arg10[%dma_wait3A_591, %dma_wait3A_592] : memref<10240x128xf32, #tpu.memory_space<vmem_shared>> -> memref<10240x128xf32, #tpu.memory_space<vmem_shared>>
      tpu.wait_indirect_dma semaphore(%arg13 : memref<!tpu.dma_semaphore, #tpu.memory_space<semaphore_mem>>) src(%arg9 : memref<128x128xf32, #tpu.memory_space<vmem>>) dst(%dma_wait3A_593 : memref<10240x128xf32, #tpu.memory_space<vmem_shared>>)
      %dma_start3A_594 = arith.constant 1280 : i32
      %dma_start3A_595 = tpu.memref_slice %arg6[%dma_start3A_594] : memref<2048xi32, #tpu.memory_space<vmem>> -> memref<128xi32, #tpu.memory_space<vmem>>
      %dma_start3A_596 = arith.constant 0 : i32
      %dma_start3A_597 = arith.constant 0 : i32
      %dma_start3A_598 = tpu.memref_slice %arg2[%dma_start3A_596, %dma_start3A_597] : memref<10240x128xf32, #tpu.memory_space<hbm>> -> memref<10240x128xf32, #tpu.memory_space<hbm>>
      tpu.enqueue_indirect_dma source(%dma_start3A_598 : memref<10240x128xf32, #tpu.memory_space<hbm>>) target(%arg9 : memref<128x128xf32, #tpu.memory_space<vmem>>) offsets(%dma_start3A_595 : memref<128xi32, #tpu.memory_space<vmem>>) semaphore(%arg11 : memref<!tpu.dma_semaphore, #tpu.memory_space<semaphore_mem>>)
      %dma_wait3A_599 = arith.constant 1280 : i32
      %dma_wait3A_600 = tpu.memref_slice %arg6[%dma_wait3A_599] : memref<2048xi32, #tpu.memory_space<vmem>> -> memref<128xi32, #tpu.memory_space<vmem>>
      %dma_wait3A_601 = arith.constant 0 : i32
      %dma_wait3A_602 = arith.constant 0 : i32
      %dma_wait3A_603 = tpu.memref_slice %arg2[%dma_wait3A_601, %dma_wait3A_602] : memref<10240x128xf32, #tpu.memory_space<hbm>> -> memref<10240x128xf32, #tpu.memory_space<hbm>>
      tpu.wait_indirect_dma semaphore(%arg11 : memref<!tpu.dma_semaphore, #tpu.memory_space<semaphore_mem>>) src(%dma_wait3A_603 : memref<10240x128xf32, #tpu.memory_space<hbm>>) dst(%arg9 : memref<128x128xf32, #tpu.memory_space<vmem>>)
      %dma_start3A_604 = arith.constant 1408 : i32
      %dma_start3A_605 = tpu.memref_slice %arg6[%dma_start3A_604] : memref<2048xi32, #tpu.memory_space<vmem>> -> memref<128xi32, #tpu.memory_space<vmem>>
      %dma_start3A_606 = arith.constant 0 : i32
      %dma_start3A_607 = arith.constant 0 : i32
      %dma_start3A_608 = tpu.memref_slice %arg10[%dma_start3A_606, %dma_start3A_607] : memref<10240x128xf32, #tpu.memory_space<vmem_shared>> -> memref<10240x128xf32, #tpu.memory_space<vmem_shared>>
      tpu.enqueue_indirect_dma source(%arg9 : memref<128x128xf32, #tpu.memory_space<vmem>>) target(%dma_start3A_608 : memref<10240x128xf32, #tpu.memory_space<vmem_shared>>) offsets(%dma_start3A_605 : memref<128xi32, #tpu.memory_space<vmem>>) semaphore(%arg13 : memref<!tpu.dma_semaphore, #tpu.memory_space<semaphore_mem>>) {add = true}
      %dma_wait3A_609 = arith.constant 128 : i32
      %dma_wait3A_610 = tpu.memref_slice %arg6[%dma_wait3A_609] : memref<2048xi32, #tpu.memory_space<vmem>> -> memref<128xi32, #tpu.memory_space<vmem>>
      %dma_wait3A_611 = arith.constant 0 : i32
      %dma_wait3A_612 = arith.constant 0 : i32
      %dma_wait3A_613 = tpu.memref_slice %arg10[%dma_wait3A_611, %dma_wait3A_612] : memref<10240x128xf32, #tpu.memory_space<vmem_shared>> -> memref<10240x128xf32, #tpu.memory_space<vmem_shared>>
      tpu.wait_indirect_dma semaphore(%arg12 : memref<!tpu.dma_semaphore, #tpu.memory_space<semaphore_mem>>) src(%arg8 : memref<128x128xf32, #tpu.memory_space<vmem>>) dst(%dma_wait3A_613 : memref<10240x128xf32, #tpu.memory_space<vmem_shared>>)
      %dma_start3A_614 = arith.constant 1536 : i32
      %dma_start3A_615 = tpu.memref_slice %arg6[%dma_start3A_614] : memref<2048xi32, #tpu.memory_space<vmem>> -> memref<128xi32, #tpu.memory_space<vmem>>
      %dma_start3A_616 = arith.constant 0 : i32
      %dma_start3A_617 = arith.constant 0 : i32
      %dma_start3A_618 = tpu.memref_slice %arg2[%dma_start3A_616, %dma_start3A_617] : memref<10240x128xf32, #tpu.memory_space<hbm>> -> memref<10240x128xf32, #tpu.memory_space<hbm>>
      tpu.enqueue_indirect_dma source(%dma_start3A_618 : memref<10240x128xf32, #tpu.memory_space<hbm>>) target(%arg8 : memref<128x128xf32, #tpu.memory_space<vmem>>) offsets(%dma_start3A_615 : memref<128xi32, #tpu.memory_space<vmem>>) semaphore(%arg11 : memref<!tpu.dma_semaphore, #tpu.memory_space<semaphore_mem>>)
      %dma_wait3A_619 = arith.constant 1536 : i32
      %dma_wait3A_620 = tpu.memref_slice %arg6[%dma_wait3A_619] : memref<2048xi32, #tpu.memory_space<vmem>> -> memref<128xi32, #tpu.memory_space<vmem>>
      %dma_wait3A_621 = arith.constant 0 : i32
      %dma_wait3A_622 = arith.constant 0 : i32
      %dma_wait3A_623 = tpu.memref_slice %arg2[%dma_wait3A_621, %dma_wait3A_622] : memref<10240x128xf32, #tpu.memory_space<hbm>> -> memref<10240x128xf32, #tpu.memory_space<hbm>>
      tpu.wait_indirect_dma semaphore(%arg11 : memref<!tpu.dma_semaphore, #tpu.memory_space<semaphore_mem>>) src(%dma_wait3A_623 : memref<10240x128xf32, #tpu.memory_space<hbm>>) dst(%arg8 : memref<128x128xf32, #tpu.memory_space<vmem>>)
      %dma_start3A_624 = arith.constant 1664 : i32
      %dma_start3A_625 = tpu.memref_slice %arg6[%dma_start3A_624] : memref<2048xi32, #tpu.memory_space<vmem>> -> memref<128xi32, #tpu.memory_space<vmem>>
      %dma_start3A_626 = arith.constant 0 : i32
      %dma_start3A_627 = arith.constant 0 : i32
      %dma_start3A_628 = tpu.memref_slice %arg10[%dma_start3A_626, %dma_start3A_627] : memref<10240x128xf32, #tpu.memory_space<vmem_shared>> -> memref<10240x128xf32, #tpu.memory_space<vmem_shared>>
      tpu.enqueue_indirect_dma source(%arg8 : memref<128x128xf32, #tpu.memory_space<vmem>>) target(%dma_start3A_628 : memref<10240x128xf32, #tpu.memory_space<vmem_shared>>) offsets(%dma_start3A_625 : memref<128xi32, #tpu.memory_space<vmem>>) semaphore(%arg12 : memref<!tpu.dma_semaphore, #tpu.memory_space<semaphore_mem>>) {add = true}
      %dma_wait3A_629 = arith.constant 128 : i32
      %dma_wait3A_630 = tpu.memref_slice %arg6[%dma_wait3A_629] : memref<2048xi32, #tpu.memory_space<vmem>> -> memref<128xi32, #tpu.memory_space<vmem>>
      %dma_wait3A_631 = arith.constant 0 : i32
      %dma_wait3A_632 = arith.constant 0 : i32
      %dma_wait3A_633 = tpu.memref_slice %arg10[%dma_wait3A_631, %dma_wait3A_632] : memref<10240x128xf32, #tpu.memory_space<vmem_shared>> -> memref<10240x128xf32, #tpu.memory_space<vmem_shared>>
      tpu.wait_indirect_dma semaphore(%arg13 : memref<!tpu.dma_semaphore, #tpu.memory_space<semaphore_mem>>) src(%arg9 : memref<128x128xf32, #tpu.memory_space<vmem>>) dst(%dma_wait3A_633 : memref<10240x128xf32, #tpu.memory_space<vmem_shared>>)
      %dma_start3A_634 = arith.constant 1792 : i32
      %dma_start3A_635 = tpu.memref_slice %arg6[%dma_start3A_634] : memref<2048xi32, #tpu.memory_space<vmem>> -> memref<128xi32, #tpu.memory_space<vmem>>
      %dma_start3A_636 = arith.constant 0 : i32
      %dma_start3A_637 = arith.constant 0 : i32
      %dma_start3A_638 = tpu.memref_slice %arg2[%dma_start3A_636, %dma_start3A_637] : memref<10240x128xf32, #tpu.memory_space<hbm>> -> memref<10240x128xf32, #tpu.memory_space<hbm>>
      tpu.enqueue_indirect_dma source(%dma_start3A_638 : memref<10240x128xf32, #tpu.memory_space<hbm>>) target(%arg9 : memref<128x128xf32, #tpu.memory_space<vmem>>) offsets(%dma_start3A_635 : memref<128xi32, #tpu.memory_space<vmem>>) semaphore(%arg11 : memref<!tpu.dma_semaphore, #tpu.memory_space<semaphore_mem>>)
      %dma_wait3A_639 = arith.constant 1792 : i32
      %dma_wait3A_640 = tpu.memref_slice %arg6[%dma_wait3A_639] : memref<2048xi32, #tpu.memory_space<vmem>> -> memref<128xi32, #tpu.memory_space<vmem>>
      %dma_wait3A_641 = arith.constant 0 : i32
      %dma_wait3A_642 = arith.constant 0 : i32
      %dma_wait3A_643 = tpu.memref_slice %arg2[%dma_wait3A_641, %dma_wait3A_642] : memref<10240x128xf32, #tpu.memory_space<hbm>> -> memref<10240x128xf32, #tpu.memory_space<hbm>>
      tpu.wait_indirect_dma semaphore(%arg11 : memref<!tpu.dma_semaphore, #tpu.memory_space<semaphore_mem>>) src(%dma_wait3A_643 : memref<10240x128xf32, #tpu.memory_space<hbm>>) dst(%arg9 : memref<128x128xf32, #tpu.memory_space<vmem>>)
      %dma_start3A_644 = arith.constant 1920 : i32
      %dma_start3A_645 = tpu.memref_slice %arg6[%dma_start3A_644] : memref<2048xi32, #tpu.memory_space<vmem>> -> memref<128xi32, #tpu.memory_space<vmem>>
      %dma_start3A_646 = arith.constant 0 : i32
      %dma_start3A_647 = arith.constant 0 : i32
      %dma_start3A_648 = tpu.memref_slice %arg10[%dma_start3A_646, %dma_start3A_647] : memref<10240x128xf32, #tpu.memory_space<vmem_shared>> -> memref<10240x128xf32, #tpu.memory_space<vmem_shared>>
      tpu.enqueue_indirect_dma source(%arg9 : memref<128x128xf32, #tpu.memory_space<vmem>>) target(%dma_start3A_648 : memref<10240x128xf32, #tpu.memory_space<vmem_shared>>) offsets(%dma_start3A_645 : memref<128xi32, #tpu.memory_space<vmem>>) semaphore(%arg13 : memref<!tpu.dma_semaphore, #tpu.memory_space<semaphore_mem>>) {add = true}
      %dma_wait3A_649 = arith.constant 128 : i32
      %dma_wait3A_650 = tpu.memref_slice %arg6[%dma_wait3A_649] : memref<2048xi32, #tpu.memory_space<vmem>> -> memref<128xi32, #tpu.memory_space<vmem>>
      %dma_wait3A_651 = arith.constant 0 : i32
      %dma_wait3A_652 = arith.constant 0 : i32
      %dma_wait3A_653 = tpu.memref_slice %arg10[%dma_wait3A_651, %dma_wait3A_652] : memref<10240x128xf32, #tpu.memory_space<vmem_shared>> -> memref<10240x128xf32, #tpu.memory_space<vmem_shared>>
      tpu.wait_indirect_dma semaphore(%arg12 : memref<!tpu.dma_semaphore, #tpu.memory_space<semaphore_mem>>) src(%arg8 : memref<128x128xf32, #tpu.memory_space<vmem>>) dst(%dma_wait3A_653 : memref<10240x128xf32, #tpu.memory_space<vmem_shared>>)
    }
    %scan3A_168 = arith.constant 4 : i32
    %add3A_169 = arith.constant 18432 : i32
    %add3A_170 = arith.addi %mul3A_8, %add3A_169 : i32
    "tpu.region"() ({
      %run_scoped3A = tpu.sem_alloc : memref<!tpu.dma_semaphore, #tpu.memory_space<semaphore_mem>>
      %dma_start3A_317 = tpu.memref_slice %arg3[%add3A_170] : memref<647424xi32, #tpu.memory_space<hbm>> -> memref<2048xi32, #tpu.memory_space<hbm>>
      %dma_start3A_318 = tpu.memref_slice %arg3[%add3A_170] : memref<647424xi32, #tpu.memory_space<hbm>> -> memref<2048xi32, #tpu.memory_space<hbm>>
      tpu.enqueue_dma source(%dma_start3A_318 : memref<2048xi32, #tpu.memory_space<hbm>>) target(%arg7 : memref<2048xi32, #tpu.memory_space<vmem>>) target_semaphore(%run_scoped3A : memref<!tpu.dma_semaphore, #tpu.memory_space<semaphore_mem>>)
      %dma_wait3A_319 = tpu.memref_slice %arg3[%add3A_170] : memref<647424xi32, #tpu.memory_space<hbm>> -> memref<2048xi32, #tpu.memory_space<hbm>>
      %dma_wait3A_320 = tpu.memref_slice %arg3[%add3A_170] : memref<647424xi32, #tpu.memory_space<hbm>> -> memref<2048xi32, #tpu.memory_space<hbm>>
      tpu.wait_dma2 semaphore(%run_scoped3A : memref<!tpu.dma_semaphore, #tpu.memory_space<semaphore_mem>>) src(%dma_wait3A_320 : memref<2048xi32, #tpu.memory_space<hbm>>) dst(%arg7 : memref<2048xi32, #tpu.memory_space<vmem>>)
      tpu.yield
    }) : () -> ()
    %dma_start3A_171 = arith.constant 0 : i32
    %dma_start3A_172 = tpu.memref_slice %arg7[%dma_start3A_171] : memref<2048xi32, #tpu.memory_space<vmem>> -> memref<128xi32, #tpu.memory_space<vmem>>
    %dma_start3A_173 = arith.constant 0 : i32
    %dma_start3A_174 = arith.constant 0 : i32
    %dma_start3A_175 = tpu.memref_slice %arg2[%dma_start3A_173, %dma_start3A_174] : memref<10240x128xf32, #tpu.memory_space<hbm>> -> memref<10240x128xf32, #tpu.memory_space<hbm>>
    tpu.enqueue_indirect_dma source(%dma_start3A_175 : memref<10240x128xf32, #tpu.memory_space<hbm>>) target(%arg8 : memref<128x128xf32, #tpu.memory_space<vmem>>) offsets(%dma_start3A_172 : memref<128xi32, #tpu.memory_space<vmem>>) semaphore(%arg11 : memref<!tpu.dma_semaphore, #tpu.memory_space<semaphore_mem>>)
    %dma_wait3A_176 = arith.constant 0 : i32
    %dma_wait3A_177 = tpu.memref_slice %arg7[%dma_wait3A_176] : memref<2048xi32, #tpu.memory_space<vmem>> -> memref<128xi32, #tpu.memory_space<vmem>>
    %dma_wait3A_178 = arith.constant 0 : i32
    %dma_wait3A_179 = arith.constant 0 : i32
    %dma_wait3A_180 = tpu.memref_slice %arg2[%dma_wait3A_178, %dma_wait3A_179] : memref<10240x128xf32, #tpu.memory_space<hbm>> -> memref<10240x128xf32, #tpu.memory_space<hbm>>
    tpu.wait_indirect_dma semaphore(%arg11 : memref<!tpu.dma_semaphore, #tpu.memory_space<semaphore_mem>>) src(%dma_wait3A_180 : memref<10240x128xf32, #tpu.memory_space<hbm>>) dst(%arg8 : memref<128x128xf32, #tpu.memory_space<vmem>>)
    %dma_start3A_181 = arith.constant 128 : i32
    %dma_start3A_182 = tpu.memref_slice %arg7[%dma_start3A_181] : memref<2048xi32, #tpu.memory_space<vmem>> -> memref<128xi32, #tpu.memory_space<vmem>>
    %dma_start3A_183 = arith.constant 0 : i32
    %dma_start3A_184 = arith.constant 0 : i32
    %dma_start3A_185 = tpu.memref_slice %arg10[%dma_start3A_183, %dma_start3A_184] : memref<10240x128xf32, #tpu.memory_space<vmem_shared>> -> memref<10240x128xf32, #tpu.memory_space<vmem_shared>>
    tpu.enqueue_indirect_dma source(%arg8 : memref<128x128xf32, #tpu.memory_space<vmem>>) target(%dma_start3A_185 : memref<10240x128xf32, #tpu.memory_space<vmem_shared>>) offsets(%dma_start3A_182 : memref<128xi32, #tpu.memory_space<vmem>>) semaphore(%arg12 : memref<!tpu.dma_semaphore, #tpu.memory_space<semaphore_mem>>) {add = true}
    %dma_wait3A_186 = arith.constant 128 : i32
    %dma_wait3A_187 = tpu.memref_slice %arg7[%dma_wait3A_186] : memref<2048xi32, #tpu.memory_space<vmem>> -> memref<128xi32, #tpu.memory_space<vmem>>
    %dma_wait3A_188 = arith.constant 0 : i32
    %dma_wait3A_189 = arith.constant 0 : i32
    %dma_wait3A_190 = tpu.memref_slice %arg10[%dma_wait3A_188, %dma_wait3A_189] : memref<10240x128xf32, #tpu.memory_space<vmem_shared>> -> memref<10240x128xf32, #tpu.memory_space<vmem_shared>>
    tpu.wait_indirect_dma semaphore(%arg13 : memref<!tpu.dma_semaphore, #tpu.memory_space<semaphore_mem>>) src(%arg9 : memref<128x128xf32, #tpu.memory_space<vmem>>) dst(%dma_wait3A_190 : memref<10240x128xf32, #tpu.memory_space<vmem_shared>>)
    %dma_start3A_191 = arith.constant 256 : i32
    %dma_start3A_192 = tpu.memref_slice %arg7[%dma_start3A_191] : memref<2048xi32, #tpu.memory_space<vmem>> -> memref<128xi32, #tpu.memory_space<vmem>>
    %dma_start3A_193 = arith.constant 0 : i32
    %dma_start3A_194 = arith.constant 0 : i32
    %dma_start3A_195 = tpu.memref_slice %arg2[%dma_start3A_193, %dma_start3A_194] : memref<10240x128xf32, #tpu.memory_space<hbm>> -> memref<10240x128xf32, #tpu.memory_space<hbm>>
    tpu.enqueue_indirect_dma source(%dma_start3A_195 : memref<10240x128xf32, #tpu.memory_space<hbm>>) target(%arg9 : memref<128x128xf32, #tpu.memory_space<vmem>>) offsets(%dma_start3A_192 : memref<128xi32, #tpu.memory_space<vmem>>) semaphore(%arg11 : memref<!tpu.dma_semaphore, #tpu.memory_space<semaphore_mem>>)
    %dma_wait3A_196 = arith.constant 256 : i32
    %dma_wait3A_197 = tpu.memref_slice %arg7[%dma_wait3A_196] : memref<2048xi32, #tpu.memory_space<vmem>> -> memref<128xi32, #tpu.memory_space<vmem>>
    %dma_wait3A_198 = arith.constant 0 : i32
    %dma_wait3A_199 = arith.constant 0 : i32
    %dma_wait3A_200 = tpu.memref_slice %arg2[%dma_wait3A_198, %dma_wait3A_199] : memref<10240x128xf32, #tpu.memory_space<hbm>> -> memref<10240x128xf32, #tpu.memory_space<hbm>>
    tpu.wait_indirect_dma semaphore(%arg11 : memref<!tpu.dma_semaphore, #tpu.memory_space<semaphore_mem>>) src(%dma_wait3A_200 : memref<10240x128xf32, #tpu.memory_space<hbm>>) dst(%arg9 : memref<128x128xf32, #tpu.memory_space<vmem>>)
    %dma_start3A_201 = arith.constant 384 : i32
    %dma_start3A_202 = tpu.memref_slice %arg7[%dma_start3A_201] : memref<2048xi32, #tpu.memory_space<vmem>> -> memref<128xi32, #tpu.memory_space<vmem>>
    %dma_start3A_203 = arith.constant 0 : i32
    %dma_start3A_204 = arith.constant 0 : i32
    %dma_start3A_205 = tpu.memref_slice %arg10[%dma_start3A_203, %dma_start3A_204] : memref<10240x128xf32, #tpu.memory_space<vmem_shared>> -> memref<10240x128xf32, #tpu.memory_space<vmem_shared>>
    tpu.enqueue_indirect_dma source(%arg9 : memref<128x128xf32, #tpu.memory_space<vmem>>) target(%dma_start3A_205 : memref<10240x128xf32, #tpu.memory_space<vmem_shared>>) offsets(%dma_start3A_202 : memref<128xi32, #tpu.memory_space<vmem>>) semaphore(%arg13 : memref<!tpu.dma_semaphore, #tpu.memory_space<semaphore_mem>>) {add = true}
    %dma_wait3A_206 = arith.constant 128 : i32
    %dma_wait3A_207 = tpu.memref_slice %arg7[%dma_wait3A_206] : memref<2048xi32, #tpu.memory_space<vmem>> -> memref<128xi32, #tpu.memory_space<vmem>>
    %dma_wait3A_208 = arith.constant 0 : i32
    %dma_wait3A_209 = arith.constant 0 : i32
    %dma_wait3A_210 = tpu.memref_slice %arg10[%dma_wait3A_208, %dma_wait3A_209] : memref<10240x128xf32, #tpu.memory_space<vmem_shared>> -> memref<10240x128xf32, #tpu.memory_space<vmem_shared>>
    tpu.wait_indirect_dma semaphore(%arg12 : memref<!tpu.dma_semaphore, #tpu.memory_space<semaphore_mem>>) src(%arg8 : memref<128x128xf32, #tpu.memory_space<vmem>>) dst(%dma_wait3A_210 : memref<10240x128xf32, #tpu.memory_space<vmem_shared>>)
    %dma_start3A_211 = arith.constant 512 : i32
    %dma_start3A_212 = tpu.memref_slice %arg7[%dma_start3A_211] : memref<2048xi32, #tpu.memory_space<vmem>> -> memref<128xi32, #tpu.memory_space<vmem>>
    %dma_start3A_213 = arith.constant 0 : i32
    %dma_start3A_214 = arith.constant 0 : i32
    %dma_start3A_215 = tpu.memref_slice %arg2[%dma_start3A_213, %dma_start3A_214] : memref<10240x128xf32, #tpu.memory_space<hbm>> -> memref<10240x128xf32, #tpu.memory_space<hbm>>
    tpu.enqueue_indirect_dma source(%dma_start3A_215 : memref<10240x128xf32, #tpu.memory_space<hbm>>) target(%arg8 : memref<128x128xf32, #tpu.memory_space<vmem>>) offsets(%dma_start3A_212 : memref<128xi32, #tpu.memory_space<vmem>>) semaphore(%arg11 : memref<!tpu.dma_semaphore, #tpu.memory_space<semaphore_mem>>)
    %dma_wait3A_216 = arith.constant 512 : i32
    %dma_wait3A_217 = tpu.memref_slice %arg7[%dma_wait3A_216] : memref<2048xi32, #tpu.memory_space<vmem>> -> memref<128xi32, #tpu.memory_space<vmem>>
    %dma_wait3A_218 = arith.constant 0 : i32
    %dma_wait3A_219 = arith.constant 0 : i32
    %dma_wait3A_220 = tpu.memref_slice %arg2[%dma_wait3A_218, %dma_wait3A_219] : memref<10240x128xf32, #tpu.memory_space<hbm>> -> memref<10240x128xf32, #tpu.memory_space<hbm>>
    tpu.wait_indirect_dma semaphore(%arg11 : memref<!tpu.dma_semaphore, #tpu.memory_space<semaphore_mem>>) src(%dma_wait3A_220 : memref<10240x128xf32, #tpu.memory_space<hbm>>) dst(%arg8 : memref<128x128xf32, #tpu.memory_space<vmem>>)
    %dma_start3A_221 = arith.constant 640 : i32
    %dma_start3A_222 = tpu.memref_slice %arg7[%dma_start3A_221] : memref<2048xi32, #tpu.memory_space<vmem>> -> memref<128xi32, #tpu.memory_space<vmem>>
    %dma_start3A_223 = arith.constant 0 : i32
    %dma_start3A_224 = arith.constant 0 : i32
    %dma_start3A_225 = tpu.memref_slice %arg10[%dma_start3A_223, %dma_start3A_224] : memref<10240x128xf32, #tpu.memory_space<vmem_shared>> -> memref<10240x128xf32, #tpu.memory_space<vmem_shared>>
    tpu.enqueue_indirect_dma source(%arg8 : memref<128x128xf32, #tpu.memory_space<vmem>>) target(%dma_start3A_225 : memref<10240x128xf32, #tpu.memory_space<vmem_shared>>) offsets(%dma_start3A_222 : memref<128xi32, #tpu.memory_space<vmem>>) semaphore(%arg12 : memref<!tpu.dma_semaphore, #tpu.memory_space<semaphore_mem>>) {add = true}
    %dma_wait3A_226 = arith.constant 128 : i32
    %dma_wait3A_227 = tpu.memref_slice %arg7[%dma_wait3A_226] : memref<2048xi32, #tpu.memory_space<vmem>> -> memref<128xi32, #tpu.memory_space<vmem>>
    %dma_wait3A_228 = arith.constant 0 : i32
    %dma_wait3A_229 = arith.constant 0 : i32
    %dma_wait3A_230 = tpu.memref_slice %arg10[%dma_wait3A_228, %dma_wait3A_229] : memref<10240x128xf32, #tpu.memory_space<vmem_shared>> -> memref<10240x128xf32, #tpu.memory_space<vmem_shared>>
    tpu.wait_indirect_dma semaphore(%arg13 : memref<!tpu.dma_semaphore, #tpu.memory_space<semaphore_mem>>) src(%arg9 : memref<128x128xf32, #tpu.memory_space<vmem>>) dst(%dma_wait3A_230 : memref<10240x128xf32, #tpu.memory_space<vmem_shared>>)
    %dma_start3A_231 = arith.constant 768 : i32
    %dma_start3A_232 = tpu.memref_slice %arg7[%dma_start3A_231] : memref<2048xi32, #tpu.memory_space<vmem>> -> memref<128xi32, #tpu.memory_space<vmem>>
    %dma_start3A_233 = arith.constant 0 : i32
    %dma_start3A_234 = arith.constant 0 : i32
    %dma_start3A_235 = tpu.memref_slice %arg2[%dma_start3A_233, %dma_start3A_234] : memref<10240x128xf32, #tpu.memory_space<hbm>> -> memref<10240x128xf32, #tpu.memory_space<hbm>>
    tpu.enqueue_indirect_dma source(%dma_start3A_235 : memref<10240x128xf32, #tpu.memory_space<hbm>>) target(%arg9 : memref<128x128xf32, #tpu.memory_space<vmem>>) offsets(%dma_start3A_232 : memref<128xi32, #tpu.memory_space<vmem>>) semaphore(%arg11 : memref<!tpu.dma_semaphore, #tpu.memory_space<semaphore_mem>>)
    %dma_wait3A_236 = arith.constant 768 : i32
    %dma_wait3A_237 = tpu.memref_slice %arg7[%dma_wait3A_236] : memref<2048xi32, #tpu.memory_space<vmem>> -> memref<128xi32, #tpu.memory_space<vmem>>
    %dma_wait3A_238 = arith.constant 0 : i32
    %dma_wait3A_239 = arith.constant 0 : i32
    %dma_wait3A_240 = tpu.memref_slice %arg2[%dma_wait3A_238, %dma_wait3A_239] : memref<10240x128xf32, #tpu.memory_space<hbm>> -> memref<10240x128xf32, #tpu.memory_space<hbm>>
    tpu.wait_indirect_dma semaphore(%arg11 : memref<!tpu.dma_semaphore, #tpu.memory_space<semaphore_mem>>) src(%dma_wait3A_240 : memref<10240x128xf32, #tpu.memory_space<hbm>>) dst(%arg9 : memref<128x128xf32, #tpu.memory_space<vmem>>)
    %dma_start3A_241 = arith.constant 896 : i32
    %dma_start3A_242 = tpu.memref_slice %arg7[%dma_start3A_241] : memref<2048xi32, #tpu.memory_space<vmem>> -> memref<128xi32, #tpu.memory_space<vmem>>
    %dma_start3A_243 = arith.constant 0 : i32
    %dma_start3A_244 = arith.constant 0 : i32
    %dma_start3A_245 = tpu.memref_slice %arg10[%dma_start3A_243, %dma_start3A_244] : memref<10240x128xf32, #tpu.memory_space<vmem_shared>> -> memref<10240x128xf32, #tpu.memory_space<vmem_shared>>
    tpu.enqueue_indirect_dma source(%arg9 : memref<128x128xf32, #tpu.memory_space<vmem>>) target(%dma_start3A_245 : memref<10240x128xf32, #tpu.memory_space<vmem_shared>>) offsets(%dma_start3A_242 : memref<128xi32, #tpu.memory_space<vmem>>) semaphore(%arg13 : memref<!tpu.dma_semaphore, #tpu.memory_space<semaphore_mem>>) {add = true}
    %dma_wait3A_246 = arith.constant 128 : i32
    %dma_wait3A_247 = tpu.memref_slice %arg7[%dma_wait3A_246] : memref<2048xi32, #tpu.memory_space<vmem>> -> memref<128xi32, #tpu.memory_space<vmem>>
    %dma_wait3A_248 = arith.constant 0 : i32
    %dma_wait3A_249 = arith.constant 0 : i32
    %dma_wait3A_250 = tpu.memref_slice %arg10[%dma_wait3A_248, %dma_wait3A_249] : memref<10240x128xf32, #tpu.memory_space<vmem_shared>> -> memref<10240x128xf32, #tpu.memory_space<vmem_shared>>
    tpu.wait_indirect_dma semaphore(%arg12 : memref<!tpu.dma_semaphore, #tpu.memory_space<semaphore_mem>>) src(%arg8 : memref<128x128xf32, #tpu.memory_space<vmem>>) dst(%dma_wait3A_250 : memref<10240x128xf32, #tpu.memory_space<vmem_shared>>)
    %dma_start3A_251 = arith.constant 1024 : i32
    %dma_start3A_252 = tpu.memref_slice %arg7[%dma_start3A_251] : memref<2048xi32, #tpu.memory_space<vmem>> -> memref<128xi32, #tpu.memory_space<vmem>>
    %dma_start3A_253 = arith.constant 0 : i32
    %dma_start3A_254 = arith.constant 0 : i32
    %dma_start3A_255 = tpu.memref_slice %arg2[%dma_start3A_253, %dma_start3A_254] : memref<10240x128xf32, #tpu.memory_space<hbm>> -> memref<10240x128xf32, #tpu.memory_space<hbm>>
    tpu.enqueue_indirect_dma source(%dma_start3A_255 : memref<10240x128xf32, #tpu.memory_space<hbm>>) target(%arg8 : memref<128x128xf32, #tpu.memory_space<vmem>>) offsets(%dma_start3A_252 : memref<128xi32, #tpu.memory_space<vmem>>) semaphore(%arg11 : memref<!tpu.dma_semaphore, #tpu.memory_space<semaphore_mem>>)
    %dma_wait3A_256 = arith.constant 1024 : i32
    %dma_wait3A_257 = tpu.memref_slice %arg7[%dma_wait3A_256] : memref<2048xi32, #tpu.memory_space<vmem>> -> memref<128xi32, #tpu.memory_space<vmem>>
    %dma_wait3A_258 = arith.constant 0 : i32
    %dma_wait3A_259 = arith.constant 0 : i32
    %dma_wait3A_260 = tpu.memref_slice %arg2[%dma_wait3A_258, %dma_wait3A_259] : memref<10240x128xf32, #tpu.memory_space<hbm>> -> memref<10240x128xf32, #tpu.memory_space<hbm>>
    tpu.wait_indirect_dma semaphore(%arg11 : memref<!tpu.dma_semaphore, #tpu.memory_space<semaphore_mem>>) src(%dma_wait3A_260 : memref<10240x128xf32, #tpu.memory_space<hbm>>) dst(%arg8 : memref<128x128xf32, #tpu.memory_space<vmem>>)
    %dma_start3A_261 = arith.constant 1152 : i32
    %dma_start3A_262 = tpu.memref_slice %arg7[%dma_start3A_261] : memref<2048xi32, #tpu.memory_space<vmem>> -> memref<128xi32, #tpu.memory_space<vmem>>
    %dma_start3A_263 = arith.constant 0 : i32
    %dma_start3A_264 = arith.constant 0 : i32
    %dma_start3A_265 = tpu.memref_slice %arg10[%dma_start3A_263, %dma_start3A_264] : memref<10240x128xf32, #tpu.memory_space<vmem_shared>> -> memref<10240x128xf32, #tpu.memory_space<vmem_shared>>
    tpu.enqueue_indirect_dma source(%arg8 : memref<128x128xf32, #tpu.memory_space<vmem>>) target(%dma_start3A_265 : memref<10240x128xf32, #tpu.memory_space<vmem_shared>>) offsets(%dma_start3A_262 : memref<128xi32, #tpu.memory_space<vmem>>) semaphore(%arg12 : memref<!tpu.dma_semaphore, #tpu.memory_space<semaphore_mem>>) {add = true}
    %dma_wait3A_266 = arith.constant 128 : i32
    %dma_wait3A_267 = tpu.memref_slice %arg7[%dma_wait3A_266] : memref<2048xi32, #tpu.memory_space<vmem>> -> memref<128xi32, #tpu.memory_space<vmem>>
    %dma_wait3A_268 = arith.constant 0 : i32
    %dma_wait3A_269 = arith.constant 0 : i32
    %dma_wait3A_270 = tpu.memref_slice %arg10[%dma_wait3A_268, %dma_wait3A_269] : memref<10240x128xf32, #tpu.memory_space<vmem_shared>> -> memref<10240x128xf32, #tpu.memory_space<vmem_shared>>
    tpu.wait_indirect_dma semaphore(%arg13 : memref<!tpu.dma_semaphore, #tpu.memory_space<semaphore_mem>>) src(%arg9 : memref<128x128xf32, #tpu.memory_space<vmem>>) dst(%dma_wait3A_270 : memref<10240x128xf32, #tpu.memory_space<vmem_shared>>)
    %dma_start3A_271 = arith.constant 1280 : i32
    %dma_start3A_272 = tpu.memref_slice %arg7[%dma_start3A_271] : memref<2048xi32, #tpu.memory_space<vmem>> -> memref<128xi32, #tpu.memory_space<vmem>>
    %dma_start3A_273 = arith.constant 0 : i32
    %dma_start3A_274 = arith.constant 0 : i32
    %dma_start3A_275 = tpu.memref_slice %arg2[%dma_start3A_273, %dma_start3A_274] : memref<10240x128xf32, #tpu.memory_space<hbm>> -> memref<10240x128xf32, #tpu.memory_space<hbm>>
    tpu.enqueue_indirect_dma source(%dma_start3A_275 : memref<10240x128xf32, #tpu.memory_space<hbm>>) target(%arg9 : memref<128x128xf32, #tpu.memory_space<vmem>>) offsets(%dma_start3A_272 : memref<128xi32, #tpu.memory_space<vmem>>) semaphore(%arg11 : memref<!tpu.dma_semaphore, #tpu.memory_space<semaphore_mem>>)
    %dma_wait3A_276 = arith.constant 1280 : i32
    %dma_wait3A_277 = tpu.memref_slice %arg7[%dma_wait3A_276] : memref<2048xi32, #tpu.memory_space<vmem>> -> memref<128xi32, #tpu.memory_space<vmem>>
    %dma_wait3A_278 = arith.constant 0 : i32
    %dma_wait3A_279 = arith.constant 0 : i32
    %dma_wait3A_280 = tpu.memref_slice %arg2[%dma_wait3A_278, %dma_wait3A_279] : memref<10240x128xf32, #tpu.memory_space<hbm>> -> memref<10240x128xf32, #tpu.memory_space<hbm>>
    tpu.wait_indirect_dma semaphore(%arg11 : memref<!tpu.dma_semaphore, #tpu.memory_space<semaphore_mem>>) src(%dma_wait3A_280 : memref<10240x128xf32, #tpu.memory_space<hbm>>) dst(%arg9 : memref<128x128xf32, #tpu.memory_space<vmem>>)
    %dma_start3A_281 = arith.constant 1408 : i32
    %dma_start3A_282 = tpu.memref_slice %arg7[%dma_start3A_281] : memref<2048xi32, #tpu.memory_space<vmem>> -> memref<128xi32, #tpu.memory_space<vmem>>
    %dma_start3A_283 = arith.constant 0 : i32
    %dma_start3A_284 = arith.constant 0 : i32
    %dma_start3A_285 = tpu.memref_slice %arg10[%dma_start3A_283, %dma_start3A_284] : memref<10240x128xf32, #tpu.memory_space<vmem_shared>> -> memref<10240x128xf32, #tpu.memory_space<vmem_shared>>
    tpu.enqueue_indirect_dma source(%arg9 : memref<128x128xf32, #tpu.memory_space<vmem>>) target(%dma_start3A_285 : memref<10240x128xf32, #tpu.memory_space<vmem_shared>>) offsets(%dma_start3A_282 : memref<128xi32, #tpu.memory_space<vmem>>) semaphore(%arg13 : memref<!tpu.dma_semaphore, #tpu.memory_space<semaphore_mem>>) {add = true}
    %dma_wait3A_286 = arith.constant 128 : i32
    %dma_wait3A_287 = tpu.memref_slice %arg7[%dma_wait3A_286] : memref<2048xi32, #tpu.memory_space<vmem>> -> memref<128xi32, #tpu.memory_space<vmem>>
    %dma_wait3A_288 = arith.constant 0 : i32
    %dma_wait3A_289 = arith.constant 0 : i32
    %dma_wait3A_290 = tpu.memref_slice %arg10[%dma_wait3A_288, %dma_wait3A_289] : memref<10240x128xf32, #tpu.memory_space<vmem_shared>> -> memref<10240x128xf32, #tpu.memory_space<vmem_shared>>
    tpu.wait_indirect_dma semaphore(%arg12 : memref<!tpu.dma_semaphore, #tpu.memory_space<semaphore_mem>>) src(%arg8 : memref<128x128xf32, #tpu.memory_space<vmem>>) dst(%dma_wait3A_290 : memref<10240x128xf32, #tpu.memory_space<vmem_shared>>)
    %dma_start3A_291 = arith.constant 1536 : i32
    %dma_start3A_292 = tpu.memref_slice %arg7[%dma_start3A_291] : memref<2048xi32, #tpu.memory_space<vmem>> -> memref<128xi32, #tpu.memory_space<vmem>>
    %dma_start3A_293 = arith.constant 0 : i32
    %dma_start3A_294 = arith.constant 0 : i32
    %dma_start3A_295 = tpu.memref_slice %arg2[%dma_start3A_293, %dma_start3A_294] : memref<10240x128xf32, #tpu.memory_space<hbm>> -> memref<10240x128xf32, #tpu.memory_space<hbm>>
    tpu.enqueue_indirect_dma source(%dma_start3A_295 : memref<10240x128xf32, #tpu.memory_space<hbm>>) target(%arg8 : memref<128x128xf32, #tpu.memory_space<vmem>>) offsets(%dma_start3A_292 : memref<128xi32, #tpu.memory_space<vmem>>) semaphore(%arg11 : memref<!tpu.dma_semaphore, #tpu.memory_space<semaphore_mem>>)
    %dma_wait3A_296 = arith.constant 1536 : i32
    %dma_wait3A_297 = tpu.memref_slice %arg7[%dma_wait3A_296] : memref<2048xi32, #tpu.memory_space<vmem>> -> memref<128xi32, #tpu.memory_space<vmem>>
    %dma_wait3A_298 = arith.constant 0 : i32
    %dma_wait3A_299 = arith.constant 0 : i32
    %dma_wait3A_300 = tpu.memref_slice %arg2[%dma_wait3A_298, %dma_wait3A_299] : memref<10240x128xf32, #tpu.memory_space<hbm>> -> memref<10240x128xf32, #tpu.memory_space<hbm>>
    tpu.wait_indirect_dma semaphore(%arg11 : memref<!tpu.dma_semaphore, #tpu.memory_space<semaphore_mem>>) src(%dma_wait3A_300 : memref<10240x128xf32, #tpu.memory_space<hbm>>) dst(%arg8 : memref<128x128xf32, #tpu.memory_space<vmem>>)
    %dma_start3A_301 = arith.constant 1664 : i32
    %dma_start3A_302 = tpu.memref_slice %arg7[%dma_start3A_301] : memref<2048xi32, #tpu.memory_space<vmem>> -> memref<128xi32, #tpu.memory_space<vmem>>
    %dma_start3A_303 = arith.constant 0 : i32
    %dma_start3A_304 = arith.constant 0 : i32
    %dma_start3A_305 = tpu.memref_slice %arg10[%dma_start3A_303, %dma_start3A_304] : memref<10240x128xf32, #tpu.memory_space<vmem_shared>> -> memref<10240x128xf32, #tpu.memory_space<vmem_shared>>
    tpu.enqueue_indirect_dma source(%arg8 : memref<128x128xf32, #tpu.memory_space<vmem>>) target(%dma_start3A_305 : memref<10240x128xf32, #tpu.memory_space<vmem_shared>>) offsets(%dma_start3A_302 : memref<128xi32, #tpu.memory_space<vmem>>) semaphore(%arg12 : memref<!tpu.dma_semaphore, #tpu.memory_space<semaphore_mem>>) {add = true}
    %dma_wait3A_306 = arith.constant 128 : i32
    %dma_wait3A_307 = tpu.memref_slice %arg7[%dma_wait3A_306] : memref<2048xi32, #tpu.memory_space<vmem>> -> memref<128xi32, #tpu.memory_space<vmem>>
    %dma_wait3A_308 = arith.constant 0 : i32
    %dma_wait3A_309 = arith.constant 0 : i32
    %dma_wait3A_310 = tpu.memref_slice %arg10[%dma_wait3A_308, %dma_wait3A_309] : memref<10240x128xf32, #tpu.memory_space<vmem_shared>> -> memref<10240x128xf32, #tpu.memory_space<vmem_shared>>
    tpu.wait_indirect_dma semaphore(%arg13 : memref<!tpu.dma_semaphore, #tpu.memory_space<semaphore_mem>>) src(%arg9 : memref<128x128xf32, #tpu.memory_space<vmem>>) dst(%dma_wait3A_310 : memref<10240x128xf32, #tpu.memory_space<vmem_shared>>)
    %dma_wait3A_311 = arith.constant 128 : i32
    %dma_wait3A_312 = tpu.memref_slice %arg7[%dma_wait3A_311] : memref<2048xi32, #tpu.memory_space<vmem>> -> memref<128xi32, #tpu.memory_space<vmem>>
    %dma_wait3A_313 = arith.constant 0 : i32
    %dma_wait3A_314 = arith.constant 0 : i32
    %dma_wait3A_315 = tpu.memref_slice %arg10[%dma_wait3A_313, %dma_wait3A_314] : memref<10240x128xf32, #tpu.memory_space<vmem_shared>> -> memref<10240x128xf32, #tpu.memory_space<vmem_shared>>
    tpu.wait_indirect_dma semaphore(%arg12 : memref<!tpu.dma_semaphore, #tpu.memory_space<semaphore_mem>>) src(%arg8 : memref<128x128xf32, #tpu.memory_space<vmem>>) dst(%dma_wait3A_315 : memref<10240x128xf32, #tpu.memory_space<vmem_shared>>)
    %barrier3A_316 = arith.constant 0 : index
    tpu.barrier barrier_id(%barrier3A_316)
    "tpu.region"() ({
      %run_scoped3A = tpu.sem_alloc : memref<!tpu.dma_semaphore, #tpu.memory_space<semaphore_mem>>
      %dma_start3A_317 = arith.constant 0 : i32
      %dma_start3A_318 = tpu.memref_slice %arg5[%arg0, %mul3A_2, %dma_start3A_317] : memref<2x10240x128xf32, #tpu.memory_space<hbm>> -> memref<1x640x128xf32, #tpu.memory_space<hbm>>
      %dma_start3A_319 = tpu.memref_squeeze %dma_start3A_318 : memref<1x640x128xf32, #tpu.memory_space<hbm>> -> memref<640x128xf32, #tpu.memory_space<hbm>>
      %dma_start3A_320 = arith.constant 0 : i32
      %dma_start3A_321 = tpu.memref_slice %arg10[%mul3A_2, %dma_start3A_320] : memref<10240x128xf32, #tpu.memory_space<vmem_shared>> -> memref<640x128xf32, #tpu.memory_space<vmem_shared>>
      tpu.enqueue_dma source(%dma_start3A_321 : memref<640x128xf32, #tpu.memory_space<vmem_shared>>) target(%dma_start3A_319 : memref<640x128xf32, #tpu.memory_space<hbm>>) target_semaphore(%run_scoped3A : memref<!tpu.dma_semaphore, #tpu.memory_space<semaphore_mem>>)
      %dma_wait3A_322 = arith.constant 0 : i32
      %dma_wait3A_323 = tpu.memref_slice %arg5[%arg0, %mul3A_2, %dma_wait3A_322] : memref<2x10240x128xf32, #tpu.memory_space<hbm>> -> memref<1x640x128xf32, #tpu.memory_space<hbm>>
      %dma_wait3A_324 = tpu.memref_squeeze %dma_wait3A_323 : memref<1x640x128xf32, #tpu.memory_space<hbm>> -> memref<640x128xf32, #tpu.memory_space<hbm>>
      %dma_wait3A_325 = arith.constant 0 : i32
      %dma_wait3A_326 = tpu.memref_slice %arg10[%mul3A_2, %dma_wait3A_325] : memref<10240x128xf32, #tpu.memory_space<vmem_shared>> -> memref<640x128xf32, #tpu.memory_space<vmem_shared>>
      tpu.wait_dma2 semaphore(%run_scoped3A : memref<!tpu.dma_semaphore, #tpu.memory_space<semaphore_mem>>) src(%dma_wait3A_326 : memref<640x128xf32, #tpu.memory_space<vmem_shared>>) dst(%dma_wait3A_324 : memref<640x128xf32, #tpu.memory_space<hbm>>)
      tpu.yield
    }) : () -> ()
    return
  }
}

#map = affine_map<(d0, d1) -> (0, 0)>
#map1 = affine_map<(d0, d1) -> (0)>
#map2 = affine_map<(d0, d1) -> (0, 0, 0)>
module attributes {stable_mosaic.version = 14 : i64} {
  func.func @_spmm(%arg0: i32, %arg1: i32, %arg2: memref<10240x128xf32, #tpu.memory_space<hbm>>, %arg3: memref<647424xi32, #tpu.memory_space<hbm>>, %arg4: memref<640x128xf32, #tpu.memory_space<hbm>>, %arg5: memref<2x10240x128xf32, #tpu.memory_space<hbm>>, %arg6: memref<2048xi32, #tpu.memory_space<vmem>>, %arg7: memref<2048xi32, #tpu.memory_space<vmem>>, %arg8: memref<128x128xf32, #tpu.memory_space<vmem>>, %arg9: memref<128x128xf32, #tpu.memory_space<vmem>>, %arg10: memref<10240x128xf32, #tpu.memory_space<vmem_shared>>, %arg11: memref<!tpu.dma_semaphore, #tpu.memory_space<semaphore_mem>>, %arg12: memref<!tpu.dma_semaphore, #tpu.memory_space<semaphore_mem>>, %arg13: memref<!tpu.dma_semaphore, #tpu.memory_space<semaphore_mem>>) attributes {dimension_semantics = [#tpu.dimension_semantics<core_parallel>, #tpu.dimension_semantics<subcore_parallel>], iteration_bounds = array<i64: 2, 16>, scalar_prefetch = 0 : i64, scratch_operands = 8 : i64, tpu.core_type = #tpu.core_type<sc_vector_subcore>, window_params = [{transform_indices = #map}, {transform_indices = #map1}, {transform_indices = #map}, {transform_indices = #map2}]} {
    %mul3A = arith.constant 2 : i32
    %mul3A_0 = arith.muli %arg1, %mul3A : i32
    %add3A = arith.addi %mul3A_0, %arg0 : i32
    %mul3A_1 = arith.constant 640 : i32
    %mul3A_2 = arith.muli %arg1, %mul3A_1 : i32
    "tpu.region"() ({
      %run_scoped3A = tpu.sem_alloc : memref<!tpu.dma_semaphore, #tpu.memory_space<semaphore_mem>>
      %dma_start3A_317 = arith.constant 0 : i32
      %dma_start3A_318 = tpu.memref_slice %arg10[%mul3A_2, %dma_start3A_317] : memref<10240x128xf32, #tpu.memory_space<vmem_shared>> -> memref<640x128xf32, #tpu.memory_space<vmem_shared>>
      tpu.enqueue_dma source(%arg4 : memref<640x128xf32, #tpu.memory_space<hbm>>) target(%dma_start3A_318 : memref<640x128xf32, #tpu.memory_space<vmem_shared>>) target_semaphore(%run_scoped3A : memref<!tpu.dma_semaphore, #tpu.memory_space<semaphore_mem>>)
      %dma_wait3A_319 = arith.constant 0 : i32
      %dma_wait3A_320 = tpu.memref_slice %arg10[%mul3A_2, %dma_wait3A_319] : memref<10240x128xf32, #tpu.memory_space<vmem_shared>> -> memref<640x128xf32, #tpu.memory_space<vmem_shared>>
      tpu.wait_dma2 semaphore(%run_scoped3A : memref<!tpu.dma_semaphore, #tpu.memory_space<semaphore_mem>>) src(%arg4 : memref<640x128xf32, #tpu.memory_space<hbm>>) dst(%dma_wait3A_320 : memref<640x128xf32, #tpu.memory_space<vmem_shared>>)
      tpu.yield
    }) : () -> ()
    %barrier3A = arith.constant 0 : index
    tpu.barrier barrier_id(%barrier3A)
    %mul3A_3 = arith.constant 79 : i32
    %mul3A_4 = arith.muli %add3A, %mul3A_3 : i32
    %mul3A_5 = arith.constant 2 : i32
    %mul3A_6 = arith.muli %mul3A_4, %mul3A_5 : i32
    %mul3A_7 = arith.constant 128 : i32
    %mul3A_8 = arith.muli %mul3A_6, %mul3A_7 : i32
    %add3A_9 = arith.constant 0 : i32
    %add3A_10 = arith.addi %mul3A_8, %add3A_9 : i32
    "tpu.region"() ({
      %run_scoped3A = tpu.sem_alloc : memref<!tpu.dma_semaphore, #tpu.memory_space<semaphore_mem>>
      %dma_start3A_317 = tpu.memref_slice %arg3[%add3A_10] : memref<647424xi32, #tpu.memory_space<hbm>> -> memref<2048xi32, #tpu.memory_space<hbm>>
      %dma_start3A_318 = tpu.memref_slice %arg3[%add3A_10] : memref<647424xi32, #tpu.memory_space<hbm>> -> memref<2048xi32, #tpu.memory_space<hbm>>
      tpu.enqueue_dma source(%dma_start3A_318 : memref<2048xi32, #tpu.memory_space<hbm>>) target(%arg6 : memref<2048xi32, #tpu.memory_space<vmem>>) target_semaphore(%run_scoped3A : memref<!tpu.dma_semaphore, #tpu.memory_space<semaphore_mem>>)
      %dma_wait3A_319 = tpu.memref_slice %arg3[%add3A_10] : memref<647424xi32, #tpu.memory_space<hbm>> -> memref<2048xi32, #tpu.memory_space<hbm>>
      %dma_wait3A_320 = tpu.memref_slice %arg3[%add3A_10] : memref<647424xi32, #tpu.memory_space<hbm>> -> memref<2048xi32, #tpu.memory_space<hbm>>
      tpu.wait_dma2 semaphore(%run_scoped3A : memref<!tpu.dma_semaphore, #tpu.memory_space<semaphore_mem>>) src(%dma_wait3A_320 : memref<2048xi32, #tpu.memory_space<hbm>>) dst(%arg6 : memref<2048xi32, #tpu.memory_space<vmem>>)
      tpu.yield
    }) : () -> ()
    %dma_start3A = arith.constant 0 : i32
    %dma_start3A_11 = tpu.memref_slice %arg6[%dma_start3A] : memref<2048xi32, #tpu.memory_space<vmem>> -> memref<128xi32, #tpu.memory_space<vmem>>
    %dma_start3A_12 = arith.constant 0 : i32
    %dma_start3A_13 = arith.constant 0 : i32
    %dma_start3A_14 = tpu.memref_slice %arg2[%dma_start3A_12, %dma_start3A_13] : memref<10240x128xf32, #tpu.memory_space<hbm>> -> memref<10240x128xf32, #tpu.memory_space<hbm>>
    tpu.enqueue_indirect_dma source(%dma_start3A_14 : memref<10240x128xf32, #tpu.memory_space<hbm>>) target(%arg8 : memref<128x128xf32, #tpu.memory_space<vmem>>) offsets(%dma_start3A_11 : memref<128xi32, #tpu.memory_space<vmem>>) semaphore(%arg11 : memref<!tpu.dma_semaphore, #tpu.memory_space<semaphore_mem>>)
    %dma_wait3A = arith.constant 0 : i32
    %dma_wait3A_15 = tpu.memref_slice %arg6[%dma_wait3A] : memref<2048xi32, #tpu.memory_space<vmem>> -> memref<128xi32, #tpu.memory_space<vmem>>
    %dma_wait3A_16 = arith.constant 0 : i32
    %dma_wait3A_17 = arith.constant 0 : i32
    %dma_wait3A_18 = tpu.memref_slice %arg2[%dma_wait3A_16, %dma_wait3A_17] : memref<10240x128xf32, #tpu.memory_space<hbm>> -> memref<10240x128xf32, #tpu.memory_space<hbm>>
    tpu.wait_indirect_dma semaphore(%arg11 : memref<!tpu.dma_semaphore, #tpu.memory_space<semaphore_mem>>) src(%dma_wait3A_18 : memref<10240x128xf32, #tpu.memory_space<hbm>>) dst(%arg8 : memref<128x128xf32, #tpu.memory_space<vmem>>)
    %dma_start3A_19 = arith.constant 128 : i32
    %dma_start3A_20 = tpu.memref_slice %arg6[%dma_start3A_19] : memref<2048xi32, #tpu.memory_space<vmem>> -> memref<128xi32, #tpu.memory_space<vmem>>
    %dma_start3A_21 = arith.constant 0 : i32
    %dma_start3A_22 = arith.constant 0 : i32
    %dma_start3A_23 = tpu.memref_slice %arg10[%dma_start3A_21, %dma_start3A_22] : memref<10240x128xf32, #tpu.memory_space<vmem_shared>> -> memref<10240x128xf32, #tpu.memory_space<vmem_shared>>
    tpu.enqueue_indirect_dma source(%arg8 : memref<128x128xf32, #tpu.memory_space<vmem>>) target(%dma_start3A_23 : memref<10240x128xf32, #tpu.memory_space<vmem_shared>>) offsets(%dma_start3A_20 : memref<128xi32, #tpu.memory_space<vmem>>) semaphore(%arg12 : memref<!tpu.dma_semaphore, #tpu.memory_space<semaphore_mem>>) {add = true}
    %dma_start3A_24 = arith.constant 256 : i32
    %dma_start3A_25 = tpu.memref_slice %arg6[%dma_start3A_24] : memref<2048xi32, #tpu.memory_space<vmem>> -> memref<128xi32, #tpu.memory_space<vmem>>
    %dma_start3A_26 = arith.constant 0 : i32
    %dma_start3A_27 = arith.constant 0 : i32
    %dma_start3A_28 = tpu.memref_slice %arg2[%dma_start3A_26, %dma_start3A_27] : memref<10240x128xf32, #tpu.memory_space<hbm>> -> memref<10240x128xf32, #tpu.memory_space<hbm>>
    tpu.enqueue_indirect_dma source(%dma_start3A_28 : memref<10240x128xf32, #tpu.memory_space<hbm>>) target(%arg9 : memref<128x128xf32, #tpu.memory_space<vmem>>) offsets(%dma_start3A_25 : memref<128xi32, #tpu.memory_space<vmem>>) semaphore(%arg11 : memref<!tpu.dma_semaphore, #tpu.memory_space<semaphore_mem>>)
    %dma_wait3A_29 = arith.constant 256 : i32
    %dma_wait3A_30 = tpu.memref_slice %arg6[%dma_wait3A_29] : memref<2048xi32, #tpu.memory_space<vmem>> -> memref<128xi32, #tpu.memory_space<vmem>>
    %dma_wait3A_31 = arith.constant 0 : i32
    %dma_wait3A_32 = arith.constant 0 : i32
    %dma_wait3A_33 = tpu.memref_slice %arg2[%dma_wait3A_31, %dma_wait3A_32] : memref<10240x128xf32, #tpu.memory_space<hbm>> -> memref<10240x128xf32, #tpu.memory_space<hbm>>
    tpu.wait_indirect_dma semaphore(%arg11 : memref<!tpu.dma_semaphore, #tpu.memory_space<semaphore_mem>>) src(%dma_wait3A_33 : memref<10240x128xf32, #tpu.memory_space<hbm>>) dst(%arg9 : memref<128x128xf32, #tpu.memory_space<vmem>>)
    %dma_start3A_34 = arith.constant 384 : i32
    %dma_start3A_35 = tpu.memref_slice %arg6[%dma_start3A_34] : memref<2048xi32, #tpu.memory_space<vmem>> -> memref<128xi32, #tpu.memory_space<vmem>>
    %dma_start3A_36 = arith.constant 0 : i32
    %dma_start3A_37 = arith.constant 0 : i32
    %dma_start3A_38 = tpu.memref_slice %arg10[%dma_start3A_36, %dma_start3A_37] : memref<10240x128xf32, #tpu.memory_space<vmem_shared>> -> memref<10240x128xf32, #tpu.memory_space<vmem_shared>>
    tpu.enqueue_indirect_dma source(%arg9 : memref<128x128xf32, #tpu.memory_space<vmem>>) target(%dma_start3A_38 : memref<10240x128xf32, #tpu.memory_space<vmem_shared>>) offsets(%dma_start3A_35 : memref<128xi32, #tpu.memory_space<vmem>>) semaphore(%arg13 : memref<!tpu.dma_semaphore, #tpu.memory_space<semaphore_mem>>) {add = true}
    %dma_wait3A_39 = arith.constant 128 : i32
    %dma_wait3A_40 = tpu.memref_slice %arg6[%dma_wait3A_39] : memref<2048xi32, #tpu.memory_space<vmem>> -> memref<128xi32, #tpu.memory_space<vmem>>
    %dma_wait3A_41 = arith.constant 0 : i32
    %dma_wait3A_42 = arith.constant 0 : i32
    %dma_wait3A_43 = tpu.memref_slice %arg10[%dma_wait3A_41, %dma_wait3A_42] : memref<10240x128xf32, #tpu.memory_space<vmem_shared>> -> memref<10240x128xf32, #tpu.memory_space<vmem_shared>>
    tpu.wait_indirect_dma semaphore(%arg12 : memref<!tpu.dma_semaphore, #tpu.memory_space<semaphore_mem>>) src(%arg8 : memref<128x128xf32, #tpu.memory_space<vmem>>) dst(%dma_wait3A_43 : memref<10240x128xf32, #tpu.memory_space<vmem_shared>>)
    %dma_start3A_44 = arith.constant 512 : i32
    %dma_start3A_45 = tpu.memref_slice %arg6[%dma_start3A_44] : memref<2048xi32, #tpu.memory_space<vmem>> -> memref<128xi32, #tpu.memory_space<vmem>>
    %dma_start3A_46 = arith.constant 0 : i32
    %dma_start3A_47 = arith.constant 0 : i32
    %dma_start3A_48 = tpu.memref_slice %arg2[%dma_start3A_46, %dma_start3A_47] : memref<10240x128xf32, #tpu.memory_space<hbm>> -> memref<10240x128xf32, #tpu.memory_space<hbm>>
    tpu.enqueue_indirect_dma source(%dma_start3A_48 : memref<10240x128xf32, #tpu.memory_space<hbm>>) target(%arg8 : memref<128x128xf32, #tpu.memory_space<vmem>>) offsets(%dma_start3A_45 : memref<128xi32, #tpu.memory_space<vmem>>) semaphore(%arg11 : memref<!tpu.dma_semaphore, #tpu.memory_space<semaphore_mem>>)
    %dma_wait3A_49 = arith.constant 512 : i32
    %dma_wait3A_50 = tpu.memref_slice %arg6[%dma_wait3A_49] : memref<2048xi32, #tpu.memory_space<vmem>> -> memref<128xi32, #tpu.memory_space<vmem>>
    %dma_wait3A_51 = arith.constant 0 : i32
    %dma_wait3A_52 = arith.constant 0 : i32
    %dma_wait3A_53 = tpu.memref_slice %arg2[%dma_wait3A_51, %dma_wait3A_52] : memref<10240x128xf32, #tpu.memory_space<hbm>> -> memref<10240x128xf32, #tpu.memory_space<hbm>>
    tpu.wait_indirect_dma semaphore(%arg11 : memref<!tpu.dma_semaphore, #tpu.memory_space<semaphore_mem>>) src(%dma_wait3A_53 : memref<10240x128xf32, #tpu.memory_space<hbm>>) dst(%arg8 : memref<128x128xf32, #tpu.memory_space<vmem>>)
    %dma_start3A_54 = arith.constant 640 : i32
    %dma_start3A_55 = tpu.memref_slice %arg6[%dma_start3A_54] : memref<2048xi32, #tpu.memory_space<vmem>> -> memref<128xi32, #tpu.memory_space<vmem>>
    %dma_start3A_56 = arith.constant 0 : i32
    %dma_start3A_57 = arith.constant 0 : i32
    %dma_start3A_58 = tpu.memref_slice %arg10[%dma_start3A_56, %dma_start3A_57] : memref<10240x128xf32, #tpu.memory_space<vmem_shared>> -> memref<10240x128xf32, #tpu.memory_space<vmem_shared>>
    tpu.enqueue_indirect_dma source(%arg8 : memref<128x128xf32, #tpu.memory_space<vmem>>) target(%dma_start3A_58 : memref<10240x128xf32, #tpu.memory_space<vmem_shared>>) offsets(%dma_start3A_55 : memref<128xi32, #tpu.memory_space<vmem>>) semaphore(%arg12 : memref<!tpu.dma_semaphore, #tpu.memory_space<semaphore_mem>>) {add = true}
    %dma_wait3A_59 = arith.constant 128 : i32
    %dma_wait3A_60 = tpu.memref_slice %arg6[%dma_wait3A_59] : memref<2048xi32, #tpu.memory_space<vmem>> -> memref<128xi32, #tpu.memory_space<vmem>>
    %dma_wait3A_61 = arith.constant 0 : i32
    %dma_wait3A_62 = arith.constant 0 : i32
    %dma_wait3A_63 = tpu.memref_slice %arg10[%dma_wait3A_61, %dma_wait3A_62] : memref<10240x128xf32, #tpu.memory_space<vmem_shared>> -> memref<10240x128xf32, #tpu.memory_space<vmem_shared>>
    tpu.wait_indirect_dma semaphore(%arg13 : memref<!tpu.dma_semaphore, #tpu.memory_space<semaphore_mem>>) src(%arg9 : memref<128x128xf32, #tpu.memory_space<vmem>>) dst(%dma_wait3A_63 : memref<10240x128xf32, #tpu.memory_space<vmem_shared>>)
    %dma_start3A_64 = arith.constant 768 : i32
    %dma_start3A_65 = tpu.memref_slice %arg6[%dma_start3A_64] : memref<2048xi32, #tpu.memory_space<vmem>> -> memref<128xi32, #tpu.memory_space<vmem>>
    %dma_start3A_66 = arith.constant 0 : i32
    %dma_start3A_67 = arith.constant 0 : i32
    %dma_start3A_68 = tpu.memref_slice %arg2[%dma_start3A_66, %dma_start3A_67] : memref<10240x128xf32, #tpu.memory_space<hbm>> -> memref<10240x128xf32, #tpu.memory_space<hbm>>
    tpu.enqueue_indirect_dma source(%dma_start3A_68 : memref<10240x128xf32, #tpu.memory_space<hbm>>) target(%arg9 : memref<128x128xf32, #tpu.memory_space<vmem>>) offsets(%dma_start3A_65 : memref<128xi32, #tpu.memory_space<vmem>>) semaphore(%arg11 : memref<!tpu.dma_semaphore, #tpu.memory_space<semaphore_mem>>)
    %dma_wait3A_69 = arith.constant 768 : i32
    %dma_wait3A_70 = tpu.memref_slice %arg6[%dma_wait3A_69] : memref<2048xi32, #tpu.memory_space<vmem>> -> memref<128xi32, #tpu.memory_space<vmem>>
    %dma_wait3A_71 = arith.constant 0 : i32
    %dma_wait3A_72 = arith.constant 0 : i32
    %dma_wait3A_73 = tpu.memref_slice %arg2[%dma_wait3A_71, %dma_wait3A_72] : memref<10240x128xf32, #tpu.memory_space<hbm>> -> memref<10240x128xf32, #tpu.memory_space<hbm>>
    tpu.wait_indirect_dma semaphore(%arg11 : memref<!tpu.dma_semaphore, #tpu.memory_space<semaphore_mem>>) src(%dma_wait3A_73 : memref<10240x128xf32, #tpu.memory_space<hbm>>) dst(%arg9 : memref<128x128xf32, #tpu.memory_space<vmem>>)
    %dma_start3A_74 = arith.constant 896 : i32
    %dma_start3A_75 = tpu.memref_slice %arg6[%dma_start3A_74] : memref<2048xi32, #tpu.memory_space<vmem>> -> memref<128xi32, #tpu.memory_space<vmem>>
    %dma_start3A_76 = arith.constant 0 : i32
    %dma_start3A_77 = arith.constant 0 : i32
    %dma_start3A_78 = tpu.memref_slice %arg10[%dma_start3A_76, %dma_start3A_77] : memref<10240x128xf32, #tpu.memory_space<vmem_shared>> -> memref<10240x128xf32, #tpu.memory_space<vmem_shared>>
    tpu.enqueue_indirect_dma source(%arg9 : memref<128x128xf32, #tpu.memory_space<vmem>>) target(%dma_start3A_78 : memref<10240x128xf32, #tpu.memory_space<vmem_shared>>) offsets(%dma_start3A_75 : memref<128xi32, #tpu.memory_space<vmem>>) semaphore(%arg13 : memref<!tpu.dma_semaphore, #tpu.memory_space<semaphore_mem>>) {add = true}
    %dma_wait3A_79 = arith.constant 128 : i32
    %dma_wait3A_80 = tpu.memref_slice %arg6[%dma_wait3A_79] : memref<2048xi32, #tpu.memory_space<vmem>> -> memref<128xi32, #tpu.memory_space<vmem>>
    %dma_wait3A_81 = arith.constant 0 : i32
    %dma_wait3A_82 = arith.constant 0 : i32
    %dma_wait3A_83 = tpu.memref_slice %arg10[%dma_wait3A_81, %dma_wait3A_82] : memref<10240x128xf32, #tpu.memory_space<vmem_shared>> -> memref<10240x128xf32, #tpu.memory_space<vmem_shared>>
    tpu.wait_indirect_dma semaphore(%arg12 : memref<!tpu.dma_semaphore, #tpu.memory_space<semaphore_mem>>) src(%arg8 : memref<128x128xf32, #tpu.memory_space<vmem>>) dst(%dma_wait3A_83 : memref<10240x128xf32, #tpu.memory_space<vmem_shared>>)
    %dma_start3A_84 = arith.constant 1024 : i32
    %dma_start3A_85 = tpu.memref_slice %arg6[%dma_start3A_84] : memref<2048xi32, #tpu.memory_space<vmem>> -> memref<128xi32, #tpu.memory_space<vmem>>
    %dma_start3A_86 = arith.constant 0 : i32
    %dma_start3A_87 = arith.constant 0 : i32
    %dma_start3A_88 = tpu.memref_slice %arg2[%dma_start3A_86, %dma_start3A_87] : memref<10240x128xf32, #tpu.memory_space<hbm>> -> memref<10240x128xf32, #tpu.memory_space<hbm>>
    tpu.enqueue_indirect_dma source(%dma_start3A_88 : memref<10240x128xf32, #tpu.memory_space<hbm>>) target(%arg8 : memref<128x128xf32, #tpu.memory_space<vmem>>) offsets(%dma_start3A_85 : memref<128xi32, #tpu.memory_space<vmem>>) semaphore(%arg11 : memref<!tpu.dma_semaphore, #tpu.memory_space<semaphore_mem>>)
    %dma_wait3A_89 = arith.constant 1024 : i32
    %dma_wait3A_90 = tpu.memref_slice %arg6[%dma_wait3A_89] : memref<2048xi32, #tpu.memory_space<vmem>> -> memref<128xi32, #tpu.memory_space<vmem>>
    %dma_wait3A_91 = arith.constant 0 : i32
    %dma_wait3A_92 = arith.constant 0 : i32
    %dma_wait3A_93 = tpu.memref_slice %arg2[%dma_wait3A_91, %dma_wait3A_92] : memref<10240x128xf32, #tpu.memory_space<hbm>> -> memref<10240x128xf32, #tpu.memory_space<hbm>>
    tpu.wait_indirect_dma semaphore(%arg11 : memref<!tpu.dma_semaphore, #tpu.memory_space<semaphore_mem>>) src(%dma_wait3A_93 : memref<10240x128xf32, #tpu.memory_space<hbm>>) dst(%arg8 : memref<128x128xf32, #tpu.memory_space<vmem>>)
    %dma_start3A_94 = arith.constant 1152 : i32
    %dma_start3A_95 = tpu.memref_slice %arg6[%dma_start3A_94] : memref<2048xi32, #tpu.memory_space<vmem>> -> memref<128xi32, #tpu.memory_space<vmem>>
    %dma_start3A_96 = arith.constant 0 : i32
    %dma_start3A_97 = arith.constant 0 : i32
    %dma_start3A_98 = tpu.memref_slice %arg10[%dma_start3A_96, %dma_start3A_97] : memref<10240x128xf32, #tpu.memory_space<vmem_shared>> -> memref<10240x128xf32, #tpu.memory_space<vmem_shared>>
    tpu.enqueue_indirect_dma source(%arg8 : memref<128x128xf32, #tpu.memory_space<vmem>>) target(%dma_start3A_98 : memref<10240x128xf32, #tpu.memory_space<vmem_shared>>) offsets(%dma_start3A_95 : memref<128xi32, #tpu.memory_space<vmem>>) semaphore(%arg12 : memref<!tpu.dma_semaphore, #tpu.memory_space<semaphore_mem>>) {add = true}
    %dma_wait3A_99 = arith.constant 128 : i32
    %dma_wait3A_100 = tpu.memref_slice %arg6[%dma_wait3A_99] : memref<2048xi32, #tpu.memory_space<vmem>> -> memref<128xi32, #tpu.memory_space<vmem>>
    %dma_wait3A_101 = arith.constant 0 : i32
    %dma_wait3A_102 = arith.constant 0 : i32
    %dma_wait3A_103 = tpu.memref_slice %arg10[%dma_wait3A_101, %dma_wait3A_102] : memref<10240x128xf32, #tpu.memory_space<vmem_shared>> -> memref<10240x128xf32, #tpu.memory_space<vmem_shared>>
    tpu.wait_indirect_dma semaphore(%arg13 : memref<!tpu.dma_semaphore, #tpu.memory_space<semaphore_mem>>) src(%arg9 : memref<128x128xf32, #tpu.memory_space<vmem>>) dst(%dma_wait3A_103 : memref<10240x128xf32, #tpu.memory_space<vmem_shared>>)
    %dma_start3A_104 = arith.constant 1280 : i32
    %dma_start3A_105 = tpu.memref_slice %arg6[%dma_start3A_104] : memref<2048xi32, #tpu.memory_space<vmem>> -> memref<128xi32, #tpu.memory_space<vmem>>
    %dma_start3A_106 = arith.constant 0 : i32
    %dma_start3A_107 = arith.constant 0 : i32
    %dma_start3A_108 = tpu.memref_slice %arg2[%dma_start3A_106, %dma_start3A_107] : memref<10240x128xf32, #tpu.memory_space<hbm>> -> memref<10240x128xf32, #tpu.memory_space<hbm>>
    tpu.enqueue_indirect_dma source(%dma_start3A_108 : memref<10240x128xf32, #tpu.memory_space<hbm>>) target(%arg9 : memref<128x128xf32, #tpu.memory_space<vmem>>) offsets(%dma_start3A_105 : memref<128xi32, #tpu.memory_space<vmem>>) semaphore(%arg11 : memref<!tpu.dma_semaphore, #tpu.memory_space<semaphore_mem>>)
    %dma_wait3A_109 = arith.constant 1280 : i32
    %dma_wait3A_110 = tpu.memref_slice %arg6[%dma_wait3A_109] : memref<2048xi32, #tpu.memory_space<vmem>> -> memref<128xi32, #tpu.memory_space<vmem>>
    %dma_wait3A_111 = arith.constant 0 : i32
    %dma_wait3A_112 = arith.constant 0 : i32
    %dma_wait3A_113 = tpu.memref_slice %arg2[%dma_wait3A_111, %dma_wait3A_112] : memref<10240x128xf32, #tpu.memory_space<hbm>> -> memref<10240x128xf32, #tpu.memory_space<hbm>>
    tpu.wait_indirect_dma semaphore(%arg11 : memref<!tpu.dma_semaphore, #tpu.memory_space<semaphore_mem>>) src(%dma_wait3A_113 : memref<10240x128xf32, #tpu.memory_space<hbm>>) dst(%arg9 : memref<128x128xf32, #tpu.memory_space<vmem>>)
    %dma_start3A_114 = arith.constant 1408 : i32
    %dma_start3A_115 = tpu.memref_slice %arg6[%dma_start3A_114] : memref<2048xi32, #tpu.memory_space<vmem>> -> memref<128xi32, #tpu.memory_space<vmem>>
    %dma_start3A_116 = arith.constant 0 : i32
    %dma_start3A_117 = arith.constant 0 : i32
    %dma_start3A_118 = tpu.memref_slice %arg10[%dma_start3A_116, %dma_start3A_117] : memref<10240x128xf32, #tpu.memory_space<vmem_shared>> -> memref<10240x128xf32, #tpu.memory_space<vmem_shared>>
    tpu.enqueue_indirect_dma source(%arg9 : memref<128x128xf32, #tpu.memory_space<vmem>>) target(%dma_start3A_118 : memref<10240x128xf32, #tpu.memory_space<vmem_shared>>) offsets(%dma_start3A_115 : memref<128xi32, #tpu.memory_space<vmem>>) semaphore(%arg13 : memref<!tpu.dma_semaphore, #tpu.memory_space<semaphore_mem>>) {add = true}
    %dma_wait3A_119 = arith.constant 128 : i32
    %dma_wait3A_120 = tpu.memref_slice %arg6[%dma_wait3A_119] : memref<2048xi32, #tpu.memory_space<vmem>> -> memref<128xi32, #tpu.memory_space<vmem>>
    %dma_wait3A_121 = arith.constant 0 : i32
    %dma_wait3A_122 = arith.constant 0 : i32
    %dma_wait3A_123 = tpu.memref_slice %arg10[%dma_wait3A_121, %dma_wait3A_122] : memref<10240x128xf32, #tpu.memory_space<vmem_shared>> -> memref<10240x128xf32, #tpu.memory_space<vmem_shared>>
    tpu.wait_indirect_dma semaphore(%arg12 : memref<!tpu.dma_semaphore, #tpu.memory_space<semaphore_mem>>) src(%arg8 : memref<128x128xf32, #tpu.memory_space<vmem>>) dst(%dma_wait3A_123 : memref<10240x128xf32, #tpu.memory_space<vmem_shared>>)
    %dma_start3A_124 = arith.constant 1536 : i32
    %dma_start3A_125 = tpu.memref_slice %arg6[%dma_start3A_124] : memref<2048xi32, #tpu.memory_space<vmem>> -> memref<128xi32, #tpu.memory_space<vmem>>
    %dma_start3A_126 = arith.constant 0 : i32
    %dma_start3A_127 = arith.constant 0 : i32
    %dma_start3A_128 = tpu.memref_slice %arg2[%dma_start3A_126, %dma_start3A_127] : memref<10240x128xf32, #tpu.memory_space<hbm>> -> memref<10240x128xf32, #tpu.memory_space<hbm>>
    tpu.enqueue_indirect_dma source(%dma_start3A_128 : memref<10240x128xf32, #tpu.memory_space<hbm>>) target(%arg8 : memref<128x128xf32, #tpu.memory_space<vmem>>) offsets(%dma_start3A_125 : memref<128xi32, #tpu.memory_space<vmem>>) semaphore(%arg11 : memref<!tpu.dma_semaphore, #tpu.memory_space<semaphore_mem>>)
    %dma_wait3A_129 = arith.constant 1536 : i32
    %dma_wait3A_130 = tpu.memref_slice %arg6[%dma_wait3A_129] : memref<2048xi32, #tpu.memory_space<vmem>> -> memref<128xi32, #tpu.memory_space<vmem>>
    %dma_wait3A_131 = arith.constant 0 : i32
    %dma_wait3A_132 = arith.constant 0 : i32
    %dma_wait3A_133 = tpu.memref_slice %arg2[%dma_wait3A_131, %dma_wait3A_132] : memref<10240x128xf32, #tpu.memory_space<hbm>> -> memref<10240x128xf32, #tpu.memory_space<hbm>>
    tpu.wait_indirect_dma semaphore(%arg11 : memref<!tpu.dma_semaphore, #tpu.memory_space<semaphore_mem>>) src(%dma_wait3A_133 : memref<10240x128xf32, #tpu.memory_space<hbm>>) dst(%arg8 : memref<128x128xf32, #tpu.memory_space<vmem>>)
    %dma_start3A_134 = arith.constant 1664 : i32
    %dma_start3A_135 = tpu.memref_slice %arg6[%dma_start3A_134] : memref<2048xi32, #tpu.memory_space<vmem>> -> memref<128xi32, #tpu.memory_space<vmem>>
    %dma_start3A_136 = arith.constant 0 : i32
    %dma_start3A_137 = arith.constant 0 : i32
    %dma_start3A_138 = tpu.memref_slice %arg10[%dma_start3A_136, %dma_start3A_137] : memref<10240x128xf32, #tpu.memory_space<vmem_shared>> -> memref<10240x128xf32, #tpu.memory_space<vmem_shared>>
    tpu.enqueue_indirect_dma source(%arg8 : memref<128x128xf32, #tpu.memory_space<vmem>>) target(%dma_start3A_138 : memref<10240x128xf32, #tpu.memory_space<vmem_shared>>) offsets(%dma_start3A_135 : memref<128xi32, #tpu.memory_space<vmem>>) semaphore(%arg12 : memref<!tpu.dma_semaphore, #tpu.memory_space<semaphore_mem>>) {add = true}
    %dma_wait3A_139 = arith.constant 128 : i32
    %dma_wait3A_140 = tpu.memref_slice %arg6[%dma_wait3A_139] : memref<2048xi32, #tpu.memory_space<vmem>> -> memref<128xi32, #tpu.memory_space<vmem>>
    %dma_wait3A_141 = arith.constant 0 : i32
    %dma_wait3A_142 = arith.constant 0 : i32
    %dma_wait3A_143 = tpu.memref_slice %arg10[%dma_wait3A_141, %dma_wait3A_142] : memref<10240x128xf32, #tpu.memory_space<vmem_shared>> -> memref<10240x128xf32, #tpu.memory_space<vmem_shared>>
    tpu.wait_indirect_dma semaphore(%arg13 : memref<!tpu.dma_semaphore, #tpu.memory_space<semaphore_mem>>) src(%arg9 : memref<128x128xf32, #tpu.memory_space<vmem>>) dst(%dma_wait3A_143 : memref<10240x128xf32, #tpu.memory_space<vmem_shared>>)
    %dma_start3A_144 = arith.constant 1792 : i32
    %dma_start3A_145 = tpu.memref_slice %arg6[%dma_start3A_144] : memref<2048xi32, #tpu.memory_space<vmem>> -> memref<128xi32, #tpu.memory_space<vmem>>
    %dma_start3A_146 = arith.constant 0 : i32
    %dma_start3A_147 = arith.constant 0 : i32
    %dma_start3A_148 = tpu.memref_slice %arg2[%dma_start3A_146, %dma_start3A_147] : memref<10240x128xf32, #tpu.memory_space<hbm>> -> memref<10240x128xf32, #tpu.memory_space<hbm>>
    tpu.enqueue_indirect_dma source(%dma_start3A_148 : memref<10240x128xf32, #tpu.memory_space<hbm>>) target(%arg9 : memref<128x128xf32, #tpu.memory_space<vmem>>) offsets(%dma_start3A_145 : memref<128xi32, #tpu.memory_space<vmem>>) semaphore(%arg11 : memref<!tpu.dma_semaphore, #tpu.memory_space<semaphore_mem>>)
    %dma_wait3A_149 = arith.constant 1792 : i32
    %dma_wait3A_150 = tpu.memref_slice %arg6[%dma_wait3A_149] : memref<2048xi32, #tpu.memory_space<vmem>> -> memref<128xi32, #tpu.memory_space<vmem>>
    %dma_wait3A_151 = arith.constant 0 : i32
    %dma_wait3A_152 = arith.constant 0 : i32
    %dma_wait3A_153 = tpu.memref_slice %arg2[%dma_wait3A_151, %dma_wait3A_152] : memref<10240x128xf32, #tpu.memory_space<hbm>> -> memref<10240x128xf32, #tpu.memory_space<hbm>>
    tpu.wait_indirect_dma semaphore(%arg11 : memref<!tpu.dma_semaphore, #tpu.memory_space<semaphore_mem>>) src(%dma_wait3A_153 : memref<10240x128xf32, #tpu.memory_space<hbm>>) dst(%arg9 : memref<128x128xf32, #tpu.memory_space<vmem>>)
    %dma_start3A_154 = arith.constant 1920 : i32
    %dma_start3A_155 = tpu.memref_slice %arg6[%dma_start3A_154] : memref<2048xi32, #tpu.memory_space<vmem>> -> memref<128xi32, #tpu.memory_space<vmem>>
    %dma_start3A_156 = arith.constant 0 : i32
    %dma_start3A_157 = arith.constant 0 : i32
    %dma_start3A_158 = tpu.memref_slice %arg10[%dma_start3A_156, %dma_start3A_157] : memref<10240x128xf32, #tpu.memory_space<vmem_shared>> -> memref<10240x128xf32, #tpu.memory_space<vmem_shared>>
    tpu.enqueue_indirect_dma source(%arg9 : memref<128x128xf32, #tpu.memory_space<vmem>>) target(%dma_start3A_158 : memref<10240x128xf32, #tpu.memory_space<vmem_shared>>) offsets(%dma_start3A_155 : memref<128xi32, #tpu.memory_space<vmem>>) semaphore(%arg13 : memref<!tpu.dma_semaphore, #tpu.memory_space<semaphore_mem>>) {add = true}
    %dma_wait3A_159 = arith.constant 128 : i32
    %dma_wait3A_160 = tpu.memref_slice %arg6[%dma_wait3A_159] : memref<2048xi32, #tpu.memory_space<vmem>> -> memref<128xi32, #tpu.memory_space<vmem>>
    %dma_wait3A_161 = arith.constant 0 : i32
    %dma_wait3A_162 = arith.constant 0 : i32
    %dma_wait3A_163 = tpu.memref_slice %arg10[%dma_wait3A_161, %dma_wait3A_162] : memref<10240x128xf32, #tpu.memory_space<vmem_shared>> -> memref<10240x128xf32, #tpu.memory_space<vmem_shared>>
    tpu.wait_indirect_dma semaphore(%arg12 : memref<!tpu.dma_semaphore, #tpu.memory_space<semaphore_mem>>) src(%arg8 : memref<128x128xf32, #tpu.memory_space<vmem>>) dst(%dma_wait3A_163 : memref<10240x128xf32, #tpu.memory_space<vmem_shared>>)
    %scan3A = arith.constant 0 : i32
    %scan3A_164 = arith.constant 0 : i32
    %scan3A_165 = arith.constant 4 : i32
    %scan3A_166 = arith.addi %scan3A_164, %scan3A_165 : i32
    %scan3A_167 = arith.constant 1 : i32
    scf.for %scan3A_317 = %scan3A_164 to %scan3A_166 step %scan3A_167  : i32 {
      %mul3A_318 = arith.constant 16 : i32
      %mul3A_319 = arith.muli %mul3A_318, %scan3A_317 : i32
      %add3A_320 = arith.constant 8 : i32
      %add3A_321 = arith.addi %add3A_320, %mul3A_319 : i32
      %mul3A_322 = arith.constant 2 : i32
      %mul3A_323 = arith.muli %add3A_321, %mul3A_322 : i32
      %mul3A_324 = arith.constant 128 : i32
      %mul3A_325 = arith.muli %mul3A_323, %mul3A_324 : i32
      %add3A_326 = arith.addi %mul3A_8, %mul3A_325 : i32
      "tpu.region"() ({
        %run_scoped3A = tpu.sem_alloc : memref<!tpu.dma_semaphore, #tpu.memory_space<semaphore_mem>>
        %dma_start3A_654 = tpu.memref_slice %arg3[%add3A_326] : memref<647424xi32, #tpu.memory_space<hbm>> -> memref<2048xi32, #tpu.memory_space<hbm>>
        %dma_start3A_655 = tpu.memref_slice %arg3[%add3A_326] : memref<647424xi32, #tpu.memory_space<hbm>> -> memref<2048xi32, #tpu.memory_space<hbm>>
        tpu.enqueue_dma source(%dma_start3A_655 : memref<2048xi32, #tpu.memory_space<hbm>>) target(%arg7 : memref<2048xi32, #tpu.memory_space<vmem>>) target_semaphore(%run_scoped3A : memref<!tpu.dma_semaphore, #tpu.memory_space<semaphore_mem>>)
        %dma_wait3A_656 = tpu.memref_slice %arg3[%add3A_326] : memref<647424xi32, #tpu.memory_space<hbm>> -> memref<2048xi32, #tpu.memory_space<hbm>>
        %dma_wait3A_657 = tpu.memref_slice %arg3[%add3A_326] : memref<647424xi32, #tpu.memory_space<hbm>> -> memref<2048xi32, #tpu.memory_space<hbm>>
        tpu.wait_dma2 semaphore(%run_scoped3A : memref<!tpu.dma_semaphore, #tpu.memory_space<semaphore_mem>>) src(%dma_wait3A_657 : memref<2048xi32, #tpu.memory_space<hbm>>) dst(%arg7 : memref<2048xi32, #tpu.memory_space<vmem>>)
        tpu.yield
      }) : () -> ()
      %dma_start3A_327 = arith.constant 0 : i32
      %dma_start3A_328 = tpu.memref_slice %arg7[%dma_start3A_327] : memref<2048xi32, #tpu.memory_space<vmem>> -> memref<128xi32, #tpu.memory_space<vmem>>
      %dma_start3A_329 = arith.constant 0 : i32
      %dma_start3A_330 = arith.constant 0 : i32
      %dma_start3A_331 = tpu.memref_slice %arg2[%dma_start3A_329, %dma_start3A_330] : memref<10240x128xf32, #tpu.memory_space<hbm>> -> memref<10240x128xf32, #tpu.memory_space<hbm>>
      tpu.enqueue_indirect_dma source(%dma_start3A_331 : memref<10240x128xf32, #tpu.memory_space<hbm>>) target(%arg8 : memref<128x128xf32, #tpu.memory_space<vmem>>) offsets(%dma_start3A_328 : memref<128xi32, #tpu.memory_space<vmem>>) semaphore(%arg11 : memref<!tpu.dma_semaphore, #tpu.memory_space<semaphore_mem>>)
      %dma_wait3A_332 = arith.constant 0 : i32
      %dma_wait3A_333 = tpu.memref_slice %arg7[%dma_wait3A_332] : memref<2048xi32, #tpu.memory_space<vmem>> -> memref<128xi32, #tpu.memory_space<vmem>>
      %dma_wait3A_334 = arith.constant 0 : i32
      %dma_wait3A_335 = arith.constant 0 : i32
      %dma_wait3A_336 = tpu.memref_slice %arg2[%dma_wait3A_334, %dma_wait3A_335] : memref<10240x128xf32, #tpu.memory_space<hbm>> -> memref<10240x128xf32, #tpu.memory_space<hbm>>
      tpu.wait_indirect_dma semaphore(%arg11 : memref<!tpu.dma_semaphore, #tpu.memory_space<semaphore_mem>>) src(%dma_wait3A_336 : memref<10240x128xf32, #tpu.memory_space<hbm>>) dst(%arg8 : memref<128x128xf32, #tpu.memory_space<vmem>>)
      %dma_start3A_337 = arith.constant 128 : i32
      %dma_start3A_338 = tpu.memref_slice %arg7[%dma_start3A_337] : memref<2048xi32, #tpu.memory_space<vmem>> -> memref<128xi32, #tpu.memory_space<vmem>>
      %dma_start3A_339 = arith.constant 0 : i32
      %dma_start3A_340 = arith.constant 0 : i32
      %dma_start3A_341 = tpu.memref_slice %arg10[%dma_start3A_339, %dma_start3A_340] : memref<10240x128xf32, #tpu.memory_space<vmem_shared>> -> memref<10240x128xf32, #tpu.memory_space<vmem_shared>>
      tpu.enqueue_indirect_dma source(%arg8 : memref<128x128xf32, #tpu.memory_space<vmem>>) target(%dma_start3A_341 : memref<10240x128xf32, #tpu.memory_space<vmem_shared>>) offsets(%dma_start3A_338 : memref<128xi32, #tpu.memory_space<vmem>>) semaphore(%arg12 : memref<!tpu.dma_semaphore, #tpu.memory_space<semaphore_mem>>) {add = true}
      %dma_wait3A_342 = arith.constant 128 : i32
      %dma_wait3A_343 = tpu.memref_slice %arg7[%dma_wait3A_342] : memref<2048xi32, #tpu.memory_space<vmem>> -> memref<128xi32, #tpu.memory_space<vmem>>
      %dma_wait3A_344 = arith.constant 0 : i32
      %dma_wait3A_345 = arith.constant 0 : i32
      %dma_wait3A_346 = tpu.memref_slice %arg10[%dma_wait3A_344, %dma_wait3A_345] : memref<10240x128xf32, #tpu.memory_space<vmem_shared>> -> memref<10240x128xf32, #tpu.memory_space<vmem_shared>>
      tpu.wait_indirect_dma semaphore(%arg13 : memref<!tpu.dma_semaphore, #tpu.memory_space<semaphore_mem>>) src(%arg9 : memref<128x128xf32, #tpu.memory_space<vmem>>) dst(%dma_wait3A_346 : memref<10240x128xf32, #tpu.memory_space<vmem_shared>>)
      %dma_start3A_347 = arith.constant 256 : i32
      %dma_start3A_348 = tpu.memref_slice %arg7[%dma_start3A_347] : memref<2048xi32, #tpu.memory_space<vmem>> -> memref<128xi32, #tpu.memory_space<vmem>>
      %dma_start3A_349 = arith.constant 0 : i32
      %dma_start3A_350 = arith.constant 0 : i32
      %dma_start3A_351 = tpu.memref_slice %arg2[%dma_start3A_349, %dma_start3A_350] : memref<10240x128xf32, #tpu.memory_space<hbm>> -> memref<10240x128xf32, #tpu.memory_space<hbm>>
      tpu.enqueue_indirect_dma source(%dma_start3A_351 : memref<10240x128xf32, #tpu.memory_space<hbm>>) target(%arg9 : memref<128x128xf32, #tpu.memory_space<vmem>>) offsets(%dma_start3A_348 : memref<128xi32, #tpu.memory_space<vmem>>) semaphore(%arg11 : memref<!tpu.dma_semaphore, #tpu.memory_space<semaphore_mem>>)
      %dma_wait3A_352 = arith.constant 256 : i32
      %dma_wait3A_353 = tpu.memref_slice %arg7[%dma_wait3A_352] : memref<2048xi32, #tpu.memory_space<vmem>> -> memref<128xi32, #tpu.memory_space<vmem>>
      %dma_wait3A_354 = arith.constant 0 : i32
      %dma_wait3A_355 = arith.constant 0 : i32
      %dma_wait3A_356 = tpu.memref_slice %arg2[%dma_wait3A_354, %dma_wait3A_355] : memref<10240x128xf32, #tpu.memory_space<hbm>> -> memref<10240x128xf32, #tpu.memory_space<hbm>>
      tpu.wait_indirect_dma semaphore(%arg11 : memref<!tpu.dma_semaphore, #tpu.memory_space<semaphore_mem>>) src(%dma_wait3A_356 : memref<10240x128xf32, #tpu.memory_space<hbm>>) dst(%arg9 : memref<128x128xf32, #tpu.memory_space<vmem>>)
      %dma_start3A_357 = arith.constant 384 : i32
      %dma_start3A_358 = tpu.memref_slice %arg7[%dma_start3A_357] : memref<2048xi32, #tpu.memory_space<vmem>> -> memref<128xi32, #tpu.memory_space<vmem>>
      %dma_start3A_359 = arith.constant 0 : i32
      %dma_start3A_360 = arith.constant 0 : i32
      %dma_start3A_361 = tpu.memref_slice %arg10[%dma_start3A_359, %dma_start3A_360] : memref<10240x128xf32, #tpu.memory_space<vmem_shared>> -> memref<10240x128xf32, #tpu.memory_space<vmem_shared>>
      tpu.enqueue_indirect_dma source(%arg9 : memref<128x128xf32, #tpu.memory_space<vmem>>) target(%dma_start3A_361 : memref<10240x128xf32, #tpu.memory_space<vmem_shared>>) offsets(%dma_start3A_358 : memref<128xi32, #tpu.memory_space<vmem>>) semaphore(%arg13 : memref<!tpu.dma_semaphore, #tpu.memory_space<semaphore_mem>>) {add = true}
      %dma_wait3A_362 = arith.constant 128 : i32
      %dma_wait3A_363 = tpu.memref_slice %arg7[%dma_wait3A_362] : memref<2048xi32, #tpu.memory_space<vmem>> -> memref<128xi32, #tpu.memory_space<vmem>>
      %dma_wait3A_364 = arith.constant 0 : i32
      %dma_wait3A_365 = arith.constant 0 : i32
      %dma_wait3A_366 = tpu.memref_slice %arg10[%dma_wait3A_364, %dma_wait3A_365] : memref<10240x128xf32, #tpu.memory_space<vmem_shared>> -> memref<10240x128xf32, #tpu.memory_space<vmem_shared>>
      tpu.wait_indirect_dma semaphore(%arg12 : memref<!tpu.dma_semaphore, #tpu.memory_space<semaphore_mem>>) src(%arg8 : memref<128x128xf32, #tpu.memory_space<vmem>>) dst(%dma_wait3A_366 : memref<10240x128xf32, #tpu.memory_space<vmem_shared>>)
      %dma_start3A_367 = arith.constant 512 : i32
      %dma_start3A_368 = tpu.memref_slice %arg7[%dma_start3A_367] : memref<2048xi32, #tpu.memory_space<vmem>> -> memref<128xi32, #tpu.memory_space<vmem>>
      %dma_start3A_369 = arith.constant 0 : i32
      %dma_start3A_370 = arith.constant 0 : i32
      %dma_start3A_371 = tpu.memref_slice %arg2[%dma_start3A_369, %dma_start3A_370] : memref<10240x128xf32, #tpu.memory_space<hbm>> -> memref<10240x128xf32, #tpu.memory_space<hbm>>
      tpu.enqueue_indirect_dma source(%dma_start3A_371 : memref<10240x128xf32, #tpu.memory_space<hbm>>) target(%arg8 : memref<128x128xf32, #tpu.memory_space<vmem>>) offsets(%dma_start3A_368 : memref<128xi32, #tpu.memory_space<vmem>>) semaphore(%arg11 : memref<!tpu.dma_semaphore, #tpu.memory_space<semaphore_mem>>)
      %dma_wait3A_372 = arith.constant 512 : i32
      %dma_wait3A_373 = tpu.memref_slice %arg7[%dma_wait3A_372] : memref<2048xi32, #tpu.memory_space<vmem>> -> memref<128xi32, #tpu.memory_space<vmem>>
      %dma_wait3A_374 = arith.constant 0 : i32
      %dma_wait3A_375 = arith.constant 0 : i32
      %dma_wait3A_376 = tpu.memref_slice %arg2[%dma_wait3A_374, %dma_wait3A_375] : memref<10240x128xf32, #tpu.memory_space<hbm>> -> memref<10240x128xf32, #tpu.memory_space<hbm>>
      tpu.wait_indirect_dma semaphore(%arg11 : memref<!tpu.dma_semaphore, #tpu.memory_space<semaphore_mem>>) src(%dma_wait3A_376 : memref<10240x128xf32, #tpu.memory_space<hbm>>) dst(%arg8 : memref<128x128xf32, #tpu.memory_space<vmem>>)
      %dma_start3A_377 = arith.constant 640 : i32
      %dma_start3A_378 = tpu.memref_slice %arg7[%dma_start3A_377] : memref<2048xi32, #tpu.memory_space<vmem>> -> memref<128xi32, #tpu.memory_space<vmem>>
      %dma_start3A_379 = arith.constant 0 : i32
      %dma_start3A_380 = arith.constant 0 : i32
      %dma_start3A_381 = tpu.memref_slice %arg10[%dma_start3A_379, %dma_start3A_380] : memref<10240x128xf32, #tpu.memory_space<vmem_shared>> -> memref<10240x128xf32, #tpu.memory_space<vmem_shared>>
      tpu.enqueue_indirect_dma source(%arg8 : memref<128x128xf32, #tpu.memory_space<vmem>>) target(%dma_start3A_381 : memref<10240x128xf32, #tpu.memory_space<vmem_shared>>) offsets(%dma_start3A_378 : memref<128xi32, #tpu.memory_space<vmem>>) semaphore(%arg12 : memref<!tpu.dma_semaphore, #tpu.memory_space<semaphore_mem>>) {add = true}
      %dma_wait3A_382 = arith.constant 128 : i32
      %dma_wait3A_383 = tpu.memref_slice %arg7[%dma_wait3A_382] : memref<2048xi32, #tpu.memory_space<vmem>> -> memref<128xi32, #tpu.memory_space<vmem>>
      %dma_wait3A_384 = arith.constant 0 : i32
      %dma_wait3A_385 = arith.constant 0 : i32
      %dma_wait3A_386 = tpu.memref_slice %arg10[%dma_wait3A_384, %dma_wait3A_385] : memref<10240x128xf32, #tpu.memory_space<vmem_shared>> -> memref<10240x128xf32, #tpu.memory_space<vmem_shared>>
      tpu.wait_indirect_dma semaphore(%arg13 : memref<!tpu.dma_semaphore, #tpu.memory_space<semaphore_mem>>) src(%arg9 : memref<128x128xf32, #tpu.memory_space<vmem>>) dst(%dma_wait3A_386 : memref<10240x128xf32, #tpu.memory_space<vmem_shared>>)
      %dma_start3A_387 = arith.constant 768 : i32
      %dma_start3A_388 = tpu.memref_slice %arg7[%dma_start3A_387] : memref<2048xi32, #tpu.memory_space<vmem>> -> memref<128xi32, #tpu.memory_space<vmem>>
      %dma_start3A_389 = arith.constant 0 : i32
      %dma_start3A_390 = arith.constant 0 : i32
      %dma_start3A_391 = tpu.memref_slice %arg2[%dma_start3A_389, %dma_start3A_390] : memref<10240x128xf32, #tpu.memory_space<hbm>> -> memref<10240x128xf32, #tpu.memory_space<hbm>>
      tpu.enqueue_indirect_dma source(%dma_start3A_391 : memref<10240x128xf32, #tpu.memory_space<hbm>>) target(%arg9 : memref<128x128xf32, #tpu.memory_space<vmem>>) offsets(%dma_start3A_388 : memref<128xi32, #tpu.memory_space<vmem>>) semaphore(%arg11 : memref<!tpu.dma_semaphore, #tpu.memory_space<semaphore_mem>>)
      %dma_wait3A_392 = arith.constant 768 : i32
      %dma_wait3A_393 = tpu.memref_slice %arg7[%dma_wait3A_392] : memref<2048xi32, #tpu.memory_space<vmem>> -> memref<128xi32, #tpu.memory_space<vmem>>
      %dma_wait3A_394 = arith.constant 0 : i32
      %dma_wait3A_395 = arith.constant 0 : i32
      %dma_wait3A_396 = tpu.memref_slice %arg2[%dma_wait3A_394, %dma_wait3A_395] : memref<10240x128xf32, #tpu.memory_space<hbm>> -> memref<10240x128xf32, #tpu.memory_space<hbm>>
      tpu.wait_indirect_dma semaphore(%arg11 : memref<!tpu.dma_semaphore, #tpu.memory_space<semaphore_mem>>) src(%dma_wait3A_396 : memref<10240x128xf32, #tpu.memory_space<hbm>>) dst(%arg9 : memref<128x128xf32, #tpu.memory_space<vmem>>)
      %dma_start3A_397 = arith.constant 896 : i32
      %dma_start3A_398 = tpu.memref_slice %arg7[%dma_start3A_397] : memref<2048xi32, #tpu.memory_space<vmem>> -> memref<128xi32, #tpu.memory_space<vmem>>
      %dma_start3A_399 = arith.constant 0 : i32
      %dma_start3A_400 = arith.constant 0 : i32
      %dma_start3A_401 = tpu.memref_slice %arg10[%dma_start3A_399, %dma_start3A_400] : memref<10240x128xf32, #tpu.memory_space<vmem_shared>> -> memref<10240x128xf32, #tpu.memory_space<vmem_shared>>
      tpu.enqueue_indirect_dma source(%arg9 : memref<128x128xf32, #tpu.memory_space<vmem>>) target(%dma_start3A_401 : memref<10240x128xf32, #tpu.memory_space<vmem_shared>>) offsets(%dma_start3A_398 : memref<128xi32, #tpu.memory_space<vmem>>) semaphore(%arg13 : memref<!tpu.dma_semaphore, #tpu.memory_space<semaphore_mem>>) {add = true}
      %dma_wait3A_402 = arith.constant 128 : i32
      %dma_wait3A_403 = tpu.memref_slice %arg7[%dma_wait3A_402] : memref<2048xi32, #tpu.memory_space<vmem>> -> memref<128xi32, #tpu.memory_space<vmem>>
      %dma_wait3A_404 = arith.constant 0 : i32
      %dma_wait3A_405 = arith.constant 0 : i32
      %dma_wait3A_406 = tpu.memref_slice %arg10[%dma_wait3A_404, %dma_wait3A_405] : memref<10240x128xf32, #tpu.memory_space<vmem_shared>> -> memref<10240x128xf32, #tpu.memory_space<vmem_shared>>
      tpu.wait_indirect_dma semaphore(%arg12 : memref<!tpu.dma_semaphore, #tpu.memory_space<semaphore_mem>>) src(%arg8 : memref<128x128xf32, #tpu.memory_space<vmem>>) dst(%dma_wait3A_406 : memref<10240x128xf32, #tpu.memory_space<vmem_shared>>)
      %dma_start3A_407 = arith.constant 1024 : i32
      %dma_start3A_408 = tpu.memref_slice %arg7[%dma_start3A_407] : memref<2048xi32, #tpu.memory_space<vmem>> -> memref<128xi32, #tpu.memory_space<vmem>>
      %dma_start3A_409 = arith.constant 0 : i32
      %dma_start3A_410 = arith.constant 0 : i32
      %dma_start3A_411 = tpu.memref_slice %arg2[%dma_start3A_409, %dma_start3A_410] : memref<10240x128xf32, #tpu.memory_space<hbm>> -> memref<10240x128xf32, #tpu.memory_space<hbm>>
      tpu.enqueue_indirect_dma source(%dma_start3A_411 : memref<10240x128xf32, #tpu.memory_space<hbm>>) target(%arg8 : memref<128x128xf32, #tpu.memory_space<vmem>>) offsets(%dma_start3A_408 : memref<128xi32, #tpu.memory_space<vmem>>) semaphore(%arg11 : memref<!tpu.dma_semaphore, #tpu.memory_space<semaphore_mem>>)
      %dma_wait3A_412 = arith.constant 1024 : i32
      %dma_wait3A_413 = tpu.memref_slice %arg7[%dma_wait3A_412] : memref<2048xi32, #tpu.memory_space<vmem>> -> memref<128xi32, #tpu.memory_space<vmem>>
      %dma_wait3A_414 = arith.constant 0 : i32
      %dma_wait3A_415 = arith.constant 0 : i32
      %dma_wait3A_416 = tpu.memref_slice %arg2[%dma_wait3A_414, %dma_wait3A_415] : memref<10240x128xf32, #tpu.memory_space<hbm>> -> memref<10240x128xf32, #tpu.memory_space<hbm>>
      tpu.wait_indirect_dma semaphore(%arg11 : memref<!tpu.dma_semaphore, #tpu.memory_space<semaphore_mem>>) src(%dma_wait3A_416 : memref<10240x128xf32, #tpu.memory_space<hbm>>) dst(%arg8 : memref<128x128xf32, #tpu.memory_space<vmem>>)
      %dma_start3A_417 = arith.constant 1152 : i32
      %dma_start3A_418 = tpu.memref_slice %arg7[%dma_start3A_417] : memref<2048xi32, #tpu.memory_space<vmem>> -> memref<128xi32, #tpu.memory_space<vmem>>
      %dma_start3A_419 = arith.constant 0 : i32
      %dma_start3A_420 = arith.constant 0 : i32
      %dma_start3A_421 = tpu.memref_slice %arg10[%dma_start3A_419, %dma_start3A_420] : memref<10240x128xf32, #tpu.memory_space<vmem_shared>> -> memref<10240x128xf32, #tpu.memory_space<vmem_shared>>
      tpu.enqueue_indirect_dma source(%arg8 : memref<128x128xf32, #tpu.memory_space<vmem>>) target(%dma_start3A_421 : memref<10240x128xf32, #tpu.memory_space<vmem_shared>>) offsets(%dma_start3A_418 : memref<128xi32, #tpu.memory_space<vmem>>) semaphore(%arg12 : memref<!tpu.dma_semaphore, #tpu.memory_space<semaphore_mem>>) {add = true}
      %dma_wait3A_422 = arith.constant 128 : i32
      %dma_wait3A_423 = tpu.memref_slice %arg7[%dma_wait3A_422] : memref<2048xi32, #tpu.memory_space<vmem>> -> memref<128xi32, #tpu.memory_space<vmem>>
      %dma_wait3A_424 = arith.constant 0 : i32
      %dma_wait3A_425 = arith.constant 0 : i32
      %dma_wait3A_426 = tpu.memref_slice %arg10[%dma_wait3A_424, %dma_wait3A_425] : memref<10240x128xf32, #tpu.memory_space<vmem_shared>> -> memref<10240x128xf32, #tpu.memory_space<vmem_shared>>
      tpu.wait_indirect_dma semaphore(%arg13 : memref<!tpu.dma_semaphore, #tpu.memory_space<semaphore_mem>>) src(%arg9 : memref<128x128xf32, #tpu.memory_space<vmem>>) dst(%dma_wait3A_426 : memref<10240x128xf32, #tpu.memory_space<vmem_shared>>)
      %dma_start3A_427 = arith.constant 1280 : i32
      %dma_start3A_428 = tpu.memref_slice %arg7[%dma_start3A_427] : memref<2048xi32, #tpu.memory_space<vmem>> -> memref<128xi32, #tpu.memory_space<vmem>>
      %dma_start3A_429 = arith.constant 0 : i32
      %dma_start3A_430 = arith.constant 0 : i32
      %dma_start3A_431 = tpu.memref_slice %arg2[%dma_start3A_429, %dma_start3A_430] : memref<10240x128xf32, #tpu.memory_space<hbm>> -> memref<10240x128xf32, #tpu.memory_space<hbm>>
      tpu.enqueue_indirect_dma source(%dma_start3A_431 : memref<10240x128xf32, #tpu.memory_space<hbm>>) target(%arg9 : memref<128x128xf32, #tpu.memory_space<vmem>>) offsets(%dma_start3A_428 : memref<128xi32, #tpu.memory_space<vmem>>) semaphore(%arg11 : memref<!tpu.dma_semaphore, #tpu.memory_space<semaphore_mem>>)
      %dma_wait3A_432 = arith.constant 1280 : i32
      %dma_wait3A_433 = tpu.memref_slice %arg7[%dma_wait3A_432] : memref<2048xi32, #tpu.memory_space<vmem>> -> memref<128xi32, #tpu.memory_space<vmem>>
      %dma_wait3A_434 = arith.constant 0 : i32
      %dma_wait3A_435 = arith.constant 0 : i32
      %dma_wait3A_436 = tpu.memref_slice %arg2[%dma_wait3A_434, %dma_wait3A_435] : memref<10240x128xf32, #tpu.memory_space<hbm>> -> memref<10240x128xf32, #tpu.memory_space<hbm>>
      tpu.wait_indirect_dma semaphore(%arg11 : memref<!tpu.dma_semaphore, #tpu.memory_space<semaphore_mem>>) src(%dma_wait3A_436 : memref<10240x128xf32, #tpu.memory_space<hbm>>) dst(%arg9 : memref<128x128xf32, #tpu.memory_space<vmem>>)
      %dma_start3A_437 = arith.constant 1408 : i32
      %dma_start3A_438 = tpu.memref_slice %arg7[%dma_start3A_437] : memref<2048xi32, #tpu.memory_space<vmem>> -> memref<128xi32, #tpu.memory_space<vmem>>
      %dma_start3A_439 = arith.constant 0 : i32
      %dma_start3A_440 = arith.constant 0 : i32
      %dma_start3A_441 = tpu.memref_slice %arg10[%dma_start3A_439, %dma_start3A_440] : memref<10240x128xf32, #tpu.memory_space<vmem_shared>> -> memref<10240x128xf32, #tpu.memory_space<vmem_shared>>
      tpu.enqueue_indirect_dma source(%arg9 : memref<128x128xf32, #tpu.memory_space<vmem>>) target(%dma_start3A_441 : memref<10240x128xf32, #tpu.memory_space<vmem_shared>>) offsets(%dma_start3A_438 : memref<128xi32, #tpu.memory_space<vmem>>) semaphore(%arg13 : memref<!tpu.dma_semaphore, #tpu.memory_space<semaphore_mem>>) {add = true}
      %dma_wait3A_442 = arith.constant 128 : i32
      %dma_wait3A_443 = tpu.memref_slice %arg7[%dma_wait3A_442] : memref<2048xi32, #tpu.memory_space<vmem>> -> memref<128xi32, #tpu.memory_space<vmem>>
      %dma_wait3A_444 = arith.constant 0 : i32
      %dma_wait3A_445 = arith.constant 0 : i32
      %dma_wait3A_446 = tpu.memref_slice %arg10[%dma_wait3A_444, %dma_wait3A_445] : memref<10240x128xf32, #tpu.memory_space<vmem_shared>> -> memref<10240x128xf32, #tpu.memory_space<vmem_shared>>
      tpu.wait_indirect_dma semaphore(%arg12 : memref<!tpu.dma_semaphore, #tpu.memory_space<semaphore_mem>>) src(%arg8 : memref<128x128xf32, #tpu.memory_space<vmem>>) dst(%dma_wait3A_446 : memref<10240x128xf32, #tpu.memory_space<vmem_shared>>)
      %dma_start3A_447 = arith.constant 1536 : i32
      %dma_start3A_448 = tpu.memref_slice %arg7[%dma_start3A_447] : memref<2048xi32, #tpu.memory_space<vmem>> -> memref<128xi32, #tpu.memory_space<vmem>>
      %dma_start3A_449 = arith.constant 0 : i32
      %dma_start3A_450 = arith.constant 0 : i32
      %dma_start3A_451 = tpu.memref_slice %arg2[%dma_start3A_449, %dma_start3A_450] : memref<10240x128xf32, #tpu.memory_space<hbm>> -> memref<10240x128xf32, #tpu.memory_space<hbm>>
      tpu.enqueue_indirect_dma source(%dma_start3A_451 : memref<10240x128xf32, #tpu.memory_space<hbm>>) target(%arg8 : memref<128x128xf32, #tpu.memory_space<vmem>>) offsets(%dma_start3A_448 : memref<128xi32, #tpu.memory_space<vmem>>) semaphore(%arg11 : memref<!tpu.dma_semaphore, #tpu.memory_space<semaphore_mem>>)
      %dma_wait3A_452 = arith.constant 1536 : i32
      %dma_wait3A_453 = tpu.memref_slice %arg7[%dma_wait3A_452] : memref<2048xi32, #tpu.memory_space<vmem>> -> memref<128xi32, #tpu.memory_space<vmem>>
      %dma_wait3A_454 = arith.constant 0 : i32
      %dma_wait3A_455 = arith.constant 0 : i32
      %dma_wait3A_456 = tpu.memref_slice %arg2[%dma_wait3A_454, %dma_wait3A_455] : memref<10240x128xf32, #tpu.memory_space<hbm>> -> memref<10240x128xf32, #tpu.memory_space<hbm>>
      tpu.wait_indirect_dma semaphore(%arg11 : memref<!tpu.dma_semaphore, #tpu.memory_space<semaphore_mem>>) src(%dma_wait3A_456 : memref<10240x128xf32, #tpu.memory_space<hbm>>) dst(%arg8 : memref<128x128xf32, #tpu.memory_space<vmem>>)
      %dma_start3A_457 = arith.constant 1664 : i32
      %dma_start3A_458 = tpu.memref_slice %arg7[%dma_start3A_457] : memref<2048xi32, #tpu.memory_space<vmem>> -> memref<128xi32, #tpu.memory_space<vmem>>
      %dma_start3A_459 = arith.constant 0 : i32
      %dma_start3A_460 = arith.constant 0 : i32
      %dma_start3A_461 = tpu.memref_slice %arg10[%dma_start3A_459, %dma_start3A_460] : memref<10240x128xf32, #tpu.memory_space<vmem_shared>> -> memref<10240x128xf32, #tpu.memory_space<vmem_shared>>
      tpu.enqueue_indirect_dma source(%arg8 : memref<128x128xf32, #tpu.memory_space<vmem>>) target(%dma_start3A_461 : memref<10240x128xf32, #tpu.memory_space<vmem_shared>>) offsets(%dma_start3A_458 : memref<128xi32, #tpu.memory_space<vmem>>) semaphore(%arg12 : memref<!tpu.dma_semaphore, #tpu.memory_space<semaphore_mem>>) {add = true}
      %dma_wait3A_462 = arith.constant 128 : i32
      %dma_wait3A_463 = tpu.memref_slice %arg7[%dma_wait3A_462] : memref<2048xi32, #tpu.memory_space<vmem>> -> memref<128xi32, #tpu.memory_space<vmem>>
      %dma_wait3A_464 = arith.constant 0 : i32
      %dma_wait3A_465 = arith.constant 0 : i32
      %dma_wait3A_466 = tpu.memref_slice %arg10[%dma_wait3A_464, %dma_wait3A_465] : memref<10240x128xf32, #tpu.memory_space<vmem_shared>> -> memref<10240x128xf32, #tpu.memory_space<vmem_shared>>
      tpu.wait_indirect_dma semaphore(%arg13 : memref<!tpu.dma_semaphore, #tpu.memory_space<semaphore_mem>>) src(%arg9 : memref<128x128xf32, #tpu.memory_space<vmem>>) dst(%dma_wait3A_466 : memref<10240x128xf32, #tpu.memory_space<vmem_shared>>)
      %dma_start3A_467 = arith.constant 1792 : i32
      %dma_start3A_468 = tpu.memref_slice %arg7[%dma_start3A_467] : memref<2048xi32, #tpu.memory_space<vmem>> -> memref<128xi32, #tpu.memory_space<vmem>>
      %dma_start3A_469 = arith.constant 0 : i32
      %dma_start3A_470 = arith.constant 0 : i32
      %dma_start3A_471 = tpu.memref_slice %arg2[%dma_start3A_469, %dma_start3A_470] : memref<10240x128xf32, #tpu.memory_space<hbm>> -> memref<10240x128xf32, #tpu.memory_space<hbm>>
      tpu.enqueue_indirect_dma source(%dma_start3A_471 : memref<10240x128xf32, #tpu.memory_space<hbm>>) target(%arg9 : memref<128x128xf32, #tpu.memory_space<vmem>>) offsets(%dma_start3A_468 : memref<128xi32, #tpu.memory_space<vmem>>) semaphore(%arg11 : memref<!tpu.dma_semaphore, #tpu.memory_space<semaphore_mem>>)
      %dma_wait3A_472 = arith.constant 1792 : i32
      %dma_wait3A_473 = tpu.memref_slice %arg7[%dma_wait3A_472] : memref<2048xi32, #tpu.memory_space<vmem>> -> memref<128xi32, #tpu.memory_space<vmem>>
      %dma_wait3A_474 = arith.constant 0 : i32
      %dma_wait3A_475 = arith.constant 0 : i32
      %dma_wait3A_476 = tpu.memref_slice %arg2[%dma_wait3A_474, %dma_wait3A_475] : memref<10240x128xf32, #tpu.memory_space<hbm>> -> memref<10240x128xf32, #tpu.memory_space<hbm>>
      tpu.wait_indirect_dma semaphore(%arg11 : memref<!tpu.dma_semaphore, #tpu.memory_space<semaphore_mem>>) src(%dma_wait3A_476 : memref<10240x128xf32, #tpu.memory_space<hbm>>) dst(%arg9 : memref<128x128xf32, #tpu.memory_space<vmem>>)
      %dma_start3A_477 = arith.constant 1920 : i32
      %dma_start3A_478 = tpu.memref_slice %arg7[%dma_start3A_477] : memref<2048xi32, #tpu.memory_space<vmem>> -> memref<128xi32, #tpu.memory_space<vmem>>
      %dma_start3A_479 = arith.constant 0 : i32
      %dma_start3A_480 = arith.constant 0 : i32
      %dma_start3A_481 = tpu.memref_slice %arg10[%dma_start3A_479, %dma_start3A_480] : memref<10240x128xf32, #tpu.memory_space<vmem_shared>> -> memref<10240x128xf32, #tpu.memory_space<vmem_shared>>
      tpu.enqueue_indirect_dma source(%arg9 : memref<128x128xf32, #tpu.memory_space<vmem>>) target(%dma_start3A_481 : memref<10240x128xf32, #tpu.memory_space<vmem_shared>>) offsets(%dma_start3A_478 : memref<128xi32, #tpu.memory_space<vmem>>) semaphore(%arg13 : memref<!tpu.dma_semaphore, #tpu.memory_space<semaphore_mem>>) {add = true}
      %dma_wait3A_482 = arith.constant 128 : i32
      %dma_wait3A_483 = tpu.memref_slice %arg7[%dma_wait3A_482] : memref<2048xi32, #tpu.memory_space<vmem>> -> memref<128xi32, #tpu.memory_space<vmem>>
      %dma_wait3A_484 = arith.constant 0 : i32
      %dma_wait3A_485 = arith.constant 0 : i32
      %dma_wait3A_486 = tpu.memref_slice %arg10[%dma_wait3A_484, %dma_wait3A_485] : memref<10240x128xf32, #tpu.memory_space<vmem_shared>> -> memref<10240x128xf32, #tpu.memory_space<vmem_shared>>
      tpu.wait_indirect_dma semaphore(%arg12 : memref<!tpu.dma_semaphore, #tpu.memory_space<semaphore_mem>>) src(%arg8 : memref<128x128xf32, #tpu.memory_space<vmem>>) dst(%dma_wait3A_486 : memref<10240x128xf32, #tpu.memory_space<vmem_shared>>)
      %add3A_487 = arith.constant 8 : i32
      %add3A_488 = arith.addi %add3A_321, %add3A_487 : i32
      %mul3A_489 = arith.constant 2 : i32
      %mul3A_490 = arith.muli %add3A_488, %mul3A_489 : i32
      %mul3A_491 = arith.constant 128 : i32
      %mul3A_492 = arith.muli %mul3A_490, %mul3A_491 : i32
      %add3A_493 = arith.addi %mul3A_8, %mul3A_492 : i32
      "tpu.region"() ({
        %run_scoped3A = tpu.sem_alloc : memref<!tpu.dma_semaphore, #tpu.memory_space<semaphore_mem>>
        %dma_start3A_654 = tpu.memref_slice %arg3[%add3A_493] : memref<647424xi32, #tpu.memory_space<hbm>> -> memref<2048xi32, #tpu.memory_space<hbm>>
        %dma_start3A_655 = tpu.memref_slice %arg3[%add3A_493] : memref<647424xi32, #tpu.memory_space<hbm>> -> memref<2048xi32, #tpu.memory_space<hbm>>
        tpu.enqueue_dma source(%dma_start3A_655 : memref<2048xi32, #tpu.memory_space<hbm>>) target(%arg6 : memref<2048xi32, #tpu.memory_space<vmem>>) target_semaphore(%run_scoped3A : memref<!tpu.dma_semaphore, #tpu.memory_space<semaphore_mem>>)
        %dma_wait3A_656 = tpu.memref_slice %arg3[%add3A_493] : memref<647424xi32, #tpu.memory_space<hbm>> -> memref<2048xi32, #tpu.memory_space<hbm>>
        %dma_wait3A_657 = tpu.memref_slice %arg3[%add3A_493] : memref<647424xi32, #tpu.memory_space<hbm>> -> memref<2048xi32, #tpu.memory_space<hbm>>
        tpu.wait_dma2 semaphore(%run_scoped3A : memref<!tpu.dma_semaphore, #tpu.memory_space<semaphore_mem>>) src(%dma_wait3A_657 : memref<2048xi32, #tpu.memory_space<hbm>>) dst(%arg6 : memref<2048xi32, #tpu.memory_space<vmem>>)
        tpu.yield
      }) : () -> ()
      %dma_start3A_494 = arith.constant 0 : i32
      %dma_start3A_495 = tpu.memref_slice %arg6[%dma_start3A_494] : memref<2048xi32, #tpu.memory_space<vmem>> -> memref<128xi32, #tpu.memory_space<vmem>>
      %dma_start3A_496 = arith.constant 0 : i32
      %dma_start3A_497 = arith.constant 0 : i32
      %dma_start3A_498 = tpu.memref_slice %arg2[%dma_start3A_496, %dma_start3A_497] : memref<10240x128xf32, #tpu.memory_space<hbm>> -> memref<10240x128xf32, #tpu.memory_space<hbm>>
      tpu.enqueue_indirect_dma source(%dma_start3A_498 : memref<10240x128xf32, #tpu.memory_space<hbm>>) target(%arg8 : memref<128x128xf32, #tpu.memory_space<vmem>>) offsets(%dma_start3A_495 : memref<128xi32, #tpu.memory_space<vmem>>) semaphore(%arg11 : memref<!tpu.dma_semaphore, #tpu.memory_space<semaphore_mem>>)
      %dma_wait3A_499 = arith.constant 0 : i32
      %dma_wait3A_500 = tpu.memref_slice %arg6[%dma_wait3A_499] : memref<2048xi32, #tpu.memory_space<vmem>> -> memref<128xi32, #tpu.memory_space<vmem>>
      %dma_wait3A_501 = arith.constant 0 : i32
      %dma_wait3A_502 = arith.constant 0 : i32
      %dma_wait3A_503 = tpu.memref_slice %arg2[%dma_wait3A_501, %dma_wait3A_502] : memref<10240x128xf32, #tpu.memory_space<hbm>> -> memref<10240x128xf32, #tpu.memory_space<hbm>>
      tpu.wait_indirect_dma semaphore(%arg11 : memref<!tpu.dma_semaphore, #tpu.memory_space<semaphore_mem>>) src(%dma_wait3A_503 : memref<10240x128xf32, #tpu.memory_space<hbm>>) dst(%arg8 : memref<128x128xf32, #tpu.memory_space<vmem>>)
      %dma_start3A_504 = arith.constant 128 : i32
      %dma_start3A_505 = tpu.memref_slice %arg6[%dma_start3A_504] : memref<2048xi32, #tpu.memory_space<vmem>> -> memref<128xi32, #tpu.memory_space<vmem>>
      %dma_start3A_506 = arith.constant 0 : i32
      %dma_start3A_507 = arith.constant 0 : i32
      %dma_start3A_508 = tpu.memref_slice %arg10[%dma_start3A_506, %dma_start3A_507] : memref<10240x128xf32, #tpu.memory_space<vmem_shared>> -> memref<10240x128xf32, #tpu.memory_space<vmem_shared>>
      tpu.enqueue_indirect_dma source(%arg8 : memref<128x128xf32, #tpu.memory_space<vmem>>) target(%dma_start3A_508 : memref<10240x128xf32, #tpu.memory_space<vmem_shared>>) offsets(%dma_start3A_505 : memref<128xi32, #tpu.memory_space<vmem>>) semaphore(%arg12 : memref<!tpu.dma_semaphore, #tpu.memory_space<semaphore_mem>>) {add = true}
      %dma_wait3A_509 = arith.constant 128 : i32
      %dma_wait3A_510 = tpu.memref_slice %arg6[%dma_wait3A_509] : memref<2048xi32, #tpu.memory_space<vmem>> -> memref<128xi32, #tpu.memory_space<vmem>>
      %dma_wait3A_511 = arith.constant 0 : i32
      %dma_wait3A_512 = arith.constant 0 : i32
      %dma_wait3A_513 = tpu.memref_slice %arg10[%dma_wait3A_511, %dma_wait3A_512] : memref<10240x128xf32, #tpu.memory_space<vmem_shared>> -> memref<10240x128xf32, #tpu.memory_space<vmem_shared>>
      tpu.wait_indirect_dma semaphore(%arg13 : memref<!tpu.dma_semaphore, #tpu.memory_space<semaphore_mem>>) src(%arg9 : memref<128x128xf32, #tpu.memory_space<vmem>>) dst(%dma_wait3A_513 : memref<10240x128xf32, #tpu.memory_space<vmem_shared>>)
      %dma_start3A_514 = arith.constant 256 : i32
      %dma_start3A_515 = tpu.memref_slice %arg6[%dma_start3A_514] : memref<2048xi32, #tpu.memory_space<vmem>> -> memref<128xi32, #tpu.memory_space<vmem>>
      %dma_start3A_516 = arith.constant 0 : i32
      %dma_start3A_517 = arith.constant 0 : i32
      %dma_start3A_518 = tpu.memref_slice %arg2[%dma_start3A_516, %dma_start3A_517] : memref<10240x128xf32, #tpu.memory_space<hbm>> -> memref<10240x128xf32, #tpu.memory_space<hbm>>
      tpu.enqueue_indirect_dma source(%dma_start3A_518 : memref<10240x128xf32, #tpu.memory_space<hbm>>) target(%arg9 : memref<128x128xf32, #tpu.memory_space<vmem>>) offsets(%dma_start3A_515 : memref<128xi32, #tpu.memory_space<vmem>>) semaphore(%arg11 : memref<!tpu.dma_semaphore, #tpu.memory_space<semaphore_mem>>)
      %dma_wait3A_519 = arith.constant 256 : i32
      %dma_wait3A_520 = tpu.memref_slice %arg6[%dma_wait3A_519] : memref<2048xi32, #tpu.memory_space<vmem>> -> memref<128xi32, #tpu.memory_space<vmem>>
      %dma_wait3A_521 = arith.constant 0 : i32
      %dma_wait3A_522 = arith.constant 0 : i32
      %dma_wait3A_523 = tpu.memref_slice %arg2[%dma_wait3A_521, %dma_wait3A_522] : memref<10240x128xf32, #tpu.memory_space<hbm>> -> memref<10240x128xf32, #tpu.memory_space<hbm>>
      tpu.wait_indirect_dma semaphore(%arg11 : memref<!tpu.dma_semaphore, #tpu.memory_space<semaphore_mem>>) src(%dma_wait3A_523 : memref<10240x128xf32, #tpu.memory_space<hbm>>) dst(%arg9 : memref<128x128xf32, #tpu.memory_space<vmem>>)
      %dma_start3A_524 = arith.constant 384 : i32
      %dma_start3A_525 = tpu.memref_slice %arg6[%dma_start3A_524] : memref<2048xi32, #tpu.memory_space<vmem>> -> memref<128xi32, #tpu.memory_space<vmem>>
      %dma_start3A_526 = arith.constant 0 : i32
      %dma_start3A_527 = arith.constant 0 : i32
      %dma_start3A_528 = tpu.memref_slice %arg10[%dma_start3A_526, %dma_start3A_527] : memref<10240x128xf32, #tpu.memory_space<vmem_shared>> -> memref<10240x128xf32, #tpu.memory_space<vmem_shared>>
      tpu.enqueue_indirect_dma source(%arg9 : memref<128x128xf32, #tpu.memory_space<vmem>>) target(%dma_start3A_528 : memref<10240x128xf32, #tpu.memory_space<vmem_shared>>) offsets(%dma_start3A_525 : memref<128xi32, #tpu.memory_space<vmem>>) semaphore(%arg13 : memref<!tpu.dma_semaphore, #tpu.memory_space<semaphore_mem>>) {add = true}
      %dma_wait3A_529 = arith.constant 128 : i32
      %dma_wait3A_530 = tpu.memref_slice %arg6[%dma_wait3A_529] : memref<2048xi32, #tpu.memory_space<vmem>> -> memref<128xi32, #tpu.memory_space<vmem>>
      %dma_wait3A_531 = arith.constant 0 : i32
      %dma_wait3A_532 = arith.constant 0 : i32
      %dma_wait3A_533 = tpu.memref_slice %arg10[%dma_wait3A_531, %dma_wait3A_532] : memref<10240x128xf32, #tpu.memory_space<vmem_shared>> -> memref<10240x128xf32, #tpu.memory_space<vmem_shared>>
      tpu.wait_indirect_dma semaphore(%arg12 : memref<!tpu.dma_semaphore, #tpu.memory_space<semaphore_mem>>) src(%arg8 : memref<128x128xf32, #tpu.memory_space<vmem>>) dst(%dma_wait3A_533 : memref<10240x128xf32, #tpu.memory_space<vmem_shared>>)
      %dma_start3A_534 = arith.constant 512 : i32
      %dma_start3A_535 = tpu.memref_slice %arg6[%dma_start3A_534] : memref<2048xi32, #tpu.memory_space<vmem>> -> memref<128xi32, #tpu.memory_space<vmem>>
      %dma_start3A_536 = arith.constant 0 : i32
      %dma_start3A_537 = arith.constant 0 : i32
      %dma_start3A_538 = tpu.memref_slice %arg2[%dma_start3A_536, %dma_start3A_537] : memref<10240x128xf32, #tpu.memory_space<hbm>> -> memref<10240x128xf32, #tpu.memory_space<hbm>>
      tpu.enqueue_indirect_dma source(%dma_start3A_538 : memref<10240x128xf32, #tpu.memory_space<hbm>>) target(%arg8 : memref<128x128xf32, #tpu.memory_space<vmem>>) offsets(%dma_start3A_535 : memref<128xi32, #tpu.memory_space<vmem>>) semaphore(%arg11 : memref<!tpu.dma_semaphore, #tpu.memory_space<semaphore_mem>>)
      %dma_wait3A_539 = arith.constant 512 : i32
      %dma_wait3A_540 = tpu.memref_slice %arg6[%dma_wait3A_539] : memref<2048xi32, #tpu.memory_space<vmem>> -> memref<128xi32, #tpu.memory_space<vmem>>
      %dma_wait3A_541 = arith.constant 0 : i32
      %dma_wait3A_542 = arith.constant 0 : i32
      %dma_wait3A_543 = tpu.memref_slice %arg2[%dma_wait3A_541, %dma_wait3A_542] : memref<10240x128xf32, #tpu.memory_space<hbm>> -> memref<10240x128xf32, #tpu.memory_space<hbm>>
      tpu.wait_indirect_dma semaphore(%arg11 : memref<!tpu.dma_semaphore, #tpu.memory_space<semaphore_mem>>) src(%dma_wait3A_543 : memref<10240x128xf32, #tpu.memory_space<hbm>>) dst(%arg8 : memref<128x128xf32, #tpu.memory_space<vmem>>)
      %dma_start3A_544 = arith.constant 640 : i32
      %dma_start3A_545 = tpu.memref_slice %arg6[%dma_start3A_544] : memref<2048xi32, #tpu.memory_space<vmem>> -> memref<128xi32, #tpu.memory_space<vmem>>
      %dma_start3A_546 = arith.constant 0 : i32
      %dma_start3A_547 = arith.constant 0 : i32
      %dma_start3A_548 = tpu.memref_slice %arg10[%dma_start3A_546, %dma_start3A_547] : memref<10240x128xf32, #tpu.memory_space<vmem_shared>> -> memref<10240x128xf32, #tpu.memory_space<vmem_shared>>
      tpu.enqueue_indirect_dma source(%arg8 : memref<128x128xf32, #tpu.memory_space<vmem>>) target(%dma_start3A_548 : memref<10240x128xf32, #tpu.memory_space<vmem_shared>>) offsets(%dma_start3A_545 : memref<128xi32, #tpu.memory_space<vmem>>) semaphore(%arg12 : memref<!tpu.dma_semaphore, #tpu.memory_space<semaphore_mem>>) {add = true}
      %dma_wait3A_549 = arith.constant 128 : i32
      %dma_wait3A_550 = tpu.memref_slice %arg6[%dma_wait3A_549] : memref<2048xi32, #tpu.memory_space<vmem>> -> memref<128xi32, #tpu.memory_space<vmem>>
      %dma_wait3A_551 = arith.constant 0 : i32
      %dma_wait3A_552 = arith.constant 0 : i32
      %dma_wait3A_553 = tpu.memref_slice %arg10[%dma_wait3A_551, %dma_wait3A_552] : memref<10240x128xf32, #tpu.memory_space<vmem_shared>> -> memref<10240x128xf32, #tpu.memory_space<vmem_shared>>
      tpu.wait_indirect_dma semaphore(%arg13 : memref<!tpu.dma_semaphore, #tpu.memory_space<semaphore_mem>>) src(%arg9 : memref<128x128xf32, #tpu.memory_space<vmem>>) dst(%dma_wait3A_553 : memref<10240x128xf32, #tpu.memory_space<vmem_shared>>)
      %dma_start3A_554 = arith.constant 768 : i32
      %dma_start3A_555 = tpu.memref_slice %arg6[%dma_start3A_554] : memref<2048xi32, #tpu.memory_space<vmem>> -> memref<128xi32, #tpu.memory_space<vmem>>
      %dma_start3A_556 = arith.constant 0 : i32
      %dma_start3A_557 = arith.constant 0 : i32
      %dma_start3A_558 = tpu.memref_slice %arg2[%dma_start3A_556, %dma_start3A_557] : memref<10240x128xf32, #tpu.memory_space<hbm>> -> memref<10240x128xf32, #tpu.memory_space<hbm>>
      tpu.enqueue_indirect_dma source(%dma_start3A_558 : memref<10240x128xf32, #tpu.memory_space<hbm>>) target(%arg9 : memref<128x128xf32, #tpu.memory_space<vmem>>) offsets(%dma_start3A_555 : memref<128xi32, #tpu.memory_space<vmem>>) semaphore(%arg11 : memref<!tpu.dma_semaphore, #tpu.memory_space<semaphore_mem>>)
      %dma_wait3A_559 = arith.constant 768 : i32
      %dma_wait3A_560 = tpu.memref_slice %arg6[%dma_wait3A_559] : memref<2048xi32, #tpu.memory_space<vmem>> -> memref<128xi32, #tpu.memory_space<vmem>>
      %dma_wait3A_561 = arith.constant 0 : i32
      %dma_wait3A_562 = arith.constant 0 : i32
      %dma_wait3A_563 = tpu.memref_slice %arg2[%dma_wait3A_561, %dma_wait3A_562] : memref<10240x128xf32, #tpu.memory_space<hbm>> -> memref<10240x128xf32, #tpu.memory_space<hbm>>
      tpu.wait_indirect_dma semaphore(%arg11 : memref<!tpu.dma_semaphore, #tpu.memory_space<semaphore_mem>>) src(%dma_wait3A_563 : memref<10240x128xf32, #tpu.memory_space<hbm>>) dst(%arg9 : memref<128x128xf32, #tpu.memory_space<vmem>>)
      %dma_start3A_564 = arith.constant 896 : i32
      %dma_start3A_565 = tpu.memref_slice %arg6[%dma_start3A_564] : memref<2048xi32, #tpu.memory_space<vmem>> -> memref<128xi32, #tpu.memory_space<vmem>>
      %dma_start3A_566 = arith.constant 0 : i32
      %dma_start3A_567 = arith.constant 0 : i32
      %dma_start3A_568 = tpu.memref_slice %arg10[%dma_start3A_566, %dma_start3A_567] : memref<10240x128xf32, #tpu.memory_space<vmem_shared>> -> memref<10240x128xf32, #tpu.memory_space<vmem_shared>>
      tpu.enqueue_indirect_dma source(%arg9 : memref<128x128xf32, #tpu.memory_space<vmem>>) target(%dma_start3A_568 : memref<10240x128xf32, #tpu.memory_space<vmem_shared>>) offsets(%dma_start3A_565 : memref<128xi32, #tpu.memory_space<vmem>>) semaphore(%arg13 : memref<!tpu.dma_semaphore, #tpu.memory_space<semaphore_mem>>) {add = true}
      %dma_wait3A_569 = arith.constant 128 : i32
      %dma_wait3A_570 = tpu.memref_slice %arg6[%dma_wait3A_569] : memref<2048xi32, #tpu.memory_space<vmem>> -> memref<128xi32, #tpu.memory_space<vmem>>
      %dma_wait3A_571 = arith.constant 0 : i32
      %dma_wait3A_572 = arith.constant 0 : i32
      %dma_wait3A_573 = tpu.memref_slice %arg10[%dma_wait3A_571, %dma_wait3A_572] : memref<10240x128xf32, #tpu.memory_space<vmem_shared>> -> memref<10240x128xf32, #tpu.memory_space<vmem_shared>>
      tpu.wait_indirect_dma semaphore(%arg12 : memref<!tpu.dma_semaphore, #tpu.memory_space<semaphore_mem>>) src(%arg8 : memref<128x128xf32, #tpu.memory_space<vmem>>) dst(%dma_wait3A_573 : memref<10240x128xf32, #tpu.memory_space<vmem_shared>>)
      %dma_start3A_574 = arith.constant 1024 : i32
      %dma_start3A_575 = tpu.memref_slice %arg6[%dma_start3A_574] : memref<2048xi32, #tpu.memory_space<vmem>> -> memref<128xi32, #tpu.memory_space<vmem>>
      %dma_start3A_576 = arith.constant 0 : i32
      %dma_start3A_577 = arith.constant 0 : i32
      %dma_start3A_578 = tpu.memref_slice %arg2[%dma_start3A_576, %dma_start3A_577] : memref<10240x128xf32, #tpu.memory_space<hbm>> -> memref<10240x128xf32, #tpu.memory_space<hbm>>
      tpu.enqueue_indirect_dma source(%dma_start3A_578 : memref<10240x128xf32, #tpu.memory_space<hbm>>) target(%arg8 : memref<128x128xf32, #tpu.memory_space<vmem>>) offsets(%dma_start3A_575 : memref<128xi32, #tpu.memory_space<vmem>>) semaphore(%arg11 : memref<!tpu.dma_semaphore, #tpu.memory_space<semaphore_mem>>)
      %dma_wait3A_579 = arith.constant 1024 : i32
      %dma_wait3A_580 = tpu.memref_slice %arg6[%dma_wait3A_579] : memref<2048xi32, #tpu.memory_space<vmem>> -> memref<128xi32, #tpu.memory_space<vmem>>
      %dma_wait3A_581 = arith.constant 0 : i32
      %dma_wait3A_582 = arith.constant 0 : i32
      %dma_wait3A_583 = tpu.memref_slice %arg2[%dma_wait3A_581, %dma_wait3A_582] : memref<10240x128xf32, #tpu.memory_space<hbm>> -> memref<10240x128xf32, #tpu.memory_space<hbm>>
      tpu.wait_indirect_dma semaphore(%arg11 : memref<!tpu.dma_semaphore, #tpu.memory_space<semaphore_mem>>) src(%dma_wait3A_583 : memref<10240x128xf32, #tpu.memory_space<hbm>>) dst(%arg8 : memref<128x128xf32, #tpu.memory_space<vmem>>)
      %dma_start3A_584 = arith.constant 1152 : i32
      %dma_start3A_585 = tpu.memref_slice %arg6[%dma_start3A_584] : memref<2048xi32, #tpu.memory_space<vmem>> -> memref<128xi32, #tpu.memory_space<vmem>>
      %dma_start3A_586 = arith.constant 0 : i32
      %dma_start3A_587 = arith.constant 0 : i32
      %dma_start3A_588 = tpu.memref_slice %arg10[%dma_start3A_586, %dma_start3A_587] : memref<10240x128xf32, #tpu.memory_space<vmem_shared>> -> memref<10240x128xf32, #tpu.memory_space<vmem_shared>>
      tpu.enqueue_indirect_dma source(%arg8 : memref<128x128xf32, #tpu.memory_space<vmem>>) target(%dma_start3A_588 : memref<10240x128xf32, #tpu.memory_space<vmem_shared>>) offsets(%dma_start3A_585 : memref<128xi32, #tpu.memory_space<vmem>>) semaphore(%arg12 : memref<!tpu.dma_semaphore, #tpu.memory_space<semaphore_mem>>) {add = true}
      %dma_wait3A_589 = arith.constant 128 : i32
      %dma_wait3A_590 = tpu.memref_slice %arg6[%dma_wait3A_589] : memref<2048xi32, #tpu.memory_space<vmem>> -> memref<128xi32, #tpu.memory_space<vmem>>
      %dma_wait3A_591 = arith.constant 0 : i32
      %dma_wait3A_592 = arith.constant 0 : i32
      %dma_wait3A_593 = tpu.memref_slice %arg10[%dma_wait3A_591, %dma_wait3A_592] : memref<10240x128xf32, #tpu.memory_space<vmem_shared>> -> memref<10240x128xf32, #tpu.memory_space<vmem_shared>>
      tpu.wait_indirect_dma semaphore(%arg13 : memref<!tpu.dma_semaphore, #tpu.memory_space<semaphore_mem>>) src(%arg9 : memref<128x128xf32, #tpu.memory_space<vmem>>) dst(%dma_wait3A_593 : memref<10240x128xf32, #tpu.memory_space<vmem_shared>>)
      %dma_start3A_594 = arith.constant 1280 : i32
      %dma_start3A_595 = tpu.memref_slice %arg6[%dma_start3A_594] : memref<2048xi32, #tpu.memory_space<vmem>> -> memref<128xi32, #tpu.memory_space<vmem>>
      %dma_start3A_596 = arith.constant 0 : i32
      %dma_start3A_597 = arith.constant 0 : i32
      %dma_start3A_598 = tpu.memref_slice %arg2[%dma_start3A_596, %dma_start3A_597] : memref<10240x128xf32, #tpu.memory_space<hbm>> -> memref<10240x128xf32, #tpu.memory_space<hbm>>
      tpu.enqueue_indirect_dma source(%dma_start3A_598 : memref<10240x128xf32, #tpu.memory_space<hbm>>) target(%arg9 : memref<128x128xf32, #tpu.memory_space<vmem>>) offsets(%dma_start3A_595 : memref<128xi32, #tpu.memory_space<vmem>>) semaphore(%arg11 : memref<!tpu.dma_semaphore, #tpu.memory_space<semaphore_mem>>)
      %dma_wait3A_599 = arith.constant 1280 : i32
      %dma_wait3A_600 = tpu.memref_slice %arg6[%dma_wait3A_599] : memref<2048xi32, #tpu.memory_space<vmem>> -> memref<128xi32, #tpu.memory_space<vmem>>
      %dma_wait3A_601 = arith.constant 0 : i32
      %dma_wait3A_602 = arith.constant 0 : i32
      %dma_wait3A_603 = tpu.memref_slice %arg2[%dma_wait3A_601, %dma_wait3A_602] : memref<10240x128xf32, #tpu.memory_space<hbm>> -> memref<10240x128xf32, #tpu.memory_space<hbm>>
      tpu.wait_indirect_dma semaphore(%arg11 : memref<!tpu.dma_semaphore, #tpu.memory_space<semaphore_mem>>) src(%dma_wait3A_603 : memref<10240x128xf32, #tpu.memory_space<hbm>>) dst(%arg9 : memref<128x128xf32, #tpu.memory_space<vmem>>)
      %dma_start3A_604 = arith.constant 1408 : i32
      %dma_start3A_605 = tpu.memref_slice %arg6[%dma_start3A_604] : memref<2048xi32, #tpu.memory_space<vmem>> -> memref<128xi32, #tpu.memory_space<vmem>>
      %dma_start3A_606 = arith.constant 0 : i32
      %dma_start3A_607 = arith.constant 0 : i32
      %dma_start3A_608 = tpu.memref_slice %arg10[%dma_start3A_606, %dma_start3A_607] : memref<10240x128xf32, #tpu.memory_space<vmem_shared>> -> memref<10240x128xf32, #tpu.memory_space<vmem_shared>>
      tpu.enqueue_indirect_dma source(%arg9 : memref<128x128xf32, #tpu.memory_space<vmem>>) target(%dma_start3A_608 : memref<10240x128xf32, #tpu.memory_space<vmem_shared>>) offsets(%dma_start3A_605 : memref<128xi32, #tpu.memory_space<vmem>>) semaphore(%arg13 : memref<!tpu.dma_semaphore, #tpu.memory_space<semaphore_mem>>) {add = true}
      %dma_wait3A_609 = arith.constant 128 : i32
      %dma_wait3A_610 = tpu.memref_slice %arg6[%dma_wait3A_609] : memref<2048xi32, #tpu.memory_space<vmem>> -> memref<128xi32, #tpu.memory_space<vmem>>
      %dma_wait3A_611 = arith.constant 0 : i32
      %dma_wait3A_612 = arith.constant 0 : i32
      %dma_wait3A_613 = tpu.memref_slice %arg10[%dma_wait3A_611, %dma_wait3A_612] : memref<10240x128xf32, #tpu.memory_space<vmem_shared>> -> memref<10240x128xf32, #tpu.memory_space<vmem_shared>>
      tpu.wait_indirect_dma semaphore(%arg12 : memref<!tpu.dma_semaphore, #tpu.memory_space<semaphore_mem>>) src(%arg8 : memref<128x128xf32, #tpu.memory_space<vmem>>) dst(%dma_wait3A_613 : memref<10240x128xf32, #tpu.memory_space<vmem_shared>>)
      %dma_start3A_614 = arith.constant 1536 : i32
      %dma_start3A_615 = tpu.memref_slice %arg6[%dma_start3A_614] : memref<2048xi32, #tpu.memory_space<vmem>> -> memref<128xi32, #tpu.memory_space<vmem>>
      %dma_start3A_616 = arith.constant 0 : i32
      %dma_start3A_617 = arith.constant 0 : i32
      %dma_start3A_618 = tpu.memref_slice %arg2[%dma_start3A_616, %dma_start3A_617] : memref<10240x128xf32, #tpu.memory_space<hbm>> -> memref<10240x128xf32, #tpu.memory_space<hbm>>
      tpu.enqueue_indirect_dma source(%dma_start3A_618 : memref<10240x128xf32, #tpu.memory_space<hbm>>) target(%arg8 : memref<128x128xf32, #tpu.memory_space<vmem>>) offsets(%dma_start3A_615 : memref<128xi32, #tpu.memory_space<vmem>>) semaphore(%arg11 : memref<!tpu.dma_semaphore, #tpu.memory_space<semaphore_mem>>)
      %dma_wait3A_619 = arith.constant 1536 : i32
      %dma_wait3A_620 = tpu.memref_slice %arg6[%dma_wait3A_619] : memref<2048xi32, #tpu.memory_space<vmem>> -> memref<128xi32, #tpu.memory_space<vmem>>
      %dma_wait3A_621 = arith.constant 0 : i32
      %dma_wait3A_622 = arith.constant 0 : i32
      %dma_wait3A_623 = tpu.memref_slice %arg2[%dma_wait3A_621, %dma_wait3A_622] : memref<10240x128xf32, #tpu.memory_space<hbm>> -> memref<10240x128xf32, #tpu.memory_space<hbm>>
      tpu.wait_indirect_dma semaphore(%arg11 : memref<!tpu.dma_semaphore, #tpu.memory_space<semaphore_mem>>) src(%dma_wait3A_623 : memref<10240x128xf32, #tpu.memory_space<hbm>>) dst(%arg8 : memref<128x128xf32, #tpu.memory_space<vmem>>)
      %dma_start3A_624 = arith.constant 1664 : i32
      %dma_start3A_625 = tpu.memref_slice %arg6[%dma_start3A_624] : memref<2048xi32, #tpu.memory_space<vmem>> -> memref<128xi32, #tpu.memory_space<vmem>>
      %dma_start3A_626 = arith.constant 0 : i32
      %dma_start3A_627 = arith.constant 0 : i32
      %dma_start3A_628 = tpu.memref_slice %arg10[%dma_start3A_626, %dma_start3A_627] : memref<10240x128xf32, #tpu.memory_space<vmem_shared>> -> memref<10240x128xf32, #tpu.memory_space<vmem_shared>>
      tpu.enqueue_indirect_dma source(%arg8 : memref<128x128xf32, #tpu.memory_space<vmem>>) target(%dma_start3A_628 : memref<10240x128xf32, #tpu.memory_space<vmem_shared>>) offsets(%dma_start3A_625 : memref<128xi32, #tpu.memory_space<vmem>>) semaphore(%arg12 : memref<!tpu.dma_semaphore, #tpu.memory_space<semaphore_mem>>) {add = true}
      %dma_wait3A_629 = arith.constant 128 : i32
      %dma_wait3A_630 = tpu.memref_slice %arg6[%dma_wait3A_629] : memref<2048xi32, #tpu.memory_space<vmem>> -> memref<128xi32, #tpu.memory_space<vmem>>
      %dma_wait3A_631 = arith.constant 0 : i32
      %dma_wait3A_632 = arith.constant 0 : i32
      %dma_wait3A_633 = tpu.memref_slice %arg10[%dma_wait3A_631, %dma_wait3A_632] : memref<10240x128xf32, #tpu.memory_space<vmem_shared>> -> memref<10240x128xf32, #tpu.memory_space<vmem_shared>>
      tpu.wait_indirect_dma semaphore(%arg13 : memref<!tpu.dma_semaphore, #tpu.memory_space<semaphore_mem>>) src(%arg9 : memref<128x128xf32, #tpu.memory_space<vmem>>) dst(%dma_wait3A_633 : memref<10240x128xf32, #tpu.memory_space<vmem_shared>>)
      %dma_start3A_634 = arith.constant 1792 : i32
      %dma_start3A_635 = tpu.memref_slice %arg6[%dma_start3A_634] : memref<2048xi32, #tpu.memory_space<vmem>> -> memref<128xi32, #tpu.memory_space<vmem>>
      %dma_start3A_636 = arith.constant 0 : i32
      %dma_start3A_637 = arith.constant 0 : i32
      %dma_start3A_638 = tpu.memref_slice %arg2[%dma_start3A_636, %dma_start3A_637] : memref<10240x128xf32, #tpu.memory_space<hbm>> -> memref<10240x128xf32, #tpu.memory_space<hbm>>
      tpu.enqueue_indirect_dma source(%dma_start3A_638 : memref<10240x128xf32, #tpu.memory_space<hbm>>) target(%arg9 : memref<128x128xf32, #tpu.memory_space<vmem>>) offsets(%dma_start3A_635 : memref<128xi32, #tpu.memory_space<vmem>>) semaphore(%arg11 : memref<!tpu.dma_semaphore, #tpu.memory_space<semaphore_mem>>)
      %dma_wait3A_639 = arith.constant 1792 : i32
      %dma_wait3A_640 = tpu.memref_slice %arg6[%dma_wait3A_639] : memref<2048xi32, #tpu.memory_space<vmem>> -> memref<128xi32, #tpu.memory_space<vmem>>
      %dma_wait3A_641 = arith.constant 0 : i32
      %dma_wait3A_642 = arith.constant 0 : i32
      %dma_wait3A_643 = tpu.memref_slice %arg2[%dma_wait3A_641, %dma_wait3A_642] : memref<10240x128xf32, #tpu.memory_space<hbm>> -> memref<10240x128xf32, #tpu.memory_space<hbm>>
      tpu.wait_indirect_dma semaphore(%arg11 : memref<!tpu.dma_semaphore, #tpu.memory_space<semaphore_mem>>) src(%dma_wait3A_643 : memref<10240x128xf32, #tpu.memory_space<hbm>>) dst(%arg9 : memref<128x128xf32, #tpu.memory_space<vmem>>)
      %dma_start3A_644 = arith.constant 1920 : i32
      %dma_start3A_645 = tpu.memref_slice %arg6[%dma_start3A_644] : memref<2048xi32, #tpu.memory_space<vmem>> -> memref<128xi32, #tpu.memory_space<vmem>>
      %dma_start3A_646 = arith.constant 0 : i32
      %dma_start3A_647 = arith.constant 0 : i32
      %dma_start3A_648 = tpu.memref_slice %arg10[%dma_start3A_646, %dma_start3A_647] : memref<10240x128xf32, #tpu.memory_space<vmem_shared>> -> memref<10240x128xf32, #tpu.memory_space<vmem_shared>>
      tpu.enqueue_indirect_dma source(%arg9 : memref<128x128xf32, #tpu.memory_space<vmem>>) target(%dma_start3A_648 : memref<10240x128xf32, #tpu.memory_space<vmem_shared>>) offsets(%dma_start3A_645 : memref<128xi32, #tpu.memory_space<vmem>>) semaphore(%arg13 : memref<!tpu.dma_semaphore, #tpu.memory_space<semaphore_mem>>) {add = true}
      %dma_wait3A_649 = arith.constant 128 : i32
      %dma_wait3A_650 = tpu.memref_slice %arg6[%dma_wait3A_649] : memref<2048xi32, #tpu.memory_space<vmem>> -> memref<128xi32, #tpu.memory_space<vmem>>
      %dma_wait3A_651 = arith.constant 0 : i32
      %dma_wait3A_652 = arith.constant 0 : i32
      %dma_wait3A_653 = tpu.memref_slice %arg10[%dma_wait3A_651, %dma_wait3A_652] : memref<10240x128xf32, #tpu.memory_space<vmem_shared>> -> memref<10240x128xf32, #tpu.memory_space<vmem_shared>>
      tpu.wait_indirect_dma semaphore(%arg12 : memref<!tpu.dma_semaphore, #tpu.memory_space<semaphore_mem>>) src(%arg8 : memref<128x128xf32, #tpu.memory_space<vmem>>) dst(%dma_wait3A_653 : memref<10240x128xf32, #tpu.memory_space<vmem_shared>>)
    }
    %scan3A_168 = arith.constant 4 : i32
    %add3A_169 = arith.constant 18432 : i32
    %add3A_170 = arith.addi %mul3A_8, %add3A_169 : i32
    "tpu.region"() ({
      %run_scoped3A = tpu.sem_alloc : memref<!tpu.dma_semaphore, #tpu.memory_space<semaphore_mem>>
      %dma_start3A_317 = tpu.memref_slice %arg3[%add3A_170] : memref<647424xi32, #tpu.memory_space<hbm>> -> memref<2048xi32, #tpu.memory_space<hbm>>
      %dma_start3A_318 = tpu.memref_slice %arg3[%add3A_170] : memref<647424xi32, #tpu.memory_space<hbm>> -> memref<2048xi32, #tpu.memory_space<hbm>>
      tpu.enqueue_dma source(%dma_start3A_318 : memref<2048xi32, #tpu.memory_space<hbm>>) target(%arg7 : memref<2048xi32, #tpu.memory_space<vmem>>) target_semaphore(%run_scoped3A : memref<!tpu.dma_semaphore, #tpu.memory_space<semaphore_mem>>)
      %dma_wait3A_319 = tpu.memref_slice %arg3[%add3A_170] : memref<647424xi32, #tpu.memory_space<hbm>> -> memref<2048xi32, #tpu.memory_space<hbm>>
      %dma_wait3A_320 = tpu.memref_slice %arg3[%add3A_170] : memref<647424xi32, #tpu.memory_space<hbm>> -> memref<2048xi32, #tpu.memory_space<hbm>>
      tpu.wait_dma2 semaphore(%run_scoped3A : memref<!tpu.dma_semaphore, #tpu.memory_space<semaphore_mem>>) src(%dma_wait3A_320 : memref<2048xi32, #tpu.memory_space<hbm>>) dst(%arg7 : memref<2048xi32, #tpu.memory_space<vmem>>)
      tpu.yield
    }) : () -> ()
    %dma_start3A_171 = arith.constant 0 : i32
    %dma_start3A_172 = tpu.memref_slice %arg7[%dma_start3A_171] : memref<2048xi32, #tpu.memory_space<vmem>> -> memref<128xi32, #tpu.memory_space<vmem>>
    %dma_start3A_173 = arith.constant 0 : i32
    %dma_start3A_174 = arith.constant 0 : i32
    %dma_start3A_175 = tpu.memref_slice %arg2[%dma_start3A_173, %dma_start3A_174] : memref<10240x128xf32, #tpu.memory_space<hbm>> -> memref<10240x128xf32, #tpu.memory_space<hbm>>
    tpu.enqueue_indirect_dma source(%dma_start3A_175 : memref<10240x128xf32, #tpu.memory_space<hbm>>) target(%arg8 : memref<128x128xf32, #tpu.memory_space<vmem>>) offsets(%dma_start3A_172 : memref<128xi32, #tpu.memory_space<vmem>>) semaphore(%arg11 : memref<!tpu.dma_semaphore, #tpu.memory_space<semaphore_mem>>)
    %dma_wait3A_176 = arith.constant 0 : i32
    %dma_wait3A_177 = tpu.memref_slice %arg7[%dma_wait3A_176] : memref<2048xi32, #tpu.memory_space<vmem>> -> memref<128xi32, #tpu.memory_space<vmem>>
    %dma_wait3A_178 = arith.constant 0 : i32
    %dma_wait3A_179 = arith.constant 0 : i32
    %dma_wait3A_180 = tpu.memref_slice %arg2[%dma_wait3A_178, %dma_wait3A_179] : memref<10240x128xf32, #tpu.memory_space<hbm>> -> memref<10240x128xf32, #tpu.memory_space<hbm>>
    tpu.wait_indirect_dma semaphore(%arg11 : memref<!tpu.dma_semaphore, #tpu.memory_space<semaphore_mem>>) src(%dma_wait3A_180 : memref<10240x128xf32, #tpu.memory_space<hbm>>) dst(%arg8 : memref<128x128xf32, #tpu.memory_space<vmem>>)
    %dma_start3A_181 = arith.constant 128 : i32
    %dma_start3A_182 = tpu.memref_slice %arg7[%dma_start3A_181] : memref<2048xi32, #tpu.memory_space<vmem>> -> memref<128xi32, #tpu.memory_space<vmem>>
    %dma_start3A_183 = arith.constant 0 : i32
    %dma_start3A_184 = arith.constant 0 : i32
    %dma_start3A_185 = tpu.memref_slice %arg10[%dma_start3A_183, %dma_start3A_184] : memref<10240x128xf32, #tpu.memory_space<vmem_shared>> -> memref<10240x128xf32, #tpu.memory_space<vmem_shared>>
    tpu.enqueue_indirect_dma source(%arg8 : memref<128x128xf32, #tpu.memory_space<vmem>>) target(%dma_start3A_185 : memref<10240x128xf32, #tpu.memory_space<vmem_shared>>) offsets(%dma_start3A_182 : memref<128xi32, #tpu.memory_space<vmem>>) semaphore(%arg12 : memref<!tpu.dma_semaphore, #tpu.memory_space<semaphore_mem>>) {add = true}
    %dma_wait3A_186 = arith.constant 128 : i32
    %dma_wait3A_187 = tpu.memref_slice %arg7[%dma_wait3A_186] : memref<2048xi32, #tpu.memory_space<vmem>> -> memref<128xi32, #tpu.memory_space<vmem>>
    %dma_wait3A_188 = arith.constant 0 : i32
    %dma_wait3A_189 = arith.constant 0 : i32
    %dma_wait3A_190 = tpu.memref_slice %arg10[%dma_wait3A_188, %dma_wait3A_189] : memref<10240x128xf32, #tpu.memory_space<vmem_shared>> -> memref<10240x128xf32, #tpu.memory_space<vmem_shared>>
    tpu.wait_indirect_dma semaphore(%arg13 : memref<!tpu.dma_semaphore, #tpu.memory_space<semaphore_mem>>) src(%arg9 : memref<128x128xf32, #tpu.memory_space<vmem>>) dst(%dma_wait3A_190 : memref<10240x128xf32, #tpu.memory_space<vmem_shared>>)
    %dma_start3A_191 = arith.constant 256 : i32
    %dma_start3A_192 = tpu.memref_slice %arg7[%dma_start3A_191] : memref<2048xi32, #tpu.memory_space<vmem>> -> memref<128xi32, #tpu.memory_space<vmem>>
    %dma_start3A_193 = arith.constant 0 : i32
    %dma_start3A_194 = arith.constant 0 : i32
    %dma_start3A_195 = tpu.memref_slice %arg2[%dma_start3A_193, %dma_start3A_194] : memref<10240x128xf32, #tpu.memory_space<hbm>> -> memref<10240x128xf32, #tpu.memory_space<hbm>>
    tpu.enqueue_indirect_dma source(%dma_start3A_195 : memref<10240x128xf32, #tpu.memory_space<hbm>>) target(%arg9 : memref<128x128xf32, #tpu.memory_space<vmem>>) offsets(%dma_start3A_192 : memref<128xi32, #tpu.memory_space<vmem>>) semaphore(%arg11 : memref<!tpu.dma_semaphore, #tpu.memory_space<semaphore_mem>>)
    %dma_wait3A_196 = arith.constant 256 : i32
    %dma_wait3A_197 = tpu.memref_slice %arg7[%dma_wait3A_196] : memref<2048xi32, #tpu.memory_space<vmem>> -> memref<128xi32, #tpu.memory_space<vmem>>
    %dma_wait3A_198 = arith.constant 0 : i32
    %dma_wait3A_199 = arith.constant 0 : i32
    %dma_wait3A_200 = tpu.memref_slice %arg2[%dma_wait3A_198, %dma_wait3A_199] : memref<10240x128xf32, #tpu.memory_space<hbm>> -> memref<10240x128xf32, #tpu.memory_space<hbm>>
    tpu.wait_indirect_dma semaphore(%arg11 : memref<!tpu.dma_semaphore, #tpu.memory_space<semaphore_mem>>) src(%dma_wait3A_200 : memref<10240x128xf32, #tpu.memory_space<hbm>>) dst(%arg9 : memref<128x128xf32, #tpu.memory_space<vmem>>)
    %dma_start3A_201 = arith.constant 384 : i32
    %dma_start3A_202 = tpu.memref_slice %arg7[%dma_start3A_201] : memref<2048xi32, #tpu.memory_space<vmem>> -> memref<128xi32, #tpu.memory_space<vmem>>
    %dma_start3A_203 = arith.constant 0 : i32
    %dma_start3A_204 = arith.constant 0 : i32
    %dma_start3A_205 = tpu.memref_slice %arg10[%dma_start3A_203, %dma_start3A_204] : memref<10240x128xf32, #tpu.memory_space<vmem_shared>> -> memref<10240x128xf32, #tpu.memory_space<vmem_shared>>
    tpu.enqueue_indirect_dma source(%arg9 : memref<128x128xf32, #tpu.memory_space<vmem>>) target(%dma_start3A_205 : memref<10240x128xf32, #tpu.memory_space<vmem_shared>>) offsets(%dma_start3A_202 : memref<128xi32, #tpu.memory_space<vmem>>) semaphore(%arg13 : memref<!tpu.dma_semaphore, #tpu.memory_space<semaphore_mem>>) {add = true}
    %dma_wait3A_206 = arith.constant 128 : i32
    %dma_wait3A_207 = tpu.memref_slice %arg7[%dma_wait3A_206] : memref<2048xi32, #tpu.memory_space<vmem>> -> memref<128xi32, #tpu.memory_space<vmem>>
    %dma_wait3A_208 = arith.constant 0 : i32
    %dma_wait3A_209 = arith.constant 0 : i32
    %dma_wait3A_210 = tpu.memref_slice %arg10[%dma_wait3A_208, %dma_wait3A_209] : memref<10240x128xf32, #tpu.memory_space<vmem_shared>> -> memref<10240x128xf32, #tpu.memory_space<vmem_shared>>
    tpu.wait_indirect_dma semaphore(%arg12 : memref<!tpu.dma_semaphore, #tpu.memory_space<semaphore_mem>>) src(%arg8 : memref<128x128xf32, #tpu.memory_space<vmem>>) dst(%dma_wait3A_210 : memref<10240x128xf32, #tpu.memory_space<vmem_shared>>)
    %dma_start3A_211 = arith.constant 512 : i32
    %dma_start3A_212 = tpu.memref_slice %arg7[%dma_start3A_211] : memref<2048xi32, #tpu.memory_space<vmem>> -> memref<128xi32, #tpu.memory_space<vmem>>
    %dma_start3A_213 = arith.constant 0 : i32
    %dma_start3A_214 = arith.constant 0 : i32
    %dma_start3A_215 = tpu.memref_slice %arg2[%dma_start3A_213, %dma_start3A_214] : memref<10240x128xf32, #tpu.memory_space<hbm>> -> memref<10240x128xf32, #tpu.memory_space<hbm>>
    tpu.enqueue_indirect_dma source(%dma_start3A_215 : memref<10240x128xf32, #tpu.memory_space<hbm>>) target(%arg8 : memref<128x128xf32, #tpu.memory_space<vmem>>) offsets(%dma_start3A_212 : memref<128xi32, #tpu.memory_space<vmem>>) semaphore(%arg11 : memref<!tpu.dma_semaphore, #tpu.memory_space<semaphore_mem>>)
    %dma_wait3A_216 = arith.constant 512 : i32
    %dma_wait3A_217 = tpu.memref_slice %arg7[%dma_wait3A_216] : memref<2048xi32, #tpu.memory_space<vmem>> -> memref<128xi32, #tpu.memory_space<vmem>>
    %dma_wait3A_218 = arith.constant 0 : i32
    %dma_wait3A_219 = arith.constant 0 : i32
    %dma_wait3A_220 = tpu.memref_slice %arg2[%dma_wait3A_218, %dma_wait3A_219] : memref<10240x128xf32, #tpu.memory_space<hbm>> -> memref<10240x128xf32, #tpu.memory_space<hbm>>
    tpu.wait_indirect_dma semaphore(%arg11 : memref<!tpu.dma_semaphore, #tpu.memory_space<semaphore_mem>>) src(%dma_wait3A_220 : memref<10240x128xf32, #tpu.memory_space<hbm>>) dst(%arg8 : memref<128x128xf32, #tpu.memory_space<vmem>>)
    %dma_start3A_221 = arith.constant 640 : i32
    %dma_start3A_222 = tpu.memref_slice %arg7[%dma_start3A_221] : memref<2048xi32, #tpu.memory_space<vmem>> -> memref<128xi32, #tpu.memory_space<vmem>>
    %dma_start3A_223 = arith.constant 0 : i32
    %dma_start3A_224 = arith.constant 0 : i32
    %dma_start3A_225 = tpu.memref_slice %arg10[%dma_start3A_223, %dma_start3A_224] : memref<10240x128xf32, #tpu.memory_space<vmem_shared>> -> memref<10240x128xf32, #tpu.memory_space<vmem_shared>>
    tpu.enqueue_indirect_dma source(%arg8 : memref<128x128xf32, #tpu.memory_space<vmem>>) target(%dma_start3A_225 : memref<10240x128xf32, #tpu.memory_space<vmem_shared>>) offsets(%dma_start3A_222 : memref<128xi32, #tpu.memory_space<vmem>>) semaphore(%arg12 : memref<!tpu.dma_semaphore, #tpu.memory_space<semaphore_mem>>) {add = true}
    %dma_wait3A_226 = arith.constant 128 : i32
    %dma_wait3A_227 = tpu.memref_slice %arg7[%dma_wait3A_226] : memref<2048xi32, #tpu.memory_space<vmem>> -> memref<128xi32, #tpu.memory_space<vmem>>
    %dma_wait3A_228 = arith.constant 0 : i32
    %dma_wait3A_229 = arith.constant 0 : i32
    %dma_wait3A_230 = tpu.memref_slice %arg10[%dma_wait3A_228, %dma_wait3A_229] : memref<10240x128xf32, #tpu.memory_space<vmem_shared>> -> memref<10240x128xf32, #tpu.memory_space<vmem_shared>>
    tpu.wait_indirect_dma semaphore(%arg13 : memref<!tpu.dma_semaphore, #tpu.memory_space<semaphore_mem>>) src(%arg9 : memref<128x128xf32, #tpu.memory_space<vmem>>) dst(%dma_wait3A_230 : memref<10240x128xf32, #tpu.memory_space<vmem_shared>>)
    %dma_start3A_231 = arith.constant 768 : i32
    %dma_start3A_232 = tpu.memref_slice %arg7[%dma_start3A_231] : memref<2048xi32, #tpu.memory_space<vmem>> -> memref<128xi32, #tpu.memory_space<vmem>>
    %dma_start3A_233 = arith.constant 0 : i32
    %dma_start3A_234 = arith.constant 0 : i32
    %dma_start3A_235 = tpu.memref_slice %arg2[%dma_start3A_233, %dma_start3A_234] : memref<10240x128xf32, #tpu.memory_space<hbm>> -> memref<10240x128xf32, #tpu.memory_space<hbm>>
    tpu.enqueue_indirect_dma source(%dma_start3A_235 : memref<10240x128xf32, #tpu.memory_space<hbm>>) target(%arg9 : memref<128x128xf32, #tpu.memory_space<vmem>>) offsets(%dma_start3A_232 : memref<128xi32, #tpu.memory_space<vmem>>) semaphore(%arg11 : memref<!tpu.dma_semaphore, #tpu.memory_space<semaphore_mem>>)
    %dma_wait3A_236 = arith.constant 768 : i32
    %dma_wait3A_237 = tpu.memref_slice %arg7[%dma_wait3A_236] : memref<2048xi32, #tpu.memory_space<vmem>> -> memref<128xi32, #tpu.memory_space<vmem>>
    %dma_wait3A_238 = arith.constant 0 : i32
    %dma_wait3A_239 = arith.constant 0 : i32
    %dma_wait3A_240 = tpu.memref_slice %arg2[%dma_wait3A_238, %dma_wait3A_239] : memref<10240x128xf32, #tpu.memory_space<hbm>> -> memref<10240x128xf32, #tpu.memory_space<hbm>>
    tpu.wait_indirect_dma semaphore(%arg11 : memref<!tpu.dma_semaphore, #tpu.memory_space<semaphore_mem>>) src(%dma_wait3A_240 : memref<10240x128xf32, #tpu.memory_space<hbm>>) dst(%arg9 : memref<128x128xf32, #tpu.memory_space<vmem>>)
    %dma_start3A_241 = arith.constant 896 : i32
    %dma_start3A_242 = tpu.memref_slice %arg7[%dma_start3A_241] : memref<2048xi32, #tpu.memory_space<vmem>> -> memref<128xi32, #tpu.memory_space<vmem>>
    %dma_start3A_243 = arith.constant 0 : i32
    %dma_start3A_244 = arith.constant 0 : i32
    %dma_start3A_245 = tpu.memref_slice %arg10[%dma_start3A_243, %dma_start3A_244] : memref<10240x128xf32, #tpu.memory_space<vmem_shared>> -> memref<10240x128xf32, #tpu.memory_space<vmem_shared>>
    tpu.enqueue_indirect_dma source(%arg9 : memref<128x128xf32, #tpu.memory_space<vmem>>) target(%dma_start3A_245 : memref<10240x128xf32, #tpu.memory_space<vmem_shared>>) offsets(%dma_start3A_242 : memref<128xi32, #tpu.memory_space<vmem>>) semaphore(%arg13 : memref<!tpu.dma_semaphore, #tpu.memory_space<semaphore_mem>>) {add = true}
    %dma_wait3A_246 = arith.constant 128 : i32
    %dma_wait3A_247 = tpu.memref_slice %arg7[%dma_wait3A_246] : memref<2048xi32, #tpu.memory_space<vmem>> -> memref<128xi32, #tpu.memory_space<vmem>>
    %dma_wait3A_248 = arith.constant 0 : i32
    %dma_wait3A_249 = arith.constant 0 : i32
    %dma_wait3A_250 = tpu.memref_slice %arg10[%dma_wait3A_248, %dma_wait3A_249] : memref<10240x128xf32, #tpu.memory_space<vmem_shared>> -> memref<10240x128xf32, #tpu.memory_space<vmem_shared>>
    tpu.wait_indirect_dma semaphore(%arg12 : memref<!tpu.dma_semaphore, #tpu.memory_space<semaphore_mem>>) src(%arg8 : memref<128x128xf32, #tpu.memory_space<vmem>>) dst(%dma_wait3A_250 : memref<10240x128xf32, #tpu.memory_space<vmem_shared>>)
    %dma_start3A_251 = arith.constant 1024 : i32
    %dma_start3A_252 = tpu.memref_slice %arg7[%dma_start3A_251] : memref<2048xi32, #tpu.memory_space<vmem>> -> memref<128xi32, #tpu.memory_space<vmem>>
    %dma_start3A_253 = arith.constant 0 : i32
    %dma_start3A_254 = arith.constant 0 : i32
    %dma_start3A_255 = tpu.memref_slice %arg2[%dma_start3A_253, %dma_start3A_254] : memref<10240x128xf32, #tpu.memory_space<hbm>> -> memref<10240x128xf32, #tpu.memory_space<hbm>>
    tpu.enqueue_indirect_dma source(%dma_start3A_255 : memref<10240x128xf32, #tpu.memory_space<hbm>>) target(%arg8 : memref<128x128xf32, #tpu.memory_space<vmem>>) offsets(%dma_start3A_252 : memref<128xi32, #tpu.memory_space<vmem>>) semaphore(%arg11 : memref<!tpu.dma_semaphore, #tpu.memory_space<semaphore_mem>>)
    %dma_wait3A_256 = arith.constant 1024 : i32
    %dma_wait3A_257 = tpu.memref_slice %arg7[%dma_wait3A_256] : memref<2048xi32, #tpu.memory_space<vmem>> -> memref<128xi32, #tpu.memory_space<vmem>>
    %dma_wait3A_258 = arith.constant 0 : i32
    %dma_wait3A_259 = arith.constant 0 : i32
    %dma_wait3A_260 = tpu.memref_slice %arg2[%dma_wait3A_258, %dma_wait3A_259] : memref<10240x128xf32, #tpu.memory_space<hbm>> -> memref<10240x128xf32, #tpu.memory_space<hbm>>
    tpu.wait_indirect_dma semaphore(%arg11 : memref<!tpu.dma_semaphore, #tpu.memory_space<semaphore_mem>>) src(%dma_wait3A_260 : memref<10240x128xf32, #tpu.memory_space<hbm>>) dst(%arg8 : memref<128x128xf32, #tpu.memory_space<vmem>>)
    %dma_start3A_261 = arith.constant 1152 : i32
    %dma_start3A_262 = tpu.memref_slice %arg7[%dma_start3A_261] : memref<2048xi32, #tpu.memory_space<vmem>> -> memref<128xi32, #tpu.memory_space<vmem>>
    %dma_start3A_263 = arith.constant 0 : i32
    %dma_start3A_264 = arith.constant 0 : i32
    %dma_start3A_265 = tpu.memref_slice %arg10[%dma_start3A_263, %dma_start3A_264] : memref<10240x128xf32, #tpu.memory_space<vmem_shared>> -> memref<10240x128xf32, #tpu.memory_space<vmem_shared>>
    tpu.enqueue_indirect_dma source(%arg8 : memref<128x128xf32, #tpu.memory_space<vmem>>) target(%dma_start3A_265 : memref<10240x128xf32, #tpu.memory_space<vmem_shared>>) offsets(%dma_start3A_262 : memref<128xi32, #tpu.memory_space<vmem>>) semaphore(%arg12 : memref<!tpu.dma_semaphore, #tpu.memory_space<semaphore_mem>>) {add = true}
    %dma_wait3A_266 = arith.constant 128 : i32
    %dma_wait3A_267 = tpu.memref_slice %arg7[%dma_wait3A_266] : memref<2048xi32, #tpu.memory_space<vmem>> -> memref<128xi32, #tpu.memory_space<vmem>>
    %dma_wait3A_268 = arith.constant 0 : i32
    %dma_wait3A_269 = arith.constant 0 : i32
    %dma_wait3A_270 = tpu.memref_slice %arg10[%dma_wait3A_268, %dma_wait3A_269] : memref<10240x128xf32, #tpu.memory_space<vmem_shared>> -> memref<10240x128xf32, #tpu.memory_space<vmem_shared>>
    tpu.wait_indirect_dma semaphore(%arg13 : memref<!tpu.dma_semaphore, #tpu.memory_space<semaphore_mem>>) src(%arg9 : memref<128x128xf32, #tpu.memory_space<vmem>>) dst(%dma_wait3A_270 : memref<10240x128xf32, #tpu.memory_space<vmem_shared>>)
    %dma_start3A_271 = arith.constant 1280 : i32
    %dma_start3A_272 = tpu.memref_slice %arg7[%dma_start3A_271] : memref<2048xi32, #tpu.memory_space<vmem>> -> memref<128xi32, #tpu.memory_space<vmem>>
    %dma_start3A_273 = arith.constant 0 : i32
    %dma_start3A_274 = arith.constant 0 : i32
    %dma_start3A_275 = tpu.memref_slice %arg2[%dma_start3A_273, %dma_start3A_274] : memref<10240x128xf32, #tpu.memory_space<hbm>> -> memref<10240x128xf32, #tpu.memory_space<hbm>>
    tpu.enqueue_indirect_dma source(%dma_start3A_275 : memref<10240x128xf32, #tpu.memory_space<hbm>>) target(%arg9 : memref<128x128xf32, #tpu.memory_space<vmem>>) offsets(%dma_start3A_272 : memref<128xi32, #tpu.memory_space<vmem>>) semaphore(%arg11 : memref<!tpu.dma_semaphore, #tpu.memory_space<semaphore_mem>>)
    %dma_wait3A_276 = arith.constant 1280 : i32
    %dma_wait3A_277 = tpu.memref_slice %arg7[%dma_wait3A_276] : memref<2048xi32, #tpu.memory_space<vmem>> -> memref<128xi32, #tpu.memory_space<vmem>>
    %dma_wait3A_278 = arith.constant 0 : i32
    %dma_wait3A_279 = arith.constant 0 : i32
    %dma_wait3A_280 = tpu.memref_slice %arg2[%dma_wait3A_278, %dma_wait3A_279] : memref<10240x128xf32, #tpu.memory_space<hbm>> -> memref<10240x128xf32, #tpu.memory_space<hbm>>
    tpu.wait_indirect_dma semaphore(%arg11 : memref<!tpu.dma_semaphore, #tpu.memory_space<semaphore_mem>>) src(%dma_wait3A_280 : memref<10240x128xf32, #tpu.memory_space<hbm>>) dst(%arg9 : memref<128x128xf32, #tpu.memory_space<vmem>>)
    %dma_start3A_281 = arith.constant 1408 : i32
    %dma_start3A_282 = tpu.memref_slice %arg7[%dma_start3A_281] : memref<2048xi32, #tpu.memory_space<vmem>> -> memref<128xi32, #tpu.memory_space<vmem>>
    %dma_start3A_283 = arith.constant 0 : i32
    %dma_start3A_284 = arith.constant 0 : i32
    %dma_start3A_285 = tpu.memref_slice %arg10[%dma_start3A_283, %dma_start3A_284] : memref<10240x128xf32, #tpu.memory_space<vmem_shared>> -> memref<10240x128xf32, #tpu.memory_space<vmem_shared>>
    tpu.enqueue_indirect_dma source(%arg9 : memref<128x128xf32, #tpu.memory_space<vmem>>) target(%dma_start3A_285 : memref<10240x128xf32, #tpu.memory_space<vmem_shared>>) offsets(%dma_start3A_282 : memref<128xi32, #tpu.memory_space<vmem>>) semaphore(%arg13 : memref<!tpu.dma_semaphore, #tpu.memory_space<semaphore_mem>>) {add = true}
    %dma_wait3A_286 = arith.constant 128 : i32
    %dma_wait3A_287 = tpu.memref_slice %arg7[%dma_wait3A_286] : memref<2048xi32, #tpu.memory_space<vmem>> -> memref<128xi32, #tpu.memory_space<vmem>>
    %dma_wait3A_288 = arith.constant 0 : i32
    %dma_wait3A_289 = arith.constant 0 : i32
    %dma_wait3A_290 = tpu.memref_slice %arg10[%dma_wait3A_288, %dma_wait3A_289] : memref<10240x128xf32, #tpu.memory_space<vmem_shared>> -> memref<10240x128xf32, #tpu.memory_space<vmem_shared>>
    tpu.wait_indirect_dma semaphore(%arg12 : memref<!tpu.dma_semaphore, #tpu.memory_space<semaphore_mem>>) src(%arg8 : memref<128x128xf32, #tpu.memory_space<vmem>>) dst(%dma_wait3A_290 : memref<10240x128xf32, #tpu.memory_space<vmem_shared>>)
    %dma_start3A_291 = arith.constant 1536 : i32
    %dma_start3A_292 = tpu.memref_slice %arg7[%dma_start3A_291] : memref<2048xi32, #tpu.memory_space<vmem>> -> memref<128xi32, #tpu.memory_space<vmem>>
    %dma_start3A_293 = arith.constant 0 : i32
    %dma_start3A_294 = arith.constant 0 : i32
    %dma_start3A_295 = tpu.memref_slice %arg2[%dma_start3A_293, %dma_start3A_294] : memref<10240x128xf32, #tpu.memory_space<hbm>> -> memref<10240x128xf32, #tpu.memory_space<hbm>>
    tpu.enqueue_indirect_dma source(%dma_start3A_295 : memref<10240x128xf32, #tpu.memory_space<hbm>>) target(%arg8 : memref<128x128xf32, #tpu.memory_space<vmem>>) offsets(%dma_start3A_292 : memref<128xi32, #tpu.memory_space<vmem>>) semaphore(%arg11 : memref<!tpu.dma_semaphore, #tpu.memory_space<semaphore_mem>>)
    %dma_wait3A_296 = arith.constant 1536 : i32
    %dma_wait3A_297 = tpu.memref_slice %arg7[%dma_wait3A_296] : memref<2048xi32, #tpu.memory_space<vmem>> -> memref<128xi32, #tpu.memory_space<vmem>>
    %dma_wait3A_298 = arith.constant 0 : i32
    %dma_wait3A_299 = arith.constant 0 : i32
    %dma_wait3A_300 = tpu.memref_slice %arg2[%dma_wait3A_298, %dma_wait3A_299] : memref<10240x128xf32, #tpu.memory_space<hbm>> -> memref<10240x128xf32, #tpu.memory_space<hbm>>
    tpu.wait_indirect_dma semaphore(%arg11 : memref<!tpu.dma_semaphore, #tpu.memory_space<semaphore_mem>>) src(%dma_wait3A_300 : memref<10240x128xf32, #tpu.memory_space<hbm>>) dst(%arg8 : memref<128x128xf32, #tpu.memory_space<vmem>>)
    %dma_start3A_301 = arith.constant 1664 : i32
    %dma_start3A_302 = tpu.memref_slice %arg7[%dma_start3A_301] : memref<2048xi32, #tpu.memory_space<vmem>> -> memref<128xi32, #tpu.memory_space<vmem>>
    %dma_start3A_303 = arith.constant 0 : i32
    %dma_start3A_304 = arith.constant 0 : i32
    %dma_start3A_305 = tpu.memref_slice %arg10[%dma_start3A_303, %dma_start3A_304] : memref<10240x128xf32, #tpu.memory_space<vmem_shared>> -> memref<10240x128xf32, #tpu.memory_space<vmem_shared>>
    tpu.enqueue_indirect_dma source(%arg8 : memref<128x128xf32, #tpu.memory_space<vmem>>) target(%dma_start3A_305 : memref<10240x128xf32, #tpu.memory_space<vmem_shared>>) offsets(%dma_start3A_302 : memref<128xi32, #tpu.memory_space<vmem>>) semaphore(%arg12 : memref<!tpu.dma_semaphore, #tpu.memory_space<semaphore_mem>>) {add = true}
    %dma_wait3A_306 = arith.constant 128 : i32
    %dma_wait3A_307 = tpu.memref_slice %arg7[%dma_wait3A_306] : memref<2048xi32, #tpu.memory_space<vmem>> -> memref<128xi32, #tpu.memory_space<vmem>>
    %dma_wait3A_308 = arith.constant 0 : i32
    %dma_wait3A_309 = arith.constant 0 : i32
    %dma_wait3A_310 = tpu.memref_slice %arg10[%dma_wait3A_308, %dma_wait3A_309] : memref<10240x128xf32, #tpu.memory_space<vmem_shared>> -> memref<10240x128xf32, #tpu.memory_space<vmem_shared>>
    tpu.wait_indirect_dma semaphore(%arg13 : memref<!tpu.dma_semaphore, #tpu.memory_space<semaphore_mem>>) src(%arg9 : memref<128x128xf32, #tpu.memory_space<vmem>>) dst(%dma_wait3A_310 : memref<10240x128xf32, #tpu.memory_space<vmem_shared>>)
    %dma_wait3A_311 = arith.constant 128 : i32
    %dma_wait3A_312 = tpu.memref_slice %arg7[%dma_wait3A_311] : memref<2048xi32, #tpu.memory_space<vmem>> -> memref<128xi32, #tpu.memory_space<vmem>>
    %dma_wait3A_313 = arith.constant 0 : i32
    %dma_wait3A_314 = arith.constant 0 : i32
    %dma_wait3A_315 = tpu.memref_slice %arg10[%dma_wait3A_313, %dma_wait3A_314] : memref<10240x128xf32, #tpu.memory_space<vmem_shared>> -> memref<10240x128xf32, #tpu.memory_space<vmem_shared>>
    tpu.wait_indirect_dma semaphore(%arg12 : memref<!tpu.dma_semaphore, #tpu.memory_space<semaphore_mem>>) src(%arg8 : memref<128x128xf32, #tpu.memory_space<vmem>>) dst(%dma_wait3A_315 : memref<10240x128xf32, #tpu.memory_space<vmem_shared>>)
    %barrier3A_316 = arith.constant 0 : index
    tpu.barrier barrier_id(%barrier3A_316)
    "tpu.region"() ({
      %run_scoped3A = tpu.sem_alloc : memref<!tpu.dma_semaphore, #tpu.memory_space<semaphore_mem>>
      %dma_start3A_317 = arith.constant 0 : i32
      %dma_start3A_318 = tpu.memref_slice %arg5[%arg0, %mul3A_2, %dma_start3A_317] : memref<2x10240x128xf32, #tpu.memory_space<hbm>> -> memref<1x640x128xf32, #tpu.memory_space<hbm>>
      %dma_start3A_319 = tpu.memref_squeeze %dma_start3A_318 : memref<1x640x128xf32, #tpu.memory_space<hbm>> -> memref<640x128xf32, #tpu.memory_space<hbm>>
      %dma_start3A_320 = arith.constant 0 : i32
      %dma_start3A_321 = tpu.memref_slice %arg10[%mul3A_2, %dma_start3A_320] : memref<10240x128xf32, #tpu.memory_space<vmem_shared>> -> memref<640x128xf32, #tpu.memory_space<vmem_shared>>
      tpu.enqueue_dma source(%dma_start3A_321 : memref<640x128xf32, #tpu.memory_space<vmem_shared>>) target(%dma_start3A_319 : memref<640x128xf32, #tpu.memory_space<hbm>>) target_semaphore(%run_scoped3A : memref<!tpu.dma_semaphore, #tpu.memory_space<semaphore_mem>>)
      %dma_wait3A_322 = arith.constant 0 : i32
      %dma_wait3A_323 = tpu.memref_slice %arg5[%arg0, %mul3A_2, %dma_wait3A_322] : memref<2x10240x128xf32, #tpu.memory_space<hbm>> -> memref<1x640x128xf32, #tpu.memory_space<hbm>>
      %dma_wait3A_324 = tpu.memref_squeeze %dma_wait3A_323 : memref<1x640x128xf32, #tpu.memory_space<hbm>> -> memref<640x128xf32, #tpu.memory_space<hbm>>
      %dma_wait3A_325 = arith.constant 0 : i32
      %dma_wait3A_326 = tpu.memref_slice %arg10[%mul3A_2, %dma_wait3A_325] : memref<10240x128xf32, #tpu.memory_space<vmem_shared>> -> memref<640x128xf32, #tpu.memory_space<vmem_shared>>
      tpu.wait_dma2 semaphore(%run_scoped3A : memref<!tpu.dma_semaphore, #tpu.memory_space<semaphore_mem>>) src(%dma_wait3A_326 : memref<640x128xf32, #tpu.memory_space<vmem_shared>>) dst(%dma_wait3A_324 : memref<640x128xf32, #tpu.memory_space<hbm>>)
      tpu.yield
    }) : () -> ()
    return
  }
}

module attributes {stable_mosaic.version = 14 : i64} {
  func.func @_tc1_body(%arg0: i32, %arg1: memref<1024x128xf32, #tpu.memory_space<vmem>>, %arg2: memref<128x128xf32, #tpu.memory_space<vmem>>, %arg3: memref<2x1024xf32, #tpu.memory_space<vmem>>, %arg4: memref<1024x128xf32, #tpu.memory_space<vmem>>) attributes {dimension_semantics = [#tpu.dimension_semantics<arbitrary>], iteration_bounds = array<i64: 10>, scalar_prefetch = 0 : i64, scratch_operands = 0 : i64, tpu.core_type = #tpu.core_type<tc>, window_params = [{transform_indices = @transform_0, window_bounds = array<i64: 1024, 128>}, {pipeline_mode = #tpu.pipeline_mode<synchronous>, transform_indices = @transform_1, window_bounds = array<i64: 128, 128>}, {transform_indices = @transform_2, window_bounds = array<i64: 2, 1024>}, {transform_indices = @transform_3, window_bounds = array<i64: 1024, 128>}]} {
    %get3A = arith.constant 0 : index
    %get3A_0 = arith.constant 0 : index
    %get3A_1 = vector.load %arg3[%get3A, %get3A_0] : memref<2x1024xf32, #tpu.memory_space<vmem>>, vector<1x1024xf32>
    %get3A_2 = vector.shape_cast %get3A_1 : vector<1x1024xf32> to vector<1024xf32>
    %get3A_3 = arith.constant 1 : index
    %get3A_4 = arith.constant 0 : index
    %get3A_5 = vector.load %arg3[%get3A_3, %get3A_4] : memref<2x1024xf32, #tpu.memory_space<vmem>>, vector<1x1024xf32>
    %get3A_6 = vector.shape_cast %get3A_5 : vector<1x1024xf32> to vector<1024xf32>
    %add3A = arith.addf %get3A_2, %get3A_6 : vector<1024xf32>
    %add3A_7 = arith.constant 1.000000e+00 : f32
    %add3A_8 = vector.broadcast %add3A_7 : f32 to vector<1024xf32>
    %add3A_9 = arith.addf %add3A, %add3A_8 : vector<1024xf32>
    %rsqrt3A = math.rsqrt %add3A_9 : vector<1024xf32>
    %get3A_10 = arith.constant 0 : index
    %get3A_11 = arith.constant 0 : index
    %get3A_12 = vector.load %arg1[%get3A_10, %get3A_11] : memref<1024x128xf32, #tpu.memory_space<vmem>>, vector<1024x128xf32>
    %get3A_13 = arith.constant 0 : index
    %get3A_14 = arith.constant 0 : index
    %get3A_15 = vector.load %arg2[%get3A_13, %get3A_14] : memref<128x128xf32, #tpu.memory_space<vmem>>, vector<128x128xf32>
    %dot_general3A = arith.constant dense<0.000000e+00> : vector<1024x128xf32>
    %dot_general3A_16 = tpu.matmul %get3A_12, %get3A_15, %dot_general3A {dimension_numbers = #tpu.dot_dimension_numbers<[1], [0], [0], [1], [0, 0, 1, 1], [], []>, precision = #tpu.contract_precision<fp32>, transpose_lhs_hint = false} : vector<1024x128xf32>, vector<128x128xf32>, vector<1024x128xf32> -> vector<1024x128xf32>
    %broadcast_in_dim3A = vector.shape_cast %rsqrt3A : vector<1024xf32> to vector<1024x1xf32>
    %mul3A = vector.broadcast %broadcast_in_dim3A : vector<1024x1xf32> to vector<1024x128xf32>
    %mul3A_17 = arith.mulf %dot_general3A_16, %mul3A : vector<1024x128xf32>
    %swap3A = arith.constant 0 : index
    %swap3A_18 = arith.constant 0 : index
    %swap3A_19 = vector.load %arg4[%swap3A, %swap3A_18] : memref<1024x128xf32, #tpu.memory_space<vmem>>, vector<1024x128xf32>
    tpu.vector_store %arg4[%swap3A, %swap3A_18], %mul3A_17 {strides = array<i32>} : memref<1024x128xf32, #tpu.memory_space<vmem>>, vector<1024x128xf32>,
    return
  }
  func.func @transform_0(%arg0: i32) -> (i32, i32) {
    %c0_i32 = arith.constant 0 : i32
    %c0_i32_0 = arith.constant 0 : i32
    return %arg0, %c0_i32 : i32, i32
  }
  func.func @transform_1(%arg0: i32) -> (i32, i32) {
    %c0_i32 = arith.constant 0 : i32
    %c0_i32_0 = arith.constant 0 : i32
    %c0_i32_1 = arith.constant 0 : i32
    return %c0_i32, %c0_i32_0 : i32, i32
  }
  func.func @transform_2(%arg0: i32) -> (i32, i32) {
    %c0_i32 = arith.constant 0 : i32
    %c0_i32_0 = arith.constant 0 : i32
    return %c0_i32, %arg0 : i32, i32
  }
  func.func @transform_3(%arg0: i32) -> (i32, i32) {
    %c0_i32 = arith.constant 0 : i32
    %c0_i32_0 = arith.constant 0 : i32
    return %arg0, %c0_i32 : i32, i32
  }
}

module attributes {stable_mosaic.version = 14 : i64} {
  func.func @_tc_mid_body(%arg0: i32, %arg1: memref<2x1024x128xf32, #tpu.memory_space<vmem>>, %arg2: memref<1024x128xf32, #tpu.memory_space<vmem>>, %arg3: memref<2x1024xf32, #tpu.memory_space<vmem>>, %arg4: memref<1x128xf32, #tpu.memory_space<vmem>>, %arg5: memref<128x128xf32, #tpu.memory_space<vmem>>, %arg6: memref<1024x128xf32, #tpu.memory_space<vmem>>) attributes {dimension_semantics = [#tpu.dimension_semantics<arbitrary>], iteration_bounds = array<i64: 10>, scalar_prefetch = 0 : i64, scratch_operands = 0 : i64, tpu.core_type = #tpu.core_type<tc>, window_params = [{transform_indices = @transform_0, window_bounds = array<i64: 2, 1024, 128>}, {transform_indices = @transform_1, window_bounds = array<i64: 1024, 128>}, {transform_indices = @transform_2, window_bounds = array<i64: 2, 1024>}, {pipeline_mode = #tpu.pipeline_mode<synchronous>, transform_indices = @transform_3, window_bounds = array<i64: 1, 128>}, {pipeline_mode = #tpu.pipeline_mode<synchronous>, transform_indices = @transform_4, window_bounds = array<i64: 128, 128>}, {transform_indices = @transform_5, window_bounds = array<i64: 1024, 128>}]} {
    %get3A = arith.constant 0 : index
    %get3A_0 = arith.constant 0 : index
    %get3A_1 = vector.load %arg3[%get3A, %get3A_0] : memref<2x1024xf32, #tpu.memory_space<vmem>>, vector<1x1024xf32>
    %get3A_2 = vector.shape_cast %get3A_1 : vector<1x1024xf32> to vector<1024xf32>
    %get3A_3 = arith.constant 1 : index
    %get3A_4 = arith.constant 0 : index
    %get3A_5 = vector.load %arg3[%get3A_3, %get3A_4] : memref<2x1024xf32, #tpu.memory_space<vmem>>, vector<1x1024xf32>
    %get3A_6 = vector.shape_cast %get3A_5 : vector<1x1024xf32> to vector<1024xf32>
    %add3A = arith.addf %get3A_2, %get3A_6 : vector<1024xf32>
    %add3A_7 = arith.constant 1.000000e+00 : f32
    %add3A_8 = vector.broadcast %add3A_7 : f32 to vector<1024xf32>
    %add3A_9 = arith.addf %add3A, %add3A_8 : vector<1024xf32>
    %rsqrt3A = math.rsqrt %add3A_9 : vector<1024xf32>
    %get3A_10 = arith.constant 0 : index
    %get3A_11 = arith.constant 0 : index
    %get3A_12 = arith.constant 0 : index
    %get3A_13 = vector.load %arg1[%get3A_10, %get3A_11, %get3A_12] : memref<2x1024x128xf32, #tpu.memory_space<vmem>>, vector<1x1024x128xf32>
    %get3A_14 = vector.shape_cast %get3A_13 : vector<1x1024x128xf32> to vector<1024x128xf32>
    %get3A_15 = arith.constant 1 : index
    %get3A_16 = arith.constant 0 : index
    %get3A_17 = arith.constant 0 : index
    %get3A_18 = vector.load %arg1[%get3A_15, %get3A_16, %get3A_17] : memref<2x1024x128xf32, #tpu.memory_space<vmem>>, vector<1x1024x128xf32>
    %get3A_19 = vector.shape_cast %get3A_18 : vector<1x1024x128xf32> to vector<1024x128xf32>
    %add3A_20 = arith.addf %get3A_14, %get3A_19 : vector<1024x128xf32>
    %get3A_21 = arith.constant 0 : index
    %get3A_22 = arith.constant 0 : index
    %get3A_23 = vector.load %arg2[%get3A_21, %get3A_22] : memref<1024x128xf32, #tpu.memory_space<vmem>>, vector<1024x128xf32>
    %add3A_24 = arith.addf %add3A_20, %get3A_23 : vector<1024x128xf32>
    %broadcast_in_dim3A = vector.shape_cast %rsqrt3A : vector<1024xf32> to vector<1024x1xf32>
    %mul3A = vector.broadcast %broadcast_in_dim3A : vector<1024x1xf32> to vector<1024x128xf32>
    %mul3A_25 = arith.mulf %add3A_24, %mul3A : vector<1024x128xf32>
    %get3A_26 = arith.constant 0 : index
    %get3A_27 = arith.constant 0 : index
    %get3A_28 = vector.load %arg4[%get3A_26, %get3A_27] : memref<1x128xf32, #tpu.memory_space<vmem>>, vector<1x128xf32>
    %add3A_29 = vector.broadcast %get3A_28 : vector<1x128xf32> to vector<1024x128xf32>
    %add3A_30 = arith.addf %mul3A_25, %add3A_29 : vector<1024x128xf32>
    %max3A = arith.constant 0.000000e+00 : f32
    %max3A_31 = vector.broadcast %max3A : f32 to vector<1024x128xf32>
    %max3A_32 = arith.maximumf %add3A_30, %max3A_31 : vector<1024x128xf32>
    %get3A_33 = arith.constant 0 : index
    %get3A_34 = arith.constant 0 : index
    %get3A_35 = vector.load %arg5[%get3A_33, %get3A_34] : memref<128x128xf32, #tpu.memory_space<vmem>>, vector<128x128xf32>
    %dot_general3A = arith.constant dense<0.000000e+00> : vector<1024x128xf32>
    %dot_general3A_36 = tpu.matmul %max3A_32, %get3A_35, %dot_general3A {dimension_numbers = #tpu.dot_dimension_numbers<[1], [0], [0], [1], [0, 0, 1, 1], [], []>, precision = #tpu.contract_precision<fp32>, transpose_lhs_hint = false} : vector<1024x128xf32>, vector<128x128xf32>, vector<1024x128xf32> -> vector<1024x128xf32>
    %broadcast_in_dim3A_37 = vector.shape_cast %rsqrt3A : vector<1024xf32> to vector<1024x1xf32>
    %mul3A_38 = vector.broadcast %broadcast_in_dim3A_37 : vector<1024x1xf32> to vector<1024x128xf32>
    %mul3A_39 = arith.mulf %dot_general3A_36, %mul3A_38 : vector<1024x128xf32>
    %swap3A = arith.constant 0 : index
    %swap3A_40 = arith.constant 0 : index
    %swap3A_41 = vector.load %arg6[%swap3A, %swap3A_40] : memref<1024x128xf32, #tpu.memory_space<vmem>>, vector<1024x128xf32>
    tpu.vector_store %arg6[%swap3A, %swap3A_40], %mul3A_39 {strides = array<i32>} : memref<1024x128xf32, #tpu.memory_space<vmem>>, vector<1024x128xf32>,
    return
  }
  func.func @transform_0(%arg0: i32) -> (i32, i32, i32) {
    %c0_i32 = arith.constant 0 : i32
    %c0_i32_0 = arith.constant 0 : i32
    %c0_i32_1 = arith.constant 0 : i32
    return %c0_i32, %arg0, %c0_i32_0 : i32, i32, i32
  }
  func.func @transform_1(%arg0: i32) -> (i32, i32) {
    %c0_i32 = arith.constant 0 : i32
    %c0_i32_0 = arith.constant 0 : i32
    return %arg0, %c0_i32 : i32, i32
  }
  func.func @transform_2(%arg0: i32) -> (i32, i32) {
    %c0_i32 = arith.constant 0 : i32
    %c0_i32_0 = arith.constant 0 : i32
    return %c0_i32, %arg0 : i32, i32
  }
  func.func @transform_3(%arg0: i32) -> (i32, i32) {
    %c0_i32 = arith.constant 0 : i32
    %c0_i32_0 = arith.constant 0 : i32
    %c0_i32_1 = arith.constant 0 : i32
    return %c0_i32, %c0_i32_0 : i32, i32
  }
  func.func @transform_4(%arg0: i32) -> (i32, i32) {
    %c0_i32 = arith.constant 0 : i32
    %c0_i32_0 = arith.constant 0 : i32
    %c0_i32_1 = arith.constant 0 : i32
    return %c0_i32, %c0_i32_0 : i32, i32
  }
  func.func @transform_5(%arg0: i32) -> (i32, i32) {
    %c0_i32 = arith.constant 0 : i32
    %c0_i32_0 = arith.constant 0 : i32
    return %arg0, %c0_i32 : i32, i32
  }
}

module attributes {stable_mosaic.version = 14 : i64} {
  func.func @_tc_out_body(%arg0: i32, %arg1: memref<2x1024x128xf32, #tpu.memory_space<vmem>>, %arg2: memref<1024x128xf32, #tpu.memory_space<vmem>>, %arg3: memref<2x1024xf32, #tpu.memory_space<vmem>>, %arg4: memref<1x128xf32, #tpu.memory_space<vmem>>, %arg5: memref<1024x128xf32, #tpu.memory_space<vmem>>) attributes {dimension_semantics = [#tpu.dimension_semantics<arbitrary>], iteration_bounds = array<i64: 10>, scalar_prefetch = 0 : i64, scratch_operands = 0 : i64, tpu.core_type = #tpu.core_type<tc>, window_params = [{transform_indices = @transform_0, window_bounds = array<i64: 2, 1024, 128>}, {transform_indices = @transform_1, window_bounds = array<i64: 1024, 128>}, {transform_indices = @transform_2, window_bounds = array<i64: 2, 1024>}, {pipeline_mode = #tpu.pipeline_mode<synchronous>, transform_indices = @transform_3, window_bounds = array<i64: 1, 128>}, {transform_indices = @transform_4, window_bounds = array<i64: 1024, 128>}]} {
    %get3A = arith.constant 0 : index
    %get3A_0 = arith.constant 0 : index
    %get3A_1 = vector.load %arg3[%get3A, %get3A_0] : memref<2x1024xf32, #tpu.memory_space<vmem>>, vector<1x1024xf32>
    %get3A_2 = vector.shape_cast %get3A_1 : vector<1x1024xf32> to vector<1024xf32>
    %get3A_3 = arith.constant 1 : index
    %get3A_4 = arith.constant 0 : index
    %get3A_5 = vector.load %arg3[%get3A_3, %get3A_4] : memref<2x1024xf32, #tpu.memory_space<vmem>>, vector<1x1024xf32>
    %get3A_6 = vector.shape_cast %get3A_5 : vector<1x1024xf32> to vector<1024xf32>
    %add3A = arith.addf %get3A_2, %get3A_6 : vector<1024xf32>
    %add3A_7 = arith.constant 1.000000e+00 : f32
    %add3A_8 = vector.broadcast %add3A_7 : f32 to vector<1024xf32>
    %add3A_9 = arith.addf %add3A, %add3A_8 : vector<1024xf32>
    %rsqrt3A = math.rsqrt %add3A_9 : vector<1024xf32>
    %get3A_10 = arith.constant 0 : index
    %get3A_11 = arith.constant 0 : index
    %get3A_12 = arith.constant 0 : index
    %get3A_13 = vector.load %arg1[%get3A_10, %get3A_11, %get3A_12] : memref<2x1024x128xf32, #tpu.memory_space<vmem>>, vector<1x1024x128xf32>
    %get3A_14 = vector.shape_cast %get3A_13 : vector<1x1024x128xf32> to vector<1024x128xf32>
    %get3A_15 = arith.constant 1 : index
    %get3A_16 = arith.constant 0 : index
    %get3A_17 = arith.constant 0 : index
    %get3A_18 = vector.load %arg1[%get3A_15, %get3A_16, %get3A_17] : memref<2x1024x128xf32, #tpu.memory_space<vmem>>, vector<1x1024x128xf32>
    %get3A_19 = vector.shape_cast %get3A_18 : vector<1x1024x128xf32> to vector<1024x128xf32>
    %add3A_20 = arith.addf %get3A_14, %get3A_19 : vector<1024x128xf32>
    %get3A_21 = arith.constant 0 : index
    %get3A_22 = arith.constant 0 : index
    %get3A_23 = vector.load %arg2[%get3A_21, %get3A_22] : memref<1024x128xf32, #tpu.memory_space<vmem>>, vector<1024x128xf32>
    %add3A_24 = arith.addf %add3A_20, %get3A_23 : vector<1024x128xf32>
    %broadcast_in_dim3A = vector.shape_cast %rsqrt3A : vector<1024xf32> to vector<1024x1xf32>
    %mul3A = vector.broadcast %broadcast_in_dim3A : vector<1024x1xf32> to vector<1024x128xf32>
    %mul3A_25 = arith.mulf %add3A_24, %mul3A : vector<1024x128xf32>
    %get3A_26 = arith.constant 0 : index
    %get3A_27 = arith.constant 0 : index
    %get3A_28 = vector.load %arg4[%get3A_26, %get3A_27] : memref<1x128xf32, #tpu.memory_space<vmem>>, vector<1x128xf32>
    %add3A_29 = vector.broadcast %get3A_28 : vector<1x128xf32> to vector<1024x128xf32>
    %add3A_30 = arith.addf %mul3A_25, %add3A_29 : vector<1024x128xf32>
    %swap3A = arith.constant 0 : index
    %swap3A_31 = arith.constant 0 : index
    %swap3A_32 = vector.load %arg5[%swap3A, %swap3A_31] : memref<1024x128xf32, #tpu.memory_space<vmem>>, vector<1024x128xf32>
    tpu.vector_store %arg5[%swap3A, %swap3A_31], %add3A_30 {strides = array<i32>} : memref<1024x128xf32, #tpu.memory_space<vmem>>, vector<1024x128xf32>,
    return
  }
  func.func @transform_0(%arg0: i32) -> (i32, i32, i32) {
    %c0_i32 = arith.constant 0 : i32
    %c0_i32_0 = arith.constant 0 : i32
    %c0_i32_1 = arith.constant 0 : i32
    return %c0_i32, %arg0, %c0_i32_0 : i32, i32, i32
  }
  func.func @transform_1(%arg0: i32) -> (i32, i32) {
    %c0_i32 = arith.constant 0 : i32
    %c0_i32_0 = arith.constant 0 : i32
    return %arg0, %c0_i32 : i32, i32
  }
  func.func @transform_2(%arg0: i32) -> (i32, i32) {
    %c0_i32 = arith.constant 0 : i32
    %c0_i32_0 = arith.constant 0 : i32
    return %c0_i32, %arg0 : i32, i32
  }
  func.func @transform_3(%arg0: i32) -> (i32, i32) {
    %c0_i32 = arith.constant 0 : i32
    %c0_i32_0 = arith.constant 0 : i32
    %c0_i32_1 = arith.constant 0 : i32
    return %c0_i32, %c0_i32_0 : i32, i32
  }
  func.func @transform_4(%arg0: i32) -> (i32, i32) {
    %c0_i32 = arith.constant 0 : i32
    %c0_i32_0 = arith.constant 0 : i32
    return %arg0, %c0_i32 : i32, i32
  }
}

</mosaic_0001>

<sc_bundles>
// kernel: kernel.10.cloned.1.call-start
scs
__scs_entry_jumppad:
0x0: {  	(pc) =	sbr.rel $0x88, $3  }
0x1: {  	(tag) =	ssettag $0x0;
	lr =	simm.s32 $0x1  }
0x2: {  	[smem:$0x3F97] =	sst lr;
	_ =	strace $0xD0000000  }
0x3: {  	_ = 	snop  }
0x4: {  	_ = 	snop  }
0x5: {  	_ = 	snop  }
0x6: {  	_ = 	snop  }
0x7: {  	_ = 	snop  }
__scs_overlays_trampoline_lowered:
0x8: {  	[smem:$0x3FA6] =	sst s0  }
0x9: {  	[smem:$0x3FA7] =	sst s1  }
0xa: {  	[smem:$0x3FA8] =	sst s2  }
0xb: {  	[smem:$0x3FA9] =	sst s3  }
0xc: {  	[smem:$0x3FAA] =	sst s4  }
0xd: {  	[smem:$0x3FAB] =	sst s5  }
0xe: {  	[smem:$0x3FAC] =	sst s6  }
0xf: {  	[smem:$0x3FAD] =	sst s7  }
0x10: {  	[smem:$0x3FAE] =	sst s8  }
0x11: {  	[smem:$0x3FAF] =	sst s9;
	s0 =	simm.s32 @!p0 $0x0  }
0x12: {  	s1 =	sld [smem:$0x3F95];
	s0 =	simm.s32 @p0 $0x1  }
0x13: {  	[smem:$0x3FB0] =	sst s0;
	s0 =	simm.s32 @!p1 $0x0  }
0x14: {  	s2 =	sld [smem:$0x3F94];
	s0 =	simm.s32 @p1 $0x1  }
0x15: {  	[smem:$0x3FB1] =	sst s0;
	s0 =	simm.s32 @!p2 $0x0  }
0x16: {  	s3 =	sld [smem:$0x3FDB];
	s0 =	simm.s32 @p2 $0x1  }
0x17: {  	s4 =	simm.s32 $0x1BF5;
	[smem:$0x3FB3] =	sst s0  }
0x18: {  	s0 =	sld [smem:$0x3F96];
	_ =	swait.ge [sflag:s4], $0x0  }
0x19: {  	s7 =	sld [smem:$0x3F97]  }
0x1a: {  	s8 =	sadd.s32 $0xFFFFE003, lr  }
0x1b: {  	s9 =	sadd.s32 $0xFFFFFEF7, lr;
	s5 =	simm.s32 $0xFFFFFFFF;
	p2 =	slt.u32 s8, $0xFFFFF086  }
0x1c: {  	p1 =	slt.u32 s9, $0xF7A;
	s5 =	simm.s32 @!p2 $0x0  }
0x1d: {  	s5 =	simm.s32 @p1 $0x1;
	p0 =	seq.s32 s7, s2  }
0x1e: {  	s7 =	smul.u32 @!p0 $0xF7A, s2;
	p2 =	seq.s32 @!p0 s5, $0x0  }
0x1f: {  	s9 =	smul.u32 $0xF7A, s1;
	s8 =	simm.s32 @!p0 $0x1BF5;
	p2 =	por !p2, p0  }
0x20: {  	[sflag:s8] =	ssyncset.s32 @!p0 $0xFFFFF086;
	s6 =	sadd.s32 @!p0 s3, s7;
	s7 =	simm.s32 @!p0 $0x108  }
0x21: {  	s3 =	sadd.s32 s3, s9;
	s6 =	sadd.s32 @!p0 $0x88, s6;
	s7 =	simm.s32 @p2 $0x1082  }
0x22: {  	[simem:s7], [sflag:s8] =	dma.local @!p0 [hbm:s6], $0xF7A  }
0x23: {  	s9 =	sor.u32 $0xD0000000, s2;
	s6 =	simm.s32 $0x108;
	_ =	swait.ge @!p0 [sflag:s8], $0x0  }
0x24: {  	s3 =	sadd.s32 $0x88, s3;
	s6 =	simm.s32 @!p1 $0x1082;
	[sflag:s4] =	ssyncset.s32 $0xFFFFF086  }
0x25: {  	[simem:s6], [sflag:s4] =	dma.local [hbm:s3], $0xF7A  }
0x26: {  	[smem:$0x3F97] =	sst s1;
	(tag) =	ssettag s2;
	_ =	strace s9  }
0x27: {  	s1 =	sld [smem:$0x3FA7]  }
0x28: {  	s2 =	sld [smem:$0x3FA8]  }
0x29: {  	s4 =	sld [smem:$0x3FAA]  }
0x2a: {  	p0 =	seq.s32 s5, $0x0;
	s5 =	sld [smem:$0x3FAB]  }
0x2b: {  	s6 =	sld [smem:$0x3FAC]  }
0x2c: {  	s7 =	sld [smem:$0x3FAD]  }
0x2d: {  	s3 =	simm.s32 $0x108;
	s8 =	sld [smem:$0x3FAE]  }
0x2e: {  	s3 =	simm.s32 @!p0 $0x1082;
	s9 =	sld [smem:$0x3FAF]  }
0x2f: {  	lr =	sadd.s32 s0, s3;
	s0 =	sld [smem:$0x3FA6]  }
0x30: {  	s3 =	sld [smem:$0x3FA9]  }
0x31: {  	[smem:$0x3FB2] =	sst s10  }
0x32: {  	s10 =	sld [smem:$0x3FB0];
	_ =	sdelay $0x3  }
0x33: {  	p0 =	seq.s32 s10, $0x1;
	s10 =	sld [smem:$0x3FB2];
	_ =	sdelay $0x3  }
0x34: {  	[smem:$0x3FB2] =	sst s10  }
0x35: {  	s10 =	sld [smem:$0x3FB1];
	_ =	sdelay $0x3  }
0x36: {  	p1 =	seq.s32 s10, $0x1;
	s10 =	sld [smem:$0x3FB2];
	_ =	sdelay $0x3  }
0x37: {  	[smem:$0x3FB2] =	sst s10  }
0x38: {  	s10 =	sld [smem:$0x3FB3]  }
0x39: {  	_ = 	snop;
	(pc) =	sbr.ind lr, $3  }
0x3a: {  	_ = 	snop  }
0x3b: {  	_ = 	snop  }
0x3c: {  	p2 =	seq.s32 s10, $0x1;
	s10 =	sld [smem:$0x3FB2]  }
0x3d: {  	_ =	shalt  }
0x3e: {  	_ =	shalt  }
0x3f: {  	_ =	shalt  }
0x40: {  	_ =	shalt  }
0x41: {  	_ =	shalt  }
0x42: {  	_ =	shalt  }
0x43: {  	_ =	shalt  }
0x44: {  	_ =	shalt  }
0x45: {  	_ =	shalt  }
0x46: {  	_ =	shalt  }
0x47: {  	_ =	shalt  }
0x48: {  	_ =	shalt  }
0x49: {  	_ =	shalt  }
0x4a: {  	_ =	shalt  }
0x4b: {  	_ =	shalt  }
0x4c: {  	_ =	shalt  }
0x4d: {  	_ =	shalt  }
0x4e: {  	_ =	shalt  }
0x4f: {  	_ =	shalt  }
0x50: {  	_ =	shalt  }
0x51: {  	_ =	shalt  }
0x52: {  	_ =	shalt  }
0x53: {  	_ =	shalt  }
0x54: {  	_ =	shalt  }
0x55: {  	_ =	shalt  }
0x56: {  	_ =	shalt  }
0x57: {  	_ =	shalt  }
0x58: {  	_ =	shalt  }
0x59: {  	_ =	shalt  }
0x5a: {  	_ =	shalt  }
0x5b: {  	_ =	shalt  }
0x5c: {  	_ =	shalt  }
0x5d: {  	_ =	shalt  }
0x5e: {  	_ =	shalt  }
0x5f: {  	_ =	shalt  }
0x60: {  	_ =	shalt  }
0x61: {  	_ =	shalt  }
0x62: {  	_ =	shalt  }
0x63: {  	_ =	shalt  }
0x64: {  	_ =	shalt  }
0x65: {  	_ =	shalt  }
0x66: {  	_ =	shalt  }
0x67: {  	_ =	shalt  }
0x68: {  	_ =	shalt  }
0x69: {  	_ =	shalt  }
0x6a: {  	_ =	shalt  }
0x6b: {  	_ =	shalt  }
0x6c: {  	_ =	shalt  }
0x6d: {  	_ =	shalt  }
0x6e: {  	_ =	shalt  }
0x6f: {  	_ =	shalt  }
0x70: {  	_ =	shalt  }
0x71: {  	_ =	shalt  }
0x72: {  	_ =	shalt  }
0x73: {  	_ =	shalt  }
0x74: {  	_ =	shalt  }
0x75: {  	_ =	shalt  }
0x76: {  	_ =	shalt  }
0x77: {  	_ =	shalt  }
0x78: {  	_ =	shalt  }
0x79: {  	_ =	shalt  }
0x7a: {  	_ =	shalt  }
0x7b: {  	_ =	shalt  }
0x7c: {  	_ =	shalt  }
0x7d: {  	_ =	shalt  }
0x7e: {  	_ =	shalt  }
0x7f: {  	_ =	shalt  }
0x80: {  	_ =	shalt  }
0x81: {  	_ =	shalt  }
0x82: {  	_ =	shalt  }
0x83: {  	_ =	shalt  }
0x84: {  	_ =	shalt  }
0x85: {  	_ =	shalt  }
0x86: {  	_ =	shalt  }
0x87: {  	_ =	shalt  }
.Lfunc_end0:
.L_simem_size_0:
called_computation_lowered:
.L_overlay_start_0:
0x88: {  	s2 =	sld [smem:$0x3FD9]  }
0x89: {  	s3 =	sld [smem:$0x3FFE];
	_ =	sdelay $0x1  }
0x8a: {  	s1 =	srdreg.scid  }
0x8b: {  	s0 =	sand.u32 $0x1, s1  }
0x8c: {  	s14 =	sshll.u32 s0, $0xA;
	s2 =	sadd.s32 s3, s2  }
0x8d: {  	s2 =	sadd.s32 s2, s14  }
0x8e: {  	[smem:$0x3FBE] =	sst s2  }
0x8f: {  	_ = 	snop  }
0x90: {  	s2 =	sld [smem:$0x3FD0];
	_ =	sdelay $0x2  }
0x91: {  	s15 =	simm.s32 $0xA;
	s4 =	simm.s32 $0x10  }
0x92: {  	[smem:s4], [sflag:s15] =	dma.local [hbm:s2], $0x1  }
0x93: {  	_ =	swait.eq [sflag:s15], $0x1  }
0x94: {  	[sflag:s15] =	ssyncset.done $0x0  }
0x95: {  	s16 =	sld [smem:$0x10];
	[sflag:s15] =	ssyncadd.s32 $0xFFFFFFFF  }
0x96: {  	s17 =	sld [smem:$0x11];
	(tm) =	ssettm $0x1  }
0x97: {  	s18 =	sld [smem:$0x3FFB];
	_ =	sdelay $0x3  }
0x98: {  	_ =	strace s18  }
0x99: {  	s4 =	sld [smem:$0x3FFC];
	_ =	sdelay $0x3  }
0x9a: {  	_ =	strace s4  }
0x9b: {  	s4 =	sld [smem:$0x3FFD];
	_ =	sdelay $0x3  }
0x9c: {  	_ =	strace s4  }
0x9d: {  	_ =	strace $0x8FFFFFFF  }
0x9e: {  	s19 =	sld [smem:$0x3FDB];
	_ =	sdelay $0x1  }
0x9f: {  	s5 =	simm.s32 $_scs_section_size  }
0xa0: {  	s6 =	simm.s32 $_size__tile_overlayer_lowered;
	s7 =	simm.s32 $_tile_overlayer_lowered  }
0xa1: {  	s22 =	simm.s32 $0x1BFF;
	s21 =	sshll.u32 s7, $0x1;
	s4 =	sadd.s32 s5, s19  }
0xa2: {  	s8 =	simm.s32 $0x0;
	s20 =	sshll.u32 s6, $0x1;
	s6 =	sadd.s32 s21, s4  }
0xa3: {  	[timem:s8], [sflag:s22] =	dma.local [hbm:s6], s20  }
0xa4: {  	_ =	swait.ge [sflag:s22], s20  }
0xa5: {  	s5 =	ssub.s32 $0x0, s20;
	[sflag:s22] =	ssyncset.done $0x0  }
0xa6: {  	[sflag:s22] =	ssyncadd.s32 s5;
	_ =	sdelay $0x1  }
0xa7: {  	s23 =	simm.s32 $0x1B8B  }
0xa8: {  	_ =	swait.ge [sflag:s23], $0x1  }
0xa9: {  	[sflag:s23] =	ssyncset.done $0x0  }
0xaa: {  	s25 =	simm.s32 $0x1B8E;
	s24 =	sld [smem:$0x3FFE];
	[sflag:s23] =	ssyncadd.s32 $0xFFFFFFFF  }
0xab: {  	s26 =	simm.s32 $execute0_lowered;
	[smem:$0x3FD2] =	sst s25  }
0xac: {  	s6 =	sshll.u32 s26, $0x1;
	_ =	strace $0x80000046;
	[dreg:$0x1] =	wrdreg $0xFFFFFFFF  }
0xad: {  	s28 =	simm.s32 $_size_execute0_lowered;
	s4 =	sadd.s32 s4, s6;
	[dreg:$0x0] =	wrdreg $0x0  }
0xae: {  	s6 =	sshll.u32 s28, $0x1;
	[dreg:$0x2] =	wrdreg s4  }
0xaf: {  	[dreg:$0x3] =	wrdreg s6  }
0xb0: {  	[dreg:$0x4] =	wrdreg $0xC0  }
0xb1: {  	_ =	task [dreg:s8], $0x5FFFF  }
0xb2: {  	[dreg:$0x1] =	wrdreg $0xFFFFFFFF  }
0xb3: {  	[dreg:$0x0] =	wrdreg $0x60  }
0xb4: {  	[dreg:$0x2] =	wrdreg s17  }
0xb5: {  	[dreg:$0x3] =	wrdreg s24  }
0xb6: {  	[dreg:$0x4] =	wrdreg s16  }
0xb7: {  	[dreg:$0x5] =	wrdreg $0x1000  }
0xb8: {  	[dreg:$0x6] =	wrdreg $0x9  }
0xb9: {  	_ =	task.clear_ibuf [dreg:s8], $0x7FFFF;
	_ =	strace $0x90000046  }
0xba: {  	s29 =	simm.s32 $0x9;
	_ =	strace $0x80000048  }
0xbb: {  	_ =	swait.ge [sflag:s29], $0x1  }
0xbc: {  	[sflag:s29] =	ssyncadd.s32 $0xFFFFFFFF  }
0xbd: {  	_ =	strace $0x90000048  }
0xbe: {  	_ =	sfence  }
0xbf: {  	s30 =	sld [smem:$0x0];
	_ =	sdelay $0x2  }
0xc0: {  	s31 =	sshll.u32 s1, $0xD;
	s1 =	sshrl.u32 s1, $0x2  }
0xc1: {  	s3 =	sand.u32 $0x4000, s31;
	s1 =	sadd.s32 s1, s30  }
0xc2: {  	s0 =	sor.u32 s3, s0;
	s1 =	sshll.u32 s1, $0x11  }
0xc3: {  	s0 =	sor.u32 s1, s0  }
0xc4: {  	s0 =	sadd.s32 $0x8F2B, s0  }
0xc5: {  	[sflag:s0] =	ssyncadd.remote.s32 $0x1  }
0xc6: {  	_ =	sfence.sel $0xFFFF  }
0xc7: {  	[dreg:$0x0] =	wrdreg $0xFFFFFFFF;
	(pc) =	sbr.abs _section_cstart, $3  }
0xc8: {  	[dreg:$0x1] =	wrdreg $0xFFFFFFFF  }
0xc9: {  	_ =	task.clear_ibuf [dreg:s8], $0x2FFFF;
	_ =	strace $0x9FFFFFFF  }
0xca: {  	(tm) =	ssettm $0x7FFFFFFF  }
0xcb: {  	_ =	shalt  }
tec
execute0_lowered:
.L_overlay_start_1:
0x0: {  	(tag) =	ssettag $0x1  }
0x1: {  	s8 =	rddreg [dreg:$0x0]  }
0x2: {  	s5 =	rddreg [dreg:$0x1]  }
0x3: {  	s7 =	rddreg [dreg:$0x2]  }
0x4: {  	s2 =	rddreg [dreg:$0x3]  }
0x5: {  	s0 =	rddreg [dreg:$0x4];
	s4 =	srdreg.scid  }
0x6: {  	s3 =	simm.s32 $0x0;
	s1 =	stileid.u32;
	s6 =	sand.u32 $0x1, s4  }
0x7: {  	[smem:$0x7FF] =	sst s3;
	s10 =	smul.u32 $0x280, s1;
	s4 =	sadd.s32 $0x3800, s5  }
0x8: {  	s5 =	sadd.s32 $0x3600, s5;
	s30 =	smul.u32 $0x9E0, s1;
	s13 =	sshll.u32 s1, $0x6  }
0x9: {  	s9 =	ssub.s32 $0x2, s6;
	_ =	strace $0x80000047;
	s12 =	smul.u32 $0x2800, s6  }
0xa: {  	s14 =	smul.u32 $0x4F0, s6;
	s6 =	sor.u32 $0x1C01, s13;
	s13 =	simm.s32 $0x0  }
0xb: {  	s11 =	sshrl.u32 s9, $0x1;
	s29 =	sadd.s32 s10, s2;
	s31 =	sadd.s32 s30, s8  }
0xc: {  	s9 =	ssub.s32 s9, s11;
	s10 =	sadd.s32 s10, s12;
	s11 =	simm.s32 $0x1  }
0xd: {  	s12 =	simm.s32 $0x80;
	s10 =	sshrl.u32 s10, $0x3;
	s8 =	smax.u32 s9, $0x1  }
0xe: {  	s9 =	sadd.s32 s14, s31;
	s7 =	sadd.s32 s7, s10;
	s10 =	sshrl.u32 s29, $0x3  }
.LBB2_1:
0xf: {  	[spmem:s10], [sflag:s6] =	dma.local [hbm:s5], $0x50  }
0x10: {  	_ =	swait.ge [sflag:s11], $0x50  }
0x11: {  	[sflag:s11] =	ssyncset.done $0x0  }
0x12: {  	[sflag:s11] =	ssyncadd.s32 $0xFFFFFFB0  }
0x13: {  	[tilespmem:s12], [sflag:$0x1] =	stream.linear.gather [hbm4b:s4+s3], $0x80, $0x38;
	[tilespmem:$0x380] =	vst v63  }
0x14: {  	_ =	swait.ge [sflag:s11], $0x80  }
0x15: {  	[sflag:s11] =	ssyncset.done $0x0  }
0x16: {  	[sflag:s11] =	ssyncadd.s32 $0xFFFFFF80  }
0x17: {  	s14 =	sadd.s32 $0x0, s9;
	[bflag:$0x0] =	sbarrier.arrive $0xFFFF  }
0x18: {  	[tilespmem:s3], [sflag:$0x1] =	stream.linear.gather [hbm4b:s14+s3], $0x80, $0x38;
	[tilespmem:$0x380] =	vst v63  }
0x19: {  	_ =	swait.ge [sflag:s11], $0x80  }
0x1a: {  	[sflag:s11] =	ssyncset.done $0x0  }
0x1b: {  	[sflag:s11] =	ssyncadd.s32 $0xFFFFFF80  }
0x1c: {  	[spmem:s2] =	stream.indirect.scatter.add.f32 [tilespmem:s12], [sflag:$0x1], $0x1, s3, s12, $0xb8;
	[tilespmem:$0x380] =	vst v63  }
0x1d: {  	_ =	swait.ge [sflag:s11], $0x80  }
0x1e: {  	s15 =	simm.s32 $0x20;
	s14 =	simm.s32 $0x10;
	[sflag:s11] =	ssyncset.done $0x0  }
.LBB2_2:
0x1f: {  	s16 =	sadd.s32 s14, s9  }
0x20: {  	[sflag:s11] =	ssyncadd.s32 $0xFFFFFF80;
	s14 =	smov.u32 s15;
	s17 =	sadd.s32 $0x10, s15  }
0x21: {  	[tilespmem:s3], [sflag:$0x1] =	stream.linear.gather [hbm4b:s16+s3], $0x80, $0x38;
	[tilespmem:$0x380] =	vst v63  }
0x22: {  	p0 =	sne.s32 s15, $0x4E0;
	_ =	swait.ge [sflag:s11], $0x80  }
.Ltmp0:
0x23: {  	[sflag:s11] =	ssyncset.done $0x0;
	(pc) =	sbr.rel @p0 .LBB2_2-.Ltmp0, $4  }
0x24: {  	[sflag:s11] =	ssyncadd.s32 $0xFFFFFF80  }
0x25: {  	[spmem:s2] =	stream.indirect.scatter.add.f32 [tilespmem:s12], [sflag:$0x1], $0x1, s3, s12, $0xb8;
	[tilespmem:$0x380] =	vst v63  }
0x26: {  	_ =	swait.ge [sflag:s11], $0x80  }
0x27: {  	s15 =	smov.u32 s17;
	[sflag:s11] =	ssyncset.done $0x0  }
0x28: {  	s14 =	sadd.s32 s14, s9;
	[sflag:s11] =	ssyncadd.s32 $0xFFFFFF80  }
0x29: {  	[tilespmem:s3], [sflag:$0x1] =	stream.linear.gather [hbm4b:s14+s3], $0x80, $0x38;
	[tilespmem:$0x380] =	vst v63  }
0x2a: {  	_ =	swait.ge [sflag:s11], $0x80  }
0x2b: {  	[sflag:s11] =	ssyncset.done $0x0  }
0x2c: {  	[sflag:s11] =	ssyncadd.s32 $0xFFFFFF80  }
0x2d: {  	[spmem:s2] =	stream.indirect.scatter.add.f32 [tilespmem:s12], [sflag:$0x1], $0x1, s3, s12, $0xb8;
	[tilespmem:$0x380] =	vst v63  }
0x2e: {  	_ =	swait.ge [sflag:s11], $0x80  }
0x2f: {  	s13 =	sadd.s32 $0x1, s13;
	[sflag:s11] =	ssyncset.done $0x0  }
0x30: {  	p0 =	sne.s32 s13, s8;
	[sflag:s11] =	ssyncadd.s32 $0xFFFFFF80  }
.Ltmp1:
0x31: {  	[bflag:$0x0] =	sbarrier.arrive $0xFFFF;
	(pc) =	sbr.rel @p0 .LBB2_1-.Ltmp1, $4  }
0x32: {  	[hbm:s7], [sflag:s6] =	dma.local [spmem:s10], $0x50  }
0x33: {  	_ =	swait.ge [sflag:s11], $0x50  }
0x34: {  	[sflag:s11] =	ssyncset.done $0x0  }
0x35: {  	[sflag:s11] =	ssyncadd.s32 $0xFFFFFFB0  }
0x36: {  	_ =	sfence.sel $0x180000  }
0x37: {  	[bflag:$0x0] =	sbarrier.arrive $0xFFFF  }
0x38: {  	p0 =	sne.s32 s1, $0x0;
	_ =	strace $0x90000047  }
0x39: {  	s0 =	sadd.s32 @!p0 $0x100000, s0;
	[bflag:$0x2] =	sbarrier.arrive $0xFFFF  }
0x3a: {  	[sflag:s0] =	ssyncadd.tile.s32 @!p0 $0x1;
	_ =	shalt  }
.Lfunc_end2:
_tile_overlayer_lowered:
.L_overlay_start_2:
0x3b: {  	(tag) =	ssettag $0x2  }
0x3c: {  	s0 =	rddreg [dreg:$0x0];
	s2 =	stileid.u32  }
0x3d: {  	s1 =	rddreg [dreg:$0x1];
	p0 =	sne.s32 s2, $0x0  }
0x3e: {  	s3 =	rddreg [dreg:$0x2];
	[bflag:$0x3] =	sbarrier.arrive $0xFFFF;
	s2 =	simm.s32 @!p0 $0x1C01  }
0x3f: {  	[timem:s3], [sflag:s2] =	dma.local @!p0 [hbm:s0], s1  }
0x40: {  	s0 =	simm.s32 @!p0 $0x1  }
0x41: {  	_ =	swait.ge @!p0 [sflag:s0], s1  }
0x42: {  	s1 =	ssub.s32 @!p0 $0x0, s1;
	[sflag:s0] =	ssyncset.done @!p0 $0x0  }
0x43: {  	[sflag:s0] =	ssyncadd.s32 @!p0 s1  }
0x44: {  	[bflag:$0x3] =	sbarrier.arrive $0xFFFF  }
0x45: {  	_ =	shalt  }

// kernel: kernel.13.cloned.1.call-start
scs
__scs_entry_jumppad:
0x0: {  	(pc) =	sbr.rel $0x88, $3  }
0x1: {  	(tag) =	ssettag $0x0;
	lr =	simm.s32 $0x1  }
0x2: {  	[smem:$0x3F97] =	sst lr;
	_ =	strace $0xD0000000  }
0x3: {  	_ = 	snop  }
0x4: {  	_ = 	snop  }
0x5: {  	_ = 	snop  }
0x6: {  	_ = 	snop  }
0x7: {  	_ = 	snop  }
__scs_overlays_trampoline_lowered:
0x8: {  	[smem:$0x3FA6] =	sst s0  }
0x9: {  	[smem:$0x3FA7] =	sst s1  }
0xa: {  	[smem:$0x3FA8] =	sst s2  }
0xb: {  	[smem:$0x3FA9] =	sst s3  }
0xc: {  	[smem:$0x3FAA] =	sst s4  }
0xd: {  	[smem:$0x3FAB] =	sst s5  }
0xe: {  	[smem:$0x3FAC] =	sst s6  }
0xf: {  	[smem:$0x3FAD] =	sst s7  }
0x10: {  	[smem:$0x3FAE] =	sst s8  }
0x11: {  	[smem:$0x3FAF] =	sst s9;
	s0 =	simm.s32 @!p0 $0x0  }
0x12: {  	s1 =	sld [smem:$0x3F95];
	s0 =	simm.s32 @p0 $0x1  }
0x13: {  	[smem:$0x3FB0] =	sst s0;
	s0 =	simm.s32 @!p1 $0x0  }
0x14: {  	s2 =	sld [smem:$0x3F94];
	s0 =	simm.s32 @p1 $0x1  }
0x15: {  	[smem:$0x3FB1] =	sst s0;
	s0 =	simm.s32 @!p2 $0x0  }
0x16: {  	s3 =	sld [smem:$0x3FDB];
	s0 =	simm.s32 @p2 $0x1  }
0x17: {  	s4 =	simm.s32 $0x1BF5;
	[smem:$0x3FB3] =	sst s0  }
0x18: {  	s0 =	sld [smem:$0x3F96];
	_ =	swait.ge [sflag:s4], $0x0  }
0x19: {  	s7 =	sld [smem:$0x3F97]  }
0x1a: {  	s8 =	sadd.s32 $0xFFFFE003, lr  }
0x1b: {  	s9 =	sadd.s32 $0xFFFFFEF7, lr;
	s5 =	simm.s32 $0xFFFFFFFF;
	p2 =	slt.u32 s8, $0xFFFFF086  }
0x1c: {  	p1 =	slt.u32 s9, $0xF7A;
	s5 =	simm.s32 @!p2 $0x0  }
0x1d: {  	s5 =	simm.s32 @p1 $0x1;
	p0 =	seq.s32 s7, s2  }
0x1e: {  	s7 =	smul.u32 @!p0 $0xF7A, s2;
	p2 =	seq.s32 @!p0 s5, $0x0  }
0x1f: {  	s9 =	smul.u32 $0xF7A, s1;
	s8 =	simm.s32 @!p0 $0x1BF5;
	p2 =	por !p2, p0  }
0x20: {  	[sflag:s8] =	ssyncset.s32 @!p0 $0xFFFFF086;
	s6 =	sadd.s32 @!p0 s3, s7;
	s7 =	simm.s32 @!p0 $0x108  }
0x21: {  	s3 =	sadd.s32 s3, s9;
	s6 =	sadd.s32 @!p0 $0x88, s6;
	s7 =	simm.s32 @p2 $0x1082  }
0x22: {  	[simem:s7], [sflag:s8] =	dma.local @!p0 [hbm:s6], $0xF7A  }
0x23: {  	s9 =	sor.u32 $0xD0000000, s2;
	s6 =	simm.s32 $0x108;
	_ =	swait.ge @!p0 [sflag:s8], $0x0  }
0x24: {  	s3 =	sadd.s32 $0x88, s3;
	s6 =	simm.s32 @!p1 $0x1082;
	[sflag:s4] =	ssyncset.s32 $0xFFFFF086  }
0x25: {  	[simem:s6], [sflag:s4] =	dma.local [hbm:s3], $0xF7A  }
0x26: {  	[smem:$0x3F97] =	sst s1;
	(tag) =	ssettag s2;
	_ =	strace s9  }
0x27: {  	s1 =	sld [smem:$0x3FA7]  }
0x28: {  	s2 =	sld [smem:$0x3FA8]  }
0x29: {  	s4 =	sld [smem:$0x3FAA]  }
0x2a: {  	p0 =	seq.s32 s5, $0x0;
	s5 =	sld [smem:$0x3FAB]  }
0x2b: {  	s6 =	sld [smem:$0x3FAC]  }
0x2c: {  	s7 =	sld [smem:$0x3FAD]  }
0x2d: {  	s3 =	simm.s32 $0x108;
	s8 =	sld [smem:$0x3FAE]  }
0x2e: {  	s3 =	simm.s32 @!p0 $0x1082;
	s9 =	sld [smem:$0x3FAF]  }
0x2f: {  	lr =	sadd.s32 s0, s3;
	s0 =	sld [smem:$0x3FA6]  }
0x30: {  	s3 =	sld [smem:$0x3FA9]  }
0x31: {  	[smem:$0x3FB2] =	sst s10  }
0x32: {  	s10 =	sld [smem:$0x3FB0];
	_ =	sdelay $0x3  }
0x33: {  	p0 =	seq.s32 s10, $0x1;
	s10 =	sld [smem:$0x3FB2];
	_ =	sdelay $0x3  }
0x34: {  	[smem:$0x3FB2] =	sst s10  }
0x35: {  	s10 =	sld [smem:$0x3FB1];
	_ =	sdelay $0x3  }
0x36: {  	p1 =	seq.s32 s10, $0x1;
	s10 =	sld [smem:$0x3FB2];
	_ =	sdelay $0x3  }
0x37: {  	[smem:$0x3FB2] =	sst s10  }
0x38: {  	s10 =	sld [smem:$0x3FB3]  }
0x39: {  	_ = 	snop;
	(pc) =	sbr.ind lr, $3  }
0x3a: {  	_ = 	snop  }
0x3b: {  	_ = 	snop  }
0x3c: {  	p2 =	seq.s32 s10, $0x1;
	s10 =	sld [smem:$0x3FB2]  }
0x3d: {  	_ =	shalt  }
0x3e: {  	_ =	shalt  }
0x3f: {  	_ =	shalt  }
0x40: {  	_ =	shalt  }
0x41: {  	_ =	shalt  }
0x42: {  	_ =	shalt  }
0x43: {  	_ =	shalt  }
0x44: {  	_ =	shalt  }
0x45: {  	_ =	shalt  }
0x46: {  	_ =	shalt  }
0x47: {  	_ =	shalt  }
0x48: {  	_ =	shalt  }
0x49: {  	_ =	shalt  }
0x4a: {  	_ =	shalt  }
0x4b: {  	_ =	shalt  }
0x4c: {  	_ =	shalt  }
0x4d: {  	_ =	shalt  }
0x4e: {  	_ =	shalt  }
0x4f: {  	_ =	shalt  }
0x50: {  	_ =	shalt  }
0x51: {  	_ =	shalt  }
0x52: {  	_ =	shalt  }
0x53: {  	_ =	shalt  }
0x54: {  	_ =	shalt  }
0x55: {  	_ =	shalt  }
0x56: {  	_ =	shalt  }
0x57: {  	_ =	shalt  }
0x58: {  	_ =	shalt  }
0x59: {  	_ =	shalt  }
0x5a: {  	_ =	shalt  }
0x5b: {  	_ =	shalt  }
0x5c: {  	_ =	shalt  }
0x5d: {  	_ =	shalt  }
0x5e: {  	_ =	shalt  }
0x5f: {  	_ =	shalt  }
0x60: {  	_ =	shalt  }
0x61: {  	_ =	shalt  }
0x62: {  	_ =	shalt  }
0x63: {  	_ =	shalt  }
0x64: {  	_ =	shalt  }
0x65: {  	_ =	shalt  }
0x66: {  	_ =	shalt  }
0x67: {  	_ =	shalt  }
0x68: {  	_ =	shalt  }
0x69: {  	_ =	shalt  }
0x6a: {  	_ =	shalt  }
0x6b: {  	_ =	shalt  }
0x6c: {  	_ =	shalt  }
0x6d: {  	_ =	shalt  }
0x6e: {  	_ =	shalt  }
0x6f: {  	_ =	shalt  }
0x70: {  	_ =	shalt  }
0x71: {  	_ =	shalt  }
0x72: {  	_ =	shalt  }
0x73: {  	_ =	shalt  }
0x74: {  	_ =	shalt  }
0x75: {  	_ =	shalt  }
0x76: {  	_ =	shalt  }
0x77: {  	_ =	shalt  }
0x78: {  	_ =	shalt  }
0x79: {  	_ =	shalt  }
0x7a: {  	_ =	shalt  }
0x7b: {  	_ =	shalt  }
0x7c: {  	_ =	shalt  }
0x7d: {  	_ =	shalt  }
0x7e: {  	_ =	shalt  }
0x7f: {  	_ =	shalt  }
0x80: {  	_ =	shalt  }
0x81: {  	_ =	shalt  }
0x82: {  	_ =	shalt  }
0x83: {  	_ =	shalt  }
0x84: {  	_ =	shalt  }
0x85: {  	_ =	shalt  }
0x86: {  	_ =	shalt  }
0x87: {  	_ =	shalt  }
.Lfunc_end0:
.L_simem_size_0:
called_computation.1_lowered:
.L_overlay_start_0:
0x88: {  	s2 =	sld [smem:$0x3FD9]  }
0x89: {  	s3 =	sld [smem:$0x3FFE];
	_ =	sdelay $0x1  }
0x8a: {  	s1 =	srdreg.scid  }
0x8b: {  	s0 =	sand.u32 $0x1, s1  }
0x8c: {  	s14 =	sshll.u32 s0, $0xA;
	s2 =	sadd.s32 s3, s2  }
0x8d: {  	s2 =	sadd.s32 s2, s14  }
0x8e: {  	[smem:$0x3FBE] =	sst s2  }
0x8f: {  	_ = 	snop  }
0x90: {  	s2 =	sld [smem:$0x3FD0];
	_ =	sdelay $0x2  }
0x91: {  	s15 =	simm.s32 $0xA;
	s4 =	simm.s32 $0x10  }
0x92: {  	[smem:s4], [sflag:s15] =	dma.local [hbm:s2], $0x1  }
0x93: {  	_ =	swait.eq [sflag:s15], $0x1  }
0x94: {  	[sflag:s15] =	ssyncset.done $0x0  }
0x95: {  	[sflag:s15] =	ssyncadd.s32 $0xFFFFFFFF  }
0x96: {  	s16 =	sld [smem:$0x11];
	(tm) =	ssettm $0x1  }
0x97: {  	s17 =	sld [smem:$0x3FFB];
	_ =	sdelay $0x3  }
0x98: {  	_ =	strace s17  }
0x99: {  	s3 =	sld [smem:$0x3FFC];
	_ =	sdelay $0x3  }
0x9a: {  	_ =	strace s3  }
0x9b: {  	s3 =	sld [smem:$0x3FFD];
	_ =	sdelay $0x3  }
0x9c: {  	_ =	strace s3  }
0x9d: {  	_ =	strace $0x8FFFFFFF  }
0x9e: {  	s18 =	sld [smem:$0x3FDB];
	_ =	sdelay $0x1  }
0x9f: {  	s19 =	simm.s32 $_scs_section_size  }
0xa0: {  	s5 =	simm.s32 $_size__tile_overlayer_lowered;
	s6 =	simm.s32 $_tile_overlayer_lowered  }
0xa1: {  	s22 =	simm.s32 $0x1BFF;
	s21 =	sshll.u32 s6, $0x1;
	s3 =	sadd.s32 s19, s18  }
0xa2: {  	s7 =	simm.s32 $0x0;
	s20 =	sshll.u32 s5, $0x1;
	s5 =	sadd.s32 s21, s3  }
0xa3: {  	[timem:s7], [sflag:s22] =	dma.local [hbm:s5], s20  }
0xa4: {  	_ =	swait.ge [sflag:s22], s20  }
0xa5: {  	s4 =	ssub.s32 $0x0, s20;
	[sflag:s22] =	ssyncset.done $0x0  }
0xa6: {  	[sflag:s22] =	ssyncadd.s32 s4;
	_ =	sdelay $0x1  }
0xa7: {  	s23 =	simm.s32 $0x1B8B  }
0xa8: {  	_ =	swait.ge [sflag:s23], $0x1  }
0xa9: {  	[sflag:s23] =	ssyncset.done $0x0  }
0xaa: {  	s25 =	simm.s32 $0x1B8E;
	s24 =	sld [smem:$0x3FFE];
	[sflag:s23] =	ssyncadd.s32 $0xFFFFFFFF  }
0xab: {  	s26 =	simm.s32 $execute0_lowered;
	[smem:$0x3FD2] =	sst s25  }
0xac: {  	s5 =	sshll.u32 s26, $0x1;
	_ =	strace $0x80000049;
	[dreg:$0x1] =	wrdreg $0xFFFFFFFF  }
0xad: {  	s28 =	simm.s32 $_size_execute0_lowered;
	s3 =	sadd.s32 s3, s5;
	[dreg:$0x0] =	wrdreg $0x0  }
0xae: {  	s5 =	sshll.u32 s28, $0x1;
	[dreg:$0x2] =	wrdreg s3  }
0xaf: {  	[dreg:$0x3] =	wrdreg s5  }
0xb0: {  	[dreg:$0x4] =	wrdreg $0xC0  }
0xb1: {  	_ =	task [dreg:s7], $0x5FFFF  }
0xb2: {  	[dreg:$0x1] =	wrdreg $0xFFFFFFFF  }
0xb3: {  	[dreg:$0x0] =	wrdreg $0x60  }
0xb4: {  	[dreg:$0x2] =	wrdreg s24  }
0xb5: {  	[dreg:$0x3] =	wrdreg s16  }
0xb6: {  	[dreg:$0x4] =	wrdreg $0x90000  }
0xb7: {  	[dreg:$0x5] =	wrdreg $0x9  }
0xb8: {  	_ =	task.clear_ibuf [dreg:s7], $0x6FFFF;
	_ =	strace $0x90000049  }
0xb9: {  	s29 =	simm.s32 $0x9;
	_ =	strace $0x8000004B  }
0xba: {  	_ =	swait.ge [sflag:s29], $0x1  }
0xbb: {  	[sflag:s29] =	ssyncadd.s32 $0xFFFFFFFF  }
0xbc: {  	_ =	strace $0x9000004B  }
0xbd: {  	_ =	sfence  }
0xbe: {  	s30 =	sld [smem:$0x0];
	_ =	sdelay $0x2  }
0xbf: {  	s31 =	sshll.u32 s1, $0xD;
	s1 =	sshrl.u32 s1, $0x2  }
0xc0: {  	s3 =	sand.u32 $0x4000, s31;
	s1 =	sadd.s32 s1, s30  }
0xc1: {  	s0 =	sor.u32 s3, s0;
	s1 =	sshll.u32 s1, $0x11  }
0xc2: {  	s0 =	sor.u32 s1, s0  }
0xc3: {  	s0 =	sadd.s32 $0x8F2B, s0  }
0xc4: {  	[sflag:s0] =	ssyncadd.remote.s32 $0x1  }
0xc5: {  	_ =	sfence.sel $0xFFFF  }
0xc6: {  	[dreg:$0x0] =	wrdreg $0xFFFFFFFF;
	(pc) =	sbr.abs _section_cstart, $3  }
0xc7: {  	[dreg:$0x1] =	wrdreg $0xFFFFFFFF  }
0xc8: {  	_ =	task.clear_ibuf [dreg:s7], $0x2FFFF;
	_ =	strace $0x9FFFFFFF  }
0xc9: {  	(tm) =	ssettm $0x7FFFFFFF  }
tec
execute0_lowered:
.L_overlay_start_1:
0x0: {  	(tag) =	ssettag $0x1  }
0x1: {  	s0 =	rddreg [dreg:$0x0]  }
0x2: {  	s2 =	rddreg [dreg:$0x2];
	s4 =	simm.s32 $0x0  }
0x3: {  	s1 =	srdreg.scid;
	s12 =	stileid.u32;
	s14 =	simm.s32 $0x4  }
0x4: {  	s15 =	simm.s32 $0x80;
	s16 =	simm.s32 $0x1000;
	s25 =	simm.s32 $0xF00  }
0x5: {  	s26 =	simm.s32 $0xF80;
	s13 =	simm.s32 $0x380;
	s28 =	simm.s32 $0x780  }
0x6: {  	s29 =	simm.s32 $0xE80;
	s31 =	simm.s32 $0x0;
	s7 =	smul.u32 $0x14000, s12  }
0x7: {  	[smem:$0x7FF] =	sst s4;
	s1 =	sand.u32 $0x1, s1;
	s9 =	smul.u32 $0x50000, s12  }
0x8: {  	s6 =	sshll.u32 s12, $0x1;
	s5 =	sadd.s32 $0x17800, s0;
	s10 =	smul.u32 $0x9E00, s12  }
0x9: {  	s21 =	sshll.u32 s12, $0x6;
	s12 =	simm.s32 $0x400;
	s3 =	smul.u32 $0x140000, s1  }
0xa: {  	_ =	strace $0x8000004A;
	s8 =	sor.u32 s1, s6;
	s6 =	sadd.s32 $0x3A00, s0  }
0xb: {  	s18 =	ssub.s32 $0x2, s1;
	s1 =	smul.u32 $0x4F00, s1;
	[dreg:$0x5] =	wrdreg s25  }
0xc: {  	s30 =	sor.u32 $0x1C04, s21;
	s21 =	simm.s32 $0x2;
	[dreg:$0x6] =	wrdreg s26  }
0xd: {  	s25 =	simm.s32 $0x680;
	s26 =	simm.s32 $0x700;
	s17 =	smul.u32 $0x4F00, s8  }
0xe: {  	s11 =	sshrl.u32 s18, $0x1;
	s9 =	sshrl.u32 s9, $0x2;
	s8 =	simm.s32 $0x280  }
0xf: {  	[dreg:$0x7] =	wrdreg s30;
	s3 =	sadd.s32 s7, s3;
	s19 =	ssub.s32 s18, s11  }
0x10: {  	s20 =	sadd.s32 s9, s2;
	s1 =	sadd.s32 s1, s10;
	s11 =	simm.s32 $0x200  }
0x11: {  	s18 =	simm.s32 $0x480;
	s10 =	simm.s32 $0x800;
	s3 =	sshrl.u32 s3, $0x3  }
0x12: {  	s7 =	sshrl.u32 s17, $0x3;
	s23 =	sadd.s32 $0x800, s1;
	s1 =	sadd.s32 $0x1000, s1  }
0x13: {  	s17 =	simm.s32 $0x1;
	s0 =	sadd.s32 s3, s0;
	s22 =	sadd.s32 s6, s7  }
0x14: {  	s24 =	sshrl.u32 s23, $0x3;
	s3 =	smax.u32 s19, $0x1;
	[dreg:$0xc] =	wrdreg s1  }
0x15: {  	s1 =	simm.s32 $0x100;
	s19 =	simm.s32 $0x5000;
	[dreg:$0x8] =	wrdreg s22  }
0x16: {  	s7 =	simm.s32 $0x300;
	s9 =	sadd.s32 $0x900, s22;
	[dreg:$0xb] =	wrdreg s3  }
0x17: {  	s23 =	simm.s32 $0x600;
	s0 =	sadd.s32 $0x3F800, s0;
	[dreg:$0x9] =	wrdreg s9  }
0x18: {  	s3 =	sshrl.u32 s20, $0x3;
	s20 =	simm.s32 $0x500;
	[dreg:$0xa] =	wrdreg s0  }
0x19: {  	s22 =	simm.s32 $0x580;
	s0 =	sadd.s32 s24, s6;
	[dreg:$0xd] =	wrdreg s3  }
0x1a: {  	s9 =	simm.s32 $0x180;
	s24 =	simm.s32 $0x3;
	[dreg:$0x4] =	wrdreg s0  }
.LBB2_1:
0x1b: {  	[dreg:$0xe] =	wrdreg s31  }
0x1c: {  	s0 =	rddreg [dreg:$0x1]  }
0x1d: {  	[spmem:s3], [sflag:s30] =	dma.local [hbm:s0], $0x2800  }
0x1e: {  	_ =	swait.ge [sflag:s14], $0x2800  }
0x1f: {  	[sflag:s14] =	ssyncset.done $0x0  }
0x20: {  	[sflag:s14] =	ssyncadd.s32 $0xFFFFD800  }
0x21: {  	[bflag:$0x0] =	sbarrier.arrive $0xFFFF  }
0x22: {  	s3 =	rddreg [dreg:$0x8]  }
0x23: {  	[tilespmem:s4], [sflag:$0x4] =	stream.linear.gather [hbm4b:s3+s4], $0x800, $0x38;
	[tilespmem:$0x1D000] =	vst v63  }
0x24: {  	_ =	swait.ge [sflag:s14], $0x800  }
0x25: {  	[sflag:s14] =	ssyncset.done $0x0  }
0x26: {  	[sflag:s14] =	ssyncadd.s32 $0xFFFFF800  }
0x27: {  	[tilespmem:s16], [sflag:$0x1] =	stream.indirect.gather [hbm4b:s5+s15], $0x80, s4, s15, $0xb8;
	[tilespmem:$0x1D000] =	vst v63  }
0x28: {  	_ =	swait.ge [sflag:s17], $0x4000  }
0x29: {  	[sflag:s17] =	ssyncset.done $0x0  }
0x2a: {  	[sflag:s17] =	ssyncadd.s32 $0xFFFFC000  }
0x2b: {  	[spmem:s2] =	stream.indirect.scatter.add.f32 [tilespmem:s16], [sflag:$0x2], $0x80, s15, s15, $0xb8;
	[tilespmem:$0x1D000] =	vst v63  }
0x2c: {  	_ = 	snop  }
0x2d: {  	[tilespmem:s19], [sflag:$0x1] =	stream.indirect.gather [hbm4b:s5+s15], $0x80, s1, s15, $0xb8;
	[tilespmem:$0x1D000] =	vst v63  }
0x2e: {  	_ =	swait.ge [sflag:s17], $0x4000  }
0x2f: {  	[sflag:s17] =	ssyncset.done $0x0  }
0x30: {  	[sflag:s17] =	ssyncadd.s32 $0xFFFFC000  }
0x31: {  	[spmem:s2] =	stream.indirect.scatter.add.f32 [tilespmem:s19], [sflag:$0x3], $0x80, s9, s15, $0xb8;
	[tilespmem:$0x1D000] =	vst v63  }
0x32: {  	_ =	swait.ge [sflag:s21], $0x4000  }
0x33: {  	[sflag:s21] =	ssyncset.done $0x0  }
0x34: {  	[sflag:s21] =	ssyncadd.s32 $0xFFFFC000  }
0x35: {  	[tilespmem:s16], [sflag:$0x1] =	stream.indirect.gather [hbm4b:s5+s15], $0x80, s11, s15, $0xb8;
	[tilespmem:$0x1D000] =	vst v63  }
0x36: {  	_ =	swait.ge [sflag:s17], $0x4000  }
0x37: {  	[sflag:s17] =	ssyncset.done $0x0  }
0x38: {  	[sflag:s17] =	ssyncadd.s32 $0xFFFFC000  }
0x39: {  	[spmem:s2] =	stream.indirect.scatter.add.f32 [tilespmem:s16], [sflag:$0x2], $0x80, s8, s15, $0xb8;
	[tilespmem:$0x1D000] =	vst v63  }
0x3a: {  	_ =	swait.ge [sflag:s24], $0x4000  }
0x3b: {  	[sflag:s24] =	ssyncset.done $0x0  }
0x3c: {  	[sflag:s24] =	ssyncadd.s32 $0xFFFFC000  }
0x3d: {  	[tilespmem:s19], [sflag:$0x1] =	stream.indirect.gather [hbm4b:s5+s15], $0x80, s7, s15, $0xb8;
	[tilespmem:$0x1D000] =	vst v63  }
0x3e: {  	_ =	swait.ge [sflag:s17], $0x4000  }
0x3f: {  	[sflag:s17] =	ssyncset.done $0x0  }
0x40: {  	[sflag:s17] =	ssyncadd.s32 $0xFFFFC000  }
0x41: {  	[spmem:s2] =	stream.indirect.scatter.add.f32 [tilespmem:s19], [sflag:$0x3], $0x80, s13, s15, $0xb8;
	[tilespmem:$0x1D000] =	vst v63  }
0x42: {  	_ =	swait.ge [sflag:s21], $0x4000  }
0x43: {  	[sflag:s21] =	ssyncset.done $0x0  }
0x44: {  	[sflag:s21] =	ssyncadd.s32 $0xFFFFC000  }
0x45: {  	[tilespmem:s16], [sflag:$0x1] =	stream.indirect.gather [hbm4b:s5+s15], $0x80, s12, s15, $0xb8;
	[tilespmem:$0x1D000] =	vst v63  }
0x46: {  	_ =	swait.ge [sflag:s17], $0x4000  }
0x47: {  	[sflag:s17] =	ssyncset.done $0x0  }
0x48: {  	[sflag:s17] =	ssyncadd.s32 $0xFFFFC000  }
0x49: {  	[spmem:s2] =	stream.indirect.scatter.add.f32 [tilespmem:s16], [sflag:$0x2], $0x80, s18, s15, $0xb8;
	[tilespmem:$0x1D000] =	vst v63  }
0x4a: {  	_ =	swait.ge [sflag:s24], $0x4000  }
0x4b: {  	[sflag:s24] =	ssyncset.done $0x0  }
0x4c: {  	[sflag:s24] =	ssyncadd.s32 $0xFFFFC000  }
0x4d: {  	[tilespmem:s19], [sflag:$0x1] =	stream.indirect.gather [hbm4b:s5+s15], $0x80, s20, s15, $0xb8;
	[tilespmem:$0x1D000] =	vst v63  }
0x4e: {  	_ =	swait.ge [sflag:s17], $0x4000  }
0x4f: {  	[sflag:s17] =	ssyncset.done $0x0  }
0x50: {  	[sflag:s17] =	ssyncadd.s32 $0xFFFFC000  }
0x51: {  	[spmem:s2] =	stream.indirect.scatter.add.f32 [tilespmem:s19], [sflag:$0x3], $0x80, s22, s15, $0xb8;
	[tilespmem:$0x1D000] =	vst v63  }
0x52: {  	_ =	swait.ge [sflag:s21], $0x4000  }
0x53: {  	[sflag:s21] =	ssyncset.done $0x0  }
0x54: {  	[sflag:s21] =	ssyncadd.s32 $0xFFFFC000  }
0x55: {  	[tilespmem:s16], [sflag:$0x1] =	stream.indirect.gather [hbm4b:s5+s15], $0x80, s23, s15, $0xb8;
	[tilespmem:$0x1D000] =	vst v63  }
0x56: {  	_ =	swait.ge [sflag:s17], $0x4000  }
0x57: {  	[sflag:s17] =	ssyncset.done $0x0  }
0x58: {  	[sflag:s17] =	ssyncadd.s32 $0xFFFFC000  }
0x59: {  	[spmem:s2] =	stream.indirect.scatter.add.f32 [tilespmem:s16], [sflag:$0x2], $0x80, s25, s15, $0xb8;
	[tilespmem:$0x1D000] =	vst v63  }
0x5a: {  	_ =	swait.ge [sflag:s24], $0x4000  }
0x5b: {  	[sflag:s24] =	ssyncset.done $0x0  }
0x5c: {  	[sflag:s24] =	ssyncadd.s32 $0xFFFFC000  }
0x5d: {  	[tilespmem:s19], [sflag:$0x1] =	stream.indirect.gather [hbm4b:s5+s15], $0x80, s26, s15, $0xb8;
	[tilespmem:$0x1D000] =	vst v63  }
0x5e: {  	_ =	swait.ge [sflag:s17], $0x4000  }
0x5f: {  	[sflag:s17] =	ssyncset.done $0x0  }
0x60: {  	[sflag:s17] =	ssyncadd.s32 $0xFFFFC000  }
0x61: {  	[spmem:s2] =	stream.indirect.scatter.add.f32 [tilespmem:s19], [sflag:$0x3], $0x80, s28, s15, $0xb8;
	[tilespmem:$0x1D000] =	vst v63  }
0x62: {  	_ =	swait.ge [sflag:s21], $0x4000  }
0x63: {  	s30 =	rddreg [dreg:$0x4];
	[sflag:s21] =	ssyncset.done $0x0  }
0x64: {  	[sflag:s21] =	ssyncadd.s32 $0xFFFFC000;
	s30 =	sadd.s32 $0x0, s30  }
0x65: {  	[tilespmem:s10], [sflag:$0x4] =	stream.linear.gather [hbm4b:s30+s4], $0x800, $0x38;
	[tilespmem:$0x1D000] =	vst v63  }
0x66: {  	_ =	swait.ge [sflag:s14], $0x800  }
0x67: {  	[sflag:s14] =	ssyncset.done $0x0  }
0x68: {  	[sflag:s14] =	ssyncadd.s32 $0xFFFFF800  }
0x69: {  	[tilespmem:s16], [sflag:$0x1] =	stream.indirect.gather [hbm4b:s5+s15], $0x80, s10, s15, $0xb8;
	[tilespmem:$0x1D000] =	vst v63  }
0x6a: {  	_ =	swait.ge [sflag:s17], $0x4000  }
0x6b: {  	[sflag:s17] =	ssyncset.done $0x0  }
0x6c: {  	s7 =	simm.s32 $0x880;
	[sflag:s17] =	ssyncadd.s32 $0xFFFFC000  }
0x6d: {  	[spmem:s2] =	stream.indirect.scatter.add.f32 [tilespmem:s16], [sflag:$0x2], $0x80, s7, s15, $0xb8;
	[tilespmem:$0x1D000] =	vst v63  }
0x6e: {  	_ =	swait.ge [sflag:s24], $0x4000  }
0x6f: {  	[sflag:s24] =	ssyncset.done $0x0  }
0x70: {  	s8 =	simm.s32 $0x900;
	[sflag:s24] =	ssyncadd.s32 $0xFFFFC000  }
0x71: {  	[tilespmem:s19], [sflag:$0x1] =	stream.indirect.gather [hbm4b:s5+s15], $0x80, s8, s15, $0xb8;
	[tilespmem:$0x1D000] =	vst v63  }
0x72: {  	_ =	swait.ge [sflag:s17], $0x4000  }
0x73: {  	[sflag:s17] =	ssyncset.done $0x0  }
0x74: {  	s9 =	simm.s32 $0x980;
	[sflag:s17] =	ssyncadd.s32 $0xFFFFC000  }
0x75: {  	[spmem:s2] =	stream.indirect.scatter.add.f32 [tilespmem:s19], [sflag:$0x3], $0x80, s9, s15, $0xb8;
	[tilespmem:$0x1D000] =	vst v63  }
0x76: {  	_ =	swait.ge [sflag:s21], $0x4000  }
0x77: {  	[sflag:s21] =	ssyncset.done $0x0  }
0x78: {  	s11 =	simm.s32 $0xA00;
	[sflag:s21] =	ssyncadd.s32 $0xFFFFC000  }
0x79: {  	[tilespmem:s16], [sflag:$0x1] =	stream.indirect.gather [hbm4b:s5+s15], $0x80, s11, s15, $0xb8;
	[tilespmem:$0x1D000] =	vst v63  }
0x7a: {  	_ =	swait.ge [sflag:s17], $0x4000  }
0x7b: {  	[sflag:s17] =	ssyncset.done $0x0  }
0x7c: {  	s12 =	simm.s32 $0xA80;
	[sflag:s17] =	ssyncadd.s32 $0xFFFFC000  }
0x7d: {  	[spmem:s2] =	stream.indirect.scatter.add.f32 [tilespmem:s16], [sflag:$0x2], $0x80, s12, s15, $0xb8;
	[tilespmem:$0x1D000] =	vst v63  }
0x7e: {  	_ =	swait.ge [sflag:s24], $0x4000  }
0x7f: {  	[sflag:s24] =	ssyncset.done $0x0  }
0x80: {  	s13 =	simm.s32 $0xB00;
	[sflag:s24] =	ssyncadd.s32 $0xFFFFC000  }
0x81: {  	[tilespmem:s19], [sflag:$0x1] =	stream.indirect.gather [hbm4b:s5+s15], $0x80, s13, s15, $0xb8;
	[tilespmem:$0x1D000] =	vst v63  }
0x82: {  	_ =	swait.ge [sflag:s17], $0x4000  }
0x83: {  	[sflag:s17] =	ssyncset.done $0x0  }
0x84: {  	s18 =	simm.s32 $0xB80;
	[sflag:s17] =	ssyncadd.s32 $0xFFFFC000  }
0x85: {  	[spmem:s2] =	stream.indirect.scatter.add.f32 [tilespmem:s19], [sflag:$0x3], $0x80, s18, s15, $0xb8;
	[tilespmem:$0x1D000] =	vst v63  }
0x86: {  	_ =	swait.ge [sflag:s21], $0x4000  }
0x87: {  	[sflag:s21] =	ssyncset.done $0x0  }
0x88: {  	s20 =	simm.s32 $0xC00;
	[sflag:s21] =	ssyncadd.s32 $0xFFFFC000  }
0x89: {  	[tilespmem:s16], [sflag:$0x1] =	stream.indirect.gather [hbm4b:s5+s15], $0x80, s20, s15, $0xb8;
	[tilespmem:$0x1D000] =	vst v63  }
0x8a: {  	_ =	swait.ge [sflag:s17], $0x4000  }
0x8b: {  	[sflag:s17] =	ssyncset.done $0x0  }
0x8c: {  	s22 =	simm.s32 $0xC80;
	[sflag:s17] =	ssyncadd.s32 $0xFFFFC000  }
0x8d: {  	[spmem:s2] =	stream.indirect.scatter.add.f32 [tilespmem:s16], [sflag:$0x2], $0x80, s22, s15, $0xb8;
	[tilespmem:$0x1D000] =	vst v63  }
0x8e: {  	_ =	swait.ge [sflag:s24], $0x4000  }
0x8f: {  	[sflag:s24] =	ssyncset.done $0x0  }
0x90: {  	s23 =	simm.s32 $0xD00;
	[sflag:s24] =	ssyncadd.s32 $0xFFFFC000  }
0x91: {  	[tilespmem:s19], [sflag:$0x1] =	stream.indirect.gather [hbm4b:s5+s15], $0x80, s23, s15, $0xb8;
	[tilespmem:$0x1D000] =	vst v63  }
0x92: {  	_ =	swait.ge [sflag:s17], $0x4000  }
0x93: {  	[sflag:s17] =	ssyncset.done $0x0  }
0x94: {  	s25 =	simm.s32 $0xD80;
	[sflag:s17] =	ssyncadd.s32 $0xFFFFC000  }
0x95: {  	[spmem:s2] =	stream.indirect.scatter.add.f32 [tilespmem:s19], [sflag:$0x3], $0x80, s25, s15, $0xb8;
	[tilespmem:$0x1D000] =	vst v63  }
0x96: {  	_ =	swait.ge [sflag:s21], $0x4000  }
0x97: {  	[sflag:s21] =	ssyncset.done $0x0  }
0x98: {  	s26 =	simm.s32 $0xE00;
	[sflag:s21] =	ssyncadd.s32 $0xFFFFC000  }
0x99: {  	[tilespmem:s16], [sflag:$0x1] =	stream.indirect.gather [hbm4b:s5+s15], $0x80, s26, s15, $0xb8;
	[tilespmem:$0x1D000] =	vst v63  }
0x9a: {  	_ =	swait.ge [sflag:s17], $0x4000  }
0x9b: {  	[sflag:s17] =	ssyncset.done $0x0  }
0x9c: {  	[sflag:s17] =	ssyncadd.s32 $0xFFFFC000  }
0x9d: {  	[spmem:s2] =	stream.indirect.scatter.add.f32 [tilespmem:s16], [sflag:$0x2], $0x80, s29, s15, $0xb8;
	[tilespmem:$0x1D000] =	vst v63  }
0x9e: {  	_ =	swait.ge [sflag:s24], $0x4000  }
0x9f: {  	[sflag:s24] =	ssyncset.done $0x0  }
0xa0: {  	s30 =	rddreg [dreg:$0x5];
	[sflag:s24] =	ssyncadd.s32 $0xFFFFC000  }
0xa1: {  	[tilespmem:s19], [sflag:$0x1] =	stream.indirect.gather [hbm4b:s5+s15], $0x80, s30, s15, $0xb8;
	[tilespmem:$0x1D000] =	vst v63  }
0xa2: {  	_ =	swait.ge [sflag:s17], $0x4000  }
0xa3: {  	[sflag:s17] =	ssyncset.done $0x0  }
0xa4: {  	s30 =	rddreg [dreg:$0x6];
	[sflag:s17] =	ssyncadd.s32 $0xFFFFC000  }
0xa5: {  	[spmem:s2] =	stream.indirect.scatter.add.f32 [tilespmem:s19], [sflag:$0x3], $0x80, s30, s15, $0xb8;
	[tilespmem:$0x1D000] =	vst v63  }
0xa6: {  	_ =	swait.ge [sflag:s21], $0x4000  }
0xa7: {  	s31 =	rddreg [dreg:$0xc]  }
0xa8: {  	[sflag:s21] =	ssyncset.done $0x0;
	s30 =	sshrl.u32 s31, $0x3  }
0xa9: {  	[sflag:s21] =	ssyncadd.s32 $0xFFFFC000;
	s30 =	sadd.s32 s6, s30  }
0xaa: {  	[tilespmem:s4], [sflag:$0x4] =	stream.linear.gather [hbm4b:s30+s4], $0x800, $0x38;
	[tilespmem:$0x1D000] =	vst v63  }
0xab: {  	_ =	swait.ge [sflag:s14], $0x800  }
0xac: {  	[sflag:s14] =	ssyncset.done $0x0  }
0xad: {  	[sflag:s14] =	ssyncadd.s32 $0xFFFFF800  }
0xae: {  	[tilespmem:s16], [sflag:$0x1] =	stream.indirect.gather [hbm4b:s5+s15], $0x80, s4, s15, $0xb8;
	[tilespmem:$0x1D000] =	vst v63  }
0xaf: {  	_ =	swait.ge [sflag:s17], $0x4000  }
0xb0: {  	[sflag:s17] =	ssyncset.done $0x0  }
0xb1: {  	[sflag:s17] =	ssyncadd.s32 $0xFFFFC000  }
0xb2: {  	[spmem:s2] =	stream.indirect.scatter.add.f32 [tilespmem:s16], [sflag:$0x2], $0x80, s15, s15, $0xb8;
	[tilespmem:$0x1D000] =	vst v63  }
0xb3: {  	_ =	swait.ge [sflag:s24], $0x4000  }
0xb4: {  	[sflag:s24] =	ssyncset.done $0x0  }
0xb5: {  	s1 =	simm.s32 $0x100;
	[sflag:s24] =	ssyncadd.s32 $0xFFFFC000  }
0xb6: {  	[tilespmem:s19], [sflag:$0x1] =	stream.indirect.gather [hbm4b:s5+s15], $0x80, s1, s15, $0xb8;
	[tilespmem:$0x1D000] =	vst v63  }
0xb7: {  	_ =	swait.ge [sflag:s17], $0x4000  }
0xb8: {  	[sflag:s17] =	ssyncset.done $0x0  }
0xb9: {  	s9 =	simm.s32 $0x180;
	[sflag:s17] =	ssyncadd.s32 $0xFFFFC000  }
0xba: {  	[spmem:s2] =	stream.indirect.scatter.add.f32 [tilespmem:s19], [sflag:$0x3], $0x80, s9, s15, $0xb8;
	[tilespmem:$0x1D000] =	vst v63  }
0xbb: {  	_ =	swait.ge [sflag:s21], $0x4000  }
0xbc: {  	[sflag:s21] =	ssyncset.done $0x0  }
0xbd: {  	s11 =	simm.s32 $0x200;
	[sflag:s21] =	ssyncadd.s32 $0xFFFFC000  }
0xbe: {  	[tilespmem:s16], [sflag:$0x1] =	stream.indirect.gather [hbm4b:s5+s15], $0x80, s11, s15, $0xb8;
	[tilespmem:$0x1D000] =	vst v63  }
0xbf: {  	_ =	swait.ge [sflag:s17], $0x4000  }
0xc0: {  	[sflag:s17] =	ssyncset.done $0x0  }
0xc1: {  	s8 =	simm.s32 $0x280;
	[sflag:s17] =	ssyncadd.s32 $0xFFFFC000  }
0xc2: {  	[spmem:s2] =	stream.indirect.scatter.add.f32 [tilespmem:s16], [sflag:$0x2], $0x80, s8, s15, $0xb8;
	[tilespmem:$0x1D000] =	vst v63  }
0xc3: {  	_ =	swait.ge [sflag:s24], $0x4000  }
0xc4: {  	[sflag:s24] =	ssyncset.done $0x0  }
0xc5: {  	s7 =	simm.s32 $0x300;
	[sflag:s24] =	ssyncadd.s32 $0xFFFFC000  }
0xc6: {  	[tilespmem:s19], [sflag:$0x1] =	stream.indirect.gather [hbm4b:s5+s15], $0x80, s7, s15, $0xb8;
	[tilespmem:$0x1D000] =	vst v63  }
0xc7: {  	_ =	swait.ge [sflag:s17], $0x4000  }
0xc8: {  	[sflag:s17] =	ssyncset.done $0x0  }
0xc9: {  	s13 =	simm.s32 $0x380;
	[sflag:s17] =	ssyncadd.s32 $0xFFFFC000  }
0xca: {  	[spmem:s2] =	stream.indirect.scatter.add.f32 [tilespmem:s19], [sflag:$0x3], $0x80, s13, s15, $0xb8;
	[tilespmem:$0x1D000] =	vst v63  }
0xcb: {  	_ =	swait.ge [sflag:s21], $0x4000  }
0xcc: {  	[sflag:s21] =	ssyncset.done $0x0  }
0xcd: {  	s12 =	simm.s32 $0x400;
	[sflag:s21] =	ssyncadd.s32 $0xFFFFC000  }
0xce: {  	[tilespmem:s16], [sflag:$0x1] =	stream.indirect.gather [hbm4b:s5+s15], $0x80, s12, s15, $0xb8;
	[tilespmem:$0x1D000] =	vst v63  }
0xcf: {  	_ =	swait.ge [sflag:s17], $0x4000  }
0xd0: {  	[sflag:s17] =	ssyncset.done $0x0  }
0xd1: {  	s18 =	simm.s32 $0x480;
	[sflag:s17] =	ssyncadd.s32 $0xFFFFC000  }
0xd2: {  	[spmem:s2] =	stream.indirect.scatter.add.f32 [tilespmem:s16], [sflag:$0x2], $0x80, s18, s15, $0xb8;
	[tilespmem:$0x1D000] =	vst v63  }
0xd3: {  	_ =	swait.ge [sflag:s24], $0x4000  }
0xd4: {  	[sflag:s24] =	ssyncset.done $0x0  }
0xd5: {  	s20 =	simm.s32 $0x500;
	[sflag:s24] =	ssyncadd.s32 $0xFFFFC000  }
0xd6: {  	[tilespmem:s19], [sflag:$0x1] =	stream.indirect.gather [hbm4b:s5+s15], $0x80, s20, s15, $0xb8;
	[tilespmem:$0x1D000] =	vst v63  }
0xd7: {  	_ =	swait.ge [sflag:s17], $0x4000  }
0xd8: {  	[sflag:s17] =	ssyncset.done $0x0  }
0xd9: {  	s22 =	simm.s32 $0x580;
	[sflag:s17] =	ssyncadd.s32 $0xFFFFC000  }
0xda: {  	[spmem:s2] =	stream.indirect.scatter.add.f32 [tilespmem:s19], [sflag:$0x3], $0x80, s22, s15, $0xb8;
	[tilespmem:$0x1D000] =	vst v63  }
0xdb: {  	_ =	swait.ge [sflag:s21], $0x4000  }
0xdc: {  	[sflag:s21] =	ssyncset.done $0x0  }
0xdd: {  	s23 =	simm.s32 $0x600;
	[sflag:s21] =	ssyncadd.s32 $0xFFFFC000  }
0xde: {  	[tilespmem:s16], [sflag:$0x1] =	stream.indirect.gather [hbm4b:s5+s15], $0x80, s23, s15, $0xb8;
	[tilespmem:$0x1D000] =	vst v63  }
0xdf: {  	_ =	swait.ge [sflag:s17], $0x4000  }
0xe0: {  	[sflag:s17] =	ssyncset.done $0x0  }
0xe1: {  	s25 =	simm.s32 $0x680;
	[sflag:s17] =	ssyncadd.s32 $0xFFFFC000  }
0xe2: {  	[spmem:s2] =	stream.indirect.scatter.add.f32 [tilespmem:s16], [sflag:$0x2], $0x80, s25, s15, $0xb8;
	[tilespmem:$0x1D000] =	vst v63  }
0xe3: {  	_ =	swait.ge [sflag:s24], $0x4000  }
0xe4: {  	[sflag:s24] =	ssyncset.done $0x0  }
0xe5: {  	s26 =	simm.s32 $0x700;
	[sflag:s24] =	ssyncadd.s32 $0xFFFFC000  }
0xe6: {  	[tilespmem:s19], [sflag:$0x1] =	stream.indirect.gather [hbm4b:s5+s15], $0x80, s26, s15, $0xb8;
	[tilespmem:$0x1D000] =	vst v63  }
0xe7: {  	_ =	swait.ge [sflag:s17], $0x4000  }
0xe8: {  	[sflag:s17] =	ssyncset.done $0x0  }
0xe9: {  	s28 =	simm.s32 $0x780;
	[sflag:s17] =	ssyncadd.s32 $0xFFFFC000  }
0xea: {  	[spmem:s2] =	stream.indirect.scatter.add.f32 [tilespmem:s19], [sflag:$0x3], $0x80, s28, s15, $0xb8;
	[tilespmem:$0x1D000] =	vst v63  }
0xeb: {  	s30 =	simm.s32 $0x200;
	_ =	swait.ge [sflag:s21], $0x4000  }
.LBB2_2:
0xec: {  	s0 =	rddreg [dreg:$0x4];
	s3 =	smov.u32 s30;
	[sflag:s21] =	ssyncset.done $0x0  }
0xed: {  	s0 =	sadd.s32 s3, s0;
	[sflag:s21] =	ssyncadd.s32 $0xFFFFC000  }
0xee: {  	[tilespmem:s10], [sflag:$0x4] =	stream.linear.gather [hbm4b:s0+s4], $0x800, $0x38;
	[tilespmem:$0x1D000] =	vst v63  }
0xef: {  	_ =	swait.ge [sflag:s14], $0x800  }
0xf0: {  	[sflag:s14] =	ssyncset.done $0x0  }
0xf1: {  	[sflag:s14] =	ssyncadd.s32 $0xFFFFF800  }
0xf2: {  	[tilespmem:s16], [sflag:$0x1] =	stream.indirect.gather [hbm4b:s5+s15], $0x80, s10, s15, $0xb8;
	[tilespmem:$0x1D000] =	vst v63  }
0xf3: {  	_ =	swait.ge [sflag:s17], $0x4000  }
0xf4: {  	[sflag:s17] =	ssyncset.done $0x0  }
0xf5: {  	s3 =	simm.s32 $0x880;
	[sflag:s17] =	ssyncadd.s32 $0xFFFFC000  }
0xf6: {  	[spmem:s2] =	stream.indirect.scatter.add.f32 [tilespmem:s16], [sflag:$0x2], $0x80, s3, s15, $0xb8;
	[tilespmem:$0x1D000] =	vst v63  }
0xf7: {  	_ =	swait.ge [sflag:s24], $0x4000  }
0xf8: {  	[sflag:s24] =	ssyncset.done $0x0  }
0xf9: {  	s3 =	simm.s32 $0x900;
	[sflag:s24] =	ssyncadd.s32 $0xFFFFC000  }
0xfa: {  	[tilespmem:s19], [sflag:$0x1] =	stream.indirect.gather [hbm4b:s5+s15], $0x80, s3, s15, $0xb8;
	[tilespmem:$0x1D000] =	vst v63  }
0xfb: {  	_ =	swait.ge [sflag:s17], $0x4000  }
0xfc: {  	[sflag:s17] =	ssyncset.done $0x0  }
0xfd: {  	s3 =	simm.s32 $0x980;
	[sflag:s17] =	ssyncadd.s32 $0xFFFFC000  }
0xfe: {  	[spmem:s2] =	stream.indirect.scatter.add.f32 [tilespmem:s19], [sflag:$0x3], $0x80, s3, s15, $0xb8;
	[tilespmem:$0x1D000] =	vst v63  }
0xff: {  	_ =	swait.ge [sflag:s21], $0x4000  }
0x100: {  	[sflag:s21] =	ssyncset.done $0x0  }
0x101: {  	s3 =	simm.s32 $0xA00;
	[sflag:s21] =	ssyncadd.s32 $0xFFFFC000  }
0x102: {  	[tilespmem:s16], [sflag:$0x1] =	stream.indirect.gather [hbm4b:s5+s15], $0x80, s3, s15, $0xb8;
	[tilespmem:$0x1D000] =	vst v63  }
0x103: {  	_ =	swait.ge [sflag:s17], $0x4000  }
0x104: {  	[sflag:s17] =	ssyncset.done $0x0  }
0x105: {  	s3 =	simm.s32 $0xA80;
	[sflag:s17] =	ssyncadd.s32 $0xFFFFC000  }
0x106: {  	[spmem:s2] =	stream.indirect.scatter.add.f32 [tilespmem:s16], [sflag:$0x2], $0x80, s3, s15, $0xb8;
	[tilespmem:$0x1D000] =	vst v63  }
0x107: {  	_ =	swait.ge [sflag:s24], $0x4000  }
0x108: {  	[sflag:s24] =	ssyncset.done $0x0  }
0x109: {  	s3 =	simm.s32 $0xB00;
	[sflag:s24] =	ssyncadd.s32 $0xFFFFC000  }
0x10a: {  	[tilespmem:s19], [sflag:$0x1] =	stream.indirect.gather [hbm4b:s5+s15], $0x80, s3, s15, $0xb8;
	[tilespmem:$0x1D000] =	vst v63  }
0x10b: {  	_ =	swait.ge [sflag:s17], $0x4000  }
0x10c: {  	[sflag:s17] =	ssyncset.done $0x0  }
0x10d: {  	s3 =	simm.s32 $0xB80;
	[sflag:s17] =	ssyncadd.s32 $0xFFFFC000  }
0x10e: {  	[spmem:s2] =	stream.indirect.scatter.add.f32 [tilespmem:s19], [sflag:$0x3], $0x80, s3, s15, $0xb8;
	[tilespmem:$0x1D000] =	vst v63  }
0x10f: {  	_ =	swait.ge [sflag:s21], $0x4000  }
0x110: {  	[sflag:s21] =	ssyncset.done $0x0  }
0x111: {  	s3 =	simm.s32 $0xC00;
	[sflag:s21] =	ssyncadd.s32 $0xFFFFC000  }
0x112: {  	[tilespmem:s16], [sflag:$0x1] =	stream.indirect.gather [hbm4b:s5+s15], $0x80, s3, s15, $0xb8;
	[tilespmem:$0x1D000] =	vst v63  }
0x113: {  	_ =	swait.ge [sflag:s17], $0x4000  }
0x114: {  	[sflag:s17] =	ssyncset.done $0x0  }
0x115: {  	s3 =	simm.s32 $0xC80;
	[sflag:s17] =	ssyncadd.s32 $0xFFFFC000  }
0x116: {  	[spmem:s2] =	stream.indirect.scatter.add.f32 [tilespmem:s16], [sflag:$0x2], $0x80, s3, s15, $0xb8;
	[tilespmem:$0x1D000] =	vst v63  }
0x117: {  	_ =	swait.ge [sflag:s24], $0x4000  }
0x118: {  	[sflag:s24] =	ssyncset.done $0x0  }
0x119: {  	s3 =	simm.s32 $0xD00;
	[sflag:s24] =	ssyncadd.s32 $0xFFFFC000  }
0x11a: {  	[tilespmem:s19], [sflag:$0x1] =	stream.indirect.gather [hbm4b:s5+s15], $0x80, s3, s15, $0xb8;
	[tilespmem:$0x1D000] =	vst v63  }
0x11b: {  	_ =	swait.ge [sflag:s17], $0x4000  }
0x11c: {  	[sflag:s17] =	ssyncset.done $0x0  }
0x11d: {  	s3 =	simm.s32 $0xD80;
	[sflag:s17] =	ssyncadd.s32 $0xFFFFC000  }
0x11e: {  	[spmem:s2] =	stream.indirect.scatter.add.f32 [tilespmem:s19], [sflag:$0x3], $0x80, s3, s15, $0xb8;
	[tilespmem:$0x1D000] =	vst v63  }
0x11f: {  	_ =	swait.ge [sflag:s21], $0x4000  }
0x120: {  	[sflag:s21] =	ssyncset.done $0x0  }
0x121: {  	s3 =	simm.s32 $0xE00;
	[sflag:s21] =	ssyncadd.s32 $0xFFFFC000  }
0x122: {  	[tilespmem:s16], [sflag:$0x1] =	stream.indirect.gather [hbm4b:s5+s15], $0x80, s3, s15, $0xb8;
	[tilespmem:$0x1D000] =	vst v63  }
0x123: {  	_ =	swait.ge [sflag:s17], $0x4000  }
0x124: {  	[sflag:s17] =	ssyncset.done $0x0  }
0x125: {  	[sflag:s17] =	ssyncadd.s32 $0xFFFFC000  }
0x126: {  	[spmem:s2] =	stream.indirect.scatter.add.f32 [tilespmem:s16], [sflag:$0x2], $0x80, s29, s15, $0xb8;
	[tilespmem:$0x1D000] =	vst v63  }
0x127: {  	_ =	swait.ge [sflag:s24], $0x4000  }
0x128: {  	[sflag:s24] =	ssyncset.done $0x0  }
0x129: {  	s3 =	rddreg [dreg:$0x5];
	[sflag:s24] =	ssyncadd.s32 $0xFFFFC000  }
0x12a: {  	[tilespmem:s19], [sflag:$0x1] =	stream.indirect.gather [hbm4b:s5+s15], $0x80, s3, s15, $0xb8;
	[tilespmem:$0x1D000] =	vst v63  }
0x12b: {  	_ =	swait.ge [sflag:s17], $0x4000  }
0x12c: {  	[sflag:s17] =	ssyncset.done $0x0  }
0x12d: {  	s3 =	rddreg [dreg:$0x6];
	[sflag:s17] =	ssyncadd.s32 $0xFFFFC000  }
0x12e: {  	[spmem:s2] =	stream.indirect.scatter.add.f32 [tilespmem:s19], [sflag:$0x3], $0x80, s3, s15, $0xb8;
	[tilespmem:$0x1D000] =	vst v63  }
0x12f: {  	s31 =	sadd.s32 $0x1000, s31;
	_ =	swait.ge [sflag:s21], $0x4000  }
0x130: {  	s3 =	sshrl.u32 s31, $0x3;
	[sflag:s21] =	ssyncset.done $0x0  }
0x131: {  	s0 =	sadd.s32 s6, s3;
	[sflag:s21] =	ssyncadd.s32 $0xFFFFC000  }
0x132: {  	[tilespmem:s4], [sflag:$0x4] =	stream.linear.gather [hbm4b:s0+s4], $0x800, $0x38;
	[tilespmem:$0x1D000] =	vst v63  }
0x133: {  	_ =	swait.ge [sflag:s14], $0x800  }
0x134: {  	[sflag:s14] =	ssyncset.done $0x0  }
0x135: {  	[sflag:s14] =	ssyncadd.s32 $0xFFFFF800  }
0x136: {  	[tilespmem:s16], [sflag:$0x1] =	stream.indirect.gather [hbm4b:s5+s15], $0x80, s4, s15, $0xb8;
	[tilespmem:$0x1D000] =	vst v63  }
0x137: {  	_ =	swait.ge [sflag:s17], $0x4000  }
0x138: {  	[sflag:s17] =	ssyncset.done $0x0  }
0x139: {  	[sflag:s17] =	ssyncadd.s32 $0xFFFFC000  }
0x13a: {  	[spmem:s2] =	stream.indirect.scatter.add.f32 [tilespmem:s16], [sflag:$0x2], $0x80, s15, s15, $0xb8;
	[tilespmem:$0x1D000] =	vst v63  }
0x13b: {  	_ =	swait.ge [sflag:s24], $0x4000  }
0x13c: {  	[sflag:s24] =	ssyncset.done $0x0  }
0x13d: {  	[sflag:s24] =	ssyncadd.s32 $0xFFFFC000  }
0x13e: {  	[tilespmem:s19], [sflag:$0x1] =	stream.indirect.gather [hbm4b:s5+s15], $0x80, s1, s15, $0xb8;
	[tilespmem:$0x1D000] =	vst v63  }
0x13f: {  	_ =	swait.ge [sflag:s17], $0x4000  }
0x140: {  	[sflag:s17] =	ssyncset.done $0x0  }
0x141: {  	[sflag:s17] =	ssyncadd.s32 $0xFFFFC000  }
0x142: {  	[spmem:s2] =	stream.indirect.scatter.add.f32 [tilespmem:s19], [sflag:$0x3], $0x80, s9, s15, $0xb8;
	[tilespmem:$0x1D000] =	vst v63  }
0x143: {  	_ =	swait.ge [sflag:s21], $0x4000  }
0x144: {  	[sflag:s21] =	ssyncset.done $0x0  }
0x145: {  	[sflag:s21] =	ssyncadd.s32 $0xFFFFC000  }
0x146: {  	[tilespmem:s16], [sflag:$0x1] =	stream.indirect.gather [hbm4b:s5+s15], $0x80, s11, s15, $0xb8;
	[tilespmem:$0x1D000] =	vst v63  }
0x147: {  	_ =	swait.ge [sflag:s17], $0x4000  }
0x148: {  	[sflag:s17] =	ssyncset.done $0x0  }
0x149: {  	[sflag:s17] =	ssyncadd.s32 $0xFFFFC000  }
0x14a: {  	[spmem:s2] =	stream.indirect.scatter.add.f32 [tilespmem:s16], [sflag:$0x2], $0x80, s8, s15, $0xb8;
	[tilespmem:$0x1D000] =	vst v63  }
0x14b: {  	_ =	swait.ge [sflag:s24], $0x4000  }
0x14c: {  	[sflag:s24] =	ssyncset.done $0x0  }
0x14d: {  	[sflag:s24] =	ssyncadd.s32 $0xFFFFC000  }
0x14e: {  	[tilespmem:s19], [sflag:$0x1] =	stream.indirect.gather [hbm4b:s5+s15], $0x80, s7, s15, $0xb8;
	[tilespmem:$0x1D000] =	vst v63  }
0x14f: {  	_ =	swait.ge [sflag:s17], $0x4000  }
0x150: {  	[sflag:s17] =	ssyncset.done $0x0  }
0x151: {  	[sflag:s17] =	ssyncadd.s32 $0xFFFFC000  }
0x152: {  	[spmem:s2] =	stream.indirect.scatter.add.f32 [tilespmem:s19], [sflag:$0x3], $0x80, s13, s15, $0xb8;
	[tilespmem:$0x1D000] =	vst v63  }
0x153: {  	_ =	swait.ge [sflag:s21], $0x4000  }
0x154: {  	[sflag:s21] =	ssyncset.done $0x0  }
0x155: {  	[sflag:s21] =	ssyncadd.s32 $0xFFFFC000  }
0x156: {  	[tilespmem:s16], [sflag:$0x1] =	stream.indirect.gather [hbm4b:s5+s15], $0x80, s12, s15, $0xb8;
	[tilespmem:$0x1D000] =	vst v63  }
0x157: {  	_ =	swait.ge [sflag:s17], $0x4000  }
0x158: {  	[sflag:s17] =	ssyncset.done $0x0  }
0x159: {  	[sflag:s17] =	ssyncadd.s32 $0xFFFFC000  }
0x15a: {  	[spmem:s2] =	stream.indirect.scatter.add.f32 [tilespmem:s16], [sflag:$0x2], $0x80, s18, s15, $0xb8;
	[tilespmem:$0x1D000] =	vst v63  }
0x15b: {  	_ =	swait.ge [sflag:s24], $0x4000  }
0x15c: {  	[sflag:s24] =	ssyncset.done $0x0  }
0x15d: {  	[sflag:s24] =	ssyncadd.s32 $0xFFFFC000  }
0x15e: {  	[tilespmem:s19], [sflag:$0x1] =	stream.indirect.gather [hbm4b:s5+s15], $0x80, s20, s15, $0xb8;
	[tilespmem:$0x1D000] =	vst v63  }
0x15f: {  	_ =	swait.ge [sflag:s17], $0x4000  }
0x160: {  	[sflag:s17] =	ssyncset.done $0x0  }
0x161: {  	[sflag:s17] =	ssyncadd.s32 $0xFFFFC000  }
0x162: {  	[spmem:s2] =	stream.indirect.scatter.add.f32 [tilespmem:s19], [sflag:$0x3], $0x80, s22, s15, $0xb8;
	[tilespmem:$0x1D000] =	vst v63  }
0x163: {  	_ =	swait.ge [sflag:s21], $0x4000  }
0x164: {  	[sflag:s21] =	ssyncset.done $0x0  }
0x165: {  	[sflag:s21] =	ssyncadd.s32 $0xFFFFC000  }
0x166: {  	[tilespmem:s16], [sflag:$0x1] =	stream.indirect.gather [hbm4b:s5+s15], $0x80, s23, s15, $0xb8;
	[tilespmem:$0x1D000] =	vst v63  }
0x167: {  	_ =	swait.ge [sflag:s17], $0x4000  }
0x168: {  	[sflag:s17] =	ssyncset.done $0x0  }
0x169: {  	[sflag:s17] =	ssyncadd.s32 $0xFFFFC000  }
0x16a: {  	[spmem:s2] =	stream.indirect.scatter.add.f32 [tilespmem:s16], [sflag:$0x2], $0x80, s25, s15, $0xb8;
	[tilespmem:$0x1D000] =	vst v63  }
0x16b: {  	_ =	swait.ge [sflag:s24], $0x4000  }
0x16c: {  	[sflag:s24] =	ssyncset.done $0x0  }
0x16d: {  	p0 =	sne.s32 s30, $0x600;
	[sflag:s24] =	ssyncadd.s32 $0xFFFFC000  }
0x16e: {  	[tilespmem:s19], [sflag:$0x1] =	stream.indirect.gather [hbm4b:s5+s15], $0x80, s26, s15, $0xb8;
	[tilespmem:$0x1D000] =	vst v63  }
.Ltmp0:
0x16f: {  	_ =	swait.ge [sflag:s17], $0x4000;
	(pc) =	sbr.rel @p0 .LBB2_2-.Ltmp0, $4  }
0x170: {  	[sflag:s17] =	ssyncset.done $0x0  }
0x171: {  	[sflag:s17] =	ssyncadd.s32 $0xFFFFC000  }
0x172: {  	[spmem:s2] =	stream.indirect.scatter.add.f32 [tilespmem:s19], [sflag:$0x3], $0x80, s28, s15, $0xb8;
	[tilespmem:$0x1D000] =	vst v63  }
0x173: {  	s30 =	sadd.s32 $0x200, s30;
	_ =	swait.ge [sflag:s21], $0x4000  }
0x174: {  	[sflag:s21] =	ssyncset.done $0x0  }
0x175: {  	s0 =	rddreg [dreg:$0x9];
	[sflag:s21] =	ssyncadd.s32 $0xFFFFC000  }
0x176: {  	[tilespmem:s10], [sflag:$0x4] =	stream.linear.gather [hbm4b:s0+s4], $0x800, $0x38;
	[tilespmem:$0x1D000] =	vst v63  }
0x177: {  	_ =	swait.ge [sflag:s14], $0x800  }
0x178: {  	[sflag:s14] =	ssyncset.done $0x0  }
0x179: {  	[sflag:s14] =	ssyncadd.s32 $0xFFFFF800  }
0x17a: {  	[tilespmem:s16], [sflag:$0x1] =	stream.indirect.gather [hbm4b:s5+s15], $0x80, s10, s15, $0xb8;
	[tilespmem:$0x1D000] =	vst v63  }
0x17b: {  	_ =	swait.ge [sflag:s17], $0x4000  }
0x17c: {  	[sflag:s17] =	ssyncset.done $0x0  }
0x17d: {  	s1 =	simm.s32 $0x880;
	[sflag:s17] =	ssyncadd.s32 $0xFFFFC000  }
0x17e: {  	[spmem:s2] =	stream.indirect.scatter.add.f32 [tilespmem:s16], [sflag:$0x2], $0x80, s1, s15, $0xb8;
	[tilespmem:$0x1D000] =	vst v63  }
0x17f: {  	_ =	swait.ge [sflag:s24], $0x4000  }
0x180: {  	[sflag:s24] =	ssyncset.done $0x0  }
0x181: {  	s3 =	simm.s32 $0x900;
	[sflag:s24] =	ssyncadd.s32 $0xFFFFC000  }
0x182: {  	[tilespmem:s19], [sflag:$0x1] =	stream.indirect.gather [hbm4b:s5+s15], $0x80, s3, s15, $0xb8;
	[tilespmem:$0x1D000] =	vst v63  }
0x183: {  	_ =	swait.ge [sflag:s17], $0x4000  }
0x184: {  	[sflag:s17] =	ssyncset.done $0x0  }
0x185: {  	s7 =	simm.s32 $0x980;
	[sflag:s17] =	ssyncadd.s32 $0xFFFFC000  }
0x186: {  	[spmem:s2] =	stream.indirect.scatter.add.f32 [tilespmem:s19], [sflag:$0x3], $0x80, s7, s15, $0xb8;
	[tilespmem:$0x1D000] =	vst v63  }
0x187: {  	_ =	swait.ge [sflag:s21], $0x4000  }
0x188: {  	[sflag:s21] =	ssyncset.done $0x0  }
0x189: {  	s8 =	simm.s32 $0xA00;
	[sflag:s21] =	ssyncadd.s32 $0xFFFFC000  }
0x18a: {  	[tilespmem:s16], [sflag:$0x1] =	stream.indirect.gather [hbm4b:s5+s15], $0x80, s8, s15, $0xb8;
	[tilespmem:$0x1D000] =	vst v63  }
0x18b: {  	_ =	swait.ge [sflag:s17], $0x4000  }
0x18c: {  	[sflag:s17] =	ssyncset.done $0x0  }
0x18d: {  	s9 =	simm.s32 $0xA80;
	[sflag:s17] =	ssyncadd.s32 $0xFFFFC000  }
0x18e: {  	[spmem:s2] =	stream.indirect.scatter.add.f32 [tilespmem:s16], [sflag:$0x2], $0x80, s9, s15, $0xb8;
	[tilespmem:$0x1D000] =	vst v63  }
0x18f: {  	_ =	swait.ge [sflag:s24], $0x4000  }
0x190: {  	[sflag:s24] =	ssyncset.done $0x0  }
0x191: {  	s11 =	simm.s32 $0xB00;
	[sflag:s24] =	ssyncadd.s32 $0xFFFFC000  }
0x192: {  	[tilespmem:s19], [sflag:$0x1] =	stream.indirect.gather [hbm4b:s5+s15], $0x80, s11, s15, $0xb8;
	[tilespmem:$0x1D000] =	vst v63  }
0x193: {  	_ =	swait.ge [sflag:s17], $0x4000  }
0x194: {  	[sflag:s17] =	ssyncset.done $0x0  }
0x195: {  	s12 =	simm.s32 $0xB80;
	[sflag:s17] =	ssyncadd.s32 $0xFFFFC000  }
0x196: {  	[spmem:s2] =	stream.indirect.scatter.add.f32 [tilespmem:s19], [sflag:$0x3], $0x80, s12, s15, $0xb8;
	[tilespmem:$0x1D000] =	vst v63  }
0x197: {  	_ =	swait.ge [sflag:s21], $0x4000  }
0x198: {  	[sflag:s21] =	ssyncset.done $0x0  }
0x199: {  	s13 =	simm.s32 $0xC00;
	[sflag:s21] =	ssyncadd.s32 $0xFFFFC000  }
0x19a: {  	[tilespmem:s16], [sflag:$0x1] =	stream.indirect.gather [hbm4b:s5+s15], $0x80, s13, s15, $0xb8;
	[tilespmem:$0x1D000] =	vst v63  }
0x19b: {  	_ =	swait.ge [sflag:s17], $0x4000  }
0x19c: {  	[sflag:s17] =	ssyncset.done $0x0  }
0x19d: {  	s18 =	simm.s32 $0xC80;
	[sflag:s17] =	ssyncadd.s32 $0xFFFFC000  }
0x19e: {  	[spmem:s2] =	stream.indirect.scatter.add.f32 [tilespmem:s16], [sflag:$0x2], $0x80, s18, s15, $0xb8;
	[tilespmem:$0x1D000] =	vst v63  }
0x19f: {  	_ =	swait.ge [sflag:s24], $0x4000  }
0x1a0: {  	[sflag:s24] =	ssyncset.done $0x0  }
0x1a1: {  	s20 =	simm.s32 $0xD00;
	[sflag:s24] =	ssyncadd.s32 $0xFFFFC000  }
0x1a2: {  	[tilespmem:s19], [sflag:$0x1] =	stream.indirect.gather [hbm4b:s5+s15], $0x80, s20, s15, $0xb8;
	[tilespmem:$0x1D000] =	vst v63  }
0x1a3: {  	_ =	swait.ge [sflag:s17], $0x4000  }
0x1a4: {  	[sflag:s17] =	ssyncset.done $0x0  }
0x1a5: {  	s22 =	simm.s32 $0xD80;
	[sflag:s17] =	ssyncadd.s32 $0xFFFFC000  }
0x1a6: {  	[spmem:s2] =	stream.indirect.scatter.add.f32 [tilespmem:s19], [sflag:$0x3], $0x80, s22, s15, $0xb8;
	[tilespmem:$0x1D000] =	vst v63  }
0x1a7: {  	_ =	swait.ge [sflag:s21], $0x4000  }
0x1a8: {  	[sflag:s21] =	ssyncset.done $0x0  }
0x1a9: {  	s23 =	simm.s32 $0xE00;
	[sflag:s21] =	ssyncadd.s32 $0xFFFFC000  }
0x1aa: {  	[tilespmem:s16], [sflag:$0x1] =	stream.indirect.gather [hbm4b:s5+s15], $0x80, s23, s15, $0xb8;
	[tilespmem:$0x1D000] =	vst v63  }
0x1ab: {  	_ =	swait.ge [sflag:s17], $0x4000  }
0x1ac: {  	[sflag:s17] =	ssyncset.done $0x0  }
0x1ad: {  	[sflag:s17] =	ssyncadd.s32 $0xFFFFC000  }
0x1ae: {  	[spmem:s2] =	stream.indirect.scatter.add.f32 [tilespmem:s16], [sflag:$0x2], $0x80, s29, s15, $0xb8;
	[tilespmem:$0x1D000] =	vst v63  }
0x1af: {  	_ =	swait.ge [sflag:s24], $0x4000  }
0x1b0: {  	[sflag:s24] =	ssyncset.done $0x0  }
0x1b1: {  	[sflag:s24] =	ssyncadd.s32 $0xFFFFC000  }
0x1b2: {  	_ =	swait.ge [sflag:s21], $0x4000  }
0x1b3: {  	[sflag:s21] =	ssyncset.done $0x0  }
0x1b4: {  	[sflag:s21] =	ssyncadd.s32 $0xFFFFC000  }
0x1b5: {  	[bflag:$0x0] =	sbarrier.arrive $0xFFFF  }
0x1b6: {  	s30 =	rddreg [dreg:$0x7]  }
0x1b7: {  	s25 =	rddreg [dreg:$0xa]  }
0x1b8: {  	s3 =	rddreg [dreg:$0xd]  }
0x1b9: {  	[hbm:s25], [sflag:s30] =	dma.local [spmem:s3], $0x2800  }
0x1ba: {  	_ =	swait.ge [sflag:s14], $0x2800  }
0x1bb: {  	s31 =	rddreg [dreg:$0xe]  }
0x1bc: {  	s26 =	rddreg [dreg:$0xb];
	s31 =	sadd.s32 $0x1, s31  }
0x1bd: {  	s28 =	simm.s32 $0x780;
	s1 =	simm.s32 $0x100;
	p0 =	sne.s32 s31, s26  }
.Ltmp1:
0x1be: {  	s7 =	simm.s32 $0x300;
	s8 =	simm.s32 $0x280;
	(pc) =	sbr.rel @p0 .LBB2_1-.Ltmp1, $4  }
0x1bf: {  	s9 =	simm.s32 $0x180;
	s11 =	simm.s32 $0x200;
	s12 =	simm.s32 $0x400  }
0x1c0: {  	s13 =	simm.s32 $0x380;
	s18 =	simm.s32 $0x480;
	s20 =	simm.s32 $0x500  }
0x1c1: {  	s22 =	simm.s32 $0x580;
	s23 =	simm.s32 $0x600;
	[sflag:s14] =	ssyncset.done $0x0  }
0x1c2: {  	s25 =	simm.s32 $0x680;
	[sflag:s14] =	ssyncadd.s32 $0xFFFFD800;
	s26 =	simm.s32 $0x700  }
0x1c3: {  	_ =	sfence.sel $0x180000  }
0x1c4: {  	[bflag:$0x0] =	sbarrier.arrive $0xFFFF  }
0x1c5: {  	_ =	strace $0x9000004A  }
0x1c6: {  	s0 =	stileid.u32;
	[bflag:$0x2] =	sbarrier.arrive $0xFFFF  }
0x1c7: {  	p0 =	sne.s32 s0, $0x0;
	s0 =	rddreg [dreg:$0x3]  }
0x1c8: {  	s0 =	sadd.s32 @!p0 $0x100000, s0  }
0x1c9: {  	[sflag:s0] =	ssyncadd.tile.s32 @!p0 $0x1;
	_ =	shalt  }
.Lfunc_end2:
_tile_overlayer_lowered:
.L_overlay_start_2:
0x1ca: {  	(tag) =	ssettag $0x2  }
0x1cb: {  	s0 =	rddreg [dreg:$0x0];
	s2 =	stileid.u32  }
0x1cc: {  	s1 =	rddreg [dreg:$0x1];
	p0 =	sne.s32 s2, $0x0  }
0x1cd: {  	s3 =	rddreg [dreg:$0x2];
	[bflag:$0x3] =	sbarrier.arrive $0xFFFF;
	s2 =	simm.s32 @!p0 $0x1C04  }
0x1ce: {  	[timem:s3], [sflag:s2] =	dma.local @!p0 [hbm:s0], s1  }
0x1cf: {  	s0 =	simm.s32 @!p0 $0x4  }
0x1d0: {  	_ =	swait.ge @!p0 [sflag:s0], s1  }
0x1d1: {  	s1 =	ssub.s32 @!p0 $0x0, s1;
	[sflag:s0] =	ssyncset.done @!p0 $0x0  }
0x1d2: {  	[sflag:s0] =	ssyncadd.s32 @!p0 s1  }
0x1d3: {  	[bflag:$0x3] =	sbarrier.arrive $0xFFFF  }
0x1d4: {  	_ =	shalt  }

// kernel: kernel.16.cloned.1.call-start
scs
__scs_entry_jumppad:
0x0: {  	(pc) =	sbr.rel $0x88, $3  }
0x1: {  	(tag) =	ssettag $0x0;
	lr =	simm.s32 $0x1  }
0x2: {  	[smem:$0x3F97] =	sst lr;
	_ =	strace $0xD0000000  }
0x3: {  	_ = 	snop  }
0x4: {  	_ = 	snop  }
0x5: {  	_ = 	snop  }
0x6: {  	_ = 	snop  }
0x7: {  	_ = 	snop  }
__scs_overlays_trampoline_lowered:
0x8: {  	[smem:$0x3FA6] =	sst s0  }
0x9: {  	[smem:$0x3FA7] =	sst s1  }
0xa: {  	[smem:$0x3FA8] =	sst s2  }
0xb: {  	[smem:$0x3FA9] =	sst s3  }
0xc: {  	[smem:$0x3FAA] =	sst s4  }
0xd: {  	[smem:$0x3FAB] =	sst s5  }
0xe: {  	[smem:$0x3FAC] =	sst s6  }
0xf: {  	[smem:$0x3FAD] =	sst s7  }
0x10: {  	[smem:$0x3FAE] =	sst s8  }
0x11: {  	[smem:$0x3FAF] =	sst s9;
	s0 =	simm.s32 @!p0 $0x0  }
0x12: {  	s1 =	sld [smem:$0x3F95];
	s0 =	simm.s32 @p0 $0x1  }
0x13: {  	[smem:$0x3FB0] =	sst s0;
	s0 =	simm.s32 @!p1 $0x0  }
0x14: {  	s2 =	sld [smem:$0x3F94];
	s0 =	simm.s32 @p1 $0x1  }
0x15: {  	[smem:$0x3FB1] =	sst s0;
	s0 =	simm.s32 @!p2 $0x0  }
0x16: {  	s3 =	sld [smem:$0x3FDB];
	s0 =	simm.s32 @p2 $0x1  }
0x17: {  	s4 =	simm.s32 $0x1BF5;
	[smem:$0x3FB3] =	sst s0  }
0x18: {  	s0 =	sld [smem:$0x3F96];
	_ =	swait.ge [sflag:s4], $0x0  }
0x19: {  	s7 =	sld [smem:$0x3F97]  }
0x1a: {  	s8 =	sadd.s32 $0xFFFFE003, lr  }
0x1b: {  	s9 =	sadd.s32 $0xFFFFFEF7, lr;
	s5 =	simm.s32 $0xFFFFFFFF;
	p2 =	slt.u32 s8, $0xFFFFF086  }
0x1c: {  	p1 =	slt.u32 s9, $0xF7A;
	s5 =	simm.s32 @!p2 $0x0  }
0x1d: {  	s5 =	simm.s32 @p1 $0x1;
	p0 =	seq.s32 s7, s2  }
0x1e: {  	s7 =	smul.u32 @!p0 $0xF7A, s2;
	p2 =	seq.s32 @!p0 s5, $0x0  }
0x1f: {  	s9 =	smul.u32 $0xF7A, s1;
	s8 =	simm.s32 @!p0 $0x1BF5;
	p2 =	por !p2, p0  }
0x20: {  	[sflag:s8] =	ssyncset.s32 @!p0 $0xFFFFF086;
	s6 =	sadd.s32 @!p0 s3, s7;
	s7 =	simm.s32 @!p0 $0x108  }
0x21: {  	s3 =	sadd.s32 s3, s9;
	s6 =	sadd.s32 @!p0 $0x88, s6;
	s7 =	simm.s32 @p2 $0x1082  }
0x22: {  	[simem:s7], [sflag:s8] =	dma.local @!p0 [hbm:s6], $0xF7A  }
0x23: {  	s9 =	sor.u32 $0xD0000000, s2;
	s6 =	simm.s32 $0x108;
	_ =	swait.ge @!p0 [sflag:s8], $0x0  }
0x24: {  	s3 =	sadd.s32 $0x88, s3;
	s6 =	simm.s32 @!p1 $0x1082;
	[sflag:s4] =	ssyncset.s32 $0xFFFFF086  }
0x25: {  	[simem:s6], [sflag:s4] =	dma.local [hbm:s3], $0xF7A  }
0x26: {  	[smem:$0x3F97] =	sst s1;
	(tag) =	ssettag s2;
	_ =	strace s9  }
0x27: {  	s1 =	sld [smem:$0x3FA7]  }
0x28: {  	s2 =	sld [smem:$0x3FA8]  }
0x29: {  	s4 =	sld [smem:$0x3FAA]  }
0x2a: {  	p0 =	seq.s32 s5, $0x0;
	s5 =	sld [smem:$0x3FAB]  }
0x2b: {  	s6 =	sld [smem:$0x3FAC]  }
0x2c: {  	s7 =	sld [smem:$0x3FAD]  }
0x2d: {  	s3 =	simm.s32 $0x108;
	s8 =	sld [smem:$0x3FAE]  }
0x2e: {  	s3 =	simm.s32 @!p0 $0x1082;
	s9 =	sld [smem:$0x3FAF]  }
0x2f: {  	lr =	sadd.s32 s0, s3;
	s0 =	sld [smem:$0x3FA6]  }
0x30: {  	s3 =	sld [smem:$0x3FA9]  }
0x31: {  	[smem:$0x3FB2] =	sst s10  }
0x32: {  	s10 =	sld [smem:$0x3FB0];
	_ =	sdelay $0x3  }
0x33: {  	p0 =	seq.s32 s10, $0x1;
	s10 =	sld [smem:$0x3FB2];
	_ =	sdelay $0x3  }
0x34: {  	[smem:$0x3FB2] =	sst s10  }
0x35: {  	s10 =	sld [smem:$0x3FB1];
	_ =	sdelay $0x3  }
0x36: {  	p1 =	seq.s32 s10, $0x1;
	s10 =	sld [smem:$0x3FB2];
	_ =	sdelay $0x3  }
0x37: {  	[smem:$0x3FB2] =	sst s10  }
0x38: {  	s10 =	sld [smem:$0x3FB3]  }
0x39: {  	_ = 	snop;
	(pc) =	sbr.ind lr, $3  }
0x3a: {  	_ = 	snop  }
0x3b: {  	_ = 	snop  }
0x3c: {  	p2 =	seq.s32 s10, $0x1;
	s10 =	sld [smem:$0x3FB2]  }
0x3d: {  	_ =	shalt  }
0x3e: {  	_ =	shalt  }
0x3f: {  	_ =	shalt  }
0x40: {  	_ =	shalt  }
0x41: {  	_ =	shalt  }
0x42: {  	_ =	shalt  }
0x43: {  	_ =	shalt  }
0x44: {  	_ =	shalt  }
0x45: {  	_ =	shalt  }
0x46: {  	_ =	shalt  }
0x47: {  	_ =	shalt  }
0x48: {  	_ =	shalt  }
0x49: {  	_ =	shalt  }
0x4a: {  	_ =	shalt  }
0x4b: {  	_ =	shalt  }
0x4c: {  	_ =	shalt  }
0x4d: {  	_ =	shalt  }
0x4e: {  	_ =	shalt  }
0x4f: {  	_ =	shalt  }
0x50: {  	_ =	shalt  }
0x51: {  	_ =	shalt  }
0x52: {  	_ =	shalt  }
0x53: {  	_ =	shalt  }
0x54: {  	_ =	shalt  }
0x55: {  	_ =	shalt  }
0x56: {  	_ =	shalt  }
0x57: {  	_ =	shalt  }
0x58: {  	_ =	shalt  }
0x59: {  	_ =	shalt  }
0x5a: {  	_ =	shalt  }
0x5b: {  	_ =	shalt  }
0x5c: {  	_ =	shalt  }
0x5d: {  	_ =	shalt  }
0x5e: {  	_ =	shalt  }
0x5f: {  	_ =	shalt  }
0x60: {  	_ =	shalt  }
0x61: {  	_ =	shalt  }
0x62: {  	_ =	shalt  }
0x63: {  	_ =	shalt  }
0x64: {  	_ =	shalt  }
0x65: {  	_ =	shalt  }
0x66: {  	_ =	shalt  }
0x67: {  	_ =	shalt  }
0x68: {  	_ =	shalt  }
0x69: {  	_ =	shalt  }
0x6a: {  	_ =	shalt  }
0x6b: {  	_ =	shalt  }
0x6c: {  	_ =	shalt  }
0x6d: {  	_ =	shalt  }
0x6e: {  	_ =	shalt  }
0x6f: {  	_ =	shalt  }
0x70: {  	_ =	shalt  }
0x71: {  	_ =	shalt  }
0x72: {  	_ =	shalt  }
0x73: {  	_ =	shalt  }
0x74: {  	_ =	shalt  }
0x75: {  	_ =	shalt  }
0x76: {  	_ =	shalt  }
0x77: {  	_ =	shalt  }
0x78: {  	_ =	shalt  }
0x79: {  	_ =	shalt  }
0x7a: {  	_ =	shalt  }
0x7b: {  	_ =	shalt  }
0x7c: {  	_ =	shalt  }
0x7d: {  	_ =	shalt  }
0x7e: {  	_ =	shalt  }
0x7f: {  	_ =	shalt  }
0x80: {  	_ =	shalt  }
0x81: {  	_ =	shalt  }
0x82: {  	_ =	shalt  }
0x83: {  	_ =	shalt  }
0x84: {  	_ =	shalt  }
0x85: {  	_ =	shalt  }
0x86: {  	_ =	shalt  }
0x87: {  	_ =	shalt  }
.Lfunc_end0:
.L_simem_size_0:
called_computation.2_lowered:
.L_overlay_start_0:
0x88: {  	s2 =	sld [smem:$0x3FD9]  }
0x89: {  	s3 =	sld [smem:$0x3FFE];
	_ =	sdelay $0x1  }
0x8a: {  	s1 =	srdreg.scid  }
0x8b: {  	s0 =	sand.u32 $0x1, s1  }
0x8c: {  	s14 =	sshll.u32 s0, $0xA;
	s2 =	sadd.s32 s3, s2  }
0x8d: {  	s2 =	sadd.s32 s2, s14  }
0x8e: {  	[smem:$0x3FBE] =	sst s2  }
0x8f: {  	_ = 	snop  }
0x90: {  	s2 =	sld [smem:$0x3FD0];
	_ =	sdelay $0x2  }
0x91: {  	s15 =	simm.s32 $0xA;
	s4 =	simm.s32 $0x10  }
0x92: {  	[smem:s4], [sflag:s15] =	dma.local [hbm:s2], $0x1  }
0x93: {  	_ =	swait.eq [sflag:s15], $0x1  }
0x94: {  	[sflag:s15] =	ssyncset.done $0x0  }
0x95: {  	[sflag:s15] =	ssyncadd.s32 $0xFFFFFFFF  }
0x96: {  	s16 =	sld [smem:$0x11];
	(tm) =	ssettm $0x1  }
0x97: {  	s17 =	sld [smem:$0x3FFB];
	_ =	sdelay $0x3  }
0x98: {  	_ =	strace s17  }
0x99: {  	s3 =	sld [smem:$0x3FFC];
	_ =	sdelay $0x3  }
0x9a: {  	_ =	strace s3  }
0x9b: {  	s3 =	sld [smem:$0x3FFD];
	_ =	sdelay $0x3  }
0x9c: {  	_ =	strace s3  }
0x9d: {  	_ =	strace $0x8FFFFFFF  }
0x9e: {  	s18 =	sld [smem:$0x3FDB];
	_ =	sdelay $0x1  }
0x9f: {  	s19 =	simm.s32 $_scs_section_size  }
0xa0: {  	s5 =	simm.s32 $_size__tile_overlayer_lowered;
	s6 =	simm.s32 $_tile_overlayer_lowered  }
0xa1: {  	s22 =	simm.s32 $0x1BFF;
	s21 =	sshll.u32 s6, $0x1;
	s3 =	sadd.s32 s19, s18  }
0xa2: {  	s7 =	simm.s32 $0x0;
	s20 =	sshll.u32 s5, $0x1;
	s5 =	sadd.s32 s21, s3  }
0xa3: {  	[timem:s7], [sflag:s22] =	dma.local [hbm:s5], s20  }
0xa4: {  	_ =	swait.ge [sflag:s22], s20  }
0xa5: {  	s4 =	ssub.s32 $0x0, s20;
	[sflag:s22] =	ssyncset.done $0x0  }
0xa6: {  	[sflag:s22] =	ssyncadd.s32 s4;
	_ =	sdelay $0x1  }
0xa7: {  	s23 =	simm.s32 $0x1B8B  }
0xa8: {  	_ =	swait.ge [sflag:s23], $0x1  }
0xa9: {  	[sflag:s23] =	ssyncset.done $0x0  }
0xaa: {  	s25 =	simm.s32 $0x1B8E;
	s24 =	sld [smem:$0x3FFE];
	[sflag:s23] =	ssyncadd.s32 $0xFFFFFFFF  }
0xab: {  	s26 =	simm.s32 $execute0_lowered;
	[smem:$0x3FD2] =	sst s25  }
0xac: {  	s5 =	sshll.u32 s26, $0x1;
	_ =	strace $0x8000004C;
	[dreg:$0x1] =	wrdreg $0xFFFFFFFF  }
0xad: {  	s28 =	simm.s32 $_size_execute0_lowered;
	s3 =	sadd.s32 s3, s5;
	[dreg:$0x0] =	wrdreg $0x0  }
0xae: {  	s5 =	sshll.u32 s28, $0x1;
	[dreg:$0x2] =	wrdreg s3  }
0xaf: {  	[dreg:$0x3] =	wrdreg s5  }
0xb0: {  	[dreg:$0x4] =	wrdreg $0xC0  }
0xb1: {  	_ =	task [dreg:s7], $0x5FFFF  }
0xb2: {  	[dreg:$0x1] =	wrdreg $0xFFFFFFFF  }
0xb3: {  	[dreg:$0x0] =	wrdreg $0x60  }
0xb4: {  	[dreg:$0x2] =	wrdreg s24  }
0xb5: {  	[dreg:$0x3] =	wrdreg s16  }
0xb6: {  	[dreg:$0x4] =	wrdreg $0x90000  }
0xb7: {  	[dreg:$0x5] =	wrdreg $0x9  }
0xb8: {  	_ =	task.clear_ibuf [dreg:s7], $0x6FFFF;
	_ =	strace $0x9000004C  }
0xb9: {  	s29 =	simm.s32 $0x9;
	_ =	strace $0x8000004E  }
0xba: {  	_ =	swait.ge [sflag:s29], $0x1  }
0xbb: {  	[sflag:s29] =	ssyncadd.s32 $0xFFFFFFFF  }
0xbc: {  	_ =	strace $0x9000004E  }
0xbd: {  	_ =	sfence  }
0xbe: {  	s30 =	sld [smem:$0x0];
	_ =	sdelay $0x2  }
0xbf: {  	s31 =	sshll.u32 s1, $0xD;
	s1 =	sshrl.u32 s1, $0x2  }
0xc0: {  	s3 =	sand.u32 $0x4000, s31;
	s1 =	sadd.s32 s1, s30  }
0xc1: {  	s0 =	sor.u32 s3, s0;
	s1 =	sshll.u32 s1, $0x11  }
0xc2: {  	s0 =	sor.u32 s1, s0  }
0xc3: {  	s0 =	sadd.s32 $0x8F2B, s0  }
0xc4: {  	[sflag:s0] =	ssyncadd.remote.s32 $0x1  }
0xc5: {  	_ =	sfence.sel $0xFFFF  }
0xc6: {  	[dreg:$0x0] =	wrdreg $0xFFFFFFFF;
	(pc) =	sbr.abs _section_cstart, $3  }
0xc7: {  	[dreg:$0x1] =	wrdreg $0xFFFFFFFF  }
0xc8: {  	_ =	task.clear_ibuf [dreg:s7], $0x2FFFF;
	_ =	strace $0x9FFFFFFF  }
0xc9: {  	(tm) =	ssettm $0x7FFFFFFF  }
tec
execute0_lowered:
.L_overlay_start_1:
0x0: {  	(tag) =	ssettag $0x1  }
0x1: {  	s0 =	rddreg [dreg:$0x0]  }
0x2: {  	s2 =	rddreg [dreg:$0x2];
	s4 =	simm.s32 $0x0  }
0x3: {  	s1 =	srdreg.scid;
	s12 =	stileid.u32;
	s14 =	simm.s32 $0x4  }
0x4: {  	s15 =	simm.s32 $0x80;
	s16 =	simm.s32 $0x1000;
	s25 =	simm.s32 $0xF00  }
0x5: {  	s26 =	simm.s32 $0xF80;
	s13 =	simm.s32 $0x380;
	s28 =	simm.s32 $0x780  }
0x6: {  	s29 =	simm.s32 $0xE80;
	s31 =	simm.s32 $0x0;
	s7 =	smul.u32 $0x14000, s12  }
0x7: {  	[smem:$0x7FF] =	sst s4;
	s1 =	sand.u32 $0x1, s1;
	s9 =	smul.u32 $0x50000, s12  }
0x8: {  	s6 =	sshll.u32 s12, $0x1;
	s5 =	sadd.s32 $0x17800, s0;
	s10 =	smul.u32 $0x9E00, s12  }
0x9: {  	s21 =	sshll.u32 s12, $0x6;
	s12 =	simm.s32 $0x400;
	s3 =	smul.u32 $0x140000, s1  }
0xa: {  	_ =	strace $0x8000004D;
	s8 =	sor.u32 s1, s6;
	s6 =	sadd.s32 $0x3A00, s0  }
0xb: {  	s18 =	ssub.s32 $0x2, s1;
	s1 =	smul.u32 $0x4F00, s1;
	[dreg:$0x5] =	wrdreg s25  }
0xc: {  	s30 =	sor.u32 $0x1C04, s21;
	s21 =	simm.s32 $0x2;
	[dreg:$0x6] =	wrdreg s26  }
0xd: {  	s25 =	simm.s32 $0x680;
	s26 =	simm.s32 $0x700;
	s17 =	smul.u32 $0x4F00, s8  }
0xe: {  	s11 =	sshrl.u32 s18, $0x1;
	s9 =	sshrl.u32 s9, $0x2;
	s8 =	simm.s32 $0x280  }
0xf: {  	[dreg:$0x7] =	wrdreg s30;
	s3 =	sadd.s32 s7, s3;
	s19 =	ssub.s32 s18, s11  }
0x10: {  	s20 =	sadd.s32 s9, s2;
	s1 =	sadd.s32 s1, s10;
	s11 =	simm.s32 $0x200  }
0x11: {  	s18 =	simm.s32 $0x480;
	s10 =	simm.s32 $0x800;
	s3 =	sshrl.u32 s3, $0x3  }
0x12: {  	s7 =	sshrl.u32 s17, $0x3;
	s23 =	sadd.s32 $0x800, s1;
	s1 =	sadd.s32 $0x1000, s1  }
0x13: {  	s17 =	simm.s32 $0x1;
	s0 =	sadd.s32 s3, s0;
	s22 =	sadd.s32 s6, s7  }
0x14: {  	s24 =	sshrl.u32 s23, $0x3;
	s3 =	smax.u32 s19, $0x1;
	[dreg:$0xc] =	wrdreg s1  }
0x15: {  	s1 =	simm.s32 $0x100;
	s19 =	simm.s32 $0x5000;
	[dreg:$0x8] =	wrdreg s22  }
0x16: {  	s7 =	simm.s32 $0x300;
	s9 =	sadd.s32 $0x900, s22;
	[dreg:$0xb] =	wrdreg s3  }
0x17: {  	s23 =	simm.s32 $0x600;
	s0 =	sadd.s32 $0x3F800, s0;
	[dreg:$0x9] =	wrdreg s9  }
0x18: {  	s3 =	sshrl.u32 s20, $0x3;
	s20 =	simm.s32 $0x500;
	[dreg:$0xa] =	wrdreg s0  }
0x19: {  	s22 =	simm.s32 $0x580;
	s0 =	sadd.s32 s24, s6;
	[dreg:$0xd] =	wrdreg s3  }
0x1a: {  	s9 =	simm.s32 $0x180;
	s24 =	simm.s32 $0x3;
	[dreg:$0x4] =	wrdreg s0  }
.LBB2_1:
0x1b: {  	[dreg:$0xe] =	wrdreg s31  }
0x1c: {  	s0 =	rddreg [dreg:$0x1]  }
0x1d: {  	[spmem:s3], [sflag:s30] =	dma.local [hbm:s0], $0x2800  }
0x1e: {  	_ =	swait.ge [sflag:s14], $0x2800  }
0x1f: {  	[sflag:s14] =	ssyncset.done $0x0  }
0x20: {  	[sflag:s14] =	ssyncadd.s32 $0xFFFFD800  }
0x21: {  	[bflag:$0x0] =	sbarrier.arrive $0xFFFF  }
0x22: {  	s3 =	rddreg [dreg:$0x8]  }
0x23: {  	[tilespmem:s4], [sflag:$0x4] =	stream.linear.gather [hbm4b:s3+s4], $0x800, $0x38;
	[tilespmem:$0x1D000] =	vst v63  }
0x24: {  	_ =	swait.ge [sflag:s14], $0x800  }
0x25: {  	[sflag:s14] =	ssyncset.done $0x0  }
0x26: {  	[sflag:s14] =	ssyncadd.s32 $0xFFFFF800  }
0x27: {  	[tilespmem:s16], [sflag:$0x1] =	stream.indirect.gather [hbm4b:s5+s15], $0x80, s4, s15, $0xb8;
	[tilespmem:$0x1D000] =	vst v63  }
0x28: {  	_ =	swait.ge [sflag:s17], $0x4000  }
0x29: {  	[sflag:s17] =	ssyncset.done $0x0  }
0x2a: {  	[sflag:s17] =	ssyncadd.s32 $0xFFFFC000  }
0x2b: {  	[spmem:s2] =	stream.indirect.scatter.add.f32 [tilespmem:s16], [sflag:$0x2], $0x80, s15, s15, $0xb8;
	[tilespmem:$0x1D000] =	vst v63  }
0x2c: {  	_ = 	snop  }
0x2d: {  	[tilespmem:s19], [sflag:$0x1] =	stream.indirect.gather [hbm4b:s5+s15], $0x80, s1, s15, $0xb8;
	[tilespmem:$0x1D000] =	vst v63  }
0x2e: {  	_ =	swait.ge [sflag:s17], $0x4000  }
0x2f: {  	[sflag:s17] =	ssyncset.done $0x0  }
0x30: {  	[sflag:s17] =	ssyncadd.s32 $0xFFFFC000  }
0x31: {  	[spmem:s2] =	stream.indirect.scatter.add.f32 [tilespmem:s19], [sflag:$0x3], $0x80, s9, s15, $0xb8;
	[tilespmem:$0x1D000] =	vst v63  }
0x32: {  	_ =	swait.ge [sflag:s21], $0x4000  }
0x33: {  	[sflag:s21] =	ssyncset.done $0x0  }
0x34: {  	[sflag:s21] =	ssyncadd.s32 $0xFFFFC000  }
0x35: {  	[tilespmem:s16], [sflag:$0x1] =	stream.indirect.gather [hbm4b:s5+s15], $0x80, s11, s15, $0xb8;
	[tilespmem:$0x1D000] =	vst v63  }
0x36: {  	_ =	swait.ge [sflag:s17], $0x4000  }
0x37: {  	[sflag:s17] =	ssyncset.done $0x0  }
0x38: {  	[sflag:s17] =	ssyncadd.s32 $0xFFFFC000  }
0x39: {  	[spmem:s2] =	stream.indirect.scatter.add.f32 [tilespmem:s16], [sflag:$0x2], $0x80, s8, s15, $0xb8;
	[tilespmem:$0x1D000] =	vst v63  }
0x3a: {  	_ =	swait.ge [sflag:s24], $0x4000  }
0x3b: {  	[sflag:s24] =	ssyncset.done $0x0  }
0x3c: {  	[sflag:s24] =	ssyncadd.s32 $0xFFFFC000  }
0x3d: {  	[tilespmem:s19], [sflag:$0x1] =	stream.indirect.gather [hbm4b:s5+s15], $0x80, s7, s15, $0xb8;
	[tilespmem:$0x1D000] =	vst v63  }
0x3e: {  	_ =	swait.ge [sflag:s17], $0x4000  }
0x3f: {  	[sflag:s17] =	ssyncset.done $0x0  }
0x40: {  	[sflag:s17] =	ssyncadd.s32 $0xFFFFC000  }
0x41: {  	[spmem:s2] =	stream.indirect.scatter.add.f32 [tilespmem:s19], [sflag:$0x3], $0x80, s13, s15, $0xb8;
	[tilespmem:$0x1D000] =	vst v63  }
0x42: {  	_ =	swait.ge [sflag:s21], $0x4000  }
0x43: {  	[sflag:s21] =	ssyncset.done $0x0  }
0x44: {  	[sflag:s21] =	ssyncadd.s32 $0xFFFFC000  }
0x45: {  	[tilespmem:s16], [sflag:$0x1] =	stream.indirect.gather [hbm4b:s5+s15], $0x80, s12, s15, $0xb8;
	[tilespmem:$0x1D000] =	vst v63  }
0x46: {  	_ =	swait.ge [sflag:s17], $0x4000  }
0x47: {  	[sflag:s17] =	ssyncset.done $0x0  }
0x48: {  	[sflag:s17] =	ssyncadd.s32 $0xFFFFC000  }
0x49: {  	[spmem:s2] =	stream.indirect.scatter.add.f32 [tilespmem:s16], [sflag:$0x2], $0x80, s18, s15, $0xb8;
	[tilespmem:$0x1D000] =	vst v63  }
0x4a: {  	_ =	swait.ge [sflag:s24], $0x4000  }
0x4b: {  	[sflag:s24] =	ssyncset.done $0x0  }
0x4c: {  	[sflag:s24] =	ssyncadd.s32 $0xFFFFC000  }
0x4d: {  	[tilespmem:s19], [sflag:$0x1] =	stream.indirect.gather [hbm4b:s5+s15], $0x80, s20, s15, $0xb8;
	[tilespmem:$0x1D000] =	vst v63  }
0x4e: {  	_ =	swait.ge [sflag:s17], $0x4000  }
0x4f: {  	[sflag:s17] =	ssyncset.done $0x0  }
0x50: {  	[sflag:s17] =	ssyncadd.s32 $0xFFFFC000  }
0x51: {  	[spmem:s2] =	stream.indirect.scatter.add.f32 [tilespmem:s19], [sflag:$0x3], $0x80, s22, s15, $0xb8;
	[tilespmem:$0x1D000] =	vst v63  }
0x52: {  	_ =	swait.ge [sflag:s21], $0x4000  }
0x53: {  	[sflag:s21] =	ssyncset.done $0x0  }
0x54: {  	[sflag:s21] =	ssyncadd.s32 $0xFFFFC000  }
0x55: {  	[tilespmem:s16], [sflag:$0x1] =	stream.indirect.gather [hbm4b:s5+s15], $0x80, s23, s15, $0xb8;
	[tilespmem:$0x1D000] =	vst v63  }
0x56: {  	_ =	swait.ge [sflag:s17], $0x4000  }
0x57: {  	[sflag:s17] =	ssyncset.done $0x0  }
0x58: {  	[sflag:s17] =	ssyncadd.s32 $0xFFFFC000  }
0x59: {  	[spmem:s2] =	stream.indirect.scatter.add.f32 [tilespmem:s16], [sflag:$0x2], $0x80, s25, s15, $0xb8;
	[tilespmem:$0x1D000] =	vst v63  }
0x5a: {  	_ =	swait.ge [sflag:s24], $0x4000  }
0x5b: {  	[sflag:s24] =	ssyncset.done $0x0  }
0x5c: {  	[sflag:s24] =	ssyncadd.s32 $0xFFFFC000  }
0x5d: {  	[tilespmem:s19], [sflag:$0x1] =	stream.indirect.gather [hbm4b:s5+s15], $0x80, s26, s15, $0xb8;
	[tilespmem:$0x1D000] =	vst v63  }
0x5e: {  	_ =	swait.ge [sflag:s17], $0x4000  }
0x5f: {  	[sflag:s17] =	ssyncset.done $0x0  }
0x60: {  	[sflag:s17] =	ssyncadd.s32 $0xFFFFC000  }
0x61: {  	[spmem:s2] =	stream.indirect.scatter.add.f32 [tilespmem:s19], [sflag:$0x3], $0x80, s28, s15, $0xb8;
	[tilespmem:$0x1D000] =	vst v63  }
0x62: {  	_ =	swait.ge [sflag:s21], $0x4000  }
0x63: {  	s30 =	rddreg [dreg:$0x4];
	[sflag:s21] =	ssyncset.done $0x0  }
0x64: {  	[sflag:s21] =	ssyncadd.s32 $0xFFFFC000;
	s30 =	sadd.s32 $0x0, s30  }
0x65: {  	[tilespmem:s10], [sflag:$0x4] =	stream.linear.gather [hbm4b:s30+s4], $0x800, $0x38;
	[tilespmem:$0x1D000] =	vst v63  }
0x66: {  	_ =	swait.ge [sflag:s14], $0x800  }
0x67: {  	[sflag:s14] =	ssyncset.done $0x0  }
0x68: {  	[sflag:s14] =	ssyncadd.s32 $0xFFFFF800  }
0x69: {  	[tilespmem:s16], [sflag:$0x1] =	stream.indirect.gather [hbm4b:s5+s15], $0x80, s10, s15, $0xb8;
	[tilespmem:$0x1D000] =	vst v63  }
0x6a: {  	_ =	swait.ge [sflag:s17], $0x4000  }
0x6b: {  	[sflag:s17] =	ssyncset.done $0x0  }
0x6c: {  	s7 =	simm.s32 $0x880;
	[sflag:s17] =	ssyncadd.s32 $0xFFFFC000  }
0x6d: {  	[spmem:s2] =	stream.indirect.scatter.add.f32 [tilespmem:s16], [sflag:$0x2], $0x80, s7, s15, $0xb8;
	[tilespmem:$0x1D000] =	vst v63  }
0x6e: {  	_ =	swait.ge [sflag:s24], $0x4000  }
0x6f: {  	[sflag:s24] =	ssyncset.done $0x0  }
0x70: {  	s8 =	simm.s32 $0x900;
	[sflag:s24] =	ssyncadd.s32 $0xFFFFC000  }
0x71: {  	[tilespmem:s19], [sflag:$0x1] =	stream.indirect.gather [hbm4b:s5+s15], $0x80, s8, s15, $0xb8;
	[tilespmem:$0x1D000] =	vst v63  }
0x72: {  	_ =	swait.ge [sflag:s17], $0x4000  }
0x73: {  	[sflag:s17] =	ssyncset.done $0x0  }
0x74: {  	s9 =	simm.s32 $0x980;
	[sflag:s17] =	ssyncadd.s32 $0xFFFFC000  }
0x75: {  	[spmem:s2] =	stream.indirect.scatter.add.f32 [tilespmem:s19], [sflag:$0x3], $0x80, s9, s15, $0xb8;
	[tilespmem:$0x1D000] =	vst v63  }
0x76: {  	_ =	swait.ge [sflag:s21], $0x4000  }
0x77: {  	[sflag:s21] =	ssyncset.done $0x0  }
0x78: {  	s11 =	simm.s32 $0xA00;
	[sflag:s21] =	ssyncadd.s32 $0xFFFFC000  }
0x79: {  	[tilespmem:s16], [sflag:$0x1] =	stream.indirect.gather [hbm4b:s5+s15], $0x80, s11, s15, $0xb8;
	[tilespmem:$0x1D000] =	vst v63  }
0x7a: {  	_ =	swait.ge [sflag:s17], $0x4000  }
0x7b: {  	[sflag:s17] =	ssyncset.done $0x0  }
0x7c: {  	s12 =	simm.s32 $0xA80;
	[sflag:s17] =	ssyncadd.s32 $0xFFFFC000  }
0x7d: {  	[spmem:s2] =	stream.indirect.scatter.add.f32 [tilespmem:s16], [sflag:$0x2], $0x80, s12, s15, $0xb8;
	[tilespmem:$0x1D000] =	vst v63  }
0x7e: {  	_ =	swait.ge [sflag:s24], $0x4000  }
0x7f: {  	[sflag:s24] =	ssyncset.done $0x0  }
0x80: {  	s13 =	simm.s32 $0xB00;
	[sflag:s24] =	ssyncadd.s32 $0xFFFFC000  }
0x81: {  	[tilespmem:s19], [sflag:$0x1] =	stream.indirect.gather [hbm4b:s5+s15], $0x80, s13, s15, $0xb8;
	[tilespmem:$0x1D000] =	vst v63  }
0x82: {  	_ =	swait.ge [sflag:s17], $0x4000  }
0x83: {  	[sflag:s17] =	ssyncset.done $0x0  }
0x84: {  	s18 =	simm.s32 $0xB80;
	[sflag:s17] =	ssyncadd.s32 $0xFFFFC000  }
0x85: {  	[spmem:s2] =	stream.indirect.scatter.add.f32 [tilespmem:s19], [sflag:$0x3], $0x80, s18, s15, $0xb8;
	[tilespmem:$0x1D000] =	vst v63  }
0x86: {  	_ =	swait.ge [sflag:s21], $0x4000  }
0x87: {  	[sflag:s21] =	ssyncset.done $0x0  }
0x88: {  	s20 =	simm.s32 $0xC00;
	[sflag:s21] =	ssyncadd.s32 $0xFFFFC000  }
0x89: {  	[tilespmem:s16], [sflag:$0x1] =	stream.indirect.gather [hbm4b:s5+s15], $0x80, s20, s15, $0xb8;
	[tilespmem:$0x1D000] =	vst v63  }
0x8a: {  	_ =	swait.ge [sflag:s17], $0x4000  }
0x8b: {  	[sflag:s17] =	ssyncset.done $0x0  }
0x8c: {  	s22 =	simm.s32 $0xC80;
	[sflag:s17] =	ssyncadd.s32 $0xFFFFC000  }
0x8d: {  	[spmem:s2] =	stream.indirect.scatter.add.f32 [tilespmem:s16], [sflag:$0x2], $0x80, s22, s15, $0xb8;
	[tilespmem:$0x1D000] =	vst v63  }
0x8e: {  	_ =	swait.ge [sflag:s24], $0x4000  }
0x8f: {  	[sflag:s24] =	ssyncset.done $0x0  }
0x90: {  	s23 =	simm.s32 $0xD00;
	[sflag:s24] =	ssyncadd.s32 $0xFFFFC000  }
0x91: {  	[tilespmem:s19], [sflag:$0x1] =	stream.indirect.gather [hbm4b:s5+s15], $0x80, s23, s15, $0xb8;
	[tilespmem:$0x1D000] =	vst v63  }
0x92: {  	_ =	swait.ge [sflag:s17], $0x4000  }
0x93: {  	[sflag:s17] =	ssyncset.done $0x0  }
0x94: {  	s25 =	simm.s32 $0xD80;
	[sflag:s17] =	ssyncadd.s32 $0xFFFFC000  }
0x95: {  	[spmem:s2] =	stream.indirect.scatter.add.f32 [tilespmem:s19], [sflag:$0x3], $0x80, s25, s15, $0xb8;
	[tilespmem:$0x1D000] =	vst v63  }
0x96: {  	_ =	swait.ge [sflag:s21], $0x4000  }
0x97: {  	[sflag:s21] =	ssyncset.done $0x0  }
0x98: {  	s26 =	simm.s32 $0xE00;
	[sflag:s21] =	ssyncadd.s32 $0xFFFFC000  }
0x99: {  	[tilespmem:s16], [sflag:$0x1] =	stream.indirect.gather [hbm4b:s5+s15], $0x80, s26, s15, $0xb8;
	[tilespmem:$0x1D000] =	vst v63  }
0x9a: {  	_ =	swait.ge [sflag:s17], $0x4000  }
0x9b: {  	[sflag:s17] =	ssyncset.done $0x0  }
0x9c: {  	[sflag:s17] =	ssyncadd.s32 $0xFFFFC000  }
0x9d: {  	[spmem:s2] =	stream.indirect.scatter.add.f32 [tilespmem:s16], [sflag:$0x2], $0x80, s29, s15, $0xb8;
	[tilespmem:$0x1D000] =	vst v63  }
0x9e: {  	_ =	swait.ge [sflag:s24], $0x4000  }
0x9f: {  	[sflag:s24] =	ssyncset.done $0x0  }
0xa0: {  	s30 =	rddreg [dreg:$0x5];
	[sflag:s24] =	ssyncadd.s32 $0xFFFFC000  }
0xa1: {  	[tilespmem:s19], [sflag:$0x1] =	stream.indirect.gather [hbm4b:s5+s15], $0x80, s30, s15, $0xb8;
	[tilespmem:$0x1D000] =	vst v63  }
0xa2: {  	_ =	swait.ge [sflag:s17], $0x4000  }
0xa3: {  	[sflag:s17] =	ssyncset.done $0x0  }
0xa4: {  	s30 =	rddreg [dreg:$0x6];
	[sflag:s17] =	ssyncadd.s32 $0xFFFFC000  }
0xa5: {  	[spmem:s2] =	stream.indirect.scatter.add.f32 [tilespmem:s19], [sflag:$0x3], $0x80, s30, s15, $0xb8;
	[tilespmem:$0x1D000] =	vst v63  }
0xa6: {  	_ =	swait.ge [sflag:s21], $0x4000  }
0xa7: {  	s31 =	rddreg [dreg:$0xc]  }
0xa8: {  	[sflag:s21] =	ssyncset.done $0x0;
	s30 =	sshrl.u32 s31, $0x3  }
0xa9: {  	[sflag:s21] =	ssyncadd.s32 $0xFFFFC000;
	s30 =	sadd.s32 s6, s30  }
0xaa: {  	[tilespmem:s4], [sflag:$0x4] =	stream.linear.gather [hbm4b:s30+s4], $0x800, $0x38;
	[tilespmem:$0x1D000] =	vst v63  }
0xab: {  	_ =	swait.ge [sflag:s14], $0x800  }
0xac: {  	[sflag:s14] =	ssyncset.done $0x0  }
0xad: {  	[sflag:s14] =	ssyncadd.s32 $0xFFFFF800  }
0xae: {  	[tilespmem:s16], [sflag:$0x1] =	stream.indirect.gather [hbm4b:s5+s15], $0x80, s4, s15, $0xb8;
	[tilespmem:$0x1D000] =	vst v63  }
0xaf: {  	_ =	swait.ge [sflag:s17], $0x4000  }
0xb0: {  	[sflag:s17] =	ssyncset.done $0x0  }
0xb1: {  	[sflag:s17] =	ssyncadd.s32 $0xFFFFC000  }
0xb2: {  	[spmem:s2] =	stream.indirect.scatter.add.f32 [tilespmem:s16], [sflag:$0x2], $0x80, s15, s15, $0xb8;
	[tilespmem:$0x1D000] =	vst v63  }
0xb3: {  	_ =	swait.ge [sflag:s24], $0x4000  }
0xb4: {  	[sflag:s24] =	ssyncset.done $0x0  }
0xb5: {  	s1 =	simm.s32 $0x100;
	[sflag:s24] =	ssyncadd.s32 $0xFFFFC000  }
0xb6: {  	[tilespmem:s19], [sflag:$0x1] =	stream.indirect.gather [hbm4b:s5+s15], $0x80, s1, s15, $0xb8;
	[tilespmem:$0x1D000] =	vst v63  }
0xb7: {  	_ =	swait.ge [sflag:s17], $0x4000  }
0xb8: {  	[sflag:s17] =	ssyncset.done $0x0  }
0xb9: {  	s9 =	simm.s32 $0x180;
	[sflag:s17] =	ssyncadd.s32 $0xFFFFC000  }
0xba: {  	[spmem:s2] =	stream.indirect.scatter.add.f32 [tilespmem:s19], [sflag:$0x3], $0x80, s9, s15, $0xb8;
	[tilespmem:$0x1D000] =	vst v63  }
0xbb: {  	_ =	swait.ge [sflag:s21], $0x4000  }
0xbc: {  	[sflag:s21] =	ssyncset.done $0x0  }
0xbd: {  	s11 =	simm.s32 $0x200;
	[sflag:s21] =	ssyncadd.s32 $0xFFFFC000  }
0xbe: {  	[tilespmem:s16], [sflag:$0x1] =	stream.indirect.gather [hbm4b:s5+s15], $0x80, s11, s15, $0xb8;
	[tilespmem:$0x1D000] =	vst v63  }
0xbf: {  	_ =	swait.ge [sflag:s17], $0x4000  }
0xc0: {  	[sflag:s17] =	ssyncset.done $0x0  }
0xc1: {  	s8 =	simm.s32 $0x280;
	[sflag:s17] =	ssyncadd.s32 $0xFFFFC000  }
0xc2: {  	[spmem:s2] =	stream.indirect.scatter.add.f32 [tilespmem:s16], [sflag:$0x2], $0x80, s8, s15, $0xb8;
	[tilespmem:$0x1D000] =	vst v63  }
0xc3: {  	_ =	swait.ge [sflag:s24], $0x4000  }
0xc4: {  	[sflag:s24] =	ssyncset.done $0x0  }
0xc5: {  	s7 =	simm.s32 $0x300;
	[sflag:s24] =	ssyncadd.s32 $0xFFFFC000  }
0xc6: {  	[tilespmem:s19], [sflag:$0x1] =	stream.indirect.gather [hbm4b:s5+s15], $0x80, s7, s15, $0xb8;
	[tilespmem:$0x1D000] =	vst v63  }
0xc7: {  	_ =	swait.ge [sflag:s17], $0x4000  }
0xc8: {  	[sflag:s17] =	ssyncset.done $0x0  }
0xc9: {  	s13 =	simm.s32 $0x380;
	[sflag:s17] =	ssyncadd.s32 $0xFFFFC000  }
0xca: {  	[spmem:s2] =	stream.indirect.scatter.add.f32 [tilespmem:s19], [sflag:$0x3], $0x80, s13, s15, $0xb8;
	[tilespmem:$0x1D000] =	vst v63  }
0xcb: {  	_ =	swait.ge [sflag:s21], $0x4000  }
0xcc: {  	[sflag:s21] =	ssyncset.done $0x0  }
0xcd: {  	s12 =	simm.s32 $0x400;
	[sflag:s21] =	ssyncadd.s32 $0xFFFFC000  }
0xce: {  	[tilespmem:s16], [sflag:$0x1] =	stream.indirect.gather [hbm4b:s5+s15], $0x80, s12, s15, $0xb8;
	[tilespmem:$0x1D000] =	vst v63  }
0xcf: {  	_ =	swait.ge [sflag:s17], $0x4000  }
0xd0: {  	[sflag:s17] =	ssyncset.done $0x0  }
0xd1: {  	s18 =	simm.s32 $0x480;
	[sflag:s17] =	ssyncadd.s32 $0xFFFFC000  }
0xd2: {  	[spmem:s2] =	stream.indirect.scatter.add.f32 [tilespmem:s16], [sflag:$0x2], $0x80, s18, s15, $0xb8;
	[tilespmem:$0x1D000] =	vst v63  }
0xd3: {  	_ =	swait.ge [sflag:s24], $0x4000  }
0xd4: {  	[sflag:s24] =	ssyncset.done $0x0  }
0xd5: {  	s20 =	simm.s32 $0x500;
	[sflag:s24] =	ssyncadd.s32 $0xFFFFC000  }
0xd6: {  	[tilespmem:s19], [sflag:$0x1] =	stream.indirect.gather [hbm4b:s5+s15], $0x80, s20, s15, $0xb8;
	[tilespmem:$0x1D000] =	vst v63  }
0xd7: {  	_ =	swait.ge [sflag:s17], $0x4000  }
0xd8: {  	[sflag:s17] =	ssyncset.done $0x0  }
0xd9: {  	s22 =	simm.s32 $0x580;
	[sflag:s17] =	ssyncadd.s32 $0xFFFFC000  }
0xda: {  	[spmem:s2] =	stream.indirect.scatter.add.f32 [tilespmem:s19], [sflag:$0x3], $0x80, s22, s15, $0xb8;
	[tilespmem:$0x1D000] =	vst v63  }
0xdb: {  	_ =	swait.ge [sflag:s21], $0x4000  }
0xdc: {  	[sflag:s21] =	ssyncset.done $0x0  }
0xdd: {  	s23 =	simm.s32 $0x600;
	[sflag:s21] =	ssyncadd.s32 $0xFFFFC000  }
0xde: {  	[tilespmem:s16], [sflag:$0x1] =	stream.indirect.gather [hbm4b:s5+s15], $0x80, s23, s15, $0xb8;
	[tilespmem:$0x1D000] =	vst v63  }
0xdf: {  	_ =	swait.ge [sflag:s17], $0x4000  }
0xe0: {  	[sflag:s17] =	ssyncset.done $0x0  }
0xe1: {  	s25 =	simm.s32 $0x680;
	[sflag:s17] =	ssyncadd.s32 $0xFFFFC000  }
0xe2: {  	[spmem:s2] =	stream.indirect.scatter.add.f32 [tilespmem:s16], [sflag:$0x2], $0x80, s25, s15, $0xb8;
	[tilespmem:$0x1D000] =	vst v63  }
0xe3: {  	_ =	swait.ge [sflag:s24], $0x4000  }
0xe4: {  	[sflag:s24] =	ssyncset.done $0x0  }
0xe5: {  	s26 =	simm.s32 $0x700;
	[sflag:s24] =	ssyncadd.s32 $0xFFFFC000  }
0xe6: {  	[tilespmem:s19], [sflag:$0x1] =	stream.indirect.gather [hbm4b:s5+s15], $0x80, s26, s15, $0xb8;
	[tilespmem:$0x1D000] =	vst v63  }
0xe7: {  	_ =	swait.ge [sflag:s17], $0x4000  }
0xe8: {  	[sflag:s17] =	ssyncset.done $0x0  }
0xe9: {  	s28 =	simm.s32 $0x780;
	[sflag:s17] =	ssyncadd.s32 $0xFFFFC000  }
0xea: {  	[spmem:s2] =	stream.indirect.scatter.add.f32 [tilespmem:s19], [sflag:$0x3], $0x80, s28, s15, $0xb8;
	[tilespmem:$0x1D000] =	vst v63  }
0xeb: {  	s30 =	simm.s32 $0x200;
	_ =	swait.ge [sflag:s21], $0x4000  }
.LBB2_2:
0xec: {  	s0 =	rddreg [dreg:$0x4];
	s3 =	smov.u32 s30;
	[sflag:s21] =	ssyncset.done $0x0  }
0xed: {  	s0 =	sadd.s32 s3, s0;
	[sflag:s21] =	ssyncadd.s32 $0xFFFFC000  }
0xee: {  	[tilespmem:s10], [sflag:$0x4] =	stream.linear.gather [hbm4b:s0+s4], $0x800, $0x38;
	[tilespmem:$0x1D000] =	vst v63  }
0xef: {  	_ =	swait.ge [sflag:s14], $0x800  }
0xf0: {  	[sflag:s14] =	ssyncset.done $0x0  }
0xf1: {  	[sflag:s14] =	ssyncadd.s32 $0xFFFFF800  }
0xf2: {  	[tilespmem:s16], [sflag:$0x1] =	stream.indirect.gather [hbm4b:s5+s15], $0x80, s10, s15, $0xb8;
	[tilespmem:$0x1D000] =	vst v63  }
0xf3: {  	_ =	swait.ge [sflag:s17], $0x4000  }
0xf4: {  	[sflag:s17] =	ssyncset.done $0x0  }
0xf5: {  	s3 =	simm.s32 $0x880;
	[sflag:s17] =	ssyncadd.s32 $0xFFFFC000  }
0xf6: {  	[spmem:s2] =	stream.indirect.scatter.add.f32 [tilespmem:s16], [sflag:$0x2], $0x80, s3, s15, $0xb8;
	[tilespmem:$0x1D000] =	vst v63  }
0xf7: {  	_ =	swait.ge [sflag:s24], $0x4000  }
0xf8: {  	[sflag:s24] =	ssyncset.done $0x0  }
0xf9: {  	s3 =	simm.s32 $0x900;
	[sflag:s24] =	ssyncadd.s32 $0xFFFFC000  }
0xfa: {  	[tilespmem:s19], [sflag:$0x1] =	stream.indirect.gather [hbm4b:s5+s15], $0x80, s3, s15, $0xb8;
	[tilespmem:$0x1D000] =	vst v63  }
0xfb: {  	_ =	swait.ge [sflag:s17], $0x4000  }
0xfc: {  	[sflag:s17] =	ssyncset.done $0x0  }
0xfd: {  	s3 =	simm.s32 $0x980;
	[sflag:s17] =	ssyncadd.s32 $0xFFFFC000  }
0xfe: {  	[spmem:s2] =	stream.indirect.scatter.add.f32 [tilespmem:s19], [sflag:$0x3], $0x80, s3, s15, $0xb8;
	[tilespmem:$0x1D000] =	vst v63  }
0xff: {  	_ =	swait.ge [sflag:s21], $0x4000  }
0x100: {  	[sflag:s21] =	ssyncset.done $0x0  }
0x101: {  	s3 =	simm.s32 $0xA00;
	[sflag:s21] =	ssyncadd.s32 $0xFFFFC000  }
0x102: {  	[tilespmem:s16], [sflag:$0x1] =	stream.indirect.gather [hbm4b:s5+s15], $0x80, s3, s15, $0xb8;
	[tilespmem:$0x1D000] =	vst v63  }
0x103: {  	_ =	swait.ge [sflag:s17], $0x4000  }
0x104: {  	[sflag:s17] =	ssyncset.done $0x0  }
0x105: {  	s3 =	simm.s32 $0xA80;
	[sflag:s17] =	ssyncadd.s32 $0xFFFFC000  }
0x106: {  	[spmem:s2] =	stream.indirect.scatter.add.f32 [tilespmem:s16], [sflag:$0x2], $0x80, s3, s15, $0xb8;
	[tilespmem:$0x1D000] =	vst v63  }
0x107: {  	_ =	swait.ge [sflag:s24], $0x4000  }
0x108: {  	[sflag:s24] =	ssyncset.done $0x0  }
0x109: {  	s3 =	simm.s32 $0xB00;
	[sflag:s24] =	ssyncadd.s32 $0xFFFFC000  }
0x10a: {  	[tilespmem:s19], [sflag:$0x1] =	stream.indirect.gather [hbm4b:s5+s15], $0x80, s3, s15, $0xb8;
	[tilespmem:$0x1D000] =	vst v63  }
0x10b: {  	_ =	swait.ge [sflag:s17], $0x4000  }
0x10c: {  	[sflag:s17] =	ssyncset.done $0x0  }
0x10d: {  	s3 =	simm.s32 $0xB80;
	[sflag:s17] =	ssyncadd.s32 $0xFFFFC000  }
0x10e: {  	[spmem:s2] =	stream.indirect.scatter.add.f32 [tilespmem:s19], [sflag:$0x3], $0x80, s3, s15, $0xb8;
	[tilespmem:$0x1D000] =	vst v63  }
0x10f: {  	_ =	swait.ge [sflag:s21], $0x4000  }
0x110: {  	[sflag:s21] =	ssyncset.done $0x0  }
0x111: {  	s3 =	simm.s32 $0xC00;
	[sflag:s21] =	ssyncadd.s32 $0xFFFFC000  }
0x112: {  	[tilespmem:s16], [sflag:$0x1] =	stream.indirect.gather [hbm4b:s5+s15], $0x80, s3, s15, $0xb8;
	[tilespmem:$0x1D000] =	vst v63  }
0x113: {  	_ =	swait.ge [sflag:s17], $0x4000  }
0x114: {  	[sflag:s17] =	ssyncset.done $0x0  }
0x115: {  	s3 =	simm.s32 $0xC80;
	[sflag:s17] =	ssyncadd.s32 $0xFFFFC000  }
0x116: {  	[spmem:s2] =	stream.indirect.scatter.add.f32 [tilespmem:s16], [sflag:$0x2], $0x80, s3, s15, $0xb8;
	[tilespmem:$0x1D000] =	vst v63  }
0x117: {  	_ =	swait.ge [sflag:s24], $0x4000  }
0x118: {  	[sflag:s24] =	ssyncset.done $0x0  }
0x119: {  	s3 =	simm.s32 $0xD00;
	[sflag:s24] =	ssyncadd.s32 $0xFFFFC000  }
0x11a: {  	[tilespmem:s19], [sflag:$0x1] =	stream.indirect.gather [hbm4b:s5+s15], $0x80, s3, s15, $0xb8;
	[tilespmem:$0x1D000] =	vst v63  }
0x11b: {  	_ =	swait.ge [sflag:s17], $0x4000  }
0x11c: {  	[sflag:s17] =	ssyncset.done $0x0  }
0x11d: {  	s3 =	simm.s32 $0xD80;
	[sflag:s17] =	ssyncadd.s32 $0xFFFFC000  }
0x11e: {  	[spmem:s2] =	stream.indirect.scatter.add.f32 [tilespmem:s19], [sflag:$0x3], $0x80, s3, s15, $0xb8;
	[tilespmem:$0x1D000] =	vst v63  }
0x11f: {  	_ =	swait.ge [sflag:s21], $0x4000  }
0x120: {  	[sflag:s21] =	ssyncset.done $0x0  }
0x121: {  	s3 =	simm.s32 $0xE00;
	[sflag:s21] =	ssyncadd.s32 $0xFFFFC000  }
0x122: {  	[tilespmem:s16], [sflag:$0x1] =	stream.indirect.gather [hbm4b:s5+s15], $0x80, s3, s15, $0xb8;
	[tilespmem:$0x1D000] =	vst v63  }
0x123: {  	_ =	swait.ge [sflag:s17], $0x4000  }
0x124: {  	[sflag:s17] =	ssyncset.done $0x0  }
0x125: {  	[sflag:s17] =	ssyncadd.s32 $0xFFFFC000  }
0x126: {  	[spmem:s2] =	stream.indirect.scatter.add.f32 [tilespmem:s16], [sflag:$0x2], $0x80, s29, s15, $0xb8;
	[tilespmem:$0x1D000] =	vst v63  }
0x127: {  	_ =	swait.ge [sflag:s24], $0x4000  }
0x128: {  	[sflag:s24] =	ssyncset.done $0x0  }
0x129: {  	s3 =	rddreg [dreg:$0x5];
	[sflag:s24] =	ssyncadd.s32 $0xFFFFC000  }
0x12a: {  	[tilespmem:s19], [sflag:$0x1] =	stream.indirect.gather [hbm4b:s5+s15], $0x80, s3, s15, $0xb8;
	[tilespmem:$0x1D000] =	vst v63  }
0x12b: {  	_ =	swait.ge [sflag:s17], $0x4000  }
0x12c: {  	[sflag:s17] =	ssyncset.done $0x0  }
0x12d: {  	s3 =	rddreg [dreg:$0x6];
	[sflag:s17] =	ssyncadd.s32 $0xFFFFC000  }
0x12e: {  	[spmem:s2] =	stream.indirect.scatter.add.f32 [tilespmem:s19], [sflag:$0x3], $0x80, s3, s15, $0xb8;
	[tilespmem:$0x1D000] =	vst v63  }
0x12f: {  	s31 =	sadd.s32 $0x1000, s31;
	_ =	swait.ge [sflag:s21], $0x4000  }
0x130: {  	s3 =	sshrl.u32 s31, $0x3;
	[sflag:s21] =	ssyncset.done $0x0  }
0x131: {  	s0 =	sadd.s32 s6, s3;
	[sflag:s21] =	ssyncadd.s32 $0xFFFFC000  }
0x132: {  	[tilespmem:s4], [sflag:$0x4] =	stream.linear.gather [hbm4b:s0+s4], $0x800, $0x38;
	[tilespmem:$0x1D000] =	vst v63  }
0x133: {  	_ =	swait.ge [sflag:s14], $0x800  }
0x134: {  	[sflag:s14] =	ssyncset.done $0x0  }
0x135: {  	[sflag:s14] =	ssyncadd.s32 $0xFFFFF800  }
0x136: {  	[tilespmem:s16], [sflag:$0x1] =	stream.indirect.gather [hbm4b:s5+s15], $0x80, s4, s15, $0xb8;
	[tilespmem:$0x1D000] =	vst v63  }
0x137: {  	_ =	swait.ge [sflag:s17], $0x4000  }
0x138: {  	[sflag:s17] =	ssyncset.done $0x0  }
0x139: {  	[sflag:s17] =	ssyncadd.s32 $0xFFFFC000  }
0x13a: {  	[spmem:s2] =	stream.indirect.scatter.add.f32 [tilespmem:s16], [sflag:$0x2], $0x80, s15, s15, $0xb8;
	[tilespmem:$0x1D000] =	vst v63  }
0x13b: {  	_ =	swait.ge [sflag:s24], $0x4000  }
0x13c: {  	[sflag:s24] =	ssyncset.done $0x0  }
0x13d: {  	[sflag:s24] =	ssyncadd.s32 $0xFFFFC000  }
0x13e: {  	[tilespmem:s19], [sflag:$0x1] =	stream.indirect.gather [hbm4b:s5+s15], $0x80, s1, s15, $0xb8;
	[tilespmem:$0x1D000] =	vst v63  }
0x13f: {  	_ =	swait.ge [sflag:s17], $0x4000  }
0x140: {  	[sflag:s17] =	ssyncset.done $0x0  }
0x141: {  	[sflag:s17] =	ssyncadd.s32 $0xFFFFC000  }
0x142: {  	[spmem:s2] =	stream.indirect.scatter.add.f32 [tilespmem:s19], [sflag:$0x3], $0x80, s9, s15, $0xb8;
	[tilespmem:$0x1D000] =	vst v63  }
0x143: {  	_ =	swait.ge [sflag:s21], $0x4000  }
0x144: {  	[sflag:s21] =	ssyncset.done $0x0  }
0x145: {  	[sflag:s21] =	ssyncadd.s32 $0xFFFFC000  }
0x146: {  	[tilespmem:s16], [sflag:$0x1] =	stream.indirect.gather [hbm4b:s5+s15], $0x80, s11, s15, $0xb8;
	[tilespmem:$0x1D000] =	vst v63  }
0x147: {  	_ =	swait.ge [sflag:s17], $0x4000  }
0x148: {  	[sflag:s17] =	ssyncset.done $0x0  }
0x149: {  	[sflag:s17] =	ssyncadd.s32 $0xFFFFC000  }
0x14a: {  	[spmem:s2] =	stream.indirect.scatter.add.f32 [tilespmem:s16], [sflag:$0x2], $0x80, s8, s15, $0xb8;
	[tilespmem:$0x1D000] =	vst v63  }
0x14b: {  	_ =	swait.ge [sflag:s24], $0x4000  }
0x14c: {  	[sflag:s24] =	ssyncset.done $0x0  }
0x14d: {  	[sflag:s24] =	ssyncadd.s32 $0xFFFFC000  }
0x14e: {  	[tilespmem:s19], [sflag:$0x1] =	stream.indirect.gather [hbm4b:s5+s15], $0x80, s7, s15, $0xb8;
	[tilespmem:$0x1D000] =	vst v63  }
0x14f: {  	_ =	swait.ge [sflag:s17], $0x4000  }
0x150: {  	[sflag:s17] =	ssyncset.done $0x0  }
0x151: {  	[sflag:s17] =	ssyncadd.s32 $0xFFFFC000  }
0x152: {  	[spmem:s2] =	stream.indirect.scatter.add.f32 [tilespmem:s19], [sflag:$0x3], $0x80, s13, s15, $0xb8;
	[tilespmem:$0x1D000] =	vst v63  }
0x153: {  	_ =	swait.ge [sflag:s21], $0x4000  }
0x154: {  	[sflag:s21] =	ssyncset.done $0x0  }
0x155: {  	[sflag:s21] =	ssyncadd.s32 $0xFFFFC000  }
0x156: {  	[tilespmem:s16], [sflag:$0x1] =	stream.indirect.gather [hbm4b:s5+s15], $0x80, s12, s15, $0xb8;
	[tilespmem:$0x1D000] =	vst v63  }
0x157: {  	_ =	swait.ge [sflag:s17], $0x4000  }
0x158: {  	[sflag:s17] =	ssyncset.done $0x0  }
0x159: {  	[sflag:s17] =	ssyncadd.s32 $0xFFFFC000  }
0x15a: {  	[spmem:s2] =	stream.indirect.scatter.add.f32 [tilespmem:s16], [sflag:$0x2], $0x80, s18, s15, $0xb8;
	[tilespmem:$0x1D000] =	vst v63  }
0x15b: {  	_ =	swait.ge [sflag:s24], $0x4000  }
0x15c: {  	[sflag:s24] =	ssyncset.done $0x0  }
0x15d: {  	[sflag:s24] =	ssyncadd.s32 $0xFFFFC000  }
0x15e: {  	[tilespmem:s19], [sflag:$0x1] =	stream.indirect.gather [hbm4b:s5+s15], $0x80, s20, s15, $0xb8;
	[tilespmem:$0x1D000] =	vst v63  }
0x15f: {  	_ =	swait.ge [sflag:s17], $0x4000  }
0x160: {  	[sflag:s17] =	ssyncset.done $0x0  }
0x161: {  	[sflag:s17] =	ssyncadd.s32 $0xFFFFC000  }
0x162: {  	[spmem:s2] =	stream.indirect.scatter.add.f32 [tilespmem:s19], [sflag:$0x3], $0x80, s22, s15, $0xb8;
	[tilespmem:$0x1D000] =	vst v63  }
0x163: {  	_ =	swait.ge [sflag:s21], $0x4000  }
0x164: {  	[sflag:s21] =	ssyncset.done $0x0  }
0x165: {  	[sflag:s21] =	ssyncadd.s32 $0xFFFFC000  }
0x166: {  	[tilespmem:s16], [sflag:$0x1] =	stream.indirect.gather [hbm4b:s5+s15], $0x80, s23, s15, $0xb8;
	[tilespmem:$0x1D000] =	vst v63  }
0x167: {  	_ =	swait.ge [sflag:s17], $0x4000  }
0x168: {  	[sflag:s17] =	ssyncset.done $0x0  }
0x169: {  	[sflag:s17] =	ssyncadd.s32 $0xFFFFC000  }
0x16a: {  	[spmem:s2] =	stream.indirect.scatter.add.f32 [tilespmem:s16], [sflag:$0x2], $0x80, s25, s15, $0xb8;
	[tilespmem:$0x1D000] =	vst v63  }
0x16b: {  	_ =	swait.ge [sflag:s24], $0x4000  }
0x16c: {  	[sflag:s24] =	ssyncset.done $0x0  }
0x16d: {  	p0 =	sne.s32 s30, $0x600;
	[sflag:s24] =	ssyncadd.s32 $0xFFFFC000  }
0x16e: {  	[tilespmem:s19], [sflag:$0x1] =	stream.indirect.gather [hbm4b:s5+s15], $0x80, s26, s15, $0xb8;
	[tilespmem:$0x1D000] =	vst v63  }
.Ltmp0:
0x16f: {  	_ =	swait.ge [sflag:s17], $0x4000;
	(pc) =	sbr.rel @p0 .LBB2_2-.Ltmp0, $4  }
0x170: {  	[sflag:s17] =	ssyncset.done $0x0  }
0x171: {  	[sflag:s17] =	ssyncadd.s32 $0xFFFFC000  }
0x172: {  	[spmem:s2] =	stream.indirect.scatter.add.f32 [tilespmem:s19], [sflag:$0x3], $0x80, s28, s15, $0xb8;
	[tilespmem:$0x1D000] =	vst v63  }
0x173: {  	s30 =	sadd.s32 $0x200, s30;
	_ =	swait.ge [sflag:s21], $0x4000  }
0x174: {  	[sflag:s21] =	ssyncset.done $0x0  }
0x175: {  	s0 =	rddreg [dreg:$0x9];
	[sflag:s21] =	ssyncadd.s32 $0xFFFFC000  }
0x176: {  	[tilespmem:s10], [sflag:$0x4] =	stream.linear.gather [hbm4b:s0+s4], $0x800, $0x38;
	[tilespmem:$0x1D000] =	vst v63  }
0x177: {  	_ =	swait.ge [sflag:s14], $0x800  }
0x178: {  	[sflag:s14] =	ssyncset.done $0x0  }
0x179: {  	[sflag:s14] =	ssyncadd.s32 $0xFFFFF800  }
0x17a: {  	[tilespmem:s16], [sflag:$0x1] =	stream.indirect.gather [hbm4b:s5+s15], $0x80, s10, s15, $0xb8;
	[tilespmem:$0x1D000] =	vst v63  }
0x17b: {  	_ =	swait.ge [sflag:s17], $0x4000  }
0x17c: {  	[sflag:s17] =	ssyncset.done $0x0  }
0x17d: {  	s1 =	simm.s32 $0x880;
	[sflag:s17] =	ssyncadd.s32 $0xFFFFC000  }
0x17e: {  	[spmem:s2] =	stream.indirect.scatter.add.f32 [tilespmem:s16], [sflag:$0x2], $0x80, s1, s15, $0xb8;
	[tilespmem:$0x1D000] =	vst v63  }
0x17f: {  	_ =	swait.ge [sflag:s24], $0x4000  }
0x180: {  	[sflag:s24] =	ssyncset.done $0x0  }
0x181: {  	s3 =	simm.s32 $0x900;
	[sflag:s24] =	ssyncadd.s32 $0xFFFFC000  }
0x182: {  	[tilespmem:s19], [sflag:$0x1] =	stream.indirect.gather [hbm4b:s5+s15], $0x80, s3, s15, $0xb8;
	[tilespmem:$0x1D000] =	vst v63  }
0x183: {  	_ =	swait.ge [sflag:s17], $0x4000  }
0x184: {  	[sflag:s17] =	ssyncset.done $0x0  }
0x185: {  	s7 =	simm.s32 $0x980;
	[sflag:s17] =	ssyncadd.s32 $0xFFFFC000  }
0x186: {  	[spmem:s2] =	stream.indirect.scatter.add.f32 [tilespmem:s19], [sflag:$0x3], $0x80, s7, s15, $0xb8;
	[tilespmem:$0x1D000] =	vst v63  }
0x187: {  	_ =	swait.ge [sflag:s21], $0x4000  }
0x188: {  	[sflag:s21] =	ssyncset.done $0x0  }
0x189: {  	s8 =	simm.s32 $0xA00;
	[sflag:s21] =	ssyncadd.s32 $0xFFFFC000  }
0x18a: {  	[tilespmem:s16], [sflag:$0x1] =	stream.indirect.gather [hbm4b:s5+s15], $0x80, s8, s15, $0xb8;
	[tilespmem:$0x1D000] =	vst v63  }
0x18b: {  	_ =	swait.ge [sflag:s17], $0x4000  }
0x18c: {  	[sflag:s17] =	ssyncset.done $0x0  }
0x18d: {  	s9 =	simm.s32 $0xA80;
	[sflag:s17] =	ssyncadd.s32 $0xFFFFC000  }
0x18e: {  	[spmem:s2] =	stream.indirect.scatter.add.f32 [tilespmem:s16], [sflag:$0x2], $0x80, s9, s15, $0xb8;
	[tilespmem:$0x1D000] =	vst v63  }
0x18f: {  	_ =	swait.ge [sflag:s24], $0x4000  }
0x190: {  	[sflag:s24] =	ssyncset.done $0x0  }
0x191: {  	s11 =	simm.s32 $0xB00;
	[sflag:s24] =	ssyncadd.s32 $0xFFFFC000  }
0x192: {  	[tilespmem:s19], [sflag:$0x1] =	stream.indirect.gather [hbm4b:s5+s15], $0x80, s11, s15, $0xb8;
	[tilespmem:$0x1D000] =	vst v63  }
0x193: {  	_ =	swait.ge [sflag:s17], $0x4000  }
0x194: {  	[sflag:s17] =	ssyncset.done $0x0  }
0x195: {  	s12 =	simm.s32 $0xB80;
	[sflag:s17] =	ssyncadd.s32 $0xFFFFC000  }
0x196: {  	[spmem:s2] =	stream.indirect.scatter.add.f32 [tilespmem:s19], [sflag:$0x3], $0x80, s12, s15, $0xb8;
	[tilespmem:$0x1D000] =	vst v63  }
0x197: {  	_ =	swait.ge [sflag:s21], $0x4000  }
0x198: {  	[sflag:s21] =	ssyncset.done $0x0  }
0x199: {  	s13 =	simm.s32 $0xC00;
	[sflag:s21] =	ssyncadd.s32 $0xFFFFC000  }
0x19a: {  	[tilespmem:s16], [sflag:$0x1] =	stream.indirect.gather [hbm4b:s5+s15], $0x80, s13, s15, $0xb8;
	[tilespmem:$0x1D000] =	vst v63  }
0x19b: {  	_ =	swait.ge [sflag:s17], $0x4000  }
0x19c: {  	[sflag:s17] =	ssyncset.done $0x0  }
0x19d: {  	s18 =	simm.s32 $0xC80;
	[sflag:s17] =	ssyncadd.s32 $0xFFFFC000  }
0x19e: {  	[spmem:s2] =	stream.indirect.scatter.add.f32 [tilespmem:s16], [sflag:$0x2], $0x80, s18, s15, $0xb8;
	[tilespmem:$0x1D000] =	vst v63  }
0x19f: {  	_ =	swait.ge [sflag:s24], $0x4000  }
0x1a0: {  	[sflag:s24] =	ssyncset.done $0x0  }
0x1a1: {  	s20 =	simm.s32 $0xD00;
	[sflag:s24] =	ssyncadd.s32 $0xFFFFC000  }
0x1a2: {  	[tilespmem:s19], [sflag:$0x1] =	stream.indirect.gather [hbm4b:s5+s15], $0x80, s20, s15, $0xb8;
	[tilespmem:$0x1D000] =	vst v63  }
0x1a3: {  	_ =	swait.ge [sflag:s17], $0x4000  }
0x1a4: {  	[sflag:s17] =	ssyncset.done $0x0  }
0x1a5: {  	s22 =	simm.s32 $0xD80;
	[sflag:s17] =	ssyncadd.s32 $0xFFFFC000  }
0x1a6: {  	[spmem:s2] =	stream.indirect.scatter.add.f32 [tilespmem:s19], [sflag:$0x3], $0x80, s22, s15, $0xb8;
	[tilespmem:$0x1D000] =	vst v63  }
0x1a7: {  	_ =	swait.ge [sflag:s21], $0x4000  }
0x1a8: {  	[sflag:s21] =	ssyncset.done $0x0  }
0x1a9: {  	s23 =	simm.s32 $0xE00;
	[sflag:s21] =	ssyncadd.s32 $0xFFFFC000  }
0x1aa: {  	[tilespmem:s16], [sflag:$0x1] =	stream.indirect.gather [hbm4b:s5+s15], $0x80, s23, s15, $0xb8;
	[tilespmem:$0x1D000] =	vst v63  }
0x1ab: {  	_ =	swait.ge [sflag:s17], $0x4000  }
0x1ac: {  	[sflag:s17] =	ssyncset.done $0x0  }
0x1ad: {  	[sflag:s17] =	ssyncadd.s32 $0xFFFFC000  }
0x1ae: {  	[spmem:s2] =	stream.indirect.scatter.add.f32 [tilespmem:s16], [sflag:$0x2], $0x80, s29, s15, $0xb8;
	[tilespmem:$0x1D000] =	vst v63  }
0x1af: {  	_ =	swait.ge [sflag:s24], $0x4000  }
0x1b0: {  	[sflag:s24] =	ssyncset.done $0x0  }
0x1b1: {  	[sflag:s24] =	ssyncadd.s32 $0xFFFFC000  }
0x1b2: {  	_ =	swait.ge [sflag:s21], $0x4000  }
0x1b3: {  	[sflag:s21] =	ssyncset.done $0x0  }
0x1b4: {  	[sflag:s21] =	ssyncadd.s32 $0xFFFFC000  }
0x1b5: {  	[bflag:$0x0] =	sbarrier.arrive $0xFFFF  }
0x1b6: {  	s30 =	rddreg [dreg:$0x7]  }
0x1b7: {  	s25 =	rddreg [dreg:$0xa]  }
0x1b8: {  	s3 =	rddreg [dreg:$0xd]  }
0x1b9: {  	[hbm:s25], [sflag:s30] =	dma.local [spmem:s3], $0x2800  }
0x1ba: {  	_ =	swait.ge [sflag:s14], $0x2800  }
0x1bb: {  	s31 =	rddreg [dreg:$0xe]  }
0x1bc: {  	s26 =	rddreg [dreg:$0xb];
	s31 =	sadd.s32 $0x1, s31  }
0x1bd: {  	s28 =	simm.s32 $0x780;
	s1 =	simm.s32 $0x100;
	p0 =	sne.s32 s31, s26  }
.Ltmp1:
0x1be: {  	s7 =	simm.s32 $0x300;
	s8 =	simm.s32 $0x280;
	(pc) =	sbr.rel @p0 .LBB2_1-.Ltmp1, $4  }
0x1bf: {  	s9 =	simm.s32 $0x180;
	s11 =	simm.s32 $0x200;
	s12 =	simm.s32 $0x400  }
0x1c0: {  	s13 =	simm.s32 $0x380;
	s18 =	simm.s32 $0x480;
	s20 =	simm.s32 $0x500  }
0x1c1: {  	s22 =	simm.s32 $0x580;
	s23 =	simm.s32 $0x600;
	[sflag:s14] =	ssyncset.done $0x0  }
0x1c2: {  	s25 =	simm.s32 $0x680;
	[sflag:s14] =	ssyncadd.s32 $0xFFFFD800;
	s26 =	simm.s32 $0x700  }
0x1c3: {  	_ =	sfence.sel $0x180000  }
0x1c4: {  	[bflag:$0x0] =	sbarrier.arrive $0xFFFF  }
0x1c5: {  	_ =	strace $0x9000004D  }
0x1c6: {  	s0 =	stileid.u32;
	[bflag:$0x2] =	sbarrier.arrive $0xFFFF  }
0x1c7: {  	p0 =	sne.s32 s0, $0x0;
	s0 =	rddreg [dreg:$0x3]  }
0x1c8: {  	s0 =	sadd.s32 @!p0 $0x100000, s0  }
0x1c9: {  	[sflag:s0] =	ssyncadd.tile.s32 @!p0 $0x1;
	_ =	shalt  }
.Lfunc_end2:
_tile_overlayer_lowered:
.L_overlay_start_2:
0x1ca: {  	(tag) =	ssettag $0x2  }
0x1cb: {  	s0 =	rddreg [dreg:$0x0];
	s2 =	stileid.u32  }
0x1cc: {  	s1 =	rddreg [dreg:$0x1];
	p0 =	sne.s32 s2, $0x0  }
0x1cd: {  	s3 =	rddreg [dreg:$0x2];
	[bflag:$0x3] =	sbarrier.arrive $0xFFFF;
	s2 =	simm.s32 @!p0 $0x1C04  }
0x1ce: {  	[timem:s3], [sflag:s2] =	dma.local @!p0 [hbm:s0], s1  }
0x1cf: {  	s0 =	simm.s32 @!p0 $0x4  }
0x1d0: {  	_ =	swait.ge @!p0 [sflag:s0], s1  }
0x1d1: {  	s1 =	ssub.s32 @!p0 $0x0, s1;
	[sflag:s0] =	ssyncset.done @!p0 $0x0  }
0x1d2: {  	[sflag:s0] =	ssyncadd.s32 @!p0 s1  }
0x1d3: {  	[bflag:$0x3] =	sbarrier.arrive $0xFFFF  }
0x1d4: {  	_ =	shalt  }

// kernel: kernel.19.cloned.1.call-start
scs
__scs_entry_jumppad:
0x0: {  	(pc) =	sbr.rel $0x88, $3  }
0x1: {  	(tag) =	ssettag $0x0;
	lr =	simm.s32 $0x1  }
0x2: {  	[smem:$0x3F97] =	sst lr;
	_ =	strace $0xD0000000  }
0x3: {  	_ = 	snop  }
0x4: {  	_ = 	snop  }
0x5: {  	_ = 	snop  }
0x6: {  	_ = 	snop  }
0x7: {  	_ = 	snop  }
__scs_overlays_trampoline_lowered:
0x8: {  	[smem:$0x3FA6] =	sst s0  }
0x9: {  	[smem:$0x3FA7] =	sst s1  }
0xa: {  	[smem:$0x3FA8] =	sst s2  }
0xb: {  	[smem:$0x3FA9] =	sst s3  }
0xc: {  	[smem:$0x3FAA] =	sst s4  }
0xd: {  	[smem:$0x3FAB] =	sst s5  }
0xe: {  	[smem:$0x3FAC] =	sst s6  }
0xf: {  	[smem:$0x3FAD] =	sst s7  }
0x10: {  	[smem:$0x3FAE] =	sst s8  }
0x11: {  	[smem:$0x3FAF] =	sst s9;
	s0 =	simm.s32 @!p0 $0x0  }
0x12: {  	s1 =	sld [smem:$0x3F95];
	s0 =	simm.s32 @p0 $0x1  }
0x13: {  	[smem:$0x3FB0] =	sst s0;
	s0 =	simm.s32 @!p1 $0x0  }
0x14: {  	s2 =	sld [smem:$0x3F94];
	s0 =	simm.s32 @p1 $0x1  }
0x15: {  	[smem:$0x3FB1] =	sst s0;
	s0 =	simm.s32 @!p2 $0x0  }
0x16: {  	s3 =	sld [smem:$0x3FDB];
	s0 =	simm.s32 @p2 $0x1  }
0x17: {  	s4 =	simm.s32 $0x1BF5;
	[smem:$0x3FB3] =	sst s0  }
0x18: {  	s0 =	sld [smem:$0x3F96];
	_ =	swait.ge [sflag:s4], $0x0  }
0x19: {  	s7 =	sld [smem:$0x3F97]  }
0x1a: {  	s8 =	sadd.s32 $0xFFFFE003, lr  }
0x1b: {  	s9 =	sadd.s32 $0xFFFFFEF7, lr;
	s5 =	simm.s32 $0xFFFFFFFF;
	p2 =	slt.u32 s8, $0xFFFFF086  }
0x1c: {  	p1 =	slt.u32 s9, $0xF7A;
	s5 =	simm.s32 @!p2 $0x0  }
0x1d: {  	s5 =	simm.s32 @p1 $0x1;
	p0 =	seq.s32 s7, s2  }
0x1e: {  	s7 =	smul.u32 @!p0 $0xF7A, s2;
	p2 =	seq.s32 @!p0 s5, $0x0  }
0x1f: {  	s9 =	smul.u32 $0xF7A, s1;
	s8 =	simm.s32 @!p0 $0x1BF5;
	p2 =	por !p2, p0  }
0x20: {  	[sflag:s8] =	ssyncset.s32 @!p0 $0xFFFFF086;
	s6 =	sadd.s32 @!p0 s3, s7;
	s7 =	simm.s32 @!p0 $0x108  }
0x21: {  	s3 =	sadd.s32 s3, s9;
	s6 =	sadd.s32 @!p0 $0x88, s6;
	s7 =	simm.s32 @p2 $0x1082  }
0x22: {  	[simem:s7], [sflag:s8] =	dma.local @!p0 [hbm:s6], $0xF7A  }
0x23: {  	s9 =	sor.u32 $0xD0000000, s2;
	s6 =	simm.s32 $0x108;
	_ =	swait.ge @!p0 [sflag:s8], $0x0  }
0x24: {  	s3 =	sadd.s32 $0x88, s3;
	s6 =	simm.s32 @!p1 $0x1082;
	[sflag:s4] =	ssyncset.s32 $0xFFFFF086  }
0x25: {  	[simem:s6], [sflag:s4] =	dma.local [hbm:s3], $0xF7A  }
0x26: {  	[smem:$0x3F97] =	sst s1;
	(tag) =	ssettag s2;
	_ =	strace s9  }
0x27: {  	s1 =	sld [smem:$0x3FA7]  }
0x28: {  	s2 =	sld [smem:$0x3FA8]  }
0x29: {  	s4 =	sld [smem:$0x3FAA]  }
0x2a: {  	p0 =	seq.s32 s5, $0x0;
	s5 =	sld [smem:$0x3FAB]  }
0x2b: {  	s6 =	sld [smem:$0x3FAC]  }
0x2c: {  	s7 =	sld [smem:$0x3FAD]  }
0x2d: {  	s3 =	simm.s32 $0x108;
	s8 =	sld [smem:$0x3FAE]  }
0x2e: {  	s3 =	simm.s32 @!p0 $0x1082;
	s9 =	sld [smem:$0x3FAF]  }
0x2f: {  	lr =	sadd.s32 s0, s3;
	s0 =	sld [smem:$0x3FA6]  }
0x30: {  	s3 =	sld [smem:$0x3FA9]  }
0x31: {  	[smem:$0x3FB2] =	sst s10  }
0x32: {  	s10 =	sld [smem:$0x3FB0];
	_ =	sdelay $0x3  }
0x33: {  	p0 =	seq.s32 s10, $0x1;
	s10 =	sld [smem:$0x3FB2];
	_ =	sdelay $0x3  }
0x34: {  	[smem:$0x3FB2] =	sst s10  }
0x35: {  	s10 =	sld [smem:$0x3FB1];
	_ =	sdelay $0x3  }
0x36: {  	p1 =	seq.s32 s10, $0x1;
	s10 =	sld [smem:$0x3FB2];
	_ =	sdelay $0x3  }
0x37: {  	[smem:$0x3FB2] =	sst s10  }
0x38: {  	s10 =	sld [smem:$0x3FB3]  }
0x39: {  	_ = 	snop;
	(pc) =	sbr.ind lr, $3  }
0x3a: {  	_ = 	snop  }
0x3b: {  	_ = 	snop  }
0x3c: {  	p2 =	seq.s32 s10, $0x1;
	s10 =	sld [smem:$0x3FB2]  }
0x3d: {  	_ =	shalt  }
0x3e: {  	_ =	shalt  }
0x3f: {  	_ =	shalt  }
0x40: {  	_ =	shalt  }
0x41: {  	_ =	shalt  }
0x42: {  	_ =	shalt  }
0x43: {  	_ =	shalt  }
0x44: {  	_ =	shalt  }
0x45: {  	_ =	shalt  }
0x46: {  	_ =	shalt  }
0x47: {  	_ =	shalt  }
0x48: {  	_ =	shalt  }
0x49: {  	_ =	shalt  }
0x4a: {  	_ =	shalt  }
0x4b: {  	_ =	shalt  }
0x4c: {  	_ =	shalt  }
0x4d: {  	_ =	shalt  }
0x4e: {  	_ =	shalt  }
0x4f: {  	_ =	shalt  }
0x50: {  	_ =	shalt  }
0x51: {  	_ =	shalt  }
0x52: {  	_ =	shalt  }
0x53: {  	_ =	shalt  }
0x54: {  	_ =	shalt  }
0x55: {  	_ =	shalt  }
0x56: {  	_ =	shalt  }
0x57: {  	_ =	shalt  }
0x58: {  	_ =	shalt  }
0x59: {  	_ =	shalt  }
0x5a: {  	_ =	shalt  }
0x5b: {  	_ =	shalt  }
0x5c: {  	_ =	shalt  }
0x5d: {  	_ =	shalt  }
0x5e: {  	_ =	shalt  }
0x5f: {  	_ =	shalt  }
0x60: {  	_ =	shalt  }
0x61: {  	_ =	shalt  }
0x62: {  	_ =	shalt  }
0x63: {  	_ =	shalt  }
0x64: {  	_ =	shalt  }
0x65: {  	_ =	shalt  }
0x66: {  	_ =	shalt  }
0x67: {  	_ =	shalt  }
0x68: {  	_ =	shalt  }
0x69: {  	_ =	shalt  }
0x6a: {  	_ =	shalt  }
0x6b: {  	_ =	shalt  }
0x6c: {  	_ =	shalt  }
0x6d: {  	_ =	shalt  }
0x6e: {  	_ =	shalt  }
0x6f: {  	_ =	shalt  }
0x70: {  	_ =	shalt  }
0x71: {  	_ =	shalt  }
0x72: {  	_ =	shalt  }
0x73: {  	_ =	shalt  }
0x74: {  	_ =	shalt  }
0x75: {  	_ =	shalt  }
0x76: {  	_ =	shalt  }
0x77: {  	_ =	shalt  }
0x78: {  	_ =	shalt  }
0x79: {  	_ =	shalt  }
0x7a: {  	_ =	shalt  }
0x7b: {  	_ =	shalt  }
0x7c: {  	_ =	shalt  }
0x7d: {  	_ =	shalt  }
0x7e: {  	_ =	shalt  }
0x7f: {  	_ =	shalt  }
0x80: {  	_ =	shalt  }
0x81: {  	_ =	shalt  }
0x82: {  	_ =	shalt  }
0x83: {  	_ =	shalt  }
0x84: {  	_ =	shalt  }
0x85: {  	_ =	shalt  }
0x86: {  	_ =	shalt  }
0x87: {  	_ =	shalt  }
.Lfunc_end0:
.L_simem_size_0:
called_computation.3_lowered:
.L_overlay_start_0:
0x88: {  	s2 =	sld [smem:$0x3FD9]  }
0x89: {  	s3 =	sld [smem:$0x3FFE];
	_ =	sdelay $0x1  }
0x8a: {  	s1 =	srdreg.scid  }
0x8b: {  	s0 =	sand.u32 $0x1, s1  }
0x8c: {  	s14 =	sshll.u32 s0, $0xA;
	s2 =	sadd.s32 s3, s2  }
0x8d: {  	s2 =	sadd.s32 s2, s14  }
0x8e: {  	[smem:$0x3FBE] =	sst s2  }
0x8f: {  	_ = 	snop  }
0x90: {  	s2 =	sld [smem:$0x3FD0];
	_ =	sdelay $0x2  }
0x91: {  	s15 =	simm.s32 $0xA;
	s4 =	simm.s32 $0x10  }
0x92: {  	[smem:s4], [sflag:s15] =	dma.local [hbm:s2], $0x1  }
0x93: {  	_ =	swait.eq [sflag:s15], $0x1  }
0x94: {  	[sflag:s15] =	ssyncset.done $0x0  }
0x95: {  	[sflag:s15] =	ssyncadd.s32 $0xFFFFFFFF  }
0x96: {  	s16 =	sld [smem:$0x11];
	(tm) =	ssettm $0x1  }
0x97: {  	s17 =	sld [smem:$0x3FFB];
	_ =	sdelay $0x3  }
0x98: {  	_ =	strace s17  }
0x99: {  	s3 =	sld [smem:$0x3FFC];
	_ =	sdelay $0x3  }
0x9a: {  	_ =	strace s3  }
0x9b: {  	s3 =	sld [smem:$0x3FFD];
	_ =	sdelay $0x3  }
0x9c: {  	_ =	strace s3  }
0x9d: {  	_ =	strace $0x8FFFFFFF  }
0x9e: {  	s18 =	sld [smem:$0x3FDB];
	_ =	sdelay $0x1  }
0x9f: {  	s19 =	simm.s32 $_scs_section_size  }
0xa0: {  	s5 =	simm.s32 $_size__tile_overlayer_lowered;
	s6 =	simm.s32 $_tile_overlayer_lowered  }
0xa1: {  	s22 =	simm.s32 $0x1BFF;
	s21 =	sshll.u32 s6, $0x1;
	s3 =	sadd.s32 s19, s18  }
0xa2: {  	s7 =	simm.s32 $0x0;
	s20 =	sshll.u32 s5, $0x1;
	s5 =	sadd.s32 s21, s3  }
0xa3: {  	[timem:s7], [sflag:s22] =	dma.local [hbm:s5], s20  }
0xa4: {  	_ =	swait.ge [sflag:s22], s20  }
0xa5: {  	s4 =	ssub.s32 $0x0, s20;
	[sflag:s22] =	ssyncset.done $0x0  }
0xa6: {  	[sflag:s22] =	ssyncadd.s32 s4;
	_ =	sdelay $0x1  }
0xa7: {  	s23 =	simm.s32 $0x1B8B  }
0xa8: {  	_ =	swait.ge [sflag:s23], $0x1  }
0xa9: {  	[sflag:s23] =	ssyncset.done $0x0  }
0xaa: {  	s25 =	simm.s32 $0x1B8E;
	s24 =	sld [smem:$0x3FFE];
	[sflag:s23] =	ssyncadd.s32 $0xFFFFFFFF  }
0xab: {  	s26 =	simm.s32 $execute0_lowered;
	[smem:$0x3FD2] =	sst s25  }
0xac: {  	s5 =	sshll.u32 s26, $0x1;
	_ =	strace $0x8000004F;
	[dreg:$0x1] =	wrdreg $0xFFFFFFFF  }
0xad: {  	s28 =	simm.s32 $_size_execute0_lowered;
	s3 =	sadd.s32 s3, s5;
	[dreg:$0x0] =	wrdreg $0x0  }
0xae: {  	s5 =	sshll.u32 s28, $0x1;
	[dreg:$0x2] =	wrdreg s3  }
0xaf: {  	[dreg:$0x3] =	wrdreg s5  }
0xb0: {  	[dreg:$0x4] =	wrdreg $0xC0  }
0xb1: {  	_ =	task [dreg:s7], $0x5FFFF  }
0xb2: {  	[dreg:$0x1] =	wrdreg $0xFFFFFFFF  }
0xb3: {  	[dreg:$0x0] =	wrdreg $0x60  }
0xb4: {  	[dreg:$0x2] =	wrdreg s24  }
0xb5: {  	[dreg:$0x3] =	wrdreg s16  }
0xb6: {  	[dreg:$0x4] =	wrdreg $0x90000  }
0xb7: {  	[dreg:$0x5] =	wrdreg $0x9  }
0xb8: {  	_ =	task.clear_ibuf [dreg:s7], $0x6FFFF;
	_ =	strace $0x9000004F  }
0xb9: {  	s29 =	simm.s32 $0x9;
	_ =	strace $0x80000051  }
0xba: {  	_ =	swait.ge [sflag:s29], $0x1  }
0xbb: {  	[sflag:s29] =	ssyncadd.s32 $0xFFFFFFFF  }
0xbc: {  	_ =	strace $0x90000051  }
0xbd: {  	_ =	sfence  }
0xbe: {  	s30 =	sld [smem:$0x0];
	_ =	sdelay $0x2  }
0xbf: {  	s31 =	sshll.u32 s1, $0xD;
	s1 =	sshrl.u32 s1, $0x2  }
0xc0: {  	s3 =	sand.u32 $0x4000, s31;
	s1 =	sadd.s32 s1, s30  }
0xc1: {  	s0 =	sor.u32 s3, s0;
	s1 =	sshll.u32 s1, $0x11  }
0xc2: {  	s0 =	sor.u32 s1, s0  }
0xc3: {  	s0 =	sadd.s32 $0x8F2B, s0  }
0xc4: {  	[sflag:s0] =	ssyncadd.remote.s32 $0x1  }
0xc5: {  	_ =	sfence.sel $0xFFFF  }
0xc6: {  	[dreg:$0x0] =	wrdreg $0xFFFFFFFF;
	(pc) =	sbr.abs _section_cstart, $3  }
0xc7: {  	[dreg:$0x1] =	wrdreg $0xFFFFFFFF  }
0xc8: {  	_ =	task.clear_ibuf [dreg:s7], $0x2FFFF;
	_ =	strace $0x9FFFFFFF  }
0xc9: {  	(tm) =	ssettm $0x7FFFFFFF  }
tec
execute0_lowered:
.L_overlay_start_1:
0x0: {  	(tag) =	ssettag $0x1  }
0x1: {  	s0 =	rddreg [dreg:$0x0]  }
0x2: {  	s2 =	rddreg [dreg:$0x2];
	s4 =	simm.s32 $0x0  }
0x3: {  	s1 =	srdreg.scid;
	s12 =	stileid.u32;
	s14 =	simm.s32 $0x4  }
0x4: {  	s15 =	simm.s32 $0x80;
	s16 =	simm.s32 $0x1000;
	s25 =	simm.s32 $0xF00  }
0x5: {  	s26 =	simm.s32 $0xF80;
	s13 =	simm.s32 $0x380;
	s28 =	simm.s32 $0x780  }
0x6: {  	s29 =	simm.s32 $0xE80;
	s31 =	simm.s32 $0x0;
	s7 =	smul.u32 $0x14000, s12  }
0x7: {  	[smem:$0x7FF] =	sst s4;
	s1 =	sand.u32 $0x1, s1;
	s9 =	smul.u32 $0x50000, s12  }
0x8: {  	s6 =	sshll.u32 s12, $0x1;
	s5 =	sadd.s32 $0x17800, s0;
	s10 =	smul.u32 $0x9E00, s12  }
0x9: {  	s21 =	sshll.u32 s12, $0x6;
	s12 =	simm.s32 $0x400;
	s3 =	smul.u32 $0x140000, s1  }
0xa: {  	_ =	strace $0x80000050;
	s8 =	sor.u32 s1, s6;
	s6 =	sadd.s32 $0x3A00, s0  }
0xb: {  	s18 =	ssub.s32 $0x2, s1;
	s1 =	smul.u32 $0x4F00, s1;
	[dreg:$0x5] =	wrdreg s25  }
0xc: {  	s30 =	sor.u32 $0x1C04, s21;
	s21 =	simm.s32 $0x2;
	[dreg:$0x6] =	wrdreg s26  }
0xd: {  	s25 =	simm.s32 $0x680;
	s26 =	simm.s32 $0x700;
	s17 =	smul.u32 $0x4F00, s8  }
0xe: {  	s11 =	sshrl.u32 s18, $0x1;
	s9 =	sshrl.u32 s9, $0x2;
	s8 =	simm.s32 $0x280  }
0xf: {  	[dreg:$0x7] =	wrdreg s30;
	s3 =	sadd.s32 s7, s3;
	s19 =	ssub.s32 s18, s11  }
0x10: {  	s20 =	sadd.s32 s9, s2;
	s1 =	sadd.s32 s1, s10;
	s11 =	simm.s32 $0x200  }
0x11: {  	s18 =	simm.s32 $0x480;
	s10 =	simm.s32 $0x800;
	s3 =	sshrl.u32 s3, $0x3  }
0x12: {  	s7 =	sshrl.u32 s17, $0x3;
	s23 =	sadd.s32 $0x800, s1;
	s1 =	sadd.s32 $0x1000, s1  }
0x13: {  	s17 =	simm.s32 $0x1;
	s0 =	sadd.s32 s3, s0;
	s22 =	sadd.s32 s6, s7  }
0x14: {  	s24 =	sshrl.u32 s23, $0x3;
	s3 =	smax.u32 s19, $0x1;
	[dreg:$0xc] =	wrdreg s1  }
0x15: {  	s1 =	simm.s32 $0x100;
	s19 =	simm.s32 $0x5000;
	[dreg:$0x8] =	wrdreg s22  }
0x16: {  	s7 =	simm.s32 $0x300;
	s9 =	sadd.s32 $0x900, s22;
	[dreg:$0xb] =	wrdreg s3  }
0x17: {  	s23 =	simm.s32 $0x600;
	s0 =	sadd.s32 $0x3F800, s0;
	[dreg:$0x9] =	wrdreg s9  }
0x18: {  	s3 =	sshrl.u32 s20, $0x3;
	s20 =	simm.s32 $0x500;
	[dreg:$0xa] =	wrdreg s0  }
0x19: {  	s22 =	simm.s32 $0x580;
	s0 =	sadd.s32 s24, s6;
	[dreg:$0xd] =	wrdreg s3  }
0x1a: {  	s9 =	simm.s32 $0x180;
	s24 =	simm.s32 $0x3;
	[dreg:$0x4] =	wrdreg s0  }
.LBB2_1:
0x1b: {  	[dreg:$0xe] =	wrdreg s31  }
0x1c: {  	s0 =	rddreg [dreg:$0x1]  }
0x1d: {  	[spmem:s3], [sflag:s30] =	dma.local [hbm:s0], $0x2800  }
0x1e: {  	_ =	swait.ge [sflag:s14], $0x2800  }
0x1f: {  	[sflag:s14] =	ssyncset.done $0x0  }
0x20: {  	[sflag:s14] =	ssyncadd.s32 $0xFFFFD800  }
0x21: {  	[bflag:$0x0] =	sbarrier.arrive $0xFFFF  }
0x22: {  	s3 =	rddreg [dreg:$0x8]  }
0x23: {  	[tilespmem:s4], [sflag:$0x4] =	stream.linear.gather [hbm4b:s3+s4], $0x800, $0x38;
	[tilespmem:$0x1D000] =	vst v63  }
0x24: {  	_ =	swait.ge [sflag:s14], $0x800  }
0x25: {  	[sflag:s14] =	ssyncset.done $0x0  }
0x26: {  	[sflag:s14] =	ssyncadd.s32 $0xFFFFF800  }
0x27: {  	[tilespmem:s16], [sflag:$0x1] =	stream.indirect.gather [hbm4b:s5+s15], $0x80, s4, s15, $0xb8;
	[tilespmem:$0x1D000] =	vst v63  }
0x28: {  	_ =	swait.ge [sflag:s17], $0x4000  }
0x29: {  	[sflag:s17] =	ssyncset.done $0x0  }
0x2a: {  	[sflag:s17] =	ssyncadd.s32 $0xFFFFC000  }
0x2b: {  	[spmem:s2] =	stream.indirect.scatter.add.f32 [tilespmem:s16], [sflag:$0x2], $0x80, s15, s15, $0xb8;
	[tilespmem:$0x1D000] =	vst v63  }
0x2c: {  	_ = 	snop  }
0x2d: {  	[tilespmem:s19], [sflag:$0x1] =	stream.indirect.gather [hbm4b:s5+s15], $0x80, s1, s15, $0xb8;
	[tilespmem:$0x1D000] =	vst v63  }
0x2e: {  	_ =	swait.ge [sflag:s17], $0x4000  }
0x2f: {  	[sflag:s17] =	ssyncset.done $0x0  }
0x30: {  	[sflag:s17] =	ssyncadd.s32 $0xFFFFC000  }
0x31: {  	[spmem:s2] =	stream.indirect.scatter.add.f32 [tilespmem:s19], [sflag:$0x3], $0x80, s9, s15, $0xb8;
	[tilespmem:$0x1D000] =	vst v63  }
0x32: {  	_ =	swait.ge [sflag:s21], $0x4000  }
0x33: {  	[sflag:s21] =	ssyncset.done $0x0  }
0x34: {  	[sflag:s21] =	ssyncadd.s32 $0xFFFFC000  }
0x35: {  	[tilespmem:s16], [sflag:$0x1] =	stream.indirect.gather [hbm4b:s5+s15], $0x80, s11, s15, $0xb8;
	[tilespmem:$0x1D000] =	vst v63  }
0x36: {  	_ =	swait.ge [sflag:s17], $0x4000  }
0x37: {  	[sflag:s17] =	ssyncset.done $0x0  }
0x38: {  	[sflag:s17] =	ssyncadd.s32 $0xFFFFC000  }
0x39: {  	[spmem:s2] =	stream.indirect.scatter.add.f32 [tilespmem:s16], [sflag:$0x2], $0x80, s8, s15, $0xb8;
	[tilespmem:$0x1D000] =	vst v63  }
0x3a: {  	_ =	swait.ge [sflag:s24], $0x4000  }
0x3b: {  	[sflag:s24] =	ssyncset.done $0x0  }
0x3c: {  	[sflag:s24] =	ssyncadd.s32 $0xFFFFC000  }
0x3d: {  	[tilespmem:s19], [sflag:$0x1] =	stream.indirect.gather [hbm4b:s5+s15], $0x80, s7, s15, $0xb8;
	[tilespmem:$0x1D000] =	vst v63  }
0x3e: {  	_ =	swait.ge [sflag:s17], $0x4000  }
0x3f: {  	[sflag:s17] =	ssyncset.done $0x0  }
0x40: {  	[sflag:s17] =	ssyncadd.s32 $0xFFFFC000  }
0x41: {  	[spmem:s2] =	stream.indirect.scatter.add.f32 [tilespmem:s19], [sflag:$0x3], $0x80, s13, s15, $0xb8;
	[tilespmem:$0x1D000] =	vst v63  }
0x42: {  	_ =	swait.ge [sflag:s21], $0x4000  }
0x43: {  	[sflag:s21] =	ssyncset.done $0x0  }
0x44: {  	[sflag:s21] =	ssyncadd.s32 $0xFFFFC000  }
0x45: {  	[tilespmem:s16], [sflag:$0x1] =	stream.indirect.gather [hbm4b:s5+s15], $0x80, s12, s15, $0xb8;
	[tilespmem:$0x1D000] =	vst v63  }
0x46: {  	_ =	swait.ge [sflag:s17], $0x4000  }
0x47: {  	[sflag:s17] =	ssyncset.done $0x0  }
0x48: {  	[sflag:s17] =	ssyncadd.s32 $0xFFFFC000  }
0x49: {  	[spmem:s2] =	stream.indirect.scatter.add.f32 [tilespmem:s16], [sflag:$0x2], $0x80, s18, s15, $0xb8;
	[tilespmem:$0x1D000] =	vst v63  }
0x4a: {  	_ =	swait.ge [sflag:s24], $0x4000  }
0x4b: {  	[sflag:s24] =	ssyncset.done $0x0  }
0x4c: {  	[sflag:s24] =	ssyncadd.s32 $0xFFFFC000  }
0x4d: {  	[tilespmem:s19], [sflag:$0x1] =	stream.indirect.gather [hbm4b:s5+s15], $0x80, s20, s15, $0xb8;
	[tilespmem:$0x1D000] =	vst v63  }
0x4e: {  	_ =	swait.ge [sflag:s17], $0x4000  }
0x4f: {  	[sflag:s17] =	ssyncset.done $0x0  }
0x50: {  	[sflag:s17] =	ssyncadd.s32 $0xFFFFC000  }
0x51: {  	[spmem:s2] =	stream.indirect.scatter.add.f32 [tilespmem:s19], [sflag:$0x3], $0x80, s22, s15, $0xb8;
	[tilespmem:$0x1D000] =	vst v63  }
0x52: {  	_ =	swait.ge [sflag:s21], $0x4000  }
0x53: {  	[sflag:s21] =	ssyncset.done $0x0  }
0x54: {  	[sflag:s21] =	ssyncadd.s32 $0xFFFFC000  }
0x55: {  	[tilespmem:s16], [sflag:$0x1] =	stream.indirect.gather [hbm4b:s5+s15], $0x80, s23, s15, $0xb8;
	[tilespmem:$0x1D000] =	vst v63  }
0x56: {  	_ =	swait.ge [sflag:s17], $0x4000  }
0x57: {  	[sflag:s17] =	ssyncset.done $0x0  }
0x58: {  	[sflag:s17] =	ssyncadd.s32 $0xFFFFC000  }
0x59: {  	[spmem:s2] =	stream.indirect.scatter.add.f32 [tilespmem:s16], [sflag:$0x2], $0x80, s25, s15, $0xb8;
	[tilespmem:$0x1D000] =	vst v63  }
0x5a: {  	_ =	swait.ge [sflag:s24], $0x4000  }
0x5b: {  	[sflag:s24] =	ssyncset.done $0x0  }
0x5c: {  	[sflag:s24] =	ssyncadd.s32 $0xFFFFC000  }
0x5d: {  	[tilespmem:s19], [sflag:$0x1] =	stream.indirect.gather [hbm4b:s5+s15], $0x80, s26, s15, $0xb8;
	[tilespmem:$0x1D000] =	vst v63  }
0x5e: {  	_ =	swait.ge [sflag:s17], $0x4000  }
0x5f: {  	[sflag:s17] =	ssyncset.done $0x0  }
0x60: {  	[sflag:s17] =	ssyncadd.s32 $0xFFFFC000  }
0x61: {  	[spmem:s2] =	stream.indirect.scatter.add.f32 [tilespmem:s19], [sflag:$0x3], $0x80, s28, s15, $0xb8;
	[tilespmem:$0x1D000] =	vst v63  }
0x62: {  	_ =	swait.ge [sflag:s21], $0x4000  }
0x63: {  	s30 =	rddreg [dreg:$0x4];
	[sflag:s21] =	ssyncset.done $0x0  }
0x64: {  	[sflag:s21] =	ssyncadd.s32 $0xFFFFC000;
	s30 =	sadd.s32 $0x0, s30  }
0x65: {  	[tilespmem:s10], [sflag:$0x4] =	stream.linear.gather [hbm4b:s30+s4], $0x800, $0x38;
	[tilespmem:$0x1D000] =	vst v63  }
0x66: {  	_ =	swait.ge [sflag:s14], $0x800  }
0x67: {  	[sflag:s14] =	ssyncset.done $0x0  }
0x68: {  	[sflag:s14] =	ssyncadd.s32 $0xFFFFF800  }
0x69: {  	[tilespmem:s16], [sflag:$0x1] =	stream.indirect.gather [hbm4b:s5+s15], $0x80, s10, s15, $0xb8;
	[tilespmem:$0x1D000] =	vst v63  }
0x6a: {  	_ =	swait.ge [sflag:s17], $0x4000  }
0x6b: {  	[sflag:s17] =	ssyncset.done $0x0  }
0x6c: {  	s7 =	simm.s32 $0x880;
	[sflag:s17] =	ssyncadd.s32 $0xFFFFC000  }
0x6d: {  	[spmem:s2] =	stream.indirect.scatter.add.f32 [tilespmem:s16], [sflag:$0x2], $0x80, s7, s15, $0xb8;
	[tilespmem:$0x1D000] =	vst v63  }
0x6e: {  	_ =	swait.ge [sflag:s24], $0x4000  }
0x6f: {  	[sflag:s24] =	ssyncset.done $0x0  }
0x70: {  	s8 =	simm.s32 $0x900;
	[sflag:s24] =	ssyncadd.s32 $0xFFFFC000  }
0x71: {  	[tilespmem:s19], [sflag:$0x1] =	stream.indirect.gather [hbm4b:s5+s15], $0x80, s8, s15, $0xb8;
	[tilespmem:$0x1D000] =	vst v63  }
0x72: {  	_ =	swait.ge [sflag:s17], $0x4000  }
0x73: {  	[sflag:s17] =	ssyncset.done $0x0  }
0x74: {  	s9 =	simm.s32 $0x980;
	[sflag:s17] =	ssyncadd.s32 $0xFFFFC000  }
0x75: {  	[spmem:s2] =	stream.indirect.scatter.add.f32 [tilespmem:s19], [sflag:$0x3], $0x80, s9, s15, $0xb8;
	[tilespmem:$0x1D000] =	vst v63  }
0x76: {  	_ =	swait.ge [sflag:s21], $0x4000  }
0x77: {  	[sflag:s21] =	ssyncset.done $0x0  }
0x78: {  	s11 =	simm.s32 $0xA00;
	[sflag:s21] =	ssyncadd.s32 $0xFFFFC000  }
0x79: {  	[tilespmem:s16], [sflag:$0x1] =	stream.indirect.gather [hbm4b:s5+s15], $0x80, s11, s15, $0xb8;
	[tilespmem:$0x1D000] =	vst v63  }
0x7a: {  	_ =	swait.ge [sflag:s17], $0x4000  }
0x7b: {  	[sflag:s17] =	ssyncset.done $0x0  }
0x7c: {  	s12 =	simm.s32 $0xA80;
	[sflag:s17] =	ssyncadd.s32 $0xFFFFC000  }
0x7d: {  	[spmem:s2] =	stream.indirect.scatter.add.f32 [tilespmem:s16], [sflag:$0x2], $0x80, s12, s15, $0xb8;
	[tilespmem:$0x1D000] =	vst v63  }
0x7e: {  	_ =	swait.ge [sflag:s24], $0x4000  }
0x7f: {  	[sflag:s24] =	ssyncset.done $0x0  }
0x80: {  	s13 =	simm.s32 $0xB00;
	[sflag:s24] =	ssyncadd.s32 $0xFFFFC000  }
0x81: {  	[tilespmem:s19], [sflag:$0x1] =	stream.indirect.gather [hbm4b:s5+s15], $0x80, s13, s15, $0xb8;
	[tilespmem:$0x1D000] =	vst v63  }
0x82: {  	_ =	swait.ge [sflag:s17], $0x4000  }
0x83: {  	[sflag:s17] =	ssyncset.done $0x0  }
0x84: {  	s18 =	simm.s32 $0xB80;
	[sflag:s17] =	ssyncadd.s32 $0xFFFFC000  }
0x85: {  	[spmem:s2] =	stream.indirect.scatter.add.f32 [tilespmem:s19], [sflag:$0x3], $0x80, s18, s15, $0xb8;
	[tilespmem:$0x1D000] =	vst v63  }
0x86: {  	_ =	swait.ge [sflag:s21], $0x4000  }
0x87: {  	[sflag:s21] =	ssyncset.done $0x0  }
0x88: {  	s20 =	simm.s32 $0xC00;
	[sflag:s21] =	ssyncadd.s32 $0xFFFFC000  }
0x89: {  	[tilespmem:s16], [sflag:$0x1] =	stream.indirect.gather [hbm4b:s5+s15], $0x80, s20, s15, $0xb8;
	[tilespmem:$0x1D000] =	vst v63  }
0x8a: {  	_ =	swait.ge [sflag:s17], $0x4000  }
0x8b: {  	[sflag:s17] =	ssyncset.done $0x0  }
0x8c: {  	s22 =	simm.s32 $0xC80;
	[sflag:s17] =	ssyncadd.s32 $0xFFFFC000  }
0x8d: {  	[spmem:s2] =	stream.indirect.scatter.add.f32 [tilespmem:s16], [sflag:$0x2], $0x80, s22, s15, $0xb8;
	[tilespmem:$0x1D000] =	vst v63  }
0x8e: {  	_ =	swait.ge [sflag:s24], $0x4000  }
0x8f: {  	[sflag:s24] =	ssyncset.done $0x0  }
0x90: {  	s23 =	simm.s32 $0xD00;
	[sflag:s24] =	ssyncadd.s32 $0xFFFFC000  }
0x91: {  	[tilespmem:s19], [sflag:$0x1] =	stream.indirect.gather [hbm4b:s5+s15], $0x80, s23, s15, $0xb8;
	[tilespmem:$0x1D000] =	vst v63  }
0x92: {  	_ =	swait.ge [sflag:s17], $0x4000  }
0x93: {  	[sflag:s17] =	ssyncset.done $0x0  }
0x94: {  	s25 =	simm.s32 $0xD80;
	[sflag:s17] =	ssyncadd.s32 $0xFFFFC000  }
0x95: {  	[spmem:s2] =	stream.indirect.scatter.add.f32 [tilespmem:s19], [sflag:$0x3], $0x80, s25, s15, $0xb8;
	[tilespmem:$0x1D000] =	vst v63  }
0x96: {  	_ =	swait.ge [sflag:s21], $0x4000  }
0x97: {  	[sflag:s21] =	ssyncset.done $0x0  }
0x98: {  	s26 =	simm.s32 $0xE00;
	[sflag:s21] =	ssyncadd.s32 $0xFFFFC000  }
0x99: {  	[tilespmem:s16], [sflag:$0x1] =	stream.indirect.gather [hbm4b:s5+s15], $0x80, s26, s15, $0xb8;
	[tilespmem:$0x1D000] =	vst v63  }
0x9a: {  	_ =	swait.ge [sflag:s17], $0x4000  }
0x9b: {  	[sflag:s17] =	ssyncset.done $0x0  }
0x9c: {  	[sflag:s17] =	ssyncadd.s32 $0xFFFFC000  }
0x9d: {  	[spmem:s2] =	stream.indirect.scatter.add.f32 [tilespmem:s16], [sflag:$0x2], $0x80, s29, s15, $0xb8;
	[tilespmem:$0x1D000] =	vst v63  }
0x9e: {  	_ =	swait.ge [sflag:s24], $0x4000  }
0x9f: {  	[sflag:s24] =	ssyncset.done $0x0  }
0xa0: {  	s30 =	rddreg [dreg:$0x5];
	[sflag:s24] =	ssyncadd.s32 $0xFFFFC000  }
0xa1: {  	[tilespmem:s19], [sflag:$0x1] =	stream.indirect.gather [hbm4b:s5+s15], $0x80, s30, s15, $0xb8;
	[tilespmem:$0x1D000] =	vst v63  }
0xa2: {  	_ =	swait.ge [sflag:s17], $0x4000  }
0xa3: {  	[sflag:s17] =	ssyncset.done $0x0  }
0xa4: {  	s30 =	rddreg [dreg:$0x6];
	[sflag:s17] =	ssyncadd.s32 $0xFFFFC000  }
0xa5: {  	[spmem:s2] =	stream.indirect.scatter.add.f32 [tilespmem:s19], [sflag:$0x3], $0x80, s30, s15, $0xb8;
	[tilespmem:$0x1D000] =	vst v63  }
0xa6: {  	_ =	swait.ge [sflag:s21], $0x4000  }
0xa7: {  	s31 =	rddreg [dreg:$0xc]  }
0xa8: {  	[sflag:s21] =	ssyncset.done $0x0;
	s30 =	sshrl.u32 s31, $0x3  }
0xa9: {  	[sflag:s21] =	ssyncadd.s32 $0xFFFFC000;
	s30 =	sadd.s32 s6, s30  }
0xaa: {  	[tilespmem:s4], [sflag:$0x4] =	stream.linear.gather [hbm4b:s30+s4], $0x800, $0x38;
	[tilespmem:$0x1D000] =	vst v63  }
0xab: {  	_ =	swait.ge [sflag:s14], $0x800  }
0xac: {  	[sflag:s14] =	ssyncset.done $0x0  }
0xad: {  	[sflag:s14] =	ssyncadd.s32 $0xFFFFF800  }
0xae: {  	[tilespmem:s16], [sflag:$0x1] =	stream.indirect.gather [hbm4b:s5+s15], $0x80, s4, s15, $0xb8;
	[tilespmem:$0x1D000] =	vst v63  }
0xaf: {  	_ =	swait.ge [sflag:s17], $0x4000  }
0xb0: {  	[sflag:s17] =	ssyncset.done $0x0  }
0xb1: {  	[sflag:s17] =	ssyncadd.s32 $0xFFFFC000  }
0xb2: {  	[spmem:s2] =	stream.indirect.scatter.add.f32 [tilespmem:s16], [sflag:$0x2], $0x80, s15, s15, $0xb8;
	[tilespmem:$0x1D000] =	vst v63  }
0xb3: {  	_ =	swait.ge [sflag:s24], $0x4000  }
0xb4: {  	[sflag:s24] =	ssyncset.done $0x0  }
0xb5: {  	s1 =	simm.s32 $0x100;
	[sflag:s24] =	ssyncadd.s32 $0xFFFFC000  }
0xb6: {  	[tilespmem:s19], [sflag:$0x1] =	stream.indirect.gather [hbm4b:s5+s15], $0x80, s1, s15, $0xb8;
	[tilespmem:$0x1D000] =	vst v63  }
0xb7: {  	_ =	swait.ge [sflag:s17], $0x4000  }
0xb8: {  	[sflag:s17] =	ssyncset.done $0x0  }
0xb9: {  	s9 =	simm.s32 $0x180;
	[sflag:s17] =	ssyncadd.s32 $0xFFFFC000  }
0xba: {  	[spmem:s2] =	stream.indirect.scatter.add.f32 [tilespmem:s19], [sflag:$0x3], $0x80, s9, s15, $0xb8;
	[tilespmem:$0x1D000] =	vst v63  }
0xbb: {  	_ =	swait.ge [sflag:s21], $0x4000  }
0xbc: {  	[sflag:s21] =	ssyncset.done $0x0  }
0xbd: {  	s11 =	simm.s32 $0x200;
	[sflag:s21] =	ssyncadd.s32 $0xFFFFC000  }
0xbe: {  	[tilespmem:s16], [sflag:$0x1] =	stream.indirect.gather [hbm4b:s5+s15], $0x80, s11, s15, $0xb8;
	[tilespmem:$0x1D000] =	vst v63  }
0xbf: {  	_ =	swait.ge [sflag:s17], $0x4000  }
0xc0: {  	[sflag:s17] =	ssyncset.done $0x0  }
0xc1: {  	s8 =	simm.s32 $0x280;
	[sflag:s17] =	ssyncadd.s32 $0xFFFFC000  }
0xc2: {  	[spmem:s2] =	stream.indirect.scatter.add.f32 [tilespmem:s16], [sflag:$0x2], $0x80, s8, s15, $0xb8;
	[tilespmem:$0x1D000] =	vst v63  }
0xc3: {  	_ =	swait.ge [sflag:s24], $0x4000  }
0xc4: {  	[sflag:s24] =	ssyncset.done $0x0  }
0xc5: {  	s7 =	simm.s32 $0x300;
	[sflag:s24] =	ssyncadd.s32 $0xFFFFC000  }
0xc6: {  	[tilespmem:s19], [sflag:$0x1] =	stream.indirect.gather [hbm4b:s5+s15], $0x80, s7, s15, $0xb8;
	[tilespmem:$0x1D000] =	vst v63  }
0xc7: {  	_ =	swait.ge [sflag:s17], $0x4000  }
0xc8: {  	[sflag:s17] =	ssyncset.done $0x0  }
0xc9: {  	s13 =	simm.s32 $0x380;
	[sflag:s17] =	ssyncadd.s32 $0xFFFFC000  }
0xca: {  	[spmem:s2] =	stream.indirect.scatter.add.f32 [tilespmem:s19], [sflag:$0x3], $0x80, s13, s15, $0xb8;
	[tilespmem:$0x1D000] =	vst v63  }
0xcb: {  	_ =	swait.ge [sflag:s21], $0x4000  }
0xcc: {  	[sflag:s21] =	ssyncset.done $0x0  }
0xcd: {  	s12 =	simm.s32 $0x400;
	[sflag:s21] =	ssyncadd.s32 $0xFFFFC000  }
0xce: {  	[tilespmem:s16], [sflag:$0x1] =	stream.indirect.gather [hbm4b:s5+s15], $0x80, s12, s15, $0xb8;
	[tilespmem:$0x1D000] =	vst v63  }
0xcf: {  	_ =	swait.ge [sflag:s17], $0x4000  }
0xd0: {  	[sflag:s17] =	ssyncset.done $0x0  }
0xd1: {  	s18 =	simm.s32 $0x480;
	[sflag:s17] =	ssyncadd.s32 $0xFFFFC000  }
0xd2: {  	[spmem:s2] =	stream.indirect.scatter.add.f32 [tilespmem:s16], [sflag:$0x2], $0x80, s18, s15, $0xb8;
	[tilespmem:$0x1D000] =	vst v63  }
0xd3: {  	_ =	swait.ge [sflag:s24], $0x4000  }
0xd4: {  	[sflag:s24] =	ssyncset.done $0x0  }
0xd5: {  	s20 =	simm.s32 $0x500;
	[sflag:s24] =	ssyncadd.s32 $0xFFFFC000  }
0xd6: {  	[tilespmem:s19], [sflag:$0x1] =	stream.indirect.gather [hbm4b:s5+s15], $0x80, s20, s15, $0xb8;
	[tilespmem:$0x1D000] =	vst v63  }
0xd7: {  	_ =	swait.ge [sflag:s17], $0x4000  }
0xd8: {  	[sflag:s17] =	ssyncset.done $0x0  }
0xd9: {  	s22 =	simm.s32 $0x580;
	[sflag:s17] =	ssyncadd.s32 $0xFFFFC000  }
0xda: {  	[spmem:s2] =	stream.indirect.scatter.add.f32 [tilespmem:s19], [sflag:$0x3], $0x80, s22, s15, $0xb8;
	[tilespmem:$0x1D000] =	vst v63  }
0xdb: {  	_ =	swait.ge [sflag:s21], $0x4000  }
0xdc: {  	[sflag:s21] =	ssyncset.done $0x0  }
0xdd: {  	s23 =	simm.s32 $0x600;
	[sflag:s21] =	ssyncadd.s32 $0xFFFFC000  }
0xde: {  	[tilespmem:s16], [sflag:$0x1] =	stream.indirect.gather [hbm4b:s5+s15], $0x80, s23, s15, $0xb8;
	[tilespmem:$0x1D000] =	vst v63  }
0xdf: {  	_ =	swait.ge [sflag:s17], $0x4000  }
0xe0: {  	[sflag:s17] =	ssyncset.done $0x0  }
0xe1: {  	s25 =	simm.s32 $0x680;
	[sflag:s17] =	ssyncadd.s32 $0xFFFFC000  }
0xe2: {  	[spmem:s2] =	stream.indirect.scatter.add.f32 [tilespmem:s16], [sflag:$0x2], $0x80, s25, s15, $0xb8;
	[tilespmem:$0x1D000] =	vst v63  }
0xe3: {  	_ =	swait.ge [sflag:s24], $0x4000  }
0xe4: {  	[sflag:s24] =	ssyncset.done $0x0  }
0xe5: {  	s26 =	simm.s32 $0x700;
	[sflag:s24] =	ssyncadd.s32 $0xFFFFC000  }
0xe6: {  	[tilespmem:s19], [sflag:$0x1] =	stream.indirect.gather [hbm4b:s5+s15], $0x80, s26, s15, $0xb8;
	[tilespmem:$0x1D000] =	vst v63  }
0xe7: {  	_ =	swait.ge [sflag:s17], $0x4000  }
0xe8: {  	[sflag:s17] =	ssyncset.done $0x0  }
0xe9: {  	s28 =	simm.s32 $0x780;
	[sflag:s17] =	ssyncadd.s32 $0xFFFFC000  }
0xea: {  	[spmem:s2] =	stream.indirect.scatter.add.f32 [tilespmem:s19], [sflag:$0x3], $0x80, s28, s15, $0xb8;
	[tilespmem:$0x1D000] =	vst v63  }
0xeb: {  	s30 =	simm.s32 $0x200;
	_ =	swait.ge [sflag:s21], $0x4000  }
.LBB2_2:
0xec: {  	s0 =	rddreg [dreg:$0x4];
	s3 =	smov.u32 s30;
	[sflag:s21] =	ssyncset.done $0x0  }
0xed: {  	s0 =	sadd.s32 s3, s0;
	[sflag:s21] =	ssyncadd.s32 $0xFFFFC000  }
0xee: {  	[tilespmem:s10], [sflag:$0x4] =	stream.linear.gather [hbm4b:s0+s4], $0x800, $0x38;
	[tilespmem:$0x1D000] =	vst v63  }
0xef: {  	_ =	swait.ge [sflag:s14], $0x800  }
0xf0: {  	[sflag:s14] =	ssyncset.done $0x0  }
0xf1: {  	[sflag:s14] =	ssyncadd.s32 $0xFFFFF800  }
0xf2: {  	[tilespmem:s16], [sflag:$0x1] =	stream.indirect.gather [hbm4b:s5+s15], $0x80, s10, s15, $0xb8;
	[tilespmem:$0x1D000] =	vst v63  }
0xf3: {  	_ =	swait.ge [sflag:s17], $0x4000  }
0xf4: {  	[sflag:s17] =	ssyncset.done $0x0  }
0xf5: {  	s3 =	simm.s32 $0x880;
	[sflag:s17] =	ssyncadd.s32 $0xFFFFC000  }
0xf6: {  	[spmem:s2] =	stream.indirect.scatter.add.f32 [tilespmem:s16], [sflag:$0x2], $0x80, s3, s15, $0xb8;
	[tilespmem:$0x1D000] =	vst v63  }
0xf7: {  	_ =	swait.ge [sflag:s24], $0x4000  }
0xf8: {  	[sflag:s24] =	ssyncset.done $0x0  }
0xf9: {  	s3 =	simm.s32 $0x900;
	[sflag:s24] =	ssyncadd.s32 $0xFFFFC000  }
0xfa: {  	[tilespmem:s19], [sflag:$0x1] =	stream.indirect.gather [hbm4b:s5+s15], $0x80, s3, s15, $0xb8;
	[tilespmem:$0x1D000] =	vst v63  }
0xfb: {  	_ =	swait.ge [sflag:s17], $0x4000  }
0xfc: {  	[sflag:s17] =	ssyncset.done $0x0  }
0xfd: {  	s3 =	simm.s32 $0x980;
	[sflag:s17] =	ssyncadd.s32 $0xFFFFC000  }
0xfe: {  	[spmem:s2] =	stream.indirect.scatter.add.f32 [tilespmem:s19], [sflag:$0x3], $0x80, s3, s15, $0xb8;
	[tilespmem:$0x1D000] =	vst v63  }
0xff: {  	_ =	swait.ge [sflag:s21], $0x4000  }
0x100: {  	[sflag:s21] =	ssyncset.done $0x0  }
0x101: {  	s3 =	simm.s32 $0xA00;
	[sflag:s21] =	ssyncadd.s32 $0xFFFFC000  }
0x102: {  	[tilespmem:s16], [sflag:$0x1] =	stream.indirect.gather [hbm4b:s5+s15], $0x80, s3, s15, $0xb8;
	[tilespmem:$0x1D000] =	vst v63  }
0x103: {  	_ =	swait.ge [sflag:s17], $0x4000  }
0x104: {  	[sflag:s17] =	ssyncset.done $0x0  }
0x105: {  	s3 =	simm.s32 $0xA80;
	[sflag:s17] =	ssyncadd.s32 $0xFFFFC000  }
0x106: {  	[spmem:s2] =	stream.indirect.scatter.add.f32 [tilespmem:s16], [sflag:$0x2], $0x80, s3, s15, $0xb8;
	[tilespmem:$0x1D000] =	vst v63  }
0x107: {  	_ =	swait.ge [sflag:s24], $0x4000  }
0x108: {  	[sflag:s24] =	ssyncset.done $0x0  }
0x109: {  	s3 =	simm.s32 $0xB00;
	[sflag:s24] =	ssyncadd.s32 $0xFFFFC000  }
0x10a: {  	[tilespmem:s19], [sflag:$0x1] =	stream.indirect.gather [hbm4b:s5+s15], $0x80, s3, s15, $0xb8;
	[tilespmem:$0x1D000] =	vst v63  }
0x10b: {  	_ =	swait.ge [sflag:s17], $0x4000  }
0x10c: {  	[sflag:s17] =	ssyncset.done $0x0  }
0x10d: {  	s3 =	simm.s32 $0xB80;
	[sflag:s17] =	ssyncadd.s32 $0xFFFFC000  }
0x10e: {  	[spmem:s2] =	stream.indirect.scatter.add.f32 [tilespmem:s19], [sflag:$0x3], $0x80, s3, s15, $0xb8;
	[tilespmem:$0x1D000] =	vst v63  }
0x10f: {  	_ =	swait.ge [sflag:s21], $0x4000  }
0x110: {  	[sflag:s21] =	ssyncset.done $0x0  }
0x111: {  	s3 =	simm.s32 $0xC00;
	[sflag:s21] =	ssyncadd.s32 $0xFFFFC000  }
0x112: {  	[tilespmem:s16], [sflag:$0x1] =	stream.indirect.gather [hbm4b:s5+s15], $0x80, s3, s15, $0xb8;
	[tilespmem:$0x1D000] =	vst v63  }
0x113: {  	_ =	swait.ge [sflag:s17], $0x4000  }
0x114: {  	[sflag:s17] =	ssyncset.done $0x0  }
0x115: {  	s3 =	simm.s32 $0xC80;
	[sflag:s17] =	ssyncadd.s32 $0xFFFFC000  }
0x116: {  	[spmem:s2] =	stream.indirect.scatter.add.f32 [tilespmem:s16], [sflag:$0x2], $0x80, s3, s15, $0xb8;
	[tilespmem:$0x1D000] =	vst v63  }
0x117: {  	_ =	swait.ge [sflag:s24], $0x4000  }
0x118: {  	[sflag:s24] =	ssyncset.done $0x0  }
0x119: {  	s3 =	simm.s32 $0xD00;
	[sflag:s24] =	ssyncadd.s32 $0xFFFFC000  }
0x11a: {  	[tilespmem:s19], [sflag:$0x1] =	stream.indirect.gather [hbm4b:s5+s15], $0x80, s3, s15, $0xb8;
	[tilespmem:$0x1D000] =	vst v63  }
0x11b: {  	_ =	swait.ge [sflag:s17], $0x4000  }
0x11c: {  	[sflag:s17] =	ssyncset.done $0x0  }
0x11d: {  	s3 =	simm.s32 $0xD80;
	[sflag:s17] =	ssyncadd.s32 $0xFFFFC000  }
0x11e: {  	[spmem:s2] =	stream.indirect.scatter.add.f32 [tilespmem:s19], [sflag:$0x3], $0x80, s3, s15, $0xb8;
	[tilespmem:$0x1D000] =	vst v63  }
0x11f: {  	_ =	swait.ge [sflag:s21], $0x4000  }
0x120: {  	[sflag:s21] =	ssyncset.done $0x0  }
0x121: {  	s3 =	simm.s32 $0xE00;
	[sflag:s21] =	ssyncadd.s32 $0xFFFFC000  }
0x122: {  	[tilespmem:s16], [sflag:$0x1] =	stream.indirect.gather [hbm4b:s5+s15], $0x80, s3, s15, $0xb8;
	[tilespmem:$0x1D000] =	vst v63  }
0x123: {  	_ =	swait.ge [sflag:s17], $0x4000  }
0x124: {  	[sflag:s17] =	ssyncset.done $0x0  }
0x125: {  	[sflag:s17] =	ssyncadd.s32 $0xFFFFC000  }
0x126: {  	[spmem:s2] =	stream.indirect.scatter.add.f32 [tilespmem:s16], [sflag:$0x2], $0x80, s29, s15, $0xb8;
	[tilespmem:$0x1D000] =	vst v63  }
0x127: {  	_ =	swait.ge [sflag:s24], $0x4000  }
0x128: {  	[sflag:s24] =	ssyncset.done $0x0  }
0x129: {  	s3 =	rddreg [dreg:$0x5];
	[sflag:s24] =	ssyncadd.s32 $0xFFFFC000  }
0x12a: {  	[tilespmem:s19], [sflag:$0x1] =	stream.indirect.gather [hbm4b:s5+s15], $0x80, s3, s15, $0xb8;
	[tilespmem:$0x1D000] =	vst v63  }
0x12b: {  	_ =	swait.ge [sflag:s17], $0x4000  }
0x12c: {  	[sflag:s17] =	ssyncset.done $0x0  }
0x12d: {  	s3 =	rddreg [dreg:$0x6];
	[sflag:s17] =	ssyncadd.s32 $0xFFFFC000  }
0x12e: {  	[spmem:s2] =	stream.indirect.scatter.add.f32 [tilespmem:s19], [sflag:$0x3], $0x80, s3, s15, $0xb8;
	[tilespmem:$0x1D000] =	vst v63  }
0x12f: {  	s31 =	sadd.s32 $0x1000, s31;
	_ =	swait.ge [sflag:s21], $0x4000  }
0x130: {  	s3 =	sshrl.u32 s31, $0x3;
	[sflag:s21] =	ssyncset.done $0x0  }
0x131: {  	s0 =	sadd.s32 s6, s3;
	[sflag:s21] =	ssyncadd.s32 $0xFFFFC000  }
0x132: {  	[tilespmem:s4], [sflag:$0x4] =	stream.linear.gather [hbm4b:s0+s4], $0x800, $0x38;
	[tilespmem:$0x1D000] =	vst v63  }
0x133: {  	_ =	swait.ge [sflag:s14], $0x800  }
0x134: {  	[sflag:s14] =	ssyncset.done $0x0  }
0x135: {  	[sflag:s14] =	ssyncadd.s32 $0xFFFFF800  }
0x136: {  	[tilespmem:s16], [sflag:$0x1] =	stream.indirect.gather [hbm4b:s5+s15], $0x80, s4, s15, $0xb8;
	[tilespmem:$0x1D000] =	vst v63  }
0x137: {  	_ =	swait.ge [sflag:s17], $0x4000  }
0x138: {  	[sflag:s17] =	ssyncset.done $0x0  }
0x139: {  	[sflag:s17] =	ssyncadd.s32 $0xFFFFC000  }
0x13a: {  	[spmem:s2] =	stream.indirect.scatter.add.f32 [tilespmem:s16], [sflag:$0x2], $0x80, s15, s15, $0xb8;
	[tilespmem:$0x1D000] =	vst v63  }
0x13b: {  	_ =	swait.ge [sflag:s24], $0x4000  }
0x13c: {  	[sflag:s24] =	ssyncset.done $0x0  }
0x13d: {  	[sflag:s24] =	ssyncadd.s32 $0xFFFFC000  }
0x13e: {  	[tilespmem:s19], [sflag:$0x1] =	stream.indirect.gather [hbm4b:s5+s15], $0x80, s1, s15, $0xb8;
	[tilespmem:$0x1D000] =	vst v63  }
0x13f: {  	_ =	swait.ge [sflag:s17], $0x4000  }
0x140: {  	[sflag:s17] =	ssyncset.done $0x0  }
0x141: {  	[sflag:s17] =	ssyncadd.s32 $0xFFFFC000  }
0x142: {  	[spmem:s2] =	stream.indirect.scatter.add.f32 [tilespmem:s19], [sflag:$0x3], $0x80, s9, s15, $0xb8;
	[tilespmem:$0x1D000] =	vst v63  }
0x143: {  	_ =	swait.ge [sflag:s21], $0x4000  }
0x144: {  	[sflag:s21] =	ssyncset.done $0x0  }
0x145: {  	[sflag:s21] =	ssyncadd.s32 $0xFFFFC000  }
0x146: {  	[tilespmem:s16], [sflag:$0x1] =	stream.indirect.gather [hbm4b:s5+s15], $0x80, s11, s15, $0xb8;
	[tilespmem:$0x1D000] =	vst v63  }
0x147: {  	_ =	swait.ge [sflag:s17], $0x4000  }
0x148: {  	[sflag:s17] =	ssyncset.done $0x0  }
0x149: {  	[sflag:s17] =	ssyncadd.s32 $0xFFFFC000  }
0x14a: {  	[spmem:s2] =	stream.indirect.scatter.add.f32 [tilespmem:s16], [sflag:$0x2], $0x80, s8, s15, $0xb8;
	[tilespmem:$0x1D000] =	vst v63  }
0x14b: {  	_ =	swait.ge [sflag:s24], $0x4000  }
0x14c: {  	[sflag:s24] =	ssyncset.done $0x0  }
0x14d: {  	[sflag:s24] =	ssyncadd.s32 $0xFFFFC000  }
0x14e: {  	[tilespmem:s19], [sflag:$0x1] =	stream.indirect.gather [hbm4b:s5+s15], $0x80, s7, s15, $0xb8;
	[tilespmem:$0x1D000] =	vst v63  }
0x14f: {  	_ =	swait.ge [sflag:s17], $0x4000  }
0x150: {  	[sflag:s17] =	ssyncset.done $0x0  }
0x151: {  	[sflag:s17] =	ssyncadd.s32 $0xFFFFC000  }
0x152: {  	[spmem:s2] =	stream.indirect.scatter.add.f32 [tilespmem:s19], [sflag:$0x3], $0x80, s13, s15, $0xb8;
	[tilespmem:$0x1D000] =	vst v63  }
0x153: {  	_ =	swait.ge [sflag:s21], $0x4000  }
0x154: {  	[sflag:s21] =	ssyncset.done $0x0  }
0x155: {  	[sflag:s21] =	ssyncadd.s32 $0xFFFFC000  }
0x156: {  	[tilespmem:s16], [sflag:$0x1] =	stream.indirect.gather [hbm4b:s5+s15], $0x80, s12, s15, $0xb8;
	[tilespmem:$0x1D000] =	vst v63  }
0x157: {  	_ =	swait.ge [sflag:s17], $0x4000  }
0x158: {  	[sflag:s17] =	ssyncset.done $0x0  }
0x159: {  	[sflag:s17] =	ssyncadd.s32 $0xFFFFC000  }
0x15a: {  	[spmem:s2] =	stream.indirect.scatter.add.f32 [tilespmem:s16], [sflag:$0x2], $0x80, s18, s15, $0xb8;
	[tilespmem:$0x1D000] =	vst v63  }
0x15b: {  	_ =	swait.ge [sflag:s24], $0x4000  }
0x15c: {  	[sflag:s24] =	ssyncset.done $0x0  }
0x15d: {  	[sflag:s24] =	ssyncadd.s32 $0xFFFFC000  }
0x15e: {  	[tilespmem:s19], [sflag:$0x1] =	stream.indirect.gather [hbm4b:s5+s15], $0x80, s20, s15, $0xb8;
	[tilespmem:$0x1D000] =	vst v63  }
0x15f: {  	_ =	swait.ge [sflag:s17], $0x4000  }
0x160: {  	[sflag:s17] =	ssyncset.done $0x0  }
0x161: {  	[sflag:s17] =	ssyncadd.s32 $0xFFFFC000  }
0x162: {  	[spmem:s2] =	stream.indirect.scatter.add.f32 [tilespmem:s19], [sflag:$0x3], $0x80, s22, s15, $0xb8;
	[tilespmem:$0x1D000] =	vst v63  }
0x163: {  	_ =	swait.ge [sflag:s21], $0x4000  }
0x164: {  	[sflag:s21] =	ssyncset.done $0x0  }
0x165: {  	[sflag:s21] =	ssyncadd.s32 $0xFFFFC000  }
0x166: {  	[tilespmem:s16], [sflag:$0x1] =	stream.indirect.gather [hbm4b:s5+s15], $0x80, s23, s15, $0xb8;
	[tilespmem:$0x1D000] =	vst v63  }
0x167: {  	_ =	swait.ge [sflag:s17], $0x4000  }
0x168: {  	[sflag:s17] =	ssyncset.done $0x0  }
0x169: {  	[sflag:s17] =	ssyncadd.s32 $0xFFFFC000  }
0x16a: {  	[spmem:s2] =	stream.indirect.scatter.add.f32 [tilespmem:s16], [sflag:$0x2], $0x80, s25, s15, $0xb8;
	[tilespmem:$0x1D000] =	vst v63  }
0x16b: {  	_ =	swait.ge [sflag:s24], $0x4000  }
0x16c: {  	[sflag:s24] =	ssyncset.done $0x0  }
0x16d: {  	p0 =	sne.s32 s30, $0x600;
	[sflag:s24] =	ssyncadd.s32 $0xFFFFC000  }
0x16e: {  	[tilespmem:s19], [sflag:$0x1] =	stream.indirect.gather [hbm4b:s5+s15], $0x80, s26, s15, $0xb8;
	[tilespmem:$0x1D000] =	vst v63  }
.Ltmp0:
0x16f: {  	_ =	swait.ge [sflag:s17], $0x4000;
	(pc) =	sbr.rel @p0 .LBB2_2-.Ltmp0, $4  }
0x170: {  	[sflag:s17] =	ssyncset.done $0x0  }
0x171: {  	[sflag:s17] =	ssyncadd.s32 $0xFFFFC000  }
0x172: {  	[spmem:s2] =	stream.indirect.scatter.add.f32 [tilespmem:s19], [sflag:$0x3], $0x80, s28, s15, $0xb8;
	[tilespmem:$0x1D000] =	vst v63  }
0x173: {  	s30 =	sadd.s32 $0x200, s30;
	_ =	swait.ge [sflag:s21], $0x4000  }
0x174: {  	[sflag:s21] =	ssyncset.done $0x0  }
0x175: {  	s0 =	rddreg [dreg:$0x9];
	[sflag:s21] =	ssyncadd.s32 $0xFFFFC000  }
0x176: {  	[tilespmem:s10], [sflag:$0x4] =	stream.linear.gather [hbm4b:s0+s4], $0x800, $0x38;
	[tilespmem:$0x1D000] =	vst v63  }
0x177: {  	_ =	swait.ge [sflag:s14], $0x800  }
0x178: {  	[sflag:s14] =	ssyncset.done $0x0  }
0x179: {  	[sflag:s14] =	ssyncadd.s32 $0xFFFFF800  }
0x17a: {  	[tilespmem:s16], [sflag:$0x1] =	stream.indirect.gather [hbm4b:s5+s15], $0x80, s10, s15, $0xb8;
	[tilespmem:$0x1D000] =	vst v63  }
0x17b: {  	_ =	swait.ge [sflag:s17], $0x4000  }
0x17c: {  	[sflag:s17] =	ssyncset.done $0x0  }
0x17d: {  	s1 =	simm.s32 $0x880;
	[sflag:s17] =	ssyncadd.s32 $0xFFFFC000  }
0x17e: {  	[spmem:s2] =	stream.indirect.scatter.add.f32 [tilespmem:s16], [sflag:$0x2], $0x80, s1, s15, $0xb8;
	[tilespmem:$0x1D000] =	vst v63  }
0x17f: {  	_ =	swait.ge [sflag:s24], $0x4000  }
0x180: {  	[sflag:s24] =	ssyncset.done $0x0  }
0x181: {  	s3 =	simm.s32 $0x900;
	[sflag:s24] =	ssyncadd.s32 $0xFFFFC000  }
0x182: {  	[tilespmem:s19], [sflag:$0x1] =	stream.indirect.gather [hbm4b:s5+s15], $0x80, s3, s15, $0xb8;
	[tilespmem:$0x1D000] =	vst v63  }
0x183: {  	_ =	swait.ge [sflag:s17], $0x4000  }
0x184: {  	[sflag:s17] =	ssyncset.done $0x0  }
0x185: {  	s7 =	simm.s32 $0x980;
	[sflag:s17] =	ssyncadd.s32 $0xFFFFC000  }
0x186: {  	[spmem:s2] =	stream.indirect.scatter.add.f32 [tilespmem:s19], [sflag:$0x3], $0x80, s7, s15, $0xb8;
	[tilespmem:$0x1D000] =	vst v63  }
0x187: {  	_ =	swait.ge [sflag:s21], $0x4000  }
0x188: {  	[sflag:s21] =	ssyncset.done $0x0  }
0x189: {  	s8 =	simm.s32 $0xA00;
	[sflag:s21] =	ssyncadd.s32 $0xFFFFC000  }
0x18a: {  	[tilespmem:s16], [sflag:$0x1] =	stream.indirect.gather [hbm4b:s5+s15], $0x80, s8, s15, $0xb8;
	[tilespmem:$0x1D000] =	vst v63  }
0x18b: {  	_ =	swait.ge [sflag:s17], $0x4000  }
0x18c: {  	[sflag:s17] =	ssyncset.done $0x0  }
0x18d: {  	s9 =	simm.s32 $0xA80;
	[sflag:s17] =	ssyncadd.s32 $0xFFFFC000  }
0x18e: {  	[spmem:s2] =	stream.indirect.scatter.add.f32 [tilespmem:s16], [sflag:$0x2], $0x80, s9, s15, $0xb8;
	[tilespmem:$0x1D000] =	vst v63  }
0x18f: {  	_ =	swait.ge [sflag:s24], $0x4000  }
0x190: {  	[sflag:s24] =	ssyncset.done $0x0  }
0x191: {  	s11 =	simm.s32 $0xB00;
	[sflag:s24] =	ssyncadd.s32 $0xFFFFC000  }
0x192: {  	[tilespmem:s19], [sflag:$0x1] =	stream.indirect.gather [hbm4b:s5+s15], $0x80, s11, s15, $0xb8;
	[tilespmem:$0x1D000] =	vst v63  }
0x193: {  	_ =	swait.ge [sflag:s17], $0x4000  }
0x194: {  	[sflag:s17] =	ssyncset.done $0x0  }
0x195: {  	s12 =	simm.s32 $0xB80;
	[sflag:s17] =	ssyncadd.s32 $0xFFFFC000  }
0x196: {  	[spmem:s2] =	stream.indirect.scatter.add.f32 [tilespmem:s19], [sflag:$0x3], $0x80, s12, s15, $0xb8;
	[tilespmem:$0x1D000] =	vst v63  }
0x197: {  	_ =	swait.ge [sflag:s21], $0x4000  }
0x198: {  	[sflag:s21] =	ssyncset.done $0x0  }
0x199: {  	s13 =	simm.s32 $0xC00;
	[sflag:s21] =	ssyncadd.s32 $0xFFFFC000  }
0x19a: {  	[tilespmem:s16], [sflag:$0x1] =	stream.indirect.gather [hbm4b:s5+s15], $0x80, s13, s15, $0xb8;
	[tilespmem:$0x1D000] =	vst v63  }
0x19b: {  	_ =	swait.ge [sflag:s17], $0x4000  }
0x19c: {  	[sflag:s17] =	ssyncset.done $0x0  }
0x19d: {  	s18 =	simm.s32 $0xC80;
	[sflag:s17] =	ssyncadd.s32 $0xFFFFC000  }
0x19e: {  	[spmem:s2] =	stream.indirect.scatter.add.f32 [tilespmem:s16], [sflag:$0x2], $0x80, s18, s15, $0xb8;
	[tilespmem:$0x1D000] =	vst v63  }
0x19f: {  	_ =	swait.ge [sflag:s24], $0x4000  }
0x1a0: {  	[sflag:s24] =	ssyncset.done $0x0  }
0x1a1: {  	s20 =	simm.s32 $0xD00;
	[sflag:s24] =	ssyncadd.s32 $0xFFFFC000  }
0x1a2: {  	[tilespmem:s19], [sflag:$0x1] =	stream.indirect.gather [hbm4b:s5+s15], $0x80, s20, s15, $0xb8;
	[tilespmem:$0x1D000] =	vst v63  }
0x1a3: {  	_ =	swait.ge [sflag:s17], $0x4000  }
0x1a4: {  	[sflag:s17] =	ssyncset.done $0x0  }
0x1a5: {  	s22 =	simm.s32 $0xD80;
	[sflag:s17] =	ssyncadd.s32 $0xFFFFC000  }
0x1a6: {  	[spmem:s2] =	stream.indirect.scatter.add.f32 [tilespmem:s19], [sflag:$0x3], $0x80, s22, s15, $0xb8;
	[tilespmem:$0x1D000] =	vst v63  }
0x1a7: {  	_ =	swait.ge [sflag:s21], $0x4000  }
0x1a8: {  	[sflag:s21] =	ssyncset.done $0x0  }
0x1a9: {  	s23 =	simm.s32 $0xE00;
	[sflag:s21] =	ssyncadd.s32 $0xFFFFC000  }
0x1aa: {  	[tilespmem:s16], [sflag:$0x1] =	stream.indirect.gather [hbm4b:s5+s15], $0x80, s23, s15, $0xb8;
	[tilespmem:$0x1D000] =	vst v63  }
0x1ab: {  	_ =	swait.ge [sflag:s17], $0x4000  }
0x1ac: {  	[sflag:s17] =	ssyncset.done $0x0  }
0x1ad: {  	[sflag:s17] =	ssyncadd.s32 $0xFFFFC000  }
0x1ae: {  	[spmem:s2] =	stream.indirect.scatter.add.f32 [tilespmem:s16], [sflag:$0x2], $0x80, s29, s15, $0xb8;
	[tilespmem:$0x1D000] =	vst v63  }
0x1af: {  	_ =	swait.ge [sflag:s24], $0x4000  }
0x1b0: {  	[sflag:s24] =	ssyncset.done $0x0  }
0x1b1: {  	[sflag:s24] =	ssyncadd.s32 $0xFFFFC000  }
0x1b2: {  	_ =	swait.ge [sflag:s21], $0x4000  }
0x1b3: {  	[sflag:s21] =	ssyncset.done $0x0  }
0x1b4: {  	[sflag:s21] =	ssyncadd.s32 $0xFFFFC000  }
0x1b5: {  	[bflag:$0x0] =	sbarrier.arrive $0xFFFF  }
0x1b6: {  	s30 =	rddreg [dreg:$0x7]  }
0x1b7: {  	s25 =	rddreg [dreg:$0xa]  }
0x1b8: {  	s3 =	rddreg [dreg:$0xd]  }
0x1b9: {  	[hbm:s25], [sflag:s30] =	dma.local [spmem:s3], $0x2800  }
0x1ba: {  	_ =	swait.ge [sflag:s14], $0x2800  }
0x1bb: {  	s31 =	rddreg [dreg:$0xe]  }
0x1bc: {  	s26 =	rddreg [dreg:$0xb];
	s31 =	sadd.s32 $0x1, s31  }
0x1bd: {  	s28 =	simm.s32 $0x780;
	s1 =	simm.s32 $0x100;
	p0 =	sne.s32 s31, s26  }
.Ltmp1:
0x1be: {  	s7 =	simm.s32 $0x300;
	s8 =	simm.s32 $0x280;
	(pc) =	sbr.rel @p0 .LBB2_1-.Ltmp1, $4  }
0x1bf: {  	s9 =	simm.s32 $0x180;
	s11 =	simm.s32 $0x200;
	s12 =	simm.s32 $0x400  }
0x1c0: {  	s13 =	simm.s32 $0x380;
	s18 =	simm.s32 $0x480;
	s20 =	simm.s32 $0x500  }
0x1c1: {  	s22 =	simm.s32 $0x580;
	s23 =	simm.s32 $0x600;
	[sflag:s14] =	ssyncset.done $0x0  }
0x1c2: {  	s25 =	simm.s32 $0x680;
	[sflag:s14] =	ssyncadd.s32 $0xFFFFD800;
	s26 =	simm.s32 $0x700  }
0x1c3: {  	_ =	sfence.sel $0x180000  }
0x1c4: {  	[bflag:$0x0] =	sbarrier.arrive $0xFFFF  }
0x1c5: {  	_ =	strace $0x90000050  }
0x1c6: {  	s0 =	stileid.u32;
	[bflag:$0x2] =	sbarrier.arrive $0xFFFF  }
0x1c7: {  	p0 =	sne.s32 s0, $0x0;
	s0 =	rddreg [dreg:$0x3]  }
0x1c8: {  	s0 =	sadd.s32 @!p0 $0x100000, s0  }
0x1c9: {  	[sflag:s0] =	ssyncadd.tile.s32 @!p0 $0x1;
	_ =	shalt  }
.Lfunc_end2:
_tile_overlayer_lowered:
.L_overlay_start_2:
0x1ca: {  	(tag) =	ssettag $0x2  }
0x1cb: {  	s0 =	rddreg [dreg:$0x0];
	s2 =	stileid.u32  }
0x1cc: {  	s1 =	rddreg [dreg:$0x1];
	p0 =	sne.s32 s2, $0x0  }
0x1cd: {  	s3 =	rddreg [dreg:$0x2];
	[bflag:$0x3] =	sbarrier.arrive $0xFFFF;
	s2 =	simm.s32 @!p0 $0x1C04  }
0x1ce: {  	[timem:s3], [sflag:s2] =	dma.local @!p0 [hbm:s0], s1  }
0x1cf: {  	s0 =	simm.s32 @!p0 $0x4  }
0x1d0: {  	_ =	swait.ge @!p0 [sflag:s0], s1  }
0x1d1: {  	s1 =	ssub.s32 @!p0 $0x0, s1;
	[sflag:s0] =	ssyncset.done @!p0 $0x0  }
0x1d2: {  	[sflag:s0] =	ssyncadd.s32 @!p0 s1  }
0x1d3: {  	[bflag:$0x3] =	sbarrier.arrive $0xFFFF  }
0x1d4: {  	_ =	shalt  }

</sc_bundles>
